<compile_context>
chip_gen: v7x
topology: tpu7x:2x2x1
jax: 0.10.2.dev20260603
libtpu: 0.0.44.dev20260713+nightly
codegen_flags: <defaults>
</compile_context>

<pallas_src>
import functools

import jax
import jax.numpy as jnp
from jax import lax
from jax.experimental import pallas as pl
from jax.experimental.pallas import tpu as pltpu
from jax.experimental.pallas import tpu_sc as plsc

N = 10000
E = 320000
D = 128

NC = 2
NS = 16
NW = NC * NS
EPW = E // NW
CHUNK = 100
NCHUNK = EPW // CHUNK
NB = 3
NR = 2 * NB
NP = 10240
ROWS_PER_TILE = NP // NS
ZCOPY = 80
ZROWS = 32


def _sc_partials(feature, idx4):
    mesh = plsc.VectorSubcoreMesh(core_axis_name="c", subcore_axis_name="s")

    @functools.partial(
        pl.kernel,
        mesh=mesh,
        out_type=jax.ShapeDtypeStruct((NC, NP, D), jnp.float32),
        scratch_types=[
            pltpu.VMEM((NR, CHUNK), jnp.int32),
            pltpu.VMEM((NR, CHUNK), jnp.int32),
            pltpu.VMEM((NB, CHUNK, D), jnp.float32),
            pltpu.VMEM((ZROWS, D), jnp.float32),
            pltpu.VMEM_SHARED((NP, D), jnp.float32),
            [pltpu.SemaphoreType.DMA] * NR,
            [pltpu.SemaphoreType.DMA] * NB,
        ],
    )
    def k(feat_hbm, idx_hbm, out_hbm, sring, dring, rows, zbuf, acc,
          isems, gsems):
        cid = lax.axis_index("c")
        sid = lax.axis_index("s")
        wid = sid * NC + cid

        def load_idx(i, s):
            pltpu.async_copy(idx_hbm.at[0, wid, i], sring.at[s], isems[s])
            pltpu.async_copy(idx_hbm.at[1, wid, i], dring.at[s], isems[s])

        def wait_idx(i, s):
            pltpu.make_async_copy(idx_hbm.at[0, wid, i], sring.at[s], isems[s]).wait()
            pltpu.make_async_copy(idx_hbm.at[1, wid, i], dring.at[s], isems[s]).wait()

        def issue_g(b, s):
            pltpu.async_copy(feat_hbm.at[sring.at[s]], rows.at[b], gsems[b])

        def wait_g(b, s):
            pltpu.make_async_copy(feat_hbm.at[sring.at[s]], rows.at[b], gsems[b]).wait()

        def scatter(b, s):
            pltpu.sync_copy(rows.at[b], acc.at[dring.at[s]], add=True)

        for s in range(NR):
            load_idx(s, s)
        for b in range(NB):
            wait_idx(b, b)
            issue_g(b, b)

        def zrow(r, carry):
            def zcol(j, carry2):
                zbuf[r, pl.ds(j * 16, 16)] = jnp.zeros((16,), jnp.float32)
                return carry2
            return lax.fori_loop(0, D // 16, zcol, carry)
        lax.fori_loop(0, ZROWS, zrow, 0)
        for kk in range(ROWS_PER_TILE // ZROWS):
            pltpu.async_copy(zbuf, acc.at[pl.ds(sid * ROWS_PER_TILE + kk * ZROWS, ZROWS)],
                             isems[0])
        for kk in range(ROWS_PER_TILE // ZROWS):
            pltpu.make_async_copy(
                zbuf, acc.at[pl.ds(sid * ROWS_PER_TILE + kk * ZROWS, ZROWS)],
                isems[0]).wait()
        plsc.subcore_barrier()

        NGRP = (NCHUNK - NR) // NR

        def body(j, carry):
            a = NR * j
            for u in range(NR):
                b = u % NB
                wait_g(b, u)
                scatter(b, u)
                load_idx(a + u + NR, u)
                wait_idx(a + u + NB, (u + NB) % NR)
                issue_g(b, (u + NB) % NR)
            return carry
        lax.fori_loop(0, NGRP, body, 0)

        for i in range(NGRP * NR, NCHUNK):
            b = i % NB
            u = i % NR
            wait_g(b, u)
            scatter(b, u)
            if i + NR < NCHUNK:
                load_idx(i + NR, u)
            if i + NB < NCHUNK:
                wait_idx(i + NB, (i + NB) % NR)
                issue_g(b, (i + NB) % NR)
        plsc.subcore_barrier()

        for kk in range(ROWS_PER_TILE // ZCOPY):
            r0 = sid * ROWS_PER_TILE + kk * ZCOPY
            pltpu.async_copy(acc.at[pl.ds(r0, ZCOPY)],
                             out_hbm.at[cid, pl.ds(r0, ZCOPY)], gsems[0])
        for kk in range(ROWS_PER_TILE // ZCOPY):
            r0 = sid * ROWS_PER_TILE + kk * ZCOPY
            pltpu.make_async_copy(acc.at[pl.ds(r0, ZCOPY)],
                                  out_hbm.at[cid, pl.ds(r0, ZCOPY)], gsems[0]).wait()

    return k(feature, idx4)


BLK = 10000


def _tc_linear_kernel(p_ref, w_ref, b_ref, out_ref):
    x = p_ref[0] + p_ref[1]
    y = lax.dot_general(
        x, w_ref[...], (((1,), (1,)), ((), ())),
        preferred_element_type=jnp.float32,
    )
    out_ref[...] = y + b_ref[...]


def _tc_linear(partials, W, b):
    return pl.pallas_call(
        _tc_linear_kernel,
        grid=(N // BLK,),
        in_specs=[
            pl.BlockSpec((NC, BLK, D), lambda i: (0, i, 0)),
            pl.BlockSpec((D, D), lambda i: (0, 0)),
            pl.BlockSpec((1, D), lambda i: (0, 0)),
        ],
        out_specs=pl.BlockSpec((BLK, D), lambda i: (i, 0)),
        out_shape=jax.ShapeDtypeStruct((N, D), jnp.float32),
    )(partials, W, b.reshape(1, D))


@jax.jit
def kernel(feature, edge_index, W, b):
    idx4 = edge_index.reshape(2, NW, NCHUNK, CHUNK)
    partials = _sc_partials(feature, idx4)
    return _tc_linear(partials, W, b)

# --- scband reference (transcript-rebuilt; emitter-appended) ---
"""Pipeline reference for scband-gcnlayer-21809843929306 (READ-ONLY COPY).

The authoritative reference and input builder live on the scoring server;
editing this copy changes nothing except your own understanding.
"""

import jax, jax.numpy as jnp
import numpy as np

N = 10000
E = 320000
D_IN = 128
D_OUT = 128


def setup_inputs(seed: int = 0) -> dict:
    key = jax.random.key(seed)
    k1, k2, k3, k4 = jax.random.split(key, 4)
    feature = jax.random.normal(k1, (N, D_IN), dtype=jnp.float32)
    edge_index = jax.random.randint(k2, (2, E), 0, N, dtype=jnp.int32)
    # nn.Linear(in_feats, out_feats): weight [out, in], bias [out]
    bound = 1.0 / np.sqrt(D_IN)
    W = jax.random.uniform(k3, (D_OUT, D_IN), dtype=jnp.float32, minval=-bound, maxval=bound)
    b = jax.random.uniform(k4, (D_OUT,), dtype=jnp.float32, minval=-bound, maxval=bound)
    return {"feature": feature, "edge_index": edge_index, "W": W, "b": b}


def reference(feature, edge_index, W, b):
    # DGL update_all(gcn_msg, gcn_reduce):
    #   message m = src['h']; reduce h[dst] = sum of incoming messages
    src = edge_index[0]
    dst = edge_index[1]
    msgs = jnp.take(feature, src, axis=0)          # gather src features [E, D_IN]
    h = jax.ops.segment_sum(msgs, dst, num_segments=feature.shape[0])  # scatter-add to dst [N, D_IN]
    # self.linear(h)
    return h @ W.T + b

if __name__ == "__main__":
    import jax
    _d = setup_inputs()
    print(jax.jit(kernel)(*tuple(_d.values())))

</pallas_src>

<mosaic_0001>
#map = affine_map<(d0, d1) -> (0, 0)>
#map1 = affine_map<(d0, d1) -> (0, 0, 0, 0)>
#map2 = affine_map<(d0, d1) -> (0, 0, 0)>
module attributes {stable_mosaic.version = 14 : i64} {
  func.func @k(%arg0: i32, %arg1: i32, %arg2: memref<10000x128xf32, #tpu.memory_space<hbm>>, %arg3: memref<2x32x100x100xi32, #tpu.memory_space<hbm>>, %arg4: memref<2x10240x128xf32, #tpu.memory_space<hbm>>, %arg5: memref<6x100xi32, #tpu.memory_space<vmem>>, %arg6: memref<6x100xi32, #tpu.memory_space<vmem>>, %arg7: memref<3x100x128xf32, #tpu.memory_space<vmem>>, %arg8: memref<32x128xf32, #tpu.memory_space<vmem>>, %arg9: memref<10240x128xf32, #tpu.memory_space<vmem_shared>>, %arg10: memref<!tpu.dma_semaphore, #tpu.memory_space<semaphore_mem>>, %arg11: memref<!tpu.dma_semaphore, #tpu.memory_space<semaphore_mem>>, %arg12: memref<!tpu.dma_semaphore, #tpu.memory_space<semaphore_mem>>, %arg13: memref<!tpu.dma_semaphore, #tpu.memory_space<semaphore_mem>>, %arg14: memref<!tpu.dma_semaphore, #tpu.memory_space<semaphore_mem>>, %arg15: memref<!tpu.dma_semaphore, #tpu.memory_space<semaphore_mem>>, %arg16: memref<!tpu.dma_semaphore, #tpu.memory_space<semaphore_mem>>, %arg17: memref<!tpu.dma_semaphore, #tpu.memory_space<semaphore_mem>>, %arg18: memref<!tpu.dma_semaphore, #tpu.memory_space<semaphore_mem>>) attributes {dimension_semantics = [#tpu.dimension_semantics<core_parallel>, #tpu.dimension_semantics<subcore_parallel>], iteration_bounds = array<i64: 2, 16>, scalar_prefetch = 0 : i64, scratch_operands = 14 : i64, tpu.core_type = #tpu.core_type<sc_vector_subcore>, window_params = [{transform_indices = #map}, {transform_indices = #map1}, {transform_indices = #map2}]} {
    %mul3A = arith.constant 2 : i32
    %mul3A_0 = arith.muli %arg1, %mul3A : i32
    %add3A = arith.addi %mul3A_0, %arg0 : i32
    %dma_start3A = arith.constant 0 : i32
    %dma_start3A_1 = arith.constant 0 : i32
    %dma_start3A_2 = arith.constant 0 : i32
    %dma_start3A_3 = arith.constant 0 : i32
    %dma_start3A_4 = tpu.memref_slice %arg5[%dma_start3A_2, %dma_start3A_3] : memref<6x100xi32, #tpu.memory_space<vmem>> -> memref<1x100xi32, #tpu.memory_space<vmem>>
    %dma_start3A_5 = tpu.memref_squeeze %dma_start3A_4 : memref<1x100xi32, #tpu.memory_space<vmem>> -> memref<100xi32, #tpu.memory_space<vmem>>
    %dma_start3A_6 = arith.constant 0 : i32
    %dma_start3A_7 = tpu.memref_slice %arg3[%dma_start3A, %add3A, %dma_start3A_1, %dma_start3A_6] : memref<2x32x100x100xi32, #tpu.memory_space<hbm>> -> memref<1x1x1x100xi32, #tpu.memory_space<hbm>>
    %dma_start3A_8 = tpu.memref_squeeze %dma_start3A_7 : memref<1x1x1x100xi32, #tpu.memory_space<hbm>> -> memref<100xi32, #tpu.memory_space<hbm>>
    %dma_start3A_9 = arith.constant 0 : i32
    %dma_start3A_10 = tpu.memref_slice %arg5[%dma_start3A_2, %dma_start3A_9] : memref<6x100xi32, #tpu.memory_space<vmem>> -> memref<1x100xi32, #tpu.memory_space<vmem>>
    %dma_start3A_11 = tpu.memref_squeeze %dma_start3A_10 : memref<1x100xi32, #tpu.memory_space<vmem>> -> memref<100xi32, #tpu.memory_space<vmem>>
    %dma_start3A_12 = arith.constant 0 : i32
    %dma_start3A_13 = tpu.memref_slice %arg3[%dma_start3A, %add3A, %dma_start3A_1, %dma_start3A_12] : memref<2x32x100x100xi32, #tpu.memory_space<hbm>> -> memref<1x1x1x100xi32, #tpu.memory_space<hbm>>
    %dma_start3A_14 = tpu.memref_squeeze %dma_start3A_13 : memref<1x1x1x100xi32, #tpu.memory_space<hbm>> -> memref<100xi32, #tpu.memory_space<hbm>>
    tpu.enqueue_dma source(%dma_start3A_14 : memref<100xi32, #tpu.memory_space<hbm>>) target(%dma_start3A_11 : memref<100xi32, #tpu.memory_space<vmem>>) target_semaphore(%arg10 : memref<!tpu.dma_semaphore, #tpu.memory_space<semaphore_mem>>)
    %dma_start3A_15 = arith.constant 1 : i32
    %dma_start3A_16 = arith.constant 0 : i32
    %dma_start3A_17 = arith.constant 0 : i32
    %dma_start3A_18 = arith.constant 0 : i32
    %dma_start3A_19 = tpu.memref_slice %arg6[%dma_start3A_17, %dma_start3A_18] : memref<6x100xi32, #tpu.memory_space<vmem>> -> memref<1x100xi32, #tpu.memory_space<vmem>>
    %dma_start3A_20 = tpu.memref_squeeze %dma_start3A_19 : memref<1x100xi32, #tpu.memory_space<vmem>> -> memref<100xi32, #tpu.memory_space<vmem>>
    %dma_start3A_21 = arith.constant 0 : i32
    %dma_start3A_22 = tpu.memref_slice %arg3[%dma_start3A_15, %add3A, %dma_start3A_16, %dma_start3A_21] : memref<2x32x100x100xi32, #tpu.memory_space<hbm>> -> memref<1x1x1x100xi32, #tpu.memory_space<hbm>>
    %dma_start3A_23 = tpu.memref_squeeze %dma_start3A_22 : memref<1x1x1x100xi32, #tpu.memory_space<hbm>> -> memref<100xi32, #tpu.memory_space<hbm>>
    %dma_start3A_24 = arith.constant 0 : i32
    %dma_start3A_25 = tpu.memref_slice %arg6[%dma_start3A_17, %dma_start3A_24] : memref<6x100xi32, #tpu.memory_space<vmem>> -> memref<1x100xi32, #tpu.memory_space<vmem>>
    %dma_start3A_26 = tpu.memref_squeeze %dma_start3A_25 : memref<1x100xi32, #tpu.memory_space<vmem>> -> memref<100xi32, #tpu.memory_space<vmem>>
    %dma_start3A_27 = arith.constant 0 : i32
    %dma_start3A_28 = tpu.memref_slice %arg3[%dma_start3A_15, %add3A, %dma_start3A_16, %dma_start3A_27] : memref<2x32x100x100xi32, #tpu.memory_space<hbm>> -> memref<1x1x1x100xi32, #tpu.memory_space<hbm>>
    %dma_start3A_29 = tpu.memref_squeeze %dma_start3A_28 : memref<1x1x1x100xi32, #tpu.memory_space<hbm>> -> memref<100xi32, #tpu.memory_space<hbm>>
    tpu.enqueue_dma source(%dma_start3A_29 : memref<100xi32, #tpu.memory_space<hbm>>) target(%dma_start3A_26 : memref<100xi32, #tpu.memory_space<vmem>>) target_semaphore(%arg10 : memref<!tpu.dma_semaphore, #tpu.memory_space<semaphore_mem>>)
    %dma_start3A_30 = arith.constant 0 : i32
    %dma_start3A_31 = arith.constant 1 : i32
    %dma_start3A_32 = arith.constant 1 : i32
    %dma_start3A_33 = arith.constant 0 : i32
    %dma_start3A_34 = tpu.memref_slice %arg5[%dma_start3A_32, %dma_start3A_33] : memref<6x100xi32, #tpu.memory_space<vmem>> -> memref<1x100xi32, #tpu.memory_space<vmem>>
    %dma_start3A_35 = tpu.memref_squeeze %dma_start3A_34 : memref<1x100xi32, #tpu.memory_space<vmem>> -> memref<100xi32, #tpu.memory_space<vmem>>
    %dma_start3A_36 = arith.constant 0 : i32
    %dma_start3A_37 = tpu.memref_slice %arg3[%dma_start3A_30, %add3A, %dma_start3A_31, %dma_start3A_36] : memref<2x32x100x100xi32, #tpu.memory_space<hbm>> -> memref<1x1x1x100xi32, #tpu.memory_space<hbm>>
    %dma_start3A_38 = tpu.memref_squeeze %dma_start3A_37 : memref<1x1x1x100xi32, #tpu.memory_space<hbm>> -> memref<100xi32, #tpu.memory_space<hbm>>
    %dma_start3A_39 = arith.constant 0 : i32
    %dma_start3A_40 = tpu.memref_slice %arg5[%dma_start3A_32, %dma_start3A_39] : memref<6x100xi32, #tpu.memory_space<vmem>> -> memref<1x100xi32, #tpu.memory_space<vmem>>
    %dma_start3A_41 = tpu.memref_squeeze %dma_start3A_40 : memref<1x100xi32, #tpu.memory_space<vmem>> -> memref<100xi32, #tpu.memory_space<vmem>>
    %dma_start3A_42 = arith.constant 0 : i32
    %dma_start3A_43 = tpu.memref_slice %arg3[%dma_start3A_30, %add3A, %dma_start3A_31, %dma_start3A_42] : memref<2x32x100x100xi32, #tpu.memory_space<hbm>> -> memref<1x1x1x100xi32, #tpu.memory_space<hbm>>
    %dma_start3A_44 = tpu.memref_squeeze %dma_start3A_43 : memref<1x1x1x100xi32, #tpu.memory_space<hbm>> -> memref<100xi32, #tpu.memory_space<hbm>>
    tpu.enqueue_dma source(%dma_start3A_44 : memref<100xi32, #tpu.memory_space<hbm>>) target(%dma_start3A_41 : memref<100xi32, #tpu.memory_space<vmem>>) target_semaphore(%arg11 : memref<!tpu.dma_semaphore, #tpu.memory_space<semaphore_mem>>)
    %dma_start3A_45 = arith.constant 1 : i32
    %dma_start3A_46 = arith.constant 1 : i32
    %dma_start3A_47 = arith.constant 1 : i32
    %dma_start3A_48 = arith.constant 0 : i32
    %dma_start3A_49 = tpu.memref_slice %arg6[%dma_start3A_47, %dma_start3A_48] : memref<6x100xi32, #tpu.memory_space<vmem>> -> memref<1x100xi32, #tpu.memory_space<vmem>>
    %dma_start3A_50 = tpu.memref_squeeze %dma_start3A_49 : memref<1x100xi32, #tpu.memory_space<vmem>> -> memref<100xi32, #tpu.memory_space<vmem>>
    %dma_start3A_51 = arith.constant 0 : i32
    %dma_start3A_52 = tpu.memref_slice %arg3[%dma_start3A_45, %add3A, %dma_start3A_46, %dma_start3A_51] : memref<2x32x100x100xi32, #tpu.memory_space<hbm>> -> memref<1x1x1x100xi32, #tpu.memory_space<hbm>>
    %dma_start3A_53 = tpu.memref_squeeze %dma_start3A_52 : memref<1x1x1x100xi32, #tpu.memory_space<hbm>> -> memref<100xi32, #tpu.memory_space<hbm>>
    %dma_start3A_54 = arith.constant 0 : i32
    %dma_start3A_55 = tpu.memref_slice %arg6[%dma_start3A_47, %dma_start3A_54] : memref<6x100xi32, #tpu.memory_space<vmem>> -> memref<1x100xi32, #tpu.memory_space<vmem>>
    %dma_start3A_56 = tpu.memref_squeeze %dma_start3A_55 : memref<1x100xi32, #tpu.memory_space<vmem>> -> memref<100xi32, #tpu.memory_space<vmem>>
    %dma_start3A_57 = arith.constant 0 : i32
    %dma_start3A_58 = tpu.memref_slice %arg3[%dma_start3A_45, %add3A, %dma_start3A_46, %dma_start3A_57] : memref<2x32x100x100xi32, #tpu.memory_space<hbm>> -> memref<1x1x1x100xi32, #tpu.memory_space<hbm>>
    %dma_start3A_59 = tpu.memref_squeeze %dma_start3A_58 : memref<1x1x1x100xi32, #tpu.memory_space<hbm>> -> memref<100xi32, #tpu.memory_space<hbm>>
    tpu.enqueue_dma source(%dma_start3A_59 : memref<100xi32, #tpu.memory_space<hbm>>) target(%dma_start3A_56 : memref<100xi32, #tpu.memory_space<vmem>>) target_semaphore(%arg11 : memref<!tpu.dma_semaphore, #tpu.memory_space<semaphore_mem>>)
    %dma_start3A_60 = arith.constant 0 : i32
    %dma_start3A_61 = arith.constant 2 : i32
    %dma_start3A_62 = arith.constant 2 : i32
    %dma_start3A_63 = arith.constant 0 : i32
    %dma_start3A_64 = tpu.memref_slice %arg5[%dma_start3A_62, %dma_start3A_63] : memref<6x100xi32, #tpu.memory_space<vmem>> -> memref<1x100xi32, #tpu.memory_space<vmem>>
    %dma_start3A_65 = tpu.memref_squeeze %dma_start3A_64 : memref<1x100xi32, #tpu.memory_space<vmem>> -> memref<100xi32, #tpu.memory_space<vmem>>
    %dma_start3A_66 = arith.constant 0 : i32
    %dma_start3A_67 = tpu.memref_slice %arg3[%dma_start3A_60, %add3A, %dma_start3A_61, %dma_start3A_66] : memref<2x32x100x100xi32, #tpu.memory_space<hbm>> -> memref<1x1x1x100xi32, #tpu.memory_space<hbm>>
    %dma_start3A_68 = tpu.memref_squeeze %dma_start3A_67 : memref<1x1x1x100xi32, #tpu.memory_space<hbm>> -> memref<100xi32, #tpu.memory_space<hbm>>
    %dma_start3A_69 = arith.constant 0 : i32
    %dma_start3A_70 = tpu.memref_slice %arg5[%dma_start3A_62, %dma_start3A_69] : memref<6x100xi32, #tpu.memory_space<vmem>> -> memref<1x100xi32, #tpu.memory_space<vmem>>
    %dma_start3A_71 = tpu.memref_squeeze %dma_start3A_70 : memref<1x100xi32, #tpu.memory_space<vmem>> -> memref<100xi32, #tpu.memory_space<vmem>>
    %dma_start3A_72 = arith.constant 0 : i32
    %dma_start3A_73 = tpu.memref_slice %arg3[%dma_start3A_60, %add3A, %dma_start3A_61, %dma_start3A_72] : memref<2x32x100x100xi32, #tpu.memory_space<hbm>> -> memref<1x1x1x100xi32, #tpu.memory_space<hbm>>
    %dma_start3A_74 = tpu.memref_squeeze %dma_start3A_73 : memref<1x1x1x100xi32, #tpu.memory_space<hbm>> -> memref<100xi32, #tpu.memory_space<hbm>>
    tpu.enqueue_dma source(%dma_start3A_74 : memref<100xi32, #tpu.memory_space<hbm>>) target(%dma_start3A_71 : memref<100xi32, #tpu.memory_space<vmem>>) target_semaphore(%arg12 : memref<!tpu.dma_semaphore, #tpu.memory_space<semaphore_mem>>)
    %dma_start3A_75 = arith.constant 1 : i32
    %dma_start3A_76 = arith.constant 2 : i32
    %dma_start3A_77 = arith.constant 2 : i32
    %dma_start3A_78 = arith.constant 0 : i32
    %dma_start3A_79 = tpu.memref_slice %arg6[%dma_start3A_77, %dma_start3A_78] : memref<6x100xi32, #tpu.memory_space<vmem>> -> memref<1x100xi32, #tpu.memory_space<vmem>>
    %dma_start3A_80 = tpu.memref_squeeze %dma_start3A_79 : memref<1x100xi32, #tpu.memory_space<vmem>> -> memref<100xi32, #tpu.memory_space<vmem>>
    %dma_start3A_81 = arith.constant 0 : i32
    %dma_start3A_82 = tpu.memref_slice %arg3[%dma_start3A_75, %add3A, %dma_start3A_76, %dma_start3A_81] : memref<2x32x100x100xi32, #tpu.memory_space<hbm>> -> memref<1x1x1x100xi32, #tpu.memory_space<hbm>>
    %dma_start3A_83 = tpu.memref_squeeze %dma_start3A_82 : memref<1x1x1x100xi32, #tpu.memory_space<hbm>> -> memref<100xi32, #tpu.memory_space<hbm>>
    %dma_start3A_84 = arith.constant 0 : i32
    %dma_start3A_85 = tpu.memref_slice %arg6[%dma_start3A_77, %dma_start3A_84] : memref<6x100xi32, #tpu.memory_space<vmem>> -> memref<1x100xi32, #tpu.memory_space<vmem>>
    %dma_start3A_86 = tpu.memref_squeeze %dma_start3A_85 : memref<1x100xi32, #tpu.memory_space<vmem>> -> memref<100xi32, #tpu.memory_space<vmem>>
    %dma_start3A_87 = arith.constant 0 : i32
    %dma_start3A_88 = tpu.memref_slice %arg3[%dma_start3A_75, %add3A, %dma_start3A_76, %dma_start3A_87] : memref<2x32x100x100xi32, #tpu.memory_space<hbm>> -> memref<1x1x1x100xi32, #tpu.memory_space<hbm>>
    %dma_start3A_89 = tpu.memref_squeeze %dma_start3A_88 : memref<1x1x1x100xi32, #tpu.memory_space<hbm>> -> memref<100xi32, #tpu.memory_space<hbm>>
    tpu.enqueue_dma source(%dma_start3A_89 : memref<100xi32, #tpu.memory_space<hbm>>) target(%dma_start3A_86 : memref<100xi32, #tpu.memory_space<vmem>>) target_semaphore(%arg12 : memref<!tpu.dma_semaphore, #tpu.memory_space<semaphore_mem>>)
    %dma_start3A_90 = arith.constant 0 : i32
    %dma_start3A_91 = arith.constant 3 : i32
    %dma_start3A_92 = arith.constant 3 : i32
    %dma_start3A_93 = arith.constant 0 : i32
    %dma_start3A_94 = tpu.memref_slice %arg5[%dma_start3A_92, %dma_start3A_93] : memref<6x100xi32, #tpu.memory_space<vmem>> -> memref<1x100xi32, #tpu.memory_space<vmem>>
    %dma_start3A_95 = tpu.memref_squeeze %dma_start3A_94 : memref<1x100xi32, #tpu.memory_space<vmem>> -> memref<100xi32, #tpu.memory_space<vmem>>
    %dma_start3A_96 = arith.constant 0 : i32
    %dma_start3A_97 = tpu.memref_slice %arg3[%dma_start3A_90, %add3A, %dma_start3A_91, %dma_start3A_96] : memref<2x32x100x100xi32, #tpu.memory_space<hbm>> -> memref<1x1x1x100xi32, #tpu.memory_space<hbm>>
    %dma_start3A_98 = tpu.memref_squeeze %dma_start3A_97 : memref<1x1x1x100xi32, #tpu.memory_space<hbm>> -> memref<100xi32, #tpu.memory_space<hbm>>
    %dma_start3A_99 = arith.constant 0 : i32
    %dma_start3A_100 = tpu.memref_slice %arg5[%dma_start3A_92, %dma_start3A_99] : memref<6x100xi32, #tpu.memory_space<vmem>> -> memref<1x100xi32, #tpu.memory_space<vmem>>
    %dma_start3A_101 = tpu.memref_squeeze %dma_start3A_100 : memref<1x100xi32, #tpu.memory_space<vmem>> -> memref<100xi32, #tpu.memory_space<vmem>>
    %dma_start3A_102 = arith.constant 0 : i32
    %dma_start3A_103 = tpu.memref_slice %arg3[%dma_start3A_90, %add3A, %dma_start3A_91, %dma_start3A_102] : memref<2x32x100x100xi32, #tpu.memory_space<hbm>> -> memref<1x1x1x100xi32, #tpu.memory_space<hbm>>
    %dma_start3A_104 = tpu.memref_squeeze %dma_start3A_103 : memref<1x1x1x100xi32, #tpu.memory_space<hbm>> -> memref<100xi32, #tpu.memory_space<hbm>>
    tpu.enqueue_dma source(%dma_start3A_104 : memref<100xi32, #tpu.memory_space<hbm>>) target(%dma_start3A_101 : memref<100xi32, #tpu.memory_space<vmem>>) target_semaphore(%arg13 : memref<!tpu.dma_semaphore, #tpu.memory_space<semaphore_mem>>)
    %dma_start3A_105 = arith.constant 1 : i32
    %dma_start3A_106 = arith.constant 3 : i32
    %dma_start3A_107 = arith.constant 3 : i32
    %dma_start3A_108 = arith.constant 0 : i32
    %dma_start3A_109 = tpu.memref_slice %arg6[%dma_start3A_107, %dma_start3A_108] : memref<6x100xi32, #tpu.memory_space<vmem>> -> memref<1x100xi32, #tpu.memory_space<vmem>>
    %dma_start3A_110 = tpu.memref_squeeze %dma_start3A_109 : memref<1x100xi32, #tpu.memory_space<vmem>> -> memref<100xi32, #tpu.memory_space<vmem>>
    %dma_start3A_111 = arith.constant 0 : i32
    %dma_start3A_112 = tpu.memref_slice %arg3[%dma_start3A_105, %add3A, %dma_start3A_106, %dma_start3A_111] : memref<2x32x100x100xi32, #tpu.memory_space<hbm>> -> memref<1x1x1x100xi32, #tpu.memory_space<hbm>>
    %dma_start3A_113 = tpu.memref_squeeze %dma_start3A_112 : memref<1x1x1x100xi32, #tpu.memory_space<hbm>> -> memref<100xi32, #tpu.memory_space<hbm>>
    %dma_start3A_114 = arith.constant 0 : i32
    %dma_start3A_115 = tpu.memref_slice %arg6[%dma_start3A_107, %dma_start3A_114] : memref<6x100xi32, #tpu.memory_space<vmem>> -> memref<1x100xi32, #tpu.memory_space<vmem>>
    %dma_start3A_116 = tpu.memref_squeeze %dma_start3A_115 : memref<1x100xi32, #tpu.memory_space<vmem>> -> memref<100xi32, #tpu.memory_space<vmem>>
    %dma_start3A_117 = arith.constant 0 : i32
    %dma_start3A_118 = tpu.memref_slice %arg3[%dma_start3A_105, %add3A, %dma_start3A_106, %dma_start3A_117] : memref<2x32x100x100xi32, #tpu.memory_space<hbm>> -> memref<1x1x1x100xi32, #tpu.memory_space<hbm>>
    %dma_start3A_119 = tpu.memref_squeeze %dma_start3A_118 : memref<1x1x1x100xi32, #tpu.memory_space<hbm>> -> memref<100xi32, #tpu.memory_space<hbm>>
    tpu.enqueue_dma source(%dma_start3A_119 : memref<100xi32, #tpu.memory_space<hbm>>) target(%dma_start3A_116 : memref<100xi32, #tpu.memory_space<vmem>>) target_semaphore(%arg13 : memref<!tpu.dma_semaphore, #tpu.memory_space<semaphore_mem>>)
    %dma_start3A_120 = arith.constant 0 : i32
    %dma_start3A_121 = arith.constant 4 : i32
    %dma_start3A_122 = arith.constant 4 : i32
    %dma_start3A_123 = arith.constant 0 : i32
    %dma_start3A_124 = tpu.memref_slice %arg5[%dma_start3A_122, %dma_start3A_123] : memref<6x100xi32, #tpu.memory_space<vmem>> -> memref<1x100xi32, #tpu.memory_space<vmem>>
    %dma_start3A_125 = tpu.memref_squeeze %dma_start3A_124 : memref<1x100xi32, #tpu.memory_space<vmem>> -> memref<100xi32, #tpu.memory_space<vmem>>
    %dma_start3A_126 = arith.constant 0 : i32
    %dma_start3A_127 = tpu.memref_slice %arg3[%dma_start3A_120, %add3A, %dma_start3A_121, %dma_start3A_126] : memref<2x32x100x100xi32, #tpu.memory_space<hbm>> -> memref<1x1x1x100xi32, #tpu.memory_space<hbm>>
    %dma_start3A_128 = tpu.memref_squeeze %dma_start3A_127 : memref<1x1x1x100xi32, #tpu.memory_space<hbm>> -> memref<100xi32, #tpu.memory_space<hbm>>
    %dma_start3A_129 = arith.constant 0 : i32
    %dma_start3A_130 = tpu.memref_slice %arg5[%dma_start3A_122, %dma_start3A_129] : memref<6x100xi32, #tpu.memory_space<vmem>> -> memref<1x100xi32, #tpu.memory_space<vmem>>
    %dma_start3A_131 = tpu.memref_squeeze %dma_start3A_130 : memref<1x100xi32, #tpu.memory_space<vmem>> -> memref<100xi32, #tpu.memory_space<vmem>>
    %dma_start3A_132 = arith.constant 0 : i32
    %dma_start3A_133 = tpu.memref_slice %arg3[%dma_start3A_120, %add3A, %dma_start3A_121, %dma_start3A_132] : memref<2x32x100x100xi32, #tpu.memory_space<hbm>> -> memref<1x1x1x100xi32, #tpu.memory_space<hbm>>
    %dma_start3A_134 = tpu.memref_squeeze %dma_start3A_133 : memref<1x1x1x100xi32, #tpu.memory_space<hbm>> -> memref<100xi32, #tpu.memory_space<hbm>>
    tpu.enqueue_dma source(%dma_start3A_134 : memref<100xi32, #tpu.memory_space<hbm>>) target(%dma_start3A_131 : memref<100xi32, #tpu.memory_space<vmem>>) target_semaphore(%arg14 : memref<!tpu.dma_semaphore, #tpu.memory_space<semaphore_mem>>)
    %dma_start3A_135 = arith.constant 1 : i32
    %dma_start3A_136 = arith.constant 4 : i32
    %dma_start3A_137 = arith.constant 4 : i32
    %dma_start3A_138 = arith.constant 0 : i32
    %dma_start3A_139 = tpu.memref_slice %arg6[%dma_start3A_137, %dma_start3A_138] : memref<6x100xi32, #tpu.memory_space<vmem>> -> memref<1x100xi32, #tpu.memory_space<vmem>>
    %dma_start3A_140 = tpu.memref_squeeze %dma_start3A_139 : memref<1x100xi32, #tpu.memory_space<vmem>> -> memref<100xi32, #tpu.memory_space<vmem>>
    %dma_start3A_141 = arith.constant 0 : i32
    %dma_start3A_142 = tpu.memref_slice %arg3[%dma_start3A_135, %add3A, %dma_start3A_136, %dma_start3A_141] : memref<2x32x100x100xi32, #tpu.memory_space<hbm>> -> memref<1x1x1x100xi32, #tpu.memory_space<hbm>>
    %dma_start3A_143 = tpu.memref_squeeze %dma_start3A_142 : memref<1x1x1x100xi32, #tpu.memory_space<hbm>> -> memref<100xi32, #tpu.memory_space<hbm>>
    %dma_start3A_144 = arith.constant 0 : i32
    %dma_start3A_145 = tpu.memref_slice %arg6[%dma_start3A_137, %dma_start3A_144] : memref<6x100xi32, #tpu.memory_space<vmem>> -> memref<1x100xi32, #tpu.memory_space<vmem>>
    %dma_start3A_146 = tpu.memref_squeeze %dma_start3A_145 : memref<1x100xi32, #tpu.memory_space<vmem>> -> memref<100xi32, #tpu.memory_space<vmem>>
    %dma_start3A_147 = arith.constant 0 : i32
    %dma_start3A_148 = tpu.memref_slice %arg3[%dma_start3A_135, %add3A, %dma_start3A_136, %dma_start3A_147] : memref<2x32x100x100xi32, #tpu.memory_space<hbm>> -> memref<1x1x1x100xi32, #tpu.memory_space<hbm>>
    %dma_start3A_149 = tpu.memref_squeeze %dma_start3A_148 : memref<1x1x1x100xi32, #tpu.memory_space<hbm>> -> memref<100xi32, #tpu.memory_space<hbm>>
    tpu.enqueue_dma source(%dma_start3A_149 : memref<100xi32, #tpu.memory_space<hbm>>) target(%dma_start3A_146 : memref<100xi32, #tpu.memory_space<vmem>>) target_semaphore(%arg14 : memref<!tpu.dma_semaphore, #tpu.memory_space<semaphore_mem>>)
    %dma_start3A_150 = arith.constant 0 : i32
    %dma_start3A_151 = arith.constant 5 : i32
    %dma_start3A_152 = arith.constant 5 : i32
    %dma_start3A_153 = arith.constant 0 : i32
    %dma_start3A_154 = tpu.memref_slice %arg5[%dma_start3A_152, %dma_start3A_153] : memref<6x100xi32, #tpu.memory_space<vmem>> -> memref<1x100xi32, #tpu.memory_space<vmem>>
    %dma_start3A_155 = tpu.memref_squeeze %dma_start3A_154 : memref<1x100xi32, #tpu.memory_space<vmem>> -> memref<100xi32, #tpu.memory_space<vmem>>
    %dma_start3A_156 = arith.constant 0 : i32
    %dma_start3A_157 = tpu.memref_slice %arg3[%dma_start3A_150, %add3A, %dma_start3A_151, %dma_start3A_156] : memref<2x32x100x100xi32, #tpu.memory_space<hbm>> -> memref<1x1x1x100xi32, #tpu.memory_space<hbm>>
    %dma_start3A_158 = tpu.memref_squeeze %dma_start3A_157 : memref<1x1x1x100xi32, #tpu.memory_space<hbm>> -> memref<100xi32, #tpu.memory_space<hbm>>
    %dma_start3A_159 = arith.constant 0 : i32
    %dma_start3A_160 = tpu.memref_slice %arg5[%dma_start3A_152, %dma_start3A_159] : memref<6x100xi32, #tpu.memory_space<vmem>> -> memref<1x100xi32, #tpu.memory_space<vmem>>
    %dma_start3A_161 = tpu.memref_squeeze %dma_start3A_160 : memref<1x100xi32, #tpu.memory_space<vmem>> -> memref<100xi32, #tpu.memory_space<vmem>>
    %dma_start3A_162 = arith.constant 0 : i32
    %dma_start3A_163 = tpu.memref_slice %arg3[%dma_start3A_150, %add3A, %dma_start3A_151, %dma_start3A_162] : memref<2x32x100x100xi32, #tpu.memory_space<hbm>> -> memref<1x1x1x100xi32, #tpu.memory_space<hbm>>
    %dma_start3A_164 = tpu.memref_squeeze %dma_start3A_163 : memref<1x1x1x100xi32, #tpu.memory_space<hbm>> -> memref<100xi32, #tpu.memory_space<hbm>>
    tpu.enqueue_dma source(%dma_start3A_164 : memref<100xi32, #tpu.memory_space<hbm>>) target(%dma_start3A_161 : memref<100xi32, #tpu.memory_space<vmem>>) target_semaphore(%arg15 : memref<!tpu.dma_semaphore, #tpu.memory_space<semaphore_mem>>)
    %dma_start3A_165 = arith.constant 1 : i32
    %dma_start3A_166 = arith.constant 5 : i32
    %dma_start3A_167 = arith.constant 5 : i32
    %dma_start3A_168 = arith.constant 0 : i32
    %dma_start3A_169 = tpu.memref_slice %arg6[%dma_start3A_167, %dma_start3A_168] : memref<6x100xi32, #tpu.memory_space<vmem>> -> memref<1x100xi32, #tpu.memory_space<vmem>>
    %dma_start3A_170 = tpu.memref_squeeze %dma_start3A_169 : memref<1x100xi32, #tpu.memory_space<vmem>> -> memref<100xi32, #tpu.memory_space<vmem>>
    %dma_start3A_171 = arith.constant 0 : i32
    %dma_start3A_172 = tpu.memref_slice %arg3[%dma_start3A_165, %add3A, %dma_start3A_166, %dma_start3A_171] : memref<2x32x100x100xi32, #tpu.memory_space<hbm>> -> memref<1x1x1x100xi32, #tpu.memory_space<hbm>>
    %dma_start3A_173 = tpu.memref_squeeze %dma_start3A_172 : memref<1x1x1x100xi32, #tpu.memory_space<hbm>> -> memref<100xi32, #tpu.memory_space<hbm>>
    %dma_start3A_174 = arith.constant 0 : i32
    %dma_start3A_175 = tpu.memref_slice %arg6[%dma_start3A_167, %dma_start3A_174] : memref<6x100xi32, #tpu.memory_space<vmem>> -> memref<1x100xi32, #tpu.memory_space<vmem>>
    %dma_start3A_176 = tpu.memref_squeeze %dma_start3A_175 : memref<1x100xi32, #tpu.memory_space<vmem>> -> memref<100xi32, #tpu.memory_space<vmem>>
    %dma_start3A_177 = arith.constant 0 : i32
    %dma_start3A_178 = tpu.memref_slice %arg3[%dma_start3A_165, %add3A, %dma_start3A_166, %dma_start3A_177] : memref<2x32x100x100xi32, #tpu.memory_space<hbm>> -> memref<1x1x1x100xi32, #tpu.memory_space<hbm>>
    %dma_start3A_179 = tpu.memref_squeeze %dma_start3A_178 : memref<1x1x1x100xi32, #tpu.memory_space<hbm>> -> memref<100xi32, #tpu.memory_space<hbm>>
    tpu.enqueue_dma source(%dma_start3A_179 : memref<100xi32, #tpu.memory_space<hbm>>) target(%dma_start3A_176 : memref<100xi32, #tpu.memory_space<vmem>>) target_semaphore(%arg15 : memref<!tpu.dma_semaphore, #tpu.memory_space<semaphore_mem>>)
    %dma_wait3A = arith.constant 0 : i32
    %dma_wait3A_180 = arith.constant 0 : i32
    %dma_wait3A_181 = arith.constant 0 : i32
    %dma_wait3A_182 = arith.constant 0 : i32
    %dma_wait3A_183 = tpu.memref_slice %arg5[%dma_wait3A_181, %dma_wait3A_182] : memref<6x100xi32, #tpu.memory_space<vmem>> -> memref<1x100xi32, #tpu.memory_space<vmem>>
    %dma_wait3A_184 = tpu.memref_squeeze %dma_wait3A_183 : memref<1x100xi32, #tpu.memory_space<vmem>> -> memref<100xi32, #tpu.memory_space<vmem>>
    %dma_wait3A_185 = arith.constant 0 : i32
    %dma_wait3A_186 = tpu.memref_slice %arg3[%dma_wait3A, %add3A, %dma_wait3A_180, %dma_wait3A_185] : memref<2x32x100x100xi32, #tpu.memory_space<hbm>> -> memref<1x1x1x100xi32, #tpu.memory_space<hbm>>
    %dma_wait3A_187 = tpu.memref_squeeze %dma_wait3A_186 : memref<1x1x1x100xi32, #tpu.memory_space<hbm>> -> memref<100xi32, #tpu.memory_space<hbm>>
    %dma_wait3A_188 = arith.constant 0 : i32
    %dma_wait3A_189 = tpu.memref_slice %arg5[%dma_wait3A_181, %dma_wait3A_188] : memref<6x100xi32, #tpu.memory_space<vmem>> -> memref<1x100xi32, #tpu.memory_space<vmem>>
    %dma_wait3A_190 = tpu.memref_squeeze %dma_wait3A_189 : memref<1x100xi32, #tpu.memory_space<vmem>> -> memref<100xi32, #tpu.memory_space<vmem>>
    %dma_wait3A_191 = arith.constant 0 : i32
    %dma_wait3A_192 = tpu.memref_slice %arg3[%dma_wait3A, %add3A, %dma_wait3A_180, %dma_wait3A_191] : memref<2x32x100x100xi32, #tpu.memory_space<hbm>> -> memref<1x1x1x100xi32, #tpu.memory_space<hbm>>
    %dma_wait3A_193 = tpu.memref_squeeze %dma_wait3A_192 : memref<1x1x1x100xi32, #tpu.memory_space<hbm>> -> memref<100xi32, #tpu.memory_space<hbm>>
    tpu.wait_dma2 semaphore(%arg10 : memref<!tpu.dma_semaphore, #tpu.memory_space<semaphore_mem>>) src(%dma_wait3A_193 : memref<100xi32, #tpu.memory_space<hbm>>) dst(%dma_wait3A_190 : memref<100xi32, #tpu.memory_space<vmem>>)
    %dma_wait3A_194 = arith.constant 1 : i32
    %dma_wait3A_195 = arith.constant 0 : i32
    %dma_wait3A_196 = arith.constant 0 : i32
    %dma_wait3A_197 = arith.constant 0 : i32
    %dma_wait3A_198 = tpu.memref_slice %arg6[%dma_wait3A_196, %dma_wait3A_197] : memref<6x100xi32, #tpu.memory_space<vmem>> -> memref<1x100xi32, #tpu.memory_space<vmem>>
    %dma_wait3A_199 = tpu.memref_squeeze %dma_wait3A_198 : memref<1x100xi32, #tpu.memory_space<vmem>> -> memref<100xi32, #tpu.memory_space<vmem>>
    %dma_wait3A_200 = arith.constant 0 : i32
    %dma_wait3A_201 = tpu.memref_slice %arg3[%dma_wait3A_194, %add3A, %dma_wait3A_195, %dma_wait3A_200] : memref<2x32x100x100xi32, #tpu.memory_space<hbm>> -> memref<1x1x1x100xi32, #tpu.memory_space<hbm>>
    %dma_wait3A_202 = tpu.memref_squeeze %dma_wait3A_201 : memref<1x1x1x100xi32, #tpu.memory_space<hbm>> -> memref<100xi32, #tpu.memory_space<hbm>>
    %dma_wait3A_203 = arith.constant 0 : i32
    %dma_wait3A_204 = tpu.memref_slice %arg6[%dma_wait3A_196, %dma_wait3A_203] : memref<6x100xi32, #tpu.memory_space<vmem>> -> memref<1x100xi32, #tpu.memory_space<vmem>>
    %dma_wait3A_205 = tpu.memref_squeeze %dma_wait3A_204 : memref<1x100xi32, #tpu.memory_space<vmem>> -> memref<100xi32, #tpu.memory_space<vmem>>
    %dma_wait3A_206 = arith.constant 0 : i32
    %dma_wait3A_207 = tpu.memref_slice %arg3[%dma_wait3A_194, %add3A, %dma_wait3A_195, %dma_wait3A_206] : memref<2x32x100x100xi32, #tpu.memory_space<hbm>> -> memref<1x1x1x100xi32, #tpu.memory_space<hbm>>
    %dma_wait3A_208 = tpu.memref_squeeze %dma_wait3A_207 : memref<1x1x1x100xi32, #tpu.memory_space<hbm>> -> memref<100xi32, #tpu.memory_space<hbm>>
    tpu.wait_dma2 semaphore(%arg10 : memref<!tpu.dma_semaphore, #tpu.memory_space<semaphore_mem>>) src(%dma_wait3A_208 : memref<100xi32, #tpu.memory_space<hbm>>) dst(%dma_wait3A_205 : memref<100xi32, #tpu.memory_space<vmem>>)
    %dma_start3A_209 = arith.constant 0 : i32
    %dma_start3A_210 = arith.constant 0 : i32
    %dma_start3A_211 = arith.constant 0 : i32
    %dma_start3A_212 = arith.constant 0 : i32
    %dma_start3A_213 = tpu.memref_slice %arg7[%dma_start3A_210, %dma_start3A_211, %dma_start3A_212] : memref<3x100x128xf32, #tpu.memory_space<vmem>> -> memref<1x100x128xf32, #tpu.memory_space<vmem>>
    %dma_start3A_214 = tpu.memref_squeeze %dma_start3A_213 : memref<1x100x128xf32, #tpu.memory_space<vmem>> -> memref<100x128xf32, #tpu.memory_space<vmem>>
    %dma_start3A_215 = arith.constant 0 : i32
    %dma_start3A_216 = tpu.memref_slice %arg5[%dma_start3A_209, %dma_start3A_215] : memref<6x100xi32, #tpu.memory_space<vmem>> -> memref<1x100xi32, #tpu.memory_space<vmem>>
    %dma_start3A_217 = tpu.memref_squeeze %dma_start3A_216 : memref<1x100xi32, #tpu.memory_space<vmem>> -> memref<100xi32, #tpu.memory_space<vmem>>
    %dma_start3A_218 = arith.constant 0 : i32
    %dma_start3A_219 = arith.constant 0 : i32
    %dma_start3A_220 = tpu.memref_slice %arg2[%dma_start3A_218, %dma_start3A_219] : memref<10000x128xf32, #tpu.memory_space<hbm>> -> memref<10000x128xf32, #tpu.memory_space<hbm>>
    tpu.enqueue_indirect_dma source(%dma_start3A_220 : memref<10000x128xf32, #tpu.memory_space<hbm>>) target(%dma_start3A_214 : memref<100x128xf32, #tpu.memory_space<vmem>>) offsets(%dma_start3A_217 : memref<100xi32, #tpu.memory_space<vmem>>) semaphore(%arg16 : memref<!tpu.dma_semaphore, #tpu.memory_space<semaphore_mem>>)
    %dma_wait3A_221 = arith.constant 0 : i32
    %dma_wait3A_222 = arith.constant 1 : i32
    %dma_wait3A_223 = arith.constant 1 : i32
    %dma_wait3A_224 = arith.constant 0 : i32
    %dma_wait3A_225 = tpu.memref_slice %arg5[%dma_wait3A_223, %dma_wait3A_224] : memref<6x100xi32, #tpu.memory_space<vmem>> -> memref<1x100xi32, #tpu.memory_space<vmem>>
    %dma_wait3A_226 = tpu.memref_squeeze %dma_wait3A_225 : memref<1x100xi32, #tpu.memory_space<vmem>> -> memref<100xi32, #tpu.memory_space<vmem>>
    %dma_wait3A_227 = arith.constant 0 : i32
    %dma_wait3A_228 = tpu.memref_slice %arg3[%dma_wait3A_221, %add3A, %dma_wait3A_222, %dma_wait3A_227] : memref<2x32x100x100xi32, #tpu.memory_space<hbm>> -> memref<1x1x1x100xi32, #tpu.memory_space<hbm>>
    %dma_wait3A_229 = tpu.memref_squeeze %dma_wait3A_228 : memref<1x1x1x100xi32, #tpu.memory_space<hbm>> -> memref<100xi32, #tpu.memory_space<hbm>>
    %dma_wait3A_230 = arith.constant 0 : i32
    %dma_wait3A_231 = tpu.memref_slice %arg5[%dma_wait3A_223, %dma_wait3A_230] : memref<6x100xi32, #tpu.memory_space<vmem>> -> memref<1x100xi32, #tpu.memory_space<vmem>>
    %dma_wait3A_232 = tpu.memref_squeeze %dma_wait3A_231 : memref<1x100xi32, #tpu.memory_space<vmem>> -> memref<100xi32, #tpu.memory_space<vmem>>
    %dma_wait3A_233 = arith.constant 0 : i32
    %dma_wait3A_234 = tpu.memref_slice %arg3[%dma_wait3A_221, %add3A, %dma_wait3A_222, %dma_wait3A_233] : memref<2x32x100x100xi32, #tpu.memory_space<hbm>> -> memref<1x1x1x100xi32, #tpu.memory_space<hbm>>
    %dma_wait3A_235 = tpu.memref_squeeze %dma_wait3A_234 : memref<1x1x1x100xi32, #tpu.memory_space<hbm>> -> memref<100xi32, #tpu.memory_space<hbm>>
    tpu.wait_dma2 semaphore(%arg11 : memref<!tpu.dma_semaphore, #tpu.memory_space<semaphore_mem>>) src(%dma_wait3A_235 : memref<100xi32, #tpu.memory_space<hbm>>) dst(%dma_wait3A_232 : memref<100xi32, #tpu.memory_space<vmem>>)
    %dma_wait3A_236 = arith.constant 1 : i32
    %dma_wait3A_237 = arith.constant 1 : i32
    %dma_wait3A_238 = arith.constant 1 : i32
    %dma_wait3A_239 = arith.constant 0 : i32
    %dma_wait3A_240 = tpu.memref_slice %arg6[%dma_wait3A_238, %dma_wait3A_239] : memref<6x100xi32, #tpu.memory_space<vmem>> -> memref<1x100xi32, #tpu.memory_space<vmem>>
    %dma_wait3A_241 = tpu.memref_squeeze %dma_wait3A_240 : memref<1x100xi32, #tpu.memory_space<vmem>> -> memref<100xi32, #tpu.memory_space<vmem>>
    %dma_wait3A_242 = arith.constant 0 : i32
    %dma_wait3A_243 = tpu.memref_slice %arg3[%dma_wait3A_236, %add3A, %dma_wait3A_237, %dma_wait3A_242] : memref<2x32x100x100xi32, #tpu.memory_space<hbm>> -> memref<1x1x1x100xi32, #tpu.memory_space<hbm>>
    %dma_wait3A_244 = tpu.memref_squeeze %dma_wait3A_243 : memref<1x1x1x100xi32, #tpu.memory_space<hbm>> -> memref<100xi32, #tpu.memory_space<hbm>>
    %dma_wait3A_245 = arith.constant 0 : i32
    %dma_wait3A_246 = tpu.memref_slice %arg6[%dma_wait3A_238, %dma_wait3A_245] : memref<6x100xi32, #tpu.memory_space<vmem>> -> memref<1x100xi32, #tpu.memory_space<vmem>>
    %dma_wait3A_247 = tpu.memref_squeeze %dma_wait3A_246 : memref<1x100xi32, #tpu.memory_space<vmem>> -> memref<100xi32, #tpu.memory_space<vmem>>
    %dma_wait3A_248 = arith.constant 0 : i32
    %dma_wait3A_249 = tpu.memref_slice %arg3[%dma_wait3A_236, %add3A, %dma_wait3A_237, %dma_wait3A_248] : memref<2x32x100x100xi32, #tpu.memory_space<hbm>> -> memref<1x1x1x100xi32, #tpu.memory_space<hbm>>
    %dma_wait3A_250 = tpu.memref_squeeze %dma_wait3A_249 : memref<1x1x1x100xi32, #tpu.memory_space<hbm>> -> memref<100xi32, #tpu.memory_space<hbm>>
    tpu.wait_dma2 semaphore(%arg11 : memref<!tpu.dma_semaphore, #tpu.memory_space<semaphore_mem>>) src(%dma_wait3A_250 : memref<100xi32, #tpu.memory_space<hbm>>) dst(%dma_wait3A_247 : memref<100xi32, #tpu.memory_space<vmem>>)
    %dma_start3A_251 = arith.constant 1 : i32
    %dma_start3A_252 = arith.constant 1 : i32
    %dma_start3A_253 = arith.constant 0 : i32
    %dma_start3A_254 = arith.constant 0 : i32
    %dma_start3A_255 = tpu.memref_slice %arg7[%dma_start3A_252, %dma_start3A_253, %dma_start3A_254] : memref<3x100x128xf32, #tpu.memory_space<vmem>> -> memref<1x100x128xf32, #tpu.memory_space<vmem>>
    %dma_start3A_256 = tpu.memref_squeeze %dma_start3A_255 : memref<1x100x128xf32, #tpu.memory_space<vmem>> -> memref<100x128xf32, #tpu.memory_space<vmem>>
    %dma_start3A_257 = arith.constant 0 : i32
    %dma_start3A_258 = tpu.memref_slice %arg5[%dma_start3A_251, %dma_start3A_257] : memref<6x100xi32, #tpu.memory_space<vmem>> -> memref<1x100xi32, #tpu.memory_space<vmem>>
    %dma_start3A_259 = tpu.memref_squeeze %dma_start3A_258 : memref<1x100xi32, #tpu.memory_space<vmem>> -> memref<100xi32, #tpu.memory_space<vmem>>
    %dma_start3A_260 = arith.constant 0 : i32
    %dma_start3A_261 = arith.constant 0 : i32
    %dma_start3A_262 = tpu.memref_slice %arg2[%dma_start3A_260, %dma_start3A_261] : memref<10000x128xf32, #tpu.memory_space<hbm>> -> memref<10000x128xf32, #tpu.memory_space<hbm>>
    tpu.enqueue_indirect_dma source(%dma_start3A_262 : memref<10000x128xf32, #tpu.memory_space<hbm>>) target(%dma_start3A_256 : memref<100x128xf32, #tpu.memory_space<vmem>>) offsets(%dma_start3A_259 : memref<100xi32, #tpu.memory_space<vmem>>) semaphore(%arg17 : memref<!tpu.dma_semaphore, #tpu.memory_space<semaphore_mem>>)
    %dma_wait3A_263 = arith.constant 0 : i32
    %dma_wait3A_264 = arith.constant 2 : i32
    %dma_wait3A_265 = arith.constant 2 : i32
    %dma_wait3A_266 = arith.constant 0 : i32
    %dma_wait3A_267 = tpu.memref_slice %arg5[%dma_wait3A_265, %dma_wait3A_266] : memref<6x100xi32, #tpu.memory_space<vmem>> -> memref<1x100xi32, #tpu.memory_space<vmem>>
    %dma_wait3A_268 = tpu.memref_squeeze %dma_wait3A_267 : memref<1x100xi32, #tpu.memory_space<vmem>> -> memref<100xi32, #tpu.memory_space<vmem>>
    %dma_wait3A_269 = arith.constant 0 : i32
    %dma_wait3A_270 = tpu.memref_slice %arg3[%dma_wait3A_263, %add3A, %dma_wait3A_264, %dma_wait3A_269] : memref<2x32x100x100xi32, #tpu.memory_space<hbm>> -> memref<1x1x1x100xi32, #tpu.memory_space<hbm>>
    %dma_wait3A_271 = tpu.memref_squeeze %dma_wait3A_270 : memref<1x1x1x100xi32, #tpu.memory_space<hbm>> -> memref<100xi32, #tpu.memory_space<hbm>>
    %dma_wait3A_272 = arith.constant 0 : i32
    %dma_wait3A_273 = tpu.memref_slice %arg5[%dma_wait3A_265, %dma_wait3A_272] : memref<6x100xi32, #tpu.memory_space<vmem>> -> memref<1x100xi32, #tpu.memory_space<vmem>>
    %dma_wait3A_274 = tpu.memref_squeeze %dma_wait3A_273 : memref<1x100xi32, #tpu.memory_space<vmem>> -> memref<100xi32, #tpu.memory_space<vmem>>
    %dma_wait3A_275 = arith.constant 0 : i32
    %dma_wait3A_276 = tpu.memref_slice %arg3[%dma_wait3A_263, %add3A, %dma_wait3A_264, %dma_wait3A_275] : memref<2x32x100x100xi32, #tpu.memory_space<hbm>> -> memref<1x1x1x100xi32, #tpu.memory_space<hbm>>
    %dma_wait3A_277 = tpu.memref_squeeze %dma_wait3A_276 : memref<1x1x1x100xi32, #tpu.memory_space<hbm>> -> memref<100xi32, #tpu.memory_space<hbm>>
    tpu.wait_dma2 semaphore(%arg12 : memref<!tpu.dma_semaphore, #tpu.memory_space<semaphore_mem>>) src(%dma_wait3A_277 : memref<100xi32, #tpu.memory_space<hbm>>) dst(%dma_wait3A_274 : memref<100xi32, #tpu.memory_space<vmem>>)
    %dma_wait3A_278 = arith.constant 1 : i32
    %dma_wait3A_279 = arith.constant 2 : i32
    %dma_wait3A_280 = arith.constant 2 : i32
    %dma_wait3A_281 = arith.constant 0 : i32
    %dma_wait3A_282 = tpu.memref_slice %arg6[%dma_wait3A_280, %dma_wait3A_281] : memref<6x100xi32, #tpu.memory_space<vmem>> -> memref<1x100xi32, #tpu.memory_space<vmem>>
    %dma_wait3A_283 = tpu.memref_squeeze %dma_wait3A_282 : memref<1x100xi32, #tpu.memory_space<vmem>> -> memref<100xi32, #tpu.memory_space<vmem>>
    %dma_wait3A_284 = arith.constant 0 : i32
    %dma_wait3A_285 = tpu.memref_slice %arg3[%dma_wait3A_278, %add3A, %dma_wait3A_279, %dma_wait3A_284] : memref<2x32x100x100xi32, #tpu.memory_space<hbm>> -> memref<1x1x1x100xi32, #tpu.memory_space<hbm>>
    %dma_wait3A_286 = tpu.memref_squeeze %dma_wait3A_285 : memref<1x1x1x100xi32, #tpu.memory_space<hbm>> -> memref<100xi32, #tpu.memory_space<hbm>>
    %dma_wait3A_287 = arith.constant 0 : i32
    %dma_wait3A_288 = tpu.memref_slice %arg6[%dma_wait3A_280, %dma_wait3A_287] : memref<6x100xi32, #tpu.memory_space<vmem>> -> memref<1x100xi32, #tpu.memory_space<vmem>>
    %dma_wait3A_289 = tpu.memref_squeeze %dma_wait3A_288 : memref<1x100xi32, #tpu.memory_space<vmem>> -> memref<100xi32, #tpu.memory_space<vmem>>
    %dma_wait3A_290 = arith.constant 0 : i32
    %dma_wait3A_291 = tpu.memref_slice %arg3[%dma_wait3A_278, %add3A, %dma_wait3A_279, %dma_wait3A_290] : memref<2x32x100x100xi32, #tpu.memory_space<hbm>> -> memref<1x1x1x100xi32, #tpu.memory_space<hbm>>
    %dma_wait3A_292 = tpu.memref_squeeze %dma_wait3A_291 : memref<1x1x1x100xi32, #tpu.memory_space<hbm>> -> memref<100xi32, #tpu.memory_space<hbm>>
    tpu.wait_dma2 semaphore(%arg12 : memref<!tpu.dma_semaphore, #tpu.memory_space<semaphore_mem>>) src(%dma_wait3A_292 : memref<100xi32, #tpu.memory_space<hbm>>) dst(%dma_wait3A_289 : memref<100xi32, #tpu.memory_space<vmem>>)
    %dma_start3A_293 = arith.constant 2 : i32
    %dma_start3A_294 = arith.constant 2 : i32
    %dma_start3A_295 = arith.constant 0 : i32
    %dma_start3A_296 = arith.constant 0 : i32
    %dma_start3A_297 = tpu.memref_slice %arg7[%dma_start3A_294, %dma_start3A_295, %dma_start3A_296] : memref<3x100x128xf32, #tpu.memory_space<vmem>> -> memref<1x100x128xf32, #tpu.memory_space<vmem>>
    %dma_start3A_298 = tpu.memref_squeeze %dma_start3A_297 : memref<1x100x128xf32, #tpu.memory_space<vmem>> -> memref<100x128xf32, #tpu.memory_space<vmem>>
    %dma_start3A_299 = arith.constant 0 : i32
    %dma_start3A_300 = tpu.memref_slice %arg5[%dma_start3A_293, %dma_start3A_299] : memref<6x100xi32, #tpu.memory_space<vmem>> -> memref<1x100xi32, #tpu.memory_space<vmem>>
    %dma_start3A_301 = tpu.memref_squeeze %dma_start3A_300 : memref<1x100xi32, #tpu.memory_space<vmem>> -> memref<100xi32, #tpu.memory_space<vmem>>
    %dma_start3A_302 = arith.constant 0 : i32
    %dma_start3A_303 = arith.constant 0 : i32
    %dma_start3A_304 = tpu.memref_slice %arg2[%dma_start3A_302, %dma_start3A_303] : memref<10000x128xf32, #tpu.memory_space<hbm>> -> memref<10000x128xf32, #tpu.memory_space<hbm>>
    tpu.enqueue_indirect_dma source(%dma_start3A_304 : memref<10000x128xf32, #tpu.memory_space<hbm>>) target(%dma_start3A_298 : memref<100x128xf32, #tpu.memory_space<vmem>>) offsets(%dma_start3A_301 : memref<100xi32, #tpu.memory_space<vmem>>) semaphore(%arg18 : memref<!tpu.dma_semaphore, #tpu.memory_space<semaphore_mem>>)
    %scan3A = arith.constant 0 : i32
    %scan3A_305 = arith.constant 0 : i32
    %scan3A_306 = arith.constant 32 : i32
    %scan3A_307 = arith.addi %scan3A_305, %scan3A_306 : i32
    %scan3A_308 = arith.constant 1 : i32
    scf.for %scan3A_1334 = %scan3A_305 to %scan3A_307 step %scan3A_308  : i32 {
      %scan3A_1335 = arith.constant 0 : i32
      %scan3A_1336 = arith.constant 8 : i32
      %scan3A_1337 = arith.addi %scan3A_1335, %scan3A_1336 : i32
      %scan3A_1338 = arith.constant 1 : i32
      scf.for %scan3A_1340 = %scan3A_1335 to %scan3A_1337 step %scan3A_1338  : i32 {
        %broadcast_in_dim3A = arith.constant 0.000000e+00 : f32
        %broadcast_in_dim3A_1341 = vector.broadcast %broadcast_in_dim3A : f32 to vector<16xf32>
        %mul3A_1342 = arith.constant 16 : i32
        %mul3A_1343 = arith.muli %scan3A_1340, %mul3A_1342 : i32
        %swap3A = arith.index_cast %scan3A_1334 : i32 to index
        %swap3A_1344 = arith.index_cast %mul3A_1343 : i32 to index
        %swap3A_1345 = tpu.vector_load %arg8[%swap3A, %swap3A_1344] {strides = array<i32>} : memref<32x128xf32, #tpu.memory_space<vmem>>, vector<1x16xf32>,
        %swap3A_1346 = vector.shape_cast %swap3A_1345 : vector<1x16xf32> to vector<16xf32>
        %swap3A_1347 = vector.shape_cast %broadcast_in_dim3A_1341 : vector<16xf32> to vector<1x16xf32>
        tpu.vector_store %arg8[%swap3A, %swap3A_1344], %swap3A_1347 {strides = array<i32>} : memref<32x128xf32, #tpu.memory_space<vmem>>, vector<1x16xf32>,
      }
      %scan3A_1339 = arith.constant 8 : i32
    }
    %scan3A_309 = arith.constant 32 : i32
    %mul3A_310 = arith.constant 640 : i32
    %mul3A_311 = arith.muli %arg1, %mul3A_310 : i32
    %add3A_312 = arith.constant 0 : i32
    %add3A_313 = arith.addi %mul3A_311, %add3A_312 : i32
    %dma_start3A_314 = arith.constant 0 : i32
    %dma_start3A_315 = tpu.memref_slice %arg9[%add3A_313, %dma_start3A_314] : memref<10240x128xf32, #tpu.memory_space<vmem_shared>> -> memref<32x128xf32, #tpu.memory_space<vmem_shared>>
    %dma_start3A_316 = arith.constant 0 : i32
    %dma_start3A_317 = tpu.memref_slice %arg9[%add3A_313, %dma_start3A_316] : memref<10240x128xf32, #tpu.memory_space<vmem_shared>> -> memref<32x128xf32, #tpu.memory_space<vmem_shared>>
    tpu.enqueue_dma source(%arg8 : memref<32x128xf32, #tpu.memory_space<vmem>>) target(%dma_start3A_317 : memref<32x128xf32, #tpu.memory_space<vmem_shared>>) target_semaphore(%arg10 : memref<!tpu.dma_semaphore, #tpu.memory_space<semaphore_mem>>)
    %mul3A_318 = arith.constant 640 : i32
    %mul3A_319 = arith.muli %arg1, %mul3A_318 : i32
    %add3A_320 = arith.constant 32 : i32
    %add3A_321 = arith.addi %mul3A_319, %add3A_320 : i32
    %dma_start3A_322 = arith.constant 0 : i32
    %dma_start3A_323 = tpu.memref_slice %arg9[%add3A_321, %dma_start3A_322] : memref<10240x128xf32, #tpu.memory_space<vmem_shared>> -> memref<32x128xf32, #tpu.memory_space<vmem_shared>>
    %dma_start3A_324 = arith.constant 0 : i32
    %dma_start3A_325 = tpu.memref_slice %arg9[%add3A_321, %dma_start3A_324] : memref<10240x128xf32, #tpu.memory_space<vmem_shared>> -> memref<32x128xf32, #tpu.memory_space<vmem_shared>>
    tpu.enqueue_dma source(%arg8 : memref<32x128xf32, #tpu.memory_space<vmem>>) target(%dma_start3A_325 : memref<32x128xf32, #tpu.memory_space<vmem_shared>>) target_semaphore(%arg10 : memref<!tpu.dma_semaphore, #tpu.memory_space<semaphore_mem>>)
    %mul3A_326 = arith.constant 640 : i32
    %mul3A_327 = arith.muli %arg1, %mul3A_326 : i32
    %add3A_328 = arith.constant 64 : i32
    %add3A_329 = arith.addi %mul3A_327, %add3A_328 : i32
    %dma_start3A_330 = arith.constant 0 : i32
    %dma_start3A_331 = tpu.memref_slice %arg9[%add3A_329, %dma_start3A_330] : memref<10240x128xf32, #tpu.memory_space<vmem_shared>> -> memref<32x128xf32, #tpu.memory_space<vmem_shared>>
    %dma_start3A_332 = arith.constant 0 : i32
    %dma_start3A_333 = tpu.memref_slice %arg9[%add3A_329, %dma_start3A_332] : memref<10240x128xf32, #tpu.memory_space<vmem_shared>> -> memref<32x128xf32, #tpu.memory_space<vmem_shared>>
    tpu.enqueue_dma source(%arg8 : memref<32x128xf32, #tpu.memory_space<vmem>>) target(%dma_start3A_333 : memref<32x128xf32, #tpu.memory_space<vmem_shared>>) target_semaphore(%arg10 : memref<!tpu.dma_semaphore, #tpu.memory_space<semaphore_mem>>)
    %mul3A_334 = arith.constant 640 : i32
    %mul3A_335 = arith.muli %arg1, %mul3A_334 : i32
    %add3A_336 = arith.constant 96 : i32
    %add3A_337 = arith.addi %mul3A_335, %add3A_336 : i32
    %dma_start3A_338 = arith.constant 0 : i32
    %dma_start3A_339 = tpu.memref_slice %arg9[%add3A_337, %dma_start3A_338] : memref<10240x128xf32, #tpu.memory_space<vmem_shared>> -> memref<32x128xf32, #tpu.memory_space<vmem_shared>>
    %dma_start3A_340 = arith.constant 0 : i32
    %dma_start3A_341 = tpu.memref_slice %arg9[%add3A_337, %dma_start3A_340] : memref<10240x128xf32, #tpu.memory_space<vmem_shared>> -> memref<32x128xf32, #tpu.memory_space<vmem_shared>>
    tpu.enqueue_dma source(%arg8 : memref<32x128xf32, #tpu.memory_space<vmem>>) target(%dma_start3A_341 : memref<32x128xf32, #tpu.memory_space<vmem_shared>>) target_semaphore(%arg10 : memref<!tpu.dma_semaphore, #tpu.memory_space<semaphore_mem>>)
    %mul3A_342 = arith.constant 640 : i32
    %mul3A_343 = arith.muli %arg1, %mul3A_342 : i32
    %add3A_344 = arith.constant 128 : i32
    %add3A_345 = arith.addi %mul3A_343, %add3A_344 : i32
    %dma_start3A_346 = arith.constant 0 : i32
    %dma_start3A_347 = tpu.memref_slice %arg9[%add3A_345, %dma_start3A_346] : memref<10240x128xf32, #tpu.memory_space<vmem_shared>> -> memref<32x128xf32, #tpu.memory_space<vmem_shared>>
    %dma_start3A_348 = arith.constant 0 : i32
    %dma_start3A_349 = tpu.memref_slice %arg9[%add3A_345, %dma_start3A_348] : memref<10240x128xf32, #tpu.memory_space<vmem_shared>> -> memref<32x128xf32, #tpu.memory_space<vmem_shared>>
    tpu.enqueue_dma source(%arg8 : memref<32x128xf32, #tpu.memory_space<vmem>>) target(%dma_start3A_349 : memref<32x128xf32, #tpu.memory_space<vmem_shared>>) target_semaphore(%arg10 : memref<!tpu.dma_semaphore, #tpu.memory_space<semaphore_mem>>)
    %mul3A_350 = arith.constant 640 : i32
    %mul3A_351 = arith.muli %arg1, %mul3A_350 : i32
    %add3A_352 = arith.constant 160 : i32
    %add3A_353 = arith.addi %mul3A_351, %add3A_352 : i32
    %dma_start3A_354 = arith.constant 0 : i32
    %dma_start3A_355 = tpu.memref_slice %arg9[%add3A_353, %dma_start3A_354] : memref<10240x128xf32, #tpu.memory_space<vmem_shared>> -> memref<32x128xf32, #tpu.memory_space<vmem_shared>>
    %dma_start3A_356 = arith.constant 0 : i32
    %dma_start3A_357 = tpu.memref_slice %arg9[%add3A_353, %dma_start3A_356] : memref<10240x128xf32, #tpu.memory_space<vmem_shared>> -> memref<32x128xf32, #tpu.memory_space<vmem_shared>>
    tpu.enqueue_dma source(%arg8 : memref<32x128xf32, #tpu.memory_space<vmem>>) target(%dma_start3A_357 : memref<32x128xf32, #tpu.memory_space<vmem_shared>>) target_semaphore(%arg10 : memref<!tpu.dma_semaphore, #tpu.memory_space<semaphore_mem>>)
    %mul3A_358 = arith.constant 640 : i32
    %mul3A_359 = arith.muli %arg1, %mul3A_358 : i32
    %add3A_360 = arith.constant 192 : i32
    %add3A_361 = arith.addi %mul3A_359, %add3A_360 : i32
    %dma_start3A_362 = arith.constant 0 : i32
    %dma_start3A_363 = tpu.memref_slice %arg9[%add3A_361, %dma_start3A_362] : memref<10240x128xf32, #tpu.memory_space<vmem_shared>> -> memref<32x128xf32, #tpu.memory_space<vmem_shared>>
    %dma_start3A_364 = arith.constant 0 : i32
    %dma_start3A_365 = tpu.memref_slice %arg9[%add3A_361, %dma_start3A_364] : memref<10240x128xf32, #tpu.memory_space<vmem_shared>> -> memref<32x128xf32, #tpu.memory_space<vmem_shared>>
    tpu.enqueue_dma source(%arg8 : memref<32x128xf32, #tpu.memory_space<vmem>>) target(%dma_start3A_365 : memref<32x128xf32, #tpu.memory_space<vmem_shared>>) target_semaphore(%arg10 : memref<!tpu.dma_semaphore, #tpu.memory_space<semaphore_mem>>)
    %mul3A_366 = arith.constant 640 : i32
    %mul3A_367 = arith.muli %arg1, %mul3A_366 : i32
    %add3A_368 = arith.constant 224 : i32
    %add3A_369 = arith.addi %mul3A_367, %add3A_368 : i32
    %dma_start3A_370 = arith.constant 0 : i32
    %dma_start3A_371 = tpu.memref_slice %arg9[%add3A_369, %dma_start3A_370] : memref<10240x128xf32, #tpu.memory_space<vmem_shared>> -> memref<32x128xf32, #tpu.memory_space<vmem_shared>>
    %dma_start3A_372 = arith.constant 0 : i32
    %dma_start3A_373 = tpu.memref_slice %arg9[%add3A_369, %dma_start3A_372] : memref<10240x128xf32, #tpu.memory_space<vmem_shared>> -> memref<32x128xf32, #tpu.memory_space<vmem_shared>>
    tpu.enqueue_dma source(%arg8 : memref<32x128xf32, #tpu.memory_space<vmem>>) target(%dma_start3A_373 : memref<32x128xf32, #tpu.memory_space<vmem_shared>>) target_semaphore(%arg10 : memref<!tpu.dma_semaphore, #tpu.memory_space<semaphore_mem>>)
    %mul3A_374 = arith.constant 640 : i32
    %mul3A_375 = arith.muli %arg1, %mul3A_374 : i32
    %add3A_376 = arith.constant 256 : i32
    %add3A_377 = arith.addi %mul3A_375, %add3A_376 : i32
    %dma_start3A_378 = arith.constant 0 : i32
    %dma_start3A_379 = tpu.memref_slice %arg9[%add3A_377, %dma_start3A_378] : memref<10240x128xf32, #tpu.memory_space<vmem_shared>> -> memref<32x128xf32, #tpu.memory_space<vmem_shared>>
    %dma_start3A_380 = arith.constant 0 : i32
    %dma_start3A_381 = tpu.memref_slice %arg9[%add3A_377, %dma_start3A_380] : memref<10240x128xf32, #tpu.memory_space<vmem_shared>> -> memref<32x128xf32, #tpu.memory_space<vmem_shared>>
    tpu.enqueue_dma source(%arg8 : memref<32x128xf32, #tpu.memory_space<vmem>>) target(%dma_start3A_381 : memref<32x128xf32, #tpu.memory_space<vmem_shared>>) target_semaphore(%arg10 : memref<!tpu.dma_semaphore, #tpu.memory_space<semaphore_mem>>)
    %mul3A_382 = arith.constant 640 : i32
    %mul3A_383 = arith.muli %arg1, %mul3A_382 : i32
    %add3A_384 = arith.constant 288 : i32
    %add3A_385 = arith.addi %mul3A_383, %add3A_384 : i32
    %dma_start3A_386 = arith.constant 0 : i32
    %dma_start3A_387 = tpu.memref_slice %arg9[%add3A_385, %dma_start3A_386] : memref<10240x128xf32, #tpu.memory_space<vmem_shared>> -> memref<32x128xf32, #tpu.memory_space<vmem_shared>>
    %dma_start3A_388 = arith.constant 0 : i32
    %dma_start3A_389 = tpu.memref_slice %arg9[%add3A_385, %dma_start3A_388] : memref<10240x128xf32, #tpu.memory_space<vmem_shared>> -> memref<32x128xf32, #tpu.memory_space<vmem_shared>>
    tpu.enqueue_dma source(%arg8 : memref<32x128xf32, #tpu.memory_space<vmem>>) target(%dma_start3A_389 : memref<32x128xf32, #tpu.memory_space<vmem_shared>>) target_semaphore(%arg10 : memref<!tpu.dma_semaphore, #tpu.memory_space<semaphore_mem>>)
    %mul3A_390 = arith.constant 640 : i32
    %mul3A_391 = arith.muli %arg1, %mul3A_390 : i32
    %add3A_392 = arith.constant 320 : i32
    %add3A_393 = arith.addi %mul3A_391, %add3A_392 : i32
    %dma_start3A_394 = arith.constant 0 : i32
    %dma_start3A_395 = tpu.memref_slice %arg9[%add3A_393, %dma_start3A_394] : memref<10240x128xf32, #tpu.memory_space<vmem_shared>> -> memref<32x128xf32, #tpu.memory_space<vmem_shared>>
    %dma_start3A_396 = arith.constant 0 : i32
    %dma_start3A_397 = tpu.memref_slice %arg9[%add3A_393, %dma_start3A_396] : memref<10240x128xf32, #tpu.memory_space<vmem_shared>> -> memref<32x128xf32, #tpu.memory_space<vmem_shared>>
    tpu.enqueue_dma source(%arg8 : memref<32x128xf32, #tpu.memory_space<vmem>>) target(%dma_start3A_397 : memref<32x128xf32, #tpu.memory_space<vmem_shared>>) target_semaphore(%arg10 : memref<!tpu.dma_semaphore, #tpu.memory_space<semaphore_mem>>)
    %mul3A_398 = arith.constant 640 : i32
    %mul3A_399 = arith.muli %arg1, %mul3A_398 : i32
    %add3A_400 = arith.constant 352 : i32
    %add3A_401 = arith.addi %mul3A_399, %add3A_400 : i32
    %dma_start3A_402 = arith.constant 0 : i32
    %dma_start3A_403 = tpu.memref_slice %arg9[%add3A_401, %dma_start3A_402] : memref<10240x128xf32, #tpu.memory_space<vmem_shared>> -> memref<32x128xf32, #tpu.memory_space<vmem_shared>>
    %dma_start3A_404 = arith.constant 0 : i32
    %dma_start3A_405 = tpu.memref_slice %arg9[%add3A_401, %dma_start3A_404] : memref<10240x128xf32, #tpu.memory_space<vmem_shared>> -> memref<32x128xf32, #tpu.memory_space<vmem_shared>>
    tpu.enqueue_dma source(%arg8 : memref<32x128xf32, #tpu.memory_space<vmem>>) target(%dma_start3A_405 : memref<32x128xf32, #tpu.memory_space<vmem_shared>>) target_semaphore(%arg10 : memref<!tpu.dma_semaphore, #tpu.memory_space<semaphore_mem>>)
    %mul3A_406 = arith.constant 640 : i32
    %mul3A_407 = arith.muli %arg1, %mul3A_406 : i32
    %add3A_408 = arith.constant 384 : i32
    %add3A_409 = arith.addi %mul3A_407, %add3A_408 : i32
    %dma_start3A_410 = arith.constant 0 : i32
    %dma_start3A_411 = tpu.memref_slice %arg9[%add3A_409, %dma_start3A_410] : memref<10240x128xf32, #tpu.memory_space<vmem_shared>> -> memref<32x128xf32, #tpu.memory_space<vmem_shared>>
    %dma_start3A_412 = arith.constant 0 : i32
    %dma_start3A_413 = tpu.memref_slice %arg9[%add3A_409, %dma_start3A_412] : memref<10240x128xf32, #tpu.memory_space<vmem_shared>> -> memref<32x128xf32, #tpu.memory_space<vmem_shared>>
    tpu.enqueue_dma source(%arg8 : memref<32x128xf32, #tpu.memory_space<vmem>>) target(%dma_start3A_413 : memref<32x128xf32, #tpu.memory_space<vmem_shared>>) target_semaphore(%arg10 : memref<!tpu.dma_semaphore, #tpu.memory_space<semaphore_mem>>)
    %mul3A_414 = arith.constant 640 : i32
    %mul3A_415 = arith.muli %arg1, %mul3A_414 : i32
    %add3A_416 = arith.constant 416 : i32
    %add3A_417 = arith.addi %mul3A_415, %add3A_416 : i32
    %dma_start3A_418 = arith.constant 0 : i32
    %dma_start3A_419 = tpu.memref_slice %arg9[%add3A_417, %dma_start3A_418] : memref<10240x128xf32, #tpu.memory_space<vmem_shared>> -> memref<32x128xf32, #tpu.memory_space<vmem_shared>>
    %dma_start3A_420 = arith.constant 0 : i32
    %dma_start3A_421 = tpu.memref_slice %arg9[%add3A_417, %dma_start3A_420] : memref<10240x128xf32, #tpu.memory_space<vmem_shared>> -> memref<32x128xf32, #tpu.memory_space<vmem_shared>>
    tpu.enqueue_dma source(%arg8 : memref<32x128xf32, #tpu.memory_space<vmem>>) target(%dma_start3A_421 : memref<32x128xf32, #tpu.memory_space<vmem_shared>>) target_semaphore(%arg10 : memref<!tpu.dma_semaphore, #tpu.memory_space<semaphore_mem>>)
    %mul3A_422 = arith.constant 640 : i32
    %mul3A_423 = arith.muli %arg1, %mul3A_422 : i32
    %add3A_424 = arith.constant 448 : i32
    %add3A_425 = arith.addi %mul3A_423, %add3A_424 : i32
    %dma_start3A_426 = arith.constant 0 : i32
    %dma_start3A_427 = tpu.memref_slice %arg9[%add3A_425, %dma_start3A_426] : memref<10240x128xf32, #tpu.memory_space<vmem_shared>> -> memref<32x128xf32, #tpu.memory_space<vmem_shared>>
    %dma_start3A_428 = arith.constant 0 : i32
    %dma_start3A_429 = tpu.memref_slice %arg9[%add3A_425, %dma_start3A_428] : memref<10240x128xf32, #tpu.memory_space<vmem_shared>> -> memref<32x128xf32, #tpu.memory_space<vmem_shared>>
    tpu.enqueue_dma source(%arg8 : memref<32x128xf32, #tpu.memory_space<vmem>>) target(%dma_start3A_429 : memref<32x128xf32, #tpu.memory_space<vmem_shared>>) target_semaphore(%arg10 : memref<!tpu.dma_semaphore, #tpu.memory_space<semaphore_mem>>)
    %mul3A_430 = arith.constant 640 : i32
    %mul3A_431 = arith.muli %arg1, %mul3A_430 : i32
    %add3A_432 = arith.constant 480 : i32
    %add3A_433 = arith.addi %mul3A_431, %add3A_432 : i32
    %dma_start3A_434 = arith.constant 0 : i32
    %dma_start3A_435 = tpu.memref_slice %arg9[%add3A_433, %dma_start3A_434] : memref<10240x128xf32, #tpu.memory_space<vmem_shared>> -> memref<32x128xf32, #tpu.memory_space<vmem_shared>>
    %dma_start3A_436 = arith.constant 0 : i32
    %dma_start3A_437 = tpu.memref_slice %arg9[%add3A_433, %dma_start3A_436] : memref<10240x128xf32, #tpu.memory_space<vmem_shared>> -> memref<32x128xf32, #tpu.memory_space<vmem_shared>>
    tpu.enqueue_dma source(%arg8 : memref<32x128xf32, #tpu.memory_space<vmem>>) target(%dma_start3A_437 : memref<32x128xf32, #tpu.memory_space<vmem_shared>>) target_semaphore(%arg10 : memref<!tpu.dma_semaphore, #tpu.memory_space<semaphore_mem>>)
    %mul3A_438 = arith.constant 640 : i32
    %mul3A_439 = arith.muli %arg1, %mul3A_438 : i32
    %add3A_440 = arith.constant 512 : i32
    %add3A_441 = arith.addi %mul3A_439, %add3A_440 : i32
    %dma_start3A_442 = arith.constant 0 : i32
    %dma_start3A_443 = tpu.memref_slice %arg9[%add3A_441, %dma_start3A_442] : memref<10240x128xf32, #tpu.memory_space<vmem_shared>> -> memref<32x128xf32, #tpu.memory_space<vmem_shared>>
    %dma_start3A_444 = arith.constant 0 : i32
    %dma_start3A_445 = tpu.memref_slice %arg9[%add3A_441, %dma_start3A_444] : memref<10240x128xf32, #tpu.memory_space<vmem_shared>> -> memref<32x128xf32, #tpu.memory_space<vmem_shared>>
    tpu.enqueue_dma source(%arg8 : memref<32x128xf32, #tpu.memory_space<vmem>>) target(%dma_start3A_445 : memref<32x128xf32, #tpu.memory_space<vmem_shared>>) target_semaphore(%arg10 : memref<!tpu.dma_semaphore, #tpu.memory_space<semaphore_mem>>)
    %mul3A_446 = arith.constant 640 : i32
    %mul3A_447 = arith.muli %arg1, %mul3A_446 : i32
    %add3A_448 = arith.constant 544 : i32
    %add3A_449 = arith.addi %mul3A_447, %add3A_448 : i32
    %dma_start3A_450 = arith.constant 0 : i32
    %dma_start3A_451 = tpu.memref_slice %arg9[%add3A_449, %dma_start3A_450] : memref<10240x128xf32, #tpu.memory_space<vmem_shared>> -> memref<32x128xf32, #tpu.memory_space<vmem_shared>>
    %dma_start3A_452 = arith.constant 0 : i32
    %dma_start3A_453 = tpu.memref_slice %arg9[%add3A_449, %dma_start3A_452] : memref<10240x128xf32, #tpu.memory_space<vmem_shared>> -> memref<32x128xf32, #tpu.memory_space<vmem_shared>>
    tpu.enqueue_dma source(%arg8 : memref<32x128xf32, #tpu.memory_space<vmem>>) target(%dma_start3A_453 : memref<32x128xf32, #tpu.memory_space<vmem_shared>>) target_semaphore(%arg10 : memref<!tpu.dma_semaphore, #tpu.memory_space<semaphore_mem>>)
    %mul3A_454 = arith.constant 640 : i32
    %mul3A_455 = arith.muli %arg1, %mul3A_454 : i32
    %add3A_456 = arith.constant 576 : i32
    %add3A_457 = arith.addi %mul3A_455, %add3A_456 : i32
    %dma_start3A_458 = arith.constant 0 : i32
    %dma_start3A_459 = tpu.memref_slice %arg9[%add3A_457, %dma_start3A_458] : memref<10240x128xf32, #tpu.memory_space<vmem_shared>> -> memref<32x128xf32, #tpu.memory_space<vmem_shared>>
    %dma_start3A_460 = arith.constant 0 : i32
    %dma_start3A_461 = tpu.memref_slice %arg9[%add3A_457, %dma_start3A_460] : memref<10240x128xf32, #tpu.memory_space<vmem_shared>> -> memref<32x128xf32, #tpu.memory_space<vmem_shared>>
    tpu.enqueue_dma source(%arg8 : memref<32x128xf32, #tpu.memory_space<vmem>>) target(%dma_start3A_461 : memref<32x128xf32, #tpu.memory_space<vmem_shared>>) target_semaphore(%arg10 : memref<!tpu.dma_semaphore, #tpu.memory_space<semaphore_mem>>)
    %mul3A_462 = arith.constant 640 : i32
    %mul3A_463 = arith.muli %arg1, %mul3A_462 : i32
    %add3A_464 = arith.constant 608 : i32
    %add3A_465 = arith.addi %mul3A_463, %add3A_464 : i32
    %dma_start3A_466 = arith.constant 0 : i32
    %dma_start3A_467 = tpu.memref_slice %arg9[%add3A_465, %dma_start3A_466] : memref<10240x128xf32, #tpu.memory_space<vmem_shared>> -> memref<32x128xf32, #tpu.memory_space<vmem_shared>>
    %dma_start3A_468 = arith.constant 0 : i32
    %dma_start3A_469 = tpu.memref_slice %arg9[%add3A_465, %dma_start3A_468] : memref<10240x128xf32, #tpu.memory_space<vmem_shared>> -> memref<32x128xf32, #tpu.memory_space<vmem_shared>>
    tpu.enqueue_dma source(%arg8 : memref<32x128xf32, #tpu.memory_space<vmem>>) target(%dma_start3A_469 : memref<32x128xf32, #tpu.memory_space<vmem_shared>>) target_semaphore(%arg10 : memref<!tpu.dma_semaphore, #tpu.memory_space<semaphore_mem>>)
    %mul3A_470 = arith.constant 640 : i32
    %mul3A_471 = arith.muli %arg1, %mul3A_470 : i32
    %add3A_472 = arith.constant 0 : i32
    %add3A_473 = arith.addi %mul3A_471, %add3A_472 : i32
    %dma_wait3A_474 = arith.constant 0 : i32
    %dma_wait3A_475 = tpu.memref_slice %arg9[%add3A_473, %dma_wait3A_474] : memref<10240x128xf32, #tpu.memory_space<vmem_shared>> -> memref<32x128xf32, #tpu.memory_space<vmem_shared>>
    %dma_wait3A_476 = arith.constant 0 : i32
    %dma_wait3A_477 = tpu.memref_slice %arg9[%add3A_473, %dma_wait3A_476] : memref<10240x128xf32, #tpu.memory_space<vmem_shared>> -> memref<32x128xf32, #tpu.memory_space<vmem_shared>>
    tpu.wait_dma2 semaphore(%arg10 : memref<!tpu.dma_semaphore, #tpu.memory_space<semaphore_mem>>) src(%arg8 : memref<32x128xf32, #tpu.memory_space<vmem>>) dst(%dma_wait3A_477 : memref<32x128xf32, #tpu.memory_space<vmem_shared>>)
    %mul3A_478 = arith.constant 640 : i32
    %mul3A_479 = arith.muli %arg1, %mul3A_478 : i32
    %add3A_480 = arith.constant 32 : i32
    %add3A_481 = arith.addi %mul3A_479, %add3A_480 : i32
    %dma_wait3A_482 = arith.constant 0 : i32
    %dma_wait3A_483 = tpu.memref_slice %arg9[%add3A_481, %dma_wait3A_482] : memref<10240x128xf32, #tpu.memory_space<vmem_shared>> -> memref<32x128xf32, #tpu.memory_space<vmem_shared>>
    %dma_wait3A_484 = arith.constant 0 : i32
    %dma_wait3A_485 = tpu.memref_slice %arg9[%add3A_481, %dma_wait3A_484] : memref<10240x128xf32, #tpu.memory_space<vmem_shared>> -> memref<32x128xf32, #tpu.memory_space<vmem_shared>>
    tpu.wait_dma2 semaphore(%arg10 : memref<!tpu.dma_semaphore, #tpu.memory_space<semaphore_mem>>) src(%arg8 : memref<32x128xf32, #tpu.memory_space<vmem>>) dst(%dma_wait3A_485 : memref<32x128xf32, #tpu.memory_space<vmem_shared>>)
    %mul3A_486 = arith.constant 640 : i32
    %mul3A_487 = arith.muli %arg1, %mul3A_486 : i32
    %add3A_488 = arith.constant 64 : i32
    %add3A_489 = arith.addi %mul3A_487, %add3A_488 : i32
    %dma_wait3A_490 = arith.constant 0 : i32
    %dma_wait3A_491 = tpu.memref_slice %arg9[%add3A_489, %dma_wait3A_490] : memref<10240x128xf32, #tpu.memory_space<vmem_shared>> -> memref<32x128xf32, #tpu.memory_space<vmem_shared>>
    %dma_wait3A_492 = arith.constant 0 : i32
    %dma_wait3A_493 = tpu.memref_slice %arg9[%add3A_489, %dma_wait3A_492] : memref<10240x128xf32, #tpu.memory_space<vmem_shared>> -> memref<32x128xf32, #tpu.memory_space<vmem_shared>>
    tpu.wait_dma2 semaphore(%arg10 : memref<!tpu.dma_semaphore, #tpu.memory_space<semaphore_mem>>) src(%arg8 : memref<32x128xf32, #tpu.memory_space<vmem>>) dst(%dma_wait3A_493 : memref<32x128xf32, #tpu.memory_space<vmem_shared>>)
    %mul3A_494 = arith.constant 640 : i32
    %mul3A_495 = arith.muli %arg1, %mul3A_494 : i32
    %add3A_496 = arith.constant 96 : i32
    %add3A_497 = arith.addi %mul3A_495, %add3A_496 : i32
    %dma_wait3A_498 = arith.constant 0 : i32
    %dma_wait3A_499 = tpu.memref_slice %arg9[%add3A_497, %dma_wait3A_498] : memref<10240x128xf32, #tpu.memory_space<vmem_shared>> -> memref<32x128xf32, #tpu.memory_space<vmem_shared>>
    %dma_wait3A_500 = arith.constant 0 : i32
    %dma_wait3A_501 = tpu.memref_slice %arg9[%add3A_497, %dma_wait3A_500] : memref<10240x128xf32, #tpu.memory_space<vmem_shared>> -> memref<32x128xf32, #tpu.memory_space<vmem_shared>>
    tpu.wait_dma2 semaphore(%arg10 : memref<!tpu.dma_semaphore, #tpu.memory_space<semaphore_mem>>) src(%arg8 : memref<32x128xf32, #tpu.memory_space<vmem>>) dst(%dma_wait3A_501 : memref<32x128xf32, #tpu.memory_space<vmem_shared>>)
    %mul3A_502 = arith.constant 640 : i32
    %mul3A_503 = arith.muli %arg1, %mul3A_502 : i32
    %add3A_504 = arith.constant 128 : i32
    %add3A_505 = arith.addi %mul3A_503, %add3A_504 : i32
    %dma_wait3A_506 = arith.constant 0 : i32
    %dma_wait3A_507 = tpu.memref_slice %arg9[%add3A_505, %dma_wait3A_506] : memref<10240x128xf32, #tpu.memory_space<vmem_shared>> -> memref<32x128xf32, #tpu.memory_space<vmem_shared>>
    %dma_wait3A_508 = arith.constant 0 : i32
    %dma_wait3A_509 = tpu.memref_slice %arg9[%add3A_505, %dma_wait3A_508] : memref<10240x128xf32, #tpu.memory_space<vmem_shared>> -> memref<32x128xf32, #tpu.memory_space<vmem_shared>>
    tpu.wait_dma2 semaphore(%arg10 : memref<!tpu.dma_semaphore, #tpu.memory_space<semaphore_mem>>) src(%arg8 : memref<32x128xf32, #tpu.memory_space<vmem>>) dst(%dma_wait3A_509 : memref<32x128xf32, #tpu.memory_space<vmem_shared>>)
    %mul3A_510 = arith.constant 640 : i32
    %mul3A_511 = arith.muli %arg1, %mul3A_510 : i32
    %add3A_512 = arith.constant 160 : i32
    %add3A_513 = arith.addi %mul3A_511, %add3A_512 : i32
    %dma_wait3A_514 = arith.constant 0 : i32
    %dma_wait3A_515 = tpu.memref_slice %arg9[%add3A_513, %dma_wait3A_514] : memref<10240x128xf32, #tpu.memory_space<vmem_shared>> -> memref<32x128xf32, #tpu.memory_space<vmem_shared>>
    %dma_wait3A_516 = arith.constant 0 : i32
    %dma_wait3A_517 = tpu.memref_slice %arg9[%add3A_513, %dma_wait3A_516] : memref<10240x128xf32, #tpu.memory_space<vmem_shared>> -> memref<32x128xf32, #tpu.memory_space<vmem_shared>>
    tpu.wait_dma2 semaphore(%arg10 : memref<!tpu.dma_semaphore, #tpu.memory_space<semaphore_mem>>) src(%arg8 : memref<32x128xf32, #tpu.memory_space<vmem>>) dst(%dma_wait3A_517 : memref<32x128xf32, #tpu.memory_space<vmem_shared>>)
    %mul3A_518 = arith.constant 640 : i32
    %mul3A_519 = arith.muli %arg1, %mul3A_518 : i32
    %add3A_520 = arith.constant 192 : i32
    %add3A_521 = arith.addi %mul3A_519, %add3A_520 : i32
    %dma_wait3A_522 = arith.constant 0 : i32
    %dma_wait3A_523 = tpu.memref_slice %arg9[%add3A_521, %dma_wait3A_522] : memref<10240x128xf32, #tpu.memory_space<vmem_shared>> -> memref<32x128xf32, #tpu.memory_space<vmem_shared>>
    %dma_wait3A_524 = arith.constant 0 : i32
    %dma_wait3A_525 = tpu.memref_slice %arg9[%add3A_521, %dma_wait3A_524] : memref<10240x128xf32, #tpu.memory_space<vmem_shared>> -> memref<32x128xf32, #tpu.memory_space<vmem_shared>>
    tpu.wait_dma2 semaphore(%arg10 : memref<!tpu.dma_semaphore, #tpu.memory_space<semaphore_mem>>) src(%arg8 : memref<32x128xf32, #tpu.memory_space<vmem>>) dst(%dma_wait3A_525 : memref<32x128xf32, #tpu.memory_space<vmem_shared>>)
    %mul3A_526 = arith.constant 640 : i32
    %mul3A_527 = arith.muli %arg1, %mul3A_526 : i32
    %add3A_528 = arith.constant 224 : i32
    %add3A_529 = arith.addi %mul3A_527, %add3A_528 : i32
    %dma_wait3A_530 = arith.constant 0 : i32
    %dma_wait3A_531 = tpu.memref_slice %arg9[%add3A_529, %dma_wait3A_530] : memref<10240x128xf32, #tpu.memory_space<vmem_shared>> -> memref<32x128xf32, #tpu.memory_space<vmem_shared>>
    %dma_wait3A_532 = arith.constant 0 : i32
    %dma_wait3A_533 = tpu.memref_slice %arg9[%add3A_529, %dma_wait3A_532] : memref<10240x128xf32, #tpu.memory_space<vmem_shared>> -> memref<32x128xf32, #tpu.memory_space<vmem_shared>>
    tpu.wait_dma2 semaphore(%arg10 : memref<!tpu.dma_semaphore, #tpu.memory_space<semaphore_mem>>) src(%arg8 : memref<32x128xf32, #tpu.memory_space<vmem>>) dst(%dma_wait3A_533 : memref<32x128xf32, #tpu.memory_space<vmem_shared>>)
    %mul3A_534 = arith.constant 640 : i32
    %mul3A_535 = arith.muli %arg1, %mul3A_534 : i32
    %add3A_536 = arith.constant 256 : i32
    %add3A_537 = arith.addi %mul3A_535, %add3A_536 : i32
    %dma_wait3A_538 = arith.constant 0 : i32
    %dma_wait3A_539 = tpu.memref_slice %arg9[%add3A_537, %dma_wait3A_538] : memref<10240x128xf32, #tpu.memory_space<vmem_shared>> -> memref<32x128xf32, #tpu.memory_space<vmem_shared>>
    %dma_wait3A_540 = arith.constant 0 : i32
    %dma_wait3A_541 = tpu.memref_slice %arg9[%add3A_537, %dma_wait3A_540] : memref<10240x128xf32, #tpu.memory_space<vmem_shared>> -> memref<32x128xf32, #tpu.memory_space<vmem_shared>>
    tpu.wait_dma2 semaphore(%arg10 : memref<!tpu.dma_semaphore, #tpu.memory_space<semaphore_mem>>) src(%arg8 : memref<32x128xf32, #tpu.memory_space<vmem>>) dst(%dma_wait3A_541 : memref<32x128xf32, #tpu.memory_space<vmem_shared>>)
    %mul3A_542 = arith.constant 640 : i32
    %mul3A_543 = arith.muli %arg1, %mul3A_542 : i32
    %add3A_544 = arith.constant 288 : i32
    %add3A_545 = arith.addi %mul3A_543, %add3A_544 : i32
    %dma_wait3A_546 = arith.constant 0 : i32
    %dma_wait3A_547 = tpu.memref_slice %arg9[%add3A_545, %dma_wait3A_546] : memref<10240x128xf32, #tpu.memory_space<vmem_shared>> -> memref<32x128xf32, #tpu.memory_space<vmem_shared>>
    %dma_wait3A_548 = arith.constant 0 : i32
    %dma_wait3A_549 = tpu.memref_slice %arg9[%add3A_545, %dma_wait3A_548] : memref<10240x128xf32, #tpu.memory_space<vmem_shared>> -> memref<32x128xf32, #tpu.memory_space<vmem_shared>>
    tpu.wait_dma2 semaphore(%arg10 : memref<!tpu.dma_semaphore, #tpu.memory_space<semaphore_mem>>) src(%arg8 : memref<32x128xf32, #tpu.memory_space<vmem>>) dst(%dma_wait3A_549 : memref<32x128xf32, #tpu.memory_space<vmem_shared>>)
    %mul3A_550 = arith.constant 640 : i32
    %mul3A_551 = arith.muli %arg1, %mul3A_550 : i32
    %add3A_552 = arith.constant 320 : i32
    %add3A_553 = arith.addi %mul3A_551, %add3A_552 : i32
    %dma_wait3A_554 = arith.constant 0 : i32
    %dma_wait3A_555 = tpu.memref_slice %arg9[%add3A_553, %dma_wait3A_554] : memref<10240x128xf32, #tpu.memory_space<vmem_shared>> -> memref<32x128xf32, #tpu.memory_space<vmem_shared>>
    %dma_wait3A_556 = arith.constant 0 : i32
    %dma_wait3A_557 = tpu.memref_slice %arg9[%add3A_553, %dma_wait3A_556] : memref<10240x128xf32, #tpu.memory_space<vmem_shared>> -> memref<32x128xf32, #tpu.memory_space<vmem_shared>>
    tpu.wait_dma2 semaphore(%arg10 : memref<!tpu.dma_semaphore, #tpu.memory_space<semaphore_mem>>) src(%arg8 : memref<32x128xf32, #tpu.memory_space<vmem>>) dst(%dma_wait3A_557 : memref<32x128xf32, #tpu.memory_space<vmem_shared>>)
    %mul3A_558 = arith.constant 640 : i32
    %mul3A_559 = arith.muli %arg1, %mul3A_558 : i32
    %add3A_560 = arith.constant 352 : i32
    %add3A_561 = arith.addi %mul3A_559, %add3A_560 : i32
    %dma_wait3A_562 = arith.constant 0 : i32
    %dma_wait3A_563 = tpu.memref_slice %arg9[%add3A_561, %dma_wait3A_562] : memref<10240x128xf32, #tpu.memory_space<vmem_shared>> -> memref<32x128xf32, #tpu.memory_space<vmem_shared>>
    %dma_wait3A_564 = arith.constant 0 : i32
    %dma_wait3A_565 = tpu.memref_slice %arg9[%add3A_561, %dma_wait3A_564] : memref<10240x128xf32, #tpu.memory_space<vmem_shared>> -> memref<32x128xf32, #tpu.memory_space<vmem_shared>>
    tpu.wait_dma2 semaphore(%arg10 : memref<!tpu.dma_semaphore, #tpu.memory_space<semaphore_mem>>) src(%arg8 : memref<32x128xf32, #tpu.memory_space<vmem>>) dst(%dma_wait3A_565 : memref<32x128xf32, #tpu.memory_space<vmem_shared>>)
    %mul3A_566 = arith.constant 640 : i32
    %mul3A_567 = arith.muli %arg1, %mul3A_566 : i32
    %add3A_568 = arith.constant 384 : i32
    %add3A_569 = arith.addi %mul3A_567, %add3A_568 : i32
    %dma_wait3A_570 = arith.constant 0 : i32
    %dma_wait3A_571 = tpu.memref_slice %arg9[%add3A_569, %dma_wait3A_570] : memref<10240x128xf32, #tpu.memory_space<vmem_shared>> -> memref<32x128xf32, #tpu.memory_space<vmem_shared>>
    %dma_wait3A_572 = arith.constant 0 : i32
    %dma_wait3A_573 = tpu.memref_slice %arg9[%add3A_569, %dma_wait3A_572] : memref<10240x128xf32, #tpu.memory_space<vmem_shared>> -> memref<32x128xf32, #tpu.memory_space<vmem_shared>>
    tpu.wait_dma2 semaphore(%arg10 : memref<!tpu.dma_semaphore, #tpu.memory_space<semaphore_mem>>) src(%arg8 : memref<32x128xf32, #tpu.memory_space<vmem>>) dst(%dma_wait3A_573 : memref<32x128xf32, #tpu.memory_space<vmem_shared>>)
    %mul3A_574 = arith.constant 640 : i32
    %mul3A_575 = arith.muli %arg1, %mul3A_574 : i32
    %add3A_576 = arith.constant 416 : i32
    %add3A_577 = arith.addi %mul3A_575, %add3A_576 : i32
    %dma_wait3A_578 = arith.constant 0 : i32
    %dma_wait3A_579 = tpu.memref_slice %arg9[%add3A_577, %dma_wait3A_578] : memref<10240x128xf32, #tpu.memory_space<vmem_shared>> -> memref<32x128xf32, #tpu.memory_space<vmem_shared>>
    %dma_wait3A_580 = arith.constant 0 : i32
    %dma_wait3A_581 = tpu.memref_slice %arg9[%add3A_577, %dma_wait3A_580] : memref<10240x128xf32, #tpu.memory_space<vmem_shared>> -> memref<32x128xf32, #tpu.memory_space<vmem_shared>>
    tpu.wait_dma2 semaphore(%arg10 : memref<!tpu.dma_semaphore, #tpu.memory_space<semaphore_mem>>) src(%arg8 : memref<32x128xf32, #tpu.memory_space<vmem>>) dst(%dma_wait3A_581 : memref<32x128xf32, #tpu.memory_space<vmem_shared>>)
    %mul3A_582 = arith.constant 640 : i32
    %mul3A_583 = arith.muli %arg1, %mul3A_582 : i32
    %add3A_584 = arith.constant 448 : i32
    %add3A_585 = arith.addi %mul3A_583, %add3A_584 : i32
    %dma_wait3A_586 = arith.constant 0 : i32
    %dma_wait3A_587 = tpu.memref_slice %arg9[%add3A_585, %dma_wait3A_586] : memref<10240x128xf32, #tpu.memory_space<vmem_shared>> -> memref<32x128xf32, #tpu.memory_space<vmem_shared>>
    %dma_wait3A_588 = arith.constant 0 : i32
    %dma_wait3A_589 = tpu.memref_slice %arg9[%add3A_585, %dma_wait3A_588] : memref<10240x128xf32, #tpu.memory_space<vmem_shared>> -> memref<32x128xf32, #tpu.memory_space<vmem_shared>>
    tpu.wait_dma2 semaphore(%arg10 : memref<!tpu.dma_semaphore, #tpu.memory_space<semaphore_mem>>) src(%arg8 : memref<32x128xf32, #tpu.memory_space<vmem>>) dst(%dma_wait3A_589 : memref<32x128xf32, #tpu.memory_space<vmem_shared>>)
    %mul3A_590 = arith.constant 640 : i32
    %mul3A_591 = arith.muli %arg1, %mul3A_590 : i32
    %add3A_592 = arith.constant 480 : i32
    %add3A_593 = arith.addi %mul3A_591, %add3A_592 : i32
    %dma_wait3A_594 = arith.constant 0 : i32
    %dma_wait3A_595 = tpu.memref_slice %arg9[%add3A_593, %dma_wait3A_594] : memref<10240x128xf32, #tpu.memory_space<vmem_shared>> -> memref<32x128xf32, #tpu.memory_space<vmem_shared>>
    %dma_wait3A_596 = arith.constant 0 : i32
    %dma_wait3A_597 = tpu.memref_slice %arg9[%add3A_593, %dma_wait3A_596] : memref<10240x128xf32, #tpu.memory_space<vmem_shared>> -> memref<32x128xf32, #tpu.memory_space<vmem_shared>>
    tpu.wait_dma2 semaphore(%arg10 : memref<!tpu.dma_semaphore, #tpu.memory_space<semaphore_mem>>) src(%arg8 : memref<32x128xf32, #tpu.memory_space<vmem>>) dst(%dma_wait3A_597 : memref<32x128xf32, #tpu.memory_space<vmem_shared>>)
    %mul3A_598 = arith.constant 640 : i32
    %mul3A_599 = arith.muli %arg1, %mul3A_598 : i32
    %add3A_600 = arith.constant 512 : i32
    %add3A_601 = arith.addi %mul3A_599, %add3A_600 : i32
    %dma_wait3A_602 = arith.constant 0 : i32
    %dma_wait3A_603 = tpu.memref_slice %arg9[%add3A_601, %dma_wait3A_602] : memref<10240x128xf32, #tpu.memory_space<vmem_shared>> -> memref<32x128xf32, #tpu.memory_space<vmem_shared>>
    %dma_wait3A_604 = arith.constant 0 : i32
    %dma_wait3A_605 = tpu.memref_slice %arg9[%add3A_601, %dma_wait3A_604] : memref<10240x128xf32, #tpu.memory_space<vmem_shared>> -> memref<32x128xf32, #tpu.memory_space<vmem_shared>>
    tpu.wait_dma2 semaphore(%arg10 : memref<!tpu.dma_semaphore, #tpu.memory_space<semaphore_mem>>) src(%arg8 : memref<32x128xf32, #tpu.memory_space<vmem>>) dst(%dma_wait3A_605 : memref<32x128xf32, #tpu.memory_space<vmem_shared>>)
    %mul3A_606 = arith.constant 640 : i32
    %mul3A_607 = arith.muli %arg1, %mul3A_606 : i32
    %add3A_608 = arith.constant 544 : i32
    %add3A_609 = arith.addi %mul3A_607, %add3A_608 : i32
    %dma_wait3A_610 = arith.constant 0 : i32
    %dma_wait3A_611 = tpu.memref_slice %arg9[%add3A_609, %dma_wait3A_610] : memref<10240x128xf32, #tpu.memory_space<vmem_shared>> -> memref<32x128xf32, #tpu.memory_space<vmem_shared>>
    %dma_wait3A_612 = arith.constant 0 : i32
    %dma_wait3A_613 = tpu.memref_slice %arg9[%add3A_609, %dma_wait3A_612] : memref<10240x128xf32, #tpu.memory_space<vmem_shared>> -> memref<32x128xf32, #tpu.memory_space<vmem_shared>>
    tpu.wait_dma2 semaphore(%arg10 : memref<!tpu.dma_semaphore, #tpu.memory_space<semaphore_mem>>) src(%arg8 : memref<32x128xf32, #tpu.memory_space<vmem>>) dst(%dma_wait3A_613 : memref<32x128xf32, #tpu.memory_space<vmem_shared>>)
    %mul3A_614 = arith.constant 640 : i32
    %mul3A_615 = arith.muli %arg1, %mul3A_614 : i32
    %add3A_616 = arith.constant 576 : i32
    %add3A_617 = arith.addi %mul3A_615, %add3A_616 : i32
    %dma_wait3A_618 = arith.constant 0 : i32
    %dma_wait3A_619 = tpu.memref_slice %arg9[%add3A_617, %dma_wait3A_618] : memref<10240x128xf32, #tpu.memory_space<vmem_shared>> -> memref<32x128xf32, #tpu.memory_space<vmem_shared>>
    %dma_wait3A_620 = arith.constant 0 : i32
    %dma_wait3A_621 = tpu.memref_slice %arg9[%add3A_617, %dma_wait3A_620] : memref<10240x128xf32, #tpu.memory_space<vmem_shared>> -> memref<32x128xf32, #tpu.memory_space<vmem_shared>>
    tpu.wait_dma2 semaphore(%arg10 : memref<!tpu.dma_semaphore, #tpu.memory_space<semaphore_mem>>) src(%arg8 : memref<32x128xf32, #tpu.memory_space<vmem>>) dst(%dma_wait3A_621 : memref<32x128xf32, #tpu.memory_space<vmem_shared>>)
    %mul3A_622 = arith.constant 640 : i32
    %mul3A_623 = arith.muli %arg1, %mul3A_622 : i32
    %add3A_624 = arith.constant 608 : i32
    %add3A_625 = arith.addi %mul3A_623, %add3A_624 : i32
    %dma_wait3A_626 = arith.constant 0 : i32
    %dma_wait3A_627 = tpu.memref_slice %arg9[%add3A_625, %dma_wait3A_626] : memref<10240x128xf32, #tpu.memory_space<vmem_shared>> -> memref<32x128xf32, #tpu.memory_space<vmem_shared>>
    %dma_wait3A_628 = arith.constant 0 : i32
    %dma_wait3A_629 = tpu.memref_slice %arg9[%add3A_625, %dma_wait3A_628] : memref<10240x128xf32, #tpu.memory_space<vmem_shared>> -> memref<32x128xf32, #tpu.memory_space<vmem_shared>>
    tpu.wait_dma2 semaphore(%arg10 : memref<!tpu.dma_semaphore, #tpu.memory_space<semaphore_mem>>) src(%arg8 : memref<32x128xf32, #tpu.memory_space<vmem>>) dst(%dma_wait3A_629 : memref<32x128xf32, #tpu.memory_space<vmem_shared>>)
    %barrier3A = arith.constant 0 : index
    tpu.barrier barrier_id(%barrier3A)
    %scan3A_630 = arith.constant 0 : i32
    %scan3A_631 = arith.constant 0 : i32
    %scan3A_632 = arith.constant 15 : i32
    %scan3A_633 = arith.addi %scan3A_631, %scan3A_632 : i32
    %scan3A_634 = arith.constant 1 : i32
    scf.for %scan3A_1334 = %scan3A_631 to %scan3A_633 step %scan3A_634  : i32 {
      %mul3A_1335 = arith.constant 6 : i32
      %mul3A_1336 = arith.muli %mul3A_1335, %scan3A_1334 : i32
      %dma_wait3A_1337 = arith.constant 0 : i32
      %dma_wait3A_1338 = arith.constant 0 : i32
      %dma_wait3A_1339 = arith.constant 0 : i32
      %dma_wait3A_1340 = arith.constant 0 : i32
      %dma_wait3A_1341 = tpu.memref_slice %arg7[%dma_wait3A_1338, %dma_wait3A_1339, %dma_wait3A_1340] : memref<3x100x128xf32, #tpu.memory_space<vmem>> -> memref<1x100x128xf32, #tpu.memory_space<vmem>>
      %dma_wait3A_1342 = tpu.memref_squeeze %dma_wait3A_1341 : memref<1x100x128xf32, #tpu.memory_space<vmem>> -> memref<100x128xf32, #tpu.memory_space<vmem>>
      %dma_wait3A_1343 = arith.constant 0 : i32
      %dma_wait3A_1344 = tpu.memref_slice %arg5[%dma_wait3A_1337, %dma_wait3A_1343] : memref<6x100xi32, #tpu.memory_space<vmem>> -> memref<1x100xi32, #tpu.memory_space<vmem>>
      %dma_wait3A_1345 = tpu.memref_squeeze %dma_wait3A_1344 : memref<1x100xi32, #tpu.memory_space<vmem>> -> memref<100xi32, #tpu.memory_space<vmem>>
      %dma_wait3A_1346 = arith.constant 0 : i32
      %dma_wait3A_1347 = arith.constant 0 : i32
      %dma_wait3A_1348 = tpu.memref_slice %arg2[%dma_wait3A_1346, %dma_wait3A_1347] : memref<10000x128xf32, #tpu.memory_space<hbm>> -> memref<10000x128xf32, #tpu.memory_space<hbm>>
      tpu.wait_indirect_dma semaphore(%arg16 : memref<!tpu.dma_semaphore, #tpu.memory_space<semaphore_mem>>) src(%dma_wait3A_1348 : memref<10000x128xf32, #tpu.memory_space<hbm>>) dst(%dma_wait3A_1342 : memref<100x128xf32, #tpu.memory_space<vmem>>)
      %run_scoped3A_1349 = arith.constant 0 : i32
      %run_scoped3A_1350 = arith.constant 0 : i32
      "tpu.region"() ({
        %run_scoped3A_1877 = tpu.sem_alloc : memref<!tpu.dma_semaphore, #tpu.memory_space<semaphore_mem>>
        %dma_start3A_1878 = arith.constant 0 : i32
        %dma_start3A_1879 = arith.constant 0 : i32
        %dma_start3A_1880 = tpu.memref_slice %arg7[%run_scoped3A_1349, %dma_start3A_1878, %dma_start3A_1879] : memref<3x100x128xf32, #tpu.memory_space<vmem>> -> memref<1x100x128xf32, #tpu.memory_space<vmem>>
        %dma_start3A_1881 = tpu.memref_squeeze %dma_start3A_1880 : memref<1x100x128xf32, #tpu.memory_space<vmem>> -> memref<100x128xf32, #tpu.memory_space<vmem>>
        %dma_start3A_1882 = arith.constant 0 : i32
        %dma_start3A_1883 = tpu.memref_slice %arg6[%run_scoped3A_1350, %dma_start3A_1882] : memref<6x100xi32, #tpu.memory_space<vmem>> -> memref<1x100xi32, #tpu.memory_space<vmem>>
        %dma_start3A_1884 = tpu.memref_squeeze %dma_start3A_1883 : memref<1x100xi32, #tpu.memory_space<vmem>> -> memref<100xi32, #tpu.memory_space<vmem>>
        %dma_start3A_1885 = arith.constant 0 : i32
        %dma_start3A_1886 = arith.constant 0 : i32
        %dma_start3A_1887 = tpu.memref_slice %arg9[%dma_start3A_1885, %dma_start3A_1886] : memref<10240x128xf32, #tpu.memory_space<vmem_shared>> -> memref<10240x128xf32, #tpu.memory_space<vmem_shared>>
        tpu.enqueue_indirect_dma source(%dma_start3A_1881 : memref<100x128xf32, #tpu.memory_space<vmem>>) target(%dma_start3A_1887 : memref<10240x128xf32, #tpu.memory_space<vmem_shared>>) offsets(%dma_start3A_1884 : memref<100xi32, #tpu.memory_space<vmem>>) semaphore(%run_scoped3A_1877 : memref<!tpu.dma_semaphore, #tpu.memory_space<semaphore_mem>>) {add = true}
        %dma_wait3A_1888 = arith.constant 0 : i32
        %dma_wait3A_1889 = arith.constant 0 : i32
        %dma_wait3A_1890 = tpu.memref_slice %arg7[%run_scoped3A_1349, %dma_wait3A_1888, %dma_wait3A_1889] : memref<3x100x128xf32, #tpu.memory_space<vmem>> -> memref<1x100x128xf32, #tpu.memory_space<vmem>>
        %dma_wait3A_1891 = tpu.memref_squeeze %dma_wait3A_1890 : memref<1x100x128xf32, #tpu.memory_space<vmem>> -> memref<100x128xf32, #tpu.memory_space<vmem>>
        %dma_wait3A_1892 = arith.constant 0 : i32
        %dma_wait3A_1893 = tpu.memref_slice %arg6[%run_scoped3A_1350, %dma_wait3A_1892] : memref<6x100xi32, #tpu.memory_space<vmem>> -> memref<1x100xi32, #tpu.memory_space<vmem>>
        %dma_wait3A_1894 = tpu.memref_squeeze %dma_wait3A_1893 : memref<1x100xi32, #tpu.memory_space<vmem>> -> memref<100xi32, #tpu.memory_space<vmem>>
        %dma_wait3A_1895 = arith.constant 0 : i32
        %dma_wait3A_1896 = arith.constant 0 : i32
        %dma_wait3A_1897 = tpu.memref_slice %arg9[%dma_wait3A_1895, %dma_wait3A_1896] : memref<10240x128xf32, #tpu.memory_space<vmem_shared>> -> memref<10240x128xf32, #tpu.memory_space<vmem_shared>>
        tpu.wait_indirect_dma semaphore(%run_scoped3A_1877 : memref<!tpu.dma_semaphore, #tpu.memory_space<semaphore_mem>>) src(%dma_wait3A_1891 : memref<100x128xf32, #tpu.memory_space<vmem>>) dst(%dma_wait3A_1897 : memref<10240x128xf32, #tpu.memory_space<vmem_shared>>)
        tpu.yield
      }) : () -> ()
      %add3A_1351 = arith.constant 0 : i32
      %add3A_1352 = arith.addi %mul3A_1336, %add3A_1351 : i32
      %add3A_1353 = arith.constant 6 : i32
      %add3A_1354 = arith.addi %add3A_1352, %add3A_1353 : i32
      %dma_start3A_1355 = arith.constant 0 : i32
      %dma_start3A_1356 = arith.constant 0 : i32
      %dma_start3A_1357 = arith.constant 0 : i32
      %dma_start3A_1358 = tpu.memref_slice %arg5[%dma_start3A_1356, %dma_start3A_1357] : memref<6x100xi32, #tpu.memory_space<vmem>> -> memref<1x100xi32, #tpu.memory_space<vmem>>
      %dma_start3A_1359 = tpu.memref_squeeze %dma_start3A_1358 : memref<1x100xi32, #tpu.memory_space<vmem>> -> memref<100xi32, #tpu.memory_space<vmem>>
      %dma_start3A_1360 = arith.constant 0 : i32
      %dma_start3A_1361 = tpu.memref_slice %arg3[%dma_start3A_1355, %add3A, %add3A_1354, %dma_start3A_1360] : memref<2x32x100x100xi32, #tpu.memory_space<hbm>> -> memref<1x1x1x100xi32, #tpu.memory_space<hbm>>
      %dma_start3A_1362 = tpu.memref_squeeze %dma_start3A_1361 : memref<1x1x1x100xi32, #tpu.memory_space<hbm>> -> memref<100xi32, #tpu.memory_space<hbm>>
      %dma_start3A_1363 = arith.constant 0 : i32
      %dma_start3A_1364 = tpu.memref_slice %arg5[%dma_start3A_1356, %dma_start3A_1363] : memref<6x100xi32, #tpu.memory_space<vmem>> -> memref<1x100xi32, #tpu.memory_space<vmem>>
      %dma_start3A_1365 = tpu.memref_squeeze %dma_start3A_1364 : memref<1x100xi32, #tpu.memory_space<vmem>> -> memref<100xi32, #tpu.memory_space<vmem>>
      %dma_start3A_1366 = arith.constant 0 : i32
      %dma_start3A_1367 = tpu.memref_slice %arg3[%dma_start3A_1355, %add3A, %add3A_1354, %dma_start3A_1366] : memref<2x32x100x100xi32, #tpu.memory_space<hbm>> -> memref<1x1x1x100xi32, #tpu.memory_space<hbm>>
      %dma_start3A_1368 = tpu.memref_squeeze %dma_start3A_1367 : memref<1x1x1x100xi32, #tpu.memory_space<hbm>> -> memref<100xi32, #tpu.memory_space<hbm>>
      tpu.enqueue_dma source(%dma_start3A_1368 : memref<100xi32, #tpu.memory_space<hbm>>) target(%dma_start3A_1365 : memref<100xi32, #tpu.memory_space<vmem>>) target_semaphore(%arg10 : memref<!tpu.dma_semaphore, #tpu.memory_space<semaphore_mem>>)
      %dma_start3A_1369 = arith.constant 1 : i32
      %dma_start3A_1370 = arith.constant 0 : i32
      %dma_start3A_1371 = arith.constant 0 : i32
      %dma_start3A_1372 = tpu.memref_slice %arg6[%dma_start3A_1370, %dma_start3A_1371] : memref<6x100xi32, #tpu.memory_space<vmem>> -> memref<1x100xi32, #tpu.memory_space<vmem>>
      %dma_start3A_1373 = tpu.memref_squeeze %dma_start3A_1372 : memref<1x100xi32, #tpu.memory_space<vmem>> -> memref<100xi32, #tpu.memory_space<vmem>>
      %dma_start3A_1374 = arith.constant 0 : i32
      %dma_start3A_1375 = tpu.memref_slice %arg3[%dma_start3A_1369, %add3A, %add3A_1354, %dma_start3A_1374] : memref<2x32x100x100xi32, #tpu.memory_space<hbm>> -> memref<1x1x1x100xi32, #tpu.memory_space<hbm>>
      %dma_start3A_1376 = tpu.memref_squeeze %dma_start3A_1375 : memref<1x1x1x100xi32, #tpu.memory_space<hbm>> -> memref<100xi32, #tpu.memory_space<hbm>>
      %dma_start3A_1377 = arith.constant 0 : i32
      %dma_start3A_1378 = tpu.memref_slice %arg6[%dma_start3A_1370, %dma_start3A_1377] : memref<6x100xi32, #tpu.memory_space<vmem>> -> memref<1x100xi32, #tpu.memory_space<vmem>>
      %dma_start3A_1379 = tpu.memref_squeeze %dma_start3A_1378 : memref<1x100xi32, #tpu.memory_space<vmem>> -> memref<100xi32, #tpu.memory_space<vmem>>
      %dma_start3A_1380 = arith.constant 0 : i32
      %dma_start3A_1381 = tpu.memref_slice %arg3[%dma_start3A_1369, %add3A, %add3A_1354, %dma_start3A_1380] : memref<2x32x100x100xi32, #tpu.memory_space<hbm>> -> memref<1x1x1x100xi32, #tpu.memory_space<hbm>>
      %dma_start3A_1382 = tpu.memref_squeeze %dma_start3A_1381 : memref<1x1x1x100xi32, #tpu.memory_space<hbm>> -> memref<100xi32, #tpu.memory_space<hbm>>
      tpu.enqueue_dma source(%dma_start3A_1382 : memref<100xi32, #tpu.memory_space<hbm>>) target(%dma_start3A_1379 : memref<100xi32, #tpu.memory_space<vmem>>) target_semaphore(%arg10 : memref<!tpu.dma_semaphore, #tpu.memory_space<semaphore_mem>>)
      %add3A_1383 = arith.constant 0 : i32
      %add3A_1384 = arith.addi %mul3A_1336, %add3A_1383 : i32
      %add3A_1385 = arith.constant 3 : i32
      %add3A_1386 = arith.addi %add3A_1384, %add3A_1385 : i32
      %dma_wait3A_1387 = arith.constant 0 : i32
      %dma_wait3A_1388 = arith.constant 3 : i32
      %dma_wait3A_1389 = arith.constant 0 : i32
      %dma_wait3A_1390 = tpu.memref_slice %arg5[%dma_wait3A_1388, %dma_wait3A_1389] : memref<6x100xi32, #tpu.memory_space<vmem>> -> memref<1x100xi32, #tpu.memory_space<vmem>>
      %dma_wait3A_1391 = tpu.memref_squeeze %dma_wait3A_1390 : memref<1x100xi32, #tpu.memory_space<vmem>> -> memref<100xi32, #tpu.memory_space<vmem>>
      %dma_wait3A_1392 = arith.constant 0 : i32
      %dma_wait3A_1393 = tpu.memref_slice %arg3[%dma_wait3A_1387, %add3A, %add3A_1386, %dma_wait3A_1392] : memref<2x32x100x100xi32, #tpu.memory_space<hbm>> -> memref<1x1x1x100xi32, #tpu.memory_space<hbm>>
      %dma_wait3A_1394 = tpu.memref_squeeze %dma_wait3A_1393 : memref<1x1x1x100xi32, #tpu.memory_space<hbm>> -> memref<100xi32, #tpu.memory_space<hbm>>
      %dma_wait3A_1395 = arith.constant 0 : i32
      %dma_wait3A_1396 = tpu.memref_slice %arg5[%dma_wait3A_1388, %dma_wait3A_1395] : memref<6x100xi32, #tpu.memory_space<vmem>> -> memref<1x100xi32, #tpu.memory_space<vmem>>
      %dma_wait3A_1397 = tpu.memref_squeeze %dma_wait3A_1396 : memref<1x100xi32, #tpu.memory_space<vmem>> -> memref<100xi32, #tpu.memory_space<vmem>>
      %dma_wait3A_1398 = arith.constant 0 : i32
      %dma_wait3A_1399 = tpu.memref_slice %arg3[%dma_wait3A_1387, %add3A, %add3A_1386, %dma_wait3A_1398] : memref<2x32x100x100xi32, #tpu.memory_space<hbm>> -> memref<1x1x1x100xi32, #tpu.memory_space<hbm>>
      %dma_wait3A_1400 = tpu.memref_squeeze %dma_wait3A_1399 : memref<1x1x1x100xi32, #tpu.memory_space<hbm>> -> memref<100xi32, #tpu.memory_space<hbm>>
      tpu.wait_dma2 semaphore(%arg13 : memref<!tpu.dma_semaphore, #tpu.memory_space<semaphore_mem>>) src(%dma_wait3A_1400 : memref<100xi32, #tpu.memory_space<hbm>>) dst(%dma_wait3A_1397 : memref<100xi32, #tpu.memory_space<vmem>>)
      %dma_wait3A_1401 = arith.constant 1 : i32
      %dma_wait3A_1402 = arith.constant 3 : i32
      %dma_wait3A_1403 = arith.constant 0 : i32
      %dma_wait3A_1404 = tpu.memref_slice %arg6[%dma_wait3A_1402, %dma_wait3A_1403] : memref<6x100xi32, #tpu.memory_space<vmem>> -> memref<1x100xi32, #tpu.memory_space<vmem>>
      %dma_wait3A_1405 = tpu.memref_squeeze %dma_wait3A_1404 : memref<1x100xi32, #tpu.memory_space<vmem>> -> memref<100xi32, #tpu.memory_space<vmem>>
      %dma_wait3A_1406 = arith.constant 0 : i32
      %dma_wait3A_1407 = tpu.memref_slice %arg3[%dma_wait3A_1401, %add3A, %add3A_1386, %dma_wait3A_1406] : memref<2x32x100x100xi32, #tpu.memory_space<hbm>> -> memref<1x1x1x100xi32, #tpu.memory_space<hbm>>
      %dma_wait3A_1408 = tpu.memref_squeeze %dma_wait3A_1407 : memref<1x1x1x100xi32, #tpu.memory_space<hbm>> -> memref<100xi32, #tpu.memory_space<hbm>>
      %dma_wait3A_1409 = arith.constant 0 : i32
      %dma_wait3A_1410 = tpu.memref_slice %arg6[%dma_wait3A_1402, %dma_wait3A_1409] : memref<6x100xi32, #tpu.memory_space<vmem>> -> memref<1x100xi32, #tpu.memory_space<vmem>>
      %dma_wait3A_1411 = tpu.memref_squeeze %dma_wait3A_1410 : memref<1x100xi32, #tpu.memory_space<vmem>> -> memref<100xi32, #tpu.memory_space<vmem>>
      %dma_wait3A_1412 = arith.constant 0 : i32
      %dma_wait3A_1413 = tpu.memref_slice %arg3[%dma_wait3A_1401, %add3A, %add3A_1386, %dma_wait3A_1412] : memref<2x32x100x100xi32, #tpu.memory_space<hbm>> -> memref<1x1x1x100xi32, #tpu.memory_space<hbm>>
      %dma_wait3A_1414 = tpu.memref_squeeze %dma_wait3A_1413 : memref<1x1x1x100xi32, #tpu.memory_space<hbm>> -> memref<100xi32, #tpu.memory_space<hbm>>
      tpu.wait_dma2 semaphore(%arg13 : memref<!tpu.dma_semaphore, #tpu.memory_space<semaphore_mem>>) src(%dma_wait3A_1414 : memref<100xi32, #tpu.memory_space<hbm>>) dst(%dma_wait3A_1411 : memref<100xi32, #tpu.memory_space<vmem>>)
      %dma_start3A_1415 = arith.constant 3 : i32
      %dma_start3A_1416 = arith.constant 0 : i32
      %dma_start3A_1417 = arith.constant 0 : i32
      %dma_start3A_1418 = arith.constant 0 : i32
      %dma_start3A_1419 = tpu.memref_slice %arg7[%dma_start3A_1416, %dma_start3A_1417, %dma_start3A_1418] : memref<3x100x128xf32, #tpu.memory_space<vmem>> -> memref<1x100x128xf32, #tpu.memory_space<vmem>>
      %dma_start3A_1420 = tpu.memref_squeeze %dma_start3A_1419 : memref<1x100x128xf32, #tpu.memory_space<vmem>> -> memref<100x128xf32, #tpu.memory_space<vmem>>
      %dma_start3A_1421 = arith.constant 0 : i32
      %dma_start3A_1422 = tpu.memref_slice %arg5[%dma_start3A_1415, %dma_start3A_1421] : memref<6x100xi32, #tpu.memory_space<vmem>> -> memref<1x100xi32, #tpu.memory_space<vmem>>
      %dma_start3A_1423 = tpu.memref_squeeze %dma_start3A_1422 : memref<1x100xi32, #tpu.memory_space<vmem>> -> memref<100xi32, #tpu.memory_space<vmem>>
      %dma_start3A_1424 = arith.constant 0 : i32
      %dma_start3A_1425 = arith.constant 0 : i32
      %dma_start3A_1426 = tpu.memref_slice %arg2[%dma_start3A_1424, %dma_start3A_1425] : memref<10000x128xf32, #tpu.memory_space<hbm>> -> memref<10000x128xf32, #tpu.memory_space<hbm>>
      tpu.enqueue_indirect_dma source(%dma_start3A_1426 : memref<10000x128xf32, #tpu.memory_space<hbm>>) target(%dma_start3A_1420 : memref<100x128xf32, #tpu.memory_space<vmem>>) offsets(%dma_start3A_1423 : memref<100xi32, #tpu.memory_space<vmem>>) semaphore(%arg16 : memref<!tpu.dma_semaphore, #tpu.memory_space<semaphore_mem>>)
      %dma_wait3A_1427 = arith.constant 1 : i32
      %dma_wait3A_1428 = arith.constant 1 : i32
      %dma_wait3A_1429 = arith.constant 0 : i32
      %dma_wait3A_1430 = arith.constant 0 : i32
      %dma_wait3A_1431 = tpu.memref_slice %arg7[%dma_wait3A_1428, %dma_wait3A_1429, %dma_wait3A_1430] : memref<3x100x128xf32, #tpu.memory_space<vmem>> -> memref<1x100x128xf32, #tpu.memory_space<vmem>>
      %dma_wait3A_1432 = tpu.memref_squeeze %dma_wait3A_1431 : memref<1x100x128xf32, #tpu.memory_space<vmem>> -> memref<100x128xf32, #tpu.memory_space<vmem>>
      %dma_wait3A_1433 = arith.constant 0 : i32
      %dma_wait3A_1434 = tpu.memref_slice %arg5[%dma_wait3A_1427, %dma_wait3A_1433] : memref<6x100xi32, #tpu.memory_space<vmem>> -> memref<1x100xi32, #tpu.memory_space<vmem>>
      %dma_wait3A_1435 = tpu.memref_squeeze %dma_wait3A_1434 : memref<1x100xi32, #tpu.memory_space<vmem>> -> memref<100xi32, #tpu.memory_space<vmem>>
      %dma_wait3A_1436 = arith.constant 0 : i32
      %dma_wait3A_1437 = arith.constant 0 : i32
      %dma_wait3A_1438 = tpu.memref_slice %arg2[%dma_wait3A_1436, %dma_wait3A_1437] : memref<10000x128xf32, #tpu.memory_space<hbm>> -> memref<10000x128xf32, #tpu.memory_space<hbm>>
      tpu.wait_indirect_dma semaphore(%arg17 : memref<!tpu.dma_semaphore, #tpu.memory_space<semaphore_mem>>) src(%dma_wait3A_1438 : memref<10000x128xf32, #tpu.memory_space<hbm>>) dst(%dma_wait3A_1432 : memref<100x128xf32, #tpu.memory_space<vmem>>)
      %run_scoped3A_1439 = arith.constant 1 : i32
      %run_scoped3A_1440 = arith.constant 1 : i32
      "tpu.region"() ({
        %run_scoped3A_1877 = tpu.sem_alloc : memref<!tpu.dma_semaphore, #tpu.memory_space<semaphore_mem>>
        %dma_start3A_1878 = arith.constant 0 : i32
        %dma_start3A_1879 = arith.constant 0 : i32
        %dma_start3A_1880 = tpu.memref_slice %arg7[%run_scoped3A_1439, %dma_start3A_1878, %dma_start3A_1879] : memref<3x100x128xf32, #tpu.memory_space<vmem>> -> memref<1x100x128xf32, #tpu.memory_space<vmem>>
        %dma_start3A_1881 = tpu.memref_squeeze %dma_start3A_1880 : memref<1x100x128xf32, #tpu.memory_space<vmem>> -> memref<100x128xf32, #tpu.memory_space<vmem>>
        %dma_start3A_1882 = arith.constant 0 : i32
        %dma_start3A_1883 = tpu.memref_slice %arg6[%run_scoped3A_1440, %dma_start3A_1882] : memref<6x100xi32, #tpu.memory_space<vmem>> -> memref<1x100xi32, #tpu.memory_space<vmem>>
        %dma_start3A_1884 = tpu.memref_squeeze %dma_start3A_1883 : memref<1x100xi32, #tpu.memory_space<vmem>> -> memref<100xi32, #tpu.memory_space<vmem>>
        %dma_start3A_1885 = arith.constant 0 : i32
        %dma_start3A_1886 = arith.constant 0 : i32
        %dma_start3A_1887 = tpu.memref_slice %arg9[%dma_start3A_1885, %dma_start3A_1886] : memref<10240x128xf32, #tpu.memory_space<vmem_shared>> -> memref<10240x128xf32, #tpu.memory_space<vmem_shared>>
        tpu.enqueue_indirect_dma source(%dma_start3A_1881 : memref<100x128xf32, #tpu.memory_space<vmem>>) target(%dma_start3A_1887 : memref<10240x128xf32, #tpu.memory_space<vmem_shared>>) offsets(%dma_start3A_1884 : memref<100xi32, #tpu.memory_space<vmem>>) semaphore(%run_scoped3A_1877 : memref<!tpu.dma_semaphore, #tpu.memory_space<semaphore_mem>>) {add = true}
        %dma_wait3A_1888 = arith.constant 0 : i32
        %dma_wait3A_1889 = arith.constant 0 : i32
        %dma_wait3A_1890 = tpu.memref_slice %arg7[%run_scoped3A_1439, %dma_wait3A_1888, %dma_wait3A_1889] : memref<3x100x128xf32, #tpu.memory_space<vmem>> -> memref<1x100x128xf32, #tpu.memory_space<vmem>>
        %dma_wait3A_1891 = tpu.memref_squeeze %dma_wait3A_1890 : memref<1x100x128xf32, #tpu.memory_space<vmem>> -> memref<100x128xf32, #tpu.memory_space<vmem>>
        %dma_wait3A_1892 = arith.constant 0 : i32
        %dma_wait3A_1893 = tpu.memref_slice %arg6[%run_scoped3A_1440, %dma_wait3A_1892] : memref<6x100xi32, #tpu.memory_space<vmem>> -> memref<1x100xi32, #tpu.memory_space<vmem>>
        %dma_wait3A_1894 = tpu.memref_squeeze %dma_wait3A_1893 : memref<1x100xi32, #tpu.memory_space<vmem>> -> memref<100xi32, #tpu.memory_space<vmem>>
        %dma_wait3A_1895 = arith.constant 0 : i32
        %dma_wait3A_1896 = arith.constant 0 : i32
        %dma_wait3A_1897 = tpu.memref_slice %arg9[%dma_wait3A_1895, %dma_wait3A_1896] : memref<10240x128xf32, #tpu.memory_space<vmem_shared>> -> memref<10240x128xf32, #tpu.memory_space<vmem_shared>>
        tpu.wait_indirect_dma semaphore(%run_scoped3A_1877 : memref<!tpu.dma_semaphore, #tpu.memory_space<semaphore_mem>>) src(%dma_wait3A_1891 : memref<100x128xf32, #tpu.memory_space<vmem>>) dst(%dma_wait3A_1897 : memref<10240x128xf32, #tpu.memory_space<vmem_shared>>)
        tpu.yield
      }) : () -> ()
      %add3A_1441 = arith.constant 1 : i32
      %add3A_1442 = arith.addi %mul3A_1336, %add3A_1441 : i32
      %add3A_1443 = arith.constant 6 : i32
      %add3A_1444 = arith.addi %add3A_1442, %add3A_1443 : i32
      %dma_start3A_1445 = arith.constant 0 : i32
      %dma_start3A_1446 = arith.constant 1 : i32
      %dma_start3A_1447 = arith.constant 0 : i32
      %dma_start3A_1448 = tpu.memref_slice %arg5[%dma_start3A_1446, %dma_start3A_1447] : memref<6x100xi32, #tpu.memory_space<vmem>> -> memref<1x100xi32, #tpu.memory_space<vmem>>
      %dma_start3A_1449 = tpu.memref_squeeze %dma_start3A_1448 : memref<1x100xi32, #tpu.memory_space<vmem>> -> memref<100xi32, #tpu.memory_space<vmem>>
      %dma_start3A_1450 = arith.constant 0 : i32
      %dma_start3A_1451 = tpu.memref_slice %arg3[%dma_start3A_1445, %add3A, %add3A_1444, %dma_start3A_1450] : memref<2x32x100x100xi32, #tpu.memory_space<hbm>> -> memref<1x1x1x100xi32, #tpu.memory_space<hbm>>
      %dma_start3A_1452 = tpu.memref_squeeze %dma_start3A_1451 : memref<1x1x1x100xi32, #tpu.memory_space<hbm>> -> memref<100xi32, #tpu.memory_space<hbm>>
      %dma_start3A_1453 = arith.constant 0 : i32
      %dma_start3A_1454 = tpu.memref_slice %arg5[%dma_start3A_1446, %dma_start3A_1453] : memref<6x100xi32, #tpu.memory_space<vmem>> -> memref<1x100xi32, #tpu.memory_space<vmem>>
      %dma_start3A_1455 = tpu.memref_squeeze %dma_start3A_1454 : memref<1x100xi32, #tpu.memory_space<vmem>> -> memref<100xi32, #tpu.memory_space<vmem>>
      %dma_start3A_1456 = arith.constant 0 : i32
      %dma_start3A_1457 = tpu.memref_slice %arg3[%dma_start3A_1445, %add3A, %add3A_1444, %dma_start3A_1456] : memref<2x32x100x100xi32, #tpu.memory_space<hbm>> -> memref<1x1x1x100xi32, #tpu.memory_space<hbm>>
      %dma_start3A_1458 = tpu.memref_squeeze %dma_start3A_1457 : memref<1x1x1x100xi32, #tpu.memory_space<hbm>> -> memref<100xi32, #tpu.memory_space<hbm>>
      tpu.enqueue_dma source(%dma_start3A_1458 : memref<100xi32, #tpu.memory_space<hbm>>) target(%dma_start3A_1455 : memref<100xi32, #tpu.memory_space<vmem>>) target_semaphore(%arg11 : memref<!tpu.dma_semaphore, #tpu.memory_space<semaphore_mem>>)
      %dma_start3A_1459 = arith.constant 1 : i32
      %dma_start3A_1460 = arith.constant 1 : i32
      %dma_start3A_1461 = arith.constant 0 : i32
      %dma_start3A_1462 = tpu.memref_slice %arg6[%dma_start3A_1460, %dma_start3A_1461] : memref<6x100xi32, #tpu.memory_space<vmem>> -> memref<1x100xi32, #tpu.memory_space<vmem>>
      %dma_start3A_1463 = tpu.memref_squeeze %dma_start3A_1462 : memref<1x100xi32, #tpu.memory_space<vmem>> -> memref<100xi32, #tpu.memory_space<vmem>>
      %dma_start3A_1464 = arith.constant 0 : i32
      %dma_start3A_1465 = tpu.memref_slice %arg3[%dma_start3A_1459, %add3A, %add3A_1444, %dma_start3A_1464] : memref<2x32x100x100xi32, #tpu.memory_space<hbm>> -> memref<1x1x1x100xi32, #tpu.memory_space<hbm>>
      %dma_start3A_1466 = tpu.memref_squeeze %dma_start3A_1465 : memref<1x1x1x100xi32, #tpu.memory_space<hbm>> -> memref<100xi32, #tpu.memory_space<hbm>>
      %dma_start3A_1467 = arith.constant 0 : i32
      %dma_start3A_1468 = tpu.memref_slice %arg6[%dma_start3A_1460, %dma_start3A_1467] : memref<6x100xi32, #tpu.memory_space<vmem>> -> memref<1x100xi32, #tpu.memory_space<vmem>>
      %dma_start3A_1469 = tpu.memref_squeeze %dma_start3A_1468 : memref<1x100xi32, #tpu.memory_space<vmem>> -> memref<100xi32, #tpu.memory_space<vmem>>
      %dma_start3A_1470 = arith.constant 0 : i32
      %dma_start3A_1471 = tpu.memref_slice %arg3[%dma_start3A_1459, %add3A, %add3A_1444, %dma_start3A_1470] : memref<2x32x100x100xi32, #tpu.memory_space<hbm>> -> memref<1x1x1x100xi32, #tpu.memory_space<hbm>>
      %dma_start3A_1472 = tpu.memref_squeeze %dma_start3A_1471 : memref<1x1x1x100xi32, #tpu.memory_space<hbm>> -> memref<100xi32, #tpu.memory_space<hbm>>
      tpu.enqueue_dma source(%dma_start3A_1472 : memref<100xi32, #tpu.memory_space<hbm>>) target(%dma_start3A_1469 : memref<100xi32, #tpu.memory_space<vmem>>) target_semaphore(%arg11 : memref<!tpu.dma_semaphore, #tpu.memory_space<semaphore_mem>>)
      %add3A_1473 = arith.constant 1 : i32
      %add3A_1474 = arith.addi %mul3A_1336, %add3A_1473 : i32
      %add3A_1475 = arith.constant 3 : i32
      %add3A_1476 = arith.addi %add3A_1474, %add3A_1475 : i32
      %dma_wait3A_1477 = arith.constant 0 : i32
      %dma_wait3A_1478 = arith.constant 4 : i32
      %dma_wait3A_1479 = arith.constant 0 : i32
      %dma_wait3A_1480 = tpu.memref_slice %arg5[%dma_wait3A_1478, %dma_wait3A_1479] : memref<6x100xi32, #tpu.memory_space<vmem>> -> memref<1x100xi32, #tpu.memory_space<vmem>>
      %dma_wait3A_1481 = tpu.memref_squeeze %dma_wait3A_1480 : memref<1x100xi32, #tpu.memory_space<vmem>> -> memref<100xi32, #tpu.memory_space<vmem>>
      %dma_wait3A_1482 = arith.constant 0 : i32
      %dma_wait3A_1483 = tpu.memref_slice %arg3[%dma_wait3A_1477, %add3A, %add3A_1476, %dma_wait3A_1482] : memref<2x32x100x100xi32, #tpu.memory_space<hbm>> -> memref<1x1x1x100xi32, #tpu.memory_space<hbm>>
      %dma_wait3A_1484 = tpu.memref_squeeze %dma_wait3A_1483 : memref<1x1x1x100xi32, #tpu.memory_space<hbm>> -> memref<100xi32, #tpu.memory_space<hbm>>
      %dma_wait3A_1485 = arith.constant 0 : i32
      %dma_wait3A_1486 = tpu.memref_slice %arg5[%dma_wait3A_1478, %dma_wait3A_1485] : memref<6x100xi32, #tpu.memory_space<vmem>> -> memref<1x100xi32, #tpu.memory_space<vmem>>
      %dma_wait3A_1487 = tpu.memref_squeeze %dma_wait3A_1486 : memref<1x100xi32, #tpu.memory_space<vmem>> -> memref<100xi32, #tpu.memory_space<vmem>>
      %dma_wait3A_1488 = arith.constant 0 : i32
      %dma_wait3A_1489 = tpu.memref_slice %arg3[%dma_wait3A_1477, %add3A, %add3A_1476, %dma_wait3A_1488] : memref<2x32x100x100xi32, #tpu.memory_space<hbm>> -> memref<1x1x1x100xi32, #tpu.memory_space<hbm>>
      %dma_wait3A_1490 = tpu.memref_squeeze %dma_wait3A_1489 : memref<1x1x1x100xi32, #tpu.memory_space<hbm>> -> memref<100xi32, #tpu.memory_space<hbm>>
      tpu.wait_dma2 semaphore(%arg14 : memref<!tpu.dma_semaphore, #tpu.memory_space<semaphore_mem>>) src(%dma_wait3A_1490 : memref<100xi32, #tpu.memory_space<hbm>>) dst(%dma_wait3A_1487 : memref<100xi32, #tpu.memory_space<vmem>>)
      %dma_wait3A_1491 = arith.constant 1 : i32
      %dma_wait3A_1492 = arith.constant 4 : i32
      %dma_wait3A_1493 = arith.constant 0 : i32
      %dma_wait3A_1494 = tpu.memref_slice %arg6[%dma_wait3A_1492, %dma_wait3A_1493] : memref<6x100xi32, #tpu.memory_space<vmem>> -> memref<1x100xi32, #tpu.memory_space<vmem>>
      %dma_wait3A_1495 = tpu.memref_squeeze %dma_wait3A_1494 : memref<1x100xi32, #tpu.memory_space<vmem>> -> memref<100xi32, #tpu.memory_space<vmem>>
      %dma_wait3A_1496 = arith.constant 0 : i32
      %dma_wait3A_1497 = tpu.memref_slice %arg3[%dma_wait3A_1491, %add3A, %add3A_1476, %dma_wait3A_1496] : memref<2x32x100x100xi32, #tpu.memory_space<hbm>> -> memref<1x1x1x100xi32, #tpu.memory_space<hbm>>
      %dma_wait3A_1498 = tpu.memref_squeeze %dma_wait3A_1497 : memref<1x1x1x100xi32, #tpu.memory_space<hbm>> -> memref<100xi32, #tpu.memory_space<hbm>>
      %dma_wait3A_1499 = arith.constant 0 : i32
      %dma_wait3A_1500 = tpu.memref_slice %arg6[%dma_wait3A_1492, %dma_wait3A_1499] : memref<6x100xi32, #tpu.memory_space<vmem>> -> memref<1x100xi32, #tpu.memory_space<vmem>>
      %dma_wait3A_1501 = tpu.memref_squeeze %dma_wait3A_1500 : memref<1x100xi32, #tpu.memory_space<vmem>> -> memref<100xi32, #tpu.memory_space<vmem>>
      %dma_wait3A_1502 = arith.constant 0 : i32
      %dma_wait3A_1503 = tpu.memref_slice %arg3[%dma_wait3A_1491, %add3A, %add3A_1476, %dma_wait3A_1502] : memref<2x32x100x100xi32, #tpu.memory_space<hbm>> -> memref<1x1x1x100xi32, #tpu.memory_space<hbm>>
      %dma_wait3A_1504 = tpu.memref_squeeze %dma_wait3A_1503 : memref<1x1x1x100xi32, #tpu.memory_space<hbm>> -> memref<100xi32, #tpu.memory_space<hbm>>
      tpu.wait_dma2 semaphore(%arg14 : memref<!tpu.dma_semaphore, #tpu.memory_space<semaphore_mem>>) src(%dma_wait3A_1504 : memref<100xi32, #tpu.memory_space<hbm>>) dst(%dma_wait3A_1501 : memref<100xi32, #tpu.memory_space<vmem>>)
      %dma_start3A_1505 = arith.constant 4 : i32
      %dma_start3A_1506 = arith.constant 1 : i32
      %dma_start3A_1507 = arith.constant 0 : i32
      %dma_start3A_1508 = arith.constant 0 : i32
      %dma_start3A_1509 = tpu.memref_slice %arg7[%dma_start3A_1506, %dma_start3A_1507, %dma_start3A_1508] : memref<3x100x128xf32, #tpu.memory_space<vmem>> -> memref<1x100x128xf32, #tpu.memory_space<vmem>>
      %dma_start3A_1510 = tpu.memref_squeeze %dma_start3A_1509 : memref<1x100x128xf32, #tpu.memory_space<vmem>> -> memref<100x128xf32, #tpu.memory_space<vmem>>
      %dma_start3A_1511 = arith.constant 0 : i32
      %dma_start3A_1512 = tpu.memref_slice %arg5[%dma_start3A_1505, %dma_start3A_1511] : memref<6x100xi32, #tpu.memory_space<vmem>> -> memref<1x100xi32, #tpu.memory_space<vmem>>
      %dma_start3A_1513 = tpu.memref_squeeze %dma_start3A_1512 : memref<1x100xi32, #tpu.memory_space<vmem>> -> memref<100xi32, #tpu.memory_space<vmem>>
      %dma_start3A_1514 = arith.constant 0 : i32
      %dma_start3A_1515 = arith.constant 0 : i32
      %dma_start3A_1516 = tpu.memref_slice %arg2[%dma_start3A_1514, %dma_start3A_1515] : memref<10000x128xf32, #tpu.memory_space<hbm>> -> memref<10000x128xf32, #tpu.memory_space<hbm>>
      tpu.enqueue_indirect_dma source(%dma_start3A_1516 : memref<10000x128xf32, #tpu.memory_space<hbm>>) target(%dma_start3A_1510 : memref<100x128xf32, #tpu.memory_space<vmem>>) offsets(%dma_start3A_1513 : memref<100xi32, #tpu.memory_space<vmem>>) semaphore(%arg17 : memref<!tpu.dma_semaphore, #tpu.memory_space<semaphore_mem>>)
      %dma_wait3A_1517 = arith.constant 2 : i32
      %dma_wait3A_1518 = arith.constant 2 : i32
      %dma_wait3A_1519 = arith.constant 0 : i32
      %dma_wait3A_1520 = arith.constant 0 : i32
      %dma_wait3A_1521 = tpu.memref_slice %arg7[%dma_wait3A_1518, %dma_wait3A_1519, %dma_wait3A_1520] : memref<3x100x128xf32, #tpu.memory_space<vmem>> -> memref<1x100x128xf32, #tpu.memory_space<vmem>>
      %dma_wait3A_1522 = tpu.memref_squeeze %dma_wait3A_1521 : memref<1x100x128xf32, #tpu.memory_space<vmem>> -> memref<100x128xf32, #tpu.memory_space<vmem>>
      %dma_wait3A_1523 = arith.constant 0 : i32
      %dma_wait3A_1524 = tpu.memref_slice %arg5[%dma_wait3A_1517, %dma_wait3A_1523] : memref<6x100xi32, #tpu.memory_space<vmem>> -> memref<1x100xi32, #tpu.memory_space<vmem>>
      %dma_wait3A_1525 = tpu.memref_squeeze %dma_wait3A_1524 : memref<1x100xi32, #tpu.memory_space<vmem>> -> memref<100xi32, #tpu.memory_space<vmem>>
      %dma_wait3A_1526 = arith.constant 0 : i32
      %dma_wait3A_1527 = arith.constant 0 : i32
      %dma_wait3A_1528 = tpu.memref_slice %arg2[%dma_wait3A_1526, %dma_wait3A_1527] : memref<10000x128xf32, #tpu.memory_space<hbm>> -> memref<10000x128xf32, #tpu.memory_space<hbm>>
      tpu.wait_indirect_dma semaphore(%arg18 : memref<!tpu.dma_semaphore, #tpu.memory_space<semaphore_mem>>) src(%dma_wait3A_1528 : memref<10000x128xf32, #tpu.memory_space<hbm>>) dst(%dma_wait3A_1522 : memref<100x128xf32, #tpu.memory_space<vmem>>)
      %run_scoped3A_1529 = arith.constant 2 : i32
      %run_scoped3A_1530 = arith.constant 2 : i32
      "tpu.region"() ({
        %run_scoped3A_1877 = tpu.sem_alloc : memref<!tpu.dma_semaphore, #tpu.memory_space<semaphore_mem>>
        %dma_start3A_1878 = arith.constant 0 : i32
        %dma_start3A_1879 = arith.constant 0 : i32
        %dma_start3A_1880 = tpu.memref_slice %arg7[%run_scoped3A_1529, %dma_start3A_1878, %dma_start3A_1879] : memref<3x100x128xf32, #tpu.memory_space<vmem>> -> memref<1x100x128xf32, #tpu.memory_space<vmem>>
        %dma_start3A_1881 = tpu.memref_squeeze %dma_start3A_1880 : memref<1x100x128xf32, #tpu.memory_space<vmem>> -> memref<100x128xf32, #tpu.memory_space<vmem>>
        %dma_start3A_1882 = arith.constant 0 : i32
        %dma_start3A_1883 = tpu.memref_slice %arg6[%run_scoped3A_1530, %dma_start3A_1882] : memref<6x100xi32, #tpu.memory_space<vmem>> -> memref<1x100xi32, #tpu.memory_space<vmem>>
        %dma_start3A_1884 = tpu.memref_squeeze %dma_start3A_1883 : memref<1x100xi32, #tpu.memory_space<vmem>> -> memref<100xi32, #tpu.memory_space<vmem>>
        %dma_start3A_1885 = arith.constant 0 : i32
        %dma_start3A_1886 = arith.constant 0 : i32
        %dma_start3A_1887 = tpu.memref_slice %arg9[%dma_start3A_1885, %dma_start3A_1886] : memref<10240x128xf32, #tpu.memory_space<vmem_shared>> -> memref<10240x128xf32, #tpu.memory_space<vmem_shared>>
        tpu.enqueue_indirect_dma source(%dma_start3A_1881 : memref<100x128xf32, #tpu.memory_space<vmem>>) target(%dma_start3A_1887 : memref<10240x128xf32, #tpu.memory_space<vmem_shared>>) offsets(%dma_start3A_1884 : memref<100xi32, #tpu.memory_space<vmem>>) semaphore(%run_scoped3A_1877 : memref<!tpu.dma_semaphore, #tpu.memory_space<semaphore_mem>>) {add = true}
        %dma_wait3A_1888 = arith.constant 0 : i32
        %dma_wait3A_1889 = arith.constant 0 : i32
        %dma_wait3A_1890 = tpu.memref_slice %arg7[%run_scoped3A_1529, %dma_wait3A_1888, %dma_wait3A_1889] : memref<3x100x128xf32, #tpu.memory_space<vmem>> -> memref<1x100x128xf32, #tpu.memory_space<vmem>>
        %dma_wait3A_1891 = tpu.memref_squeeze %dma_wait3A_1890 : memref<1x100x128xf32, #tpu.memory_space<vmem>> -> memref<100x128xf32, #tpu.memory_space<vmem>>
        %dma_wait3A_1892 = arith.constant 0 : i32
        %dma_wait3A_1893 = tpu.memref_slice %arg6[%run_scoped3A_1530, %dma_wait3A_1892] : memref<6x100xi32, #tpu.memory_space<vmem>> -> memref<1x100xi32, #tpu.memory_space<vmem>>
        %dma_wait3A_1894 = tpu.memref_squeeze %dma_wait3A_1893 : memref<1x100xi32, #tpu.memory_space<vmem>> -> memref<100xi32, #tpu.memory_space<vmem>>
        %dma_wait3A_1895 = arith.constant 0 : i32
        %dma_wait3A_1896 = arith.constant 0 : i32
        %dma_wait3A_1897 = tpu.memref_slice %arg9[%dma_wait3A_1895, %dma_wait3A_1896] : memref<10240x128xf32, #tpu.memory_space<vmem_shared>> -> memref<10240x128xf32, #tpu.memory_space<vmem_shared>>
        tpu.wait_indirect_dma semaphore(%run_scoped3A_1877 : memref<!tpu.dma_semaphore, #tpu.memory_space<semaphore_mem>>) src(%dma_wait3A_1891 : memref<100x128xf32, #tpu.memory_space<vmem>>) dst(%dma_wait3A_1897 : memref<10240x128xf32, #tpu.memory_space<vmem_shared>>)
        tpu.yield
      }) : () -> ()
      %add3A_1531 = arith.constant 2 : i32
      %add3A_1532 = arith.addi %mul3A_1336, %add3A_1531 : i32
      %add3A_1533 = arith.constant 6 : i32
      %add3A_1534 = arith.addi %add3A_1532, %add3A_1533 : i32
      %dma_start3A_1535 = arith.constant 0 : i32
      %dma_start3A_1536 = arith.constant 2 : i32
      %dma_start3A_1537 = arith.constant 0 : i32
      %dma_start3A_1538 = tpu.memref_slice %arg5[%dma_start3A_1536, %dma_start3A_1537] : memref<6x100xi32, #tpu.memory_space<vmem>> -> memref<1x100xi32, #tpu.memory_space<vmem>>
      %dma_start3A_1539 = tpu.memref_squeeze %dma_start3A_1538 : memref<1x100xi32, #tpu.memory_space<vmem>> -> memref<100xi32, #tpu.memory_space<vmem>>
      %dma_start3A_1540 = arith.constant 0 : i32
      %dma_start3A_1541 = tpu.memref_slice %arg3[%dma_start3A_1535, %add3A, %add3A_1534, %dma_start3A_1540] : memref<2x32x100x100xi32, #tpu.memory_space<hbm>> -> memref<1x1x1x100xi32, #tpu.memory_space<hbm>>
      %dma_start3A_1542 = tpu.memref_squeeze %dma_start3A_1541 : memref<1x1x1x100xi32, #tpu.memory_space<hbm>> -> memref<100xi32, #tpu.memory_space<hbm>>
      %dma_start3A_1543 = arith.constant 0 : i32
      %dma_start3A_1544 = tpu.memref_slice %arg5[%dma_start3A_1536, %dma_start3A_1543] : memref<6x100xi32, #tpu.memory_space<vmem>> -> memref<1x100xi32, #tpu.memory_space<vmem>>
      %dma_start3A_1545 = tpu.memref_squeeze %dma_start3A_1544 : memref<1x100xi32, #tpu.memory_space<vmem>> -> memref<100xi32, #tpu.memory_space<vmem>>
      %dma_start3A_1546 = arith.constant 0 : i32
      %dma_start3A_1547 = tpu.memref_slice %arg3[%dma_start3A_1535, %add3A, %add3A_1534, %dma_start3A_1546] : memref<2x32x100x100xi32, #tpu.memory_space<hbm>> -> memref<1x1x1x100xi32, #tpu.memory_space<hbm>>
      %dma_start3A_1548 = tpu.memref_squeeze %dma_start3A_1547 : memref<1x1x1x100xi32, #tpu.memory_space<hbm>> -> memref<100xi32, #tpu.memory_space<hbm>>
      tpu.enqueue_dma source(%dma_start3A_1548 : memref<100xi32, #tpu.memory_space<hbm>>) target(%dma_start3A_1545 : memref<100xi32, #tpu.memory_space<vmem>>) target_semaphore(%arg12 : memref<!tpu.dma_semaphore, #tpu.memory_space<semaphore_mem>>)
      %dma_start3A_1549 = arith.constant 1 : i32
      %dma_start3A_1550 = arith.constant 2 : i32
      %dma_start3A_1551 = arith.constant 0 : i32
      %dma_start3A_1552 = tpu.memref_slice %arg6[%dma_start3A_1550, %dma_start3A_1551] : memref<6x100xi32, #tpu.memory_space<vmem>> -> memref<1x100xi32, #tpu.memory_space<vmem>>
      %dma_start3A_1553 = tpu.memref_squeeze %dma_start3A_1552 : memref<1x100xi32, #tpu.memory_space<vmem>> -> memref<100xi32, #tpu.memory_space<vmem>>
      %dma_start3A_1554 = arith.constant 0 : i32
      %dma_start3A_1555 = tpu.memref_slice %arg3[%dma_start3A_1549, %add3A, %add3A_1534, %dma_start3A_1554] : memref<2x32x100x100xi32, #tpu.memory_space<hbm>> -> memref<1x1x1x100xi32, #tpu.memory_space<hbm>>
      %dma_start3A_1556 = tpu.memref_squeeze %dma_start3A_1555 : memref<1x1x1x100xi32, #tpu.memory_space<hbm>> -> memref<100xi32, #tpu.memory_space<hbm>>
      %dma_start3A_1557 = arith.constant 0 : i32
      %dma_start3A_1558 = tpu.memref_slice %arg6[%dma_start3A_1550, %dma_start3A_1557] : memref<6x100xi32, #tpu.memory_space<vmem>> -> memref<1x100xi32, #tpu.memory_space<vmem>>
      %dma_start3A_1559 = tpu.memref_squeeze %dma_start3A_1558 : memref<1x100xi32, #tpu.memory_space<vmem>> -> memref<100xi32, #tpu.memory_space<vmem>>
      %dma_start3A_1560 = arith.constant 0 : i32
      %dma_start3A_1561 = tpu.memref_slice %arg3[%dma_start3A_1549, %add3A, %add3A_1534, %dma_start3A_1560] : memref<2x32x100x100xi32, #tpu.memory_space<hbm>> -> memref<1x1x1x100xi32, #tpu.memory_space<hbm>>
      %dma_start3A_1562 = tpu.memref_squeeze %dma_start3A_1561 : memref<1x1x1x100xi32, #tpu.memory_space<hbm>> -> memref<100xi32, #tpu.memory_space<hbm>>
      tpu.enqueue_dma source(%dma_start3A_1562 : memref<100xi32, #tpu.memory_space<hbm>>) target(%dma_start3A_1559 : memref<100xi32, #tpu.memory_space<vmem>>) target_semaphore(%arg12 : memref<!tpu.dma_semaphore, #tpu.memory_space<semaphore_mem>>)
      %add3A_1563 = arith.constant 2 : i32
      %add3A_1564 = arith.addi %mul3A_1336, %add3A_1563 : i32
      %add3A_1565 = arith.constant 3 : i32
      %add3A_1566 = arith.addi %add3A_1564, %add3A_1565 : i32
      %dma_wait3A_1567 = arith.constant 0 : i32
      %dma_wait3A_1568 = arith.constant 5 : i32
      %dma_wait3A_1569 = arith.constant 0 : i32
      %dma_wait3A_1570 = tpu.memref_slice %arg5[%dma_wait3A_1568, %dma_wait3A_1569] : memref<6x100xi32, #tpu.memory_space<vmem>> -> memref<1x100xi32, #tpu.memory_space<vmem>>
      %dma_wait3A_1571 = tpu.memref_squeeze %dma_wait3A_1570 : memref<1x100xi32, #tpu.memory_space<vmem>> -> memref<100xi32, #tpu.memory_space<vmem>>
      %dma_wait3A_1572 = arith.constant 0 : i32
      %dma_wait3A_1573 = tpu.memref_slice %arg3[%dma_wait3A_1567, %add3A, %add3A_1566, %dma_wait3A_1572] : memref<2x32x100x100xi32, #tpu.memory_space<hbm>> -> memref<1x1x1x100xi32, #tpu.memory_space<hbm>>
      %dma_wait3A_1574 = tpu.memref_squeeze %dma_wait3A_1573 : memref<1x1x1x100xi32, #tpu.memory_space<hbm>> -> memref<100xi32, #tpu.memory_space<hbm>>
      %dma_wait3A_1575 = arith.constant 0 : i32
      %dma_wait3A_1576 = tpu.memref_slice %arg5[%dma_wait3A_1568, %dma_wait3A_1575] : memref<6x100xi32, #tpu.memory_space<vmem>> -> memref<1x100xi32, #tpu.memory_space<vmem>>
      %dma_wait3A_1577 = tpu.memref_squeeze %dma_wait3A_1576 : memref<1x100xi32, #tpu.memory_space<vmem>> -> memref<100xi32, #tpu.memory_space<vmem>>
      %dma_wait3A_1578 = arith.constant 0 : i32
      %dma_wait3A_1579 = tpu.memref_slice %arg3[%dma_wait3A_1567, %add3A, %add3A_1566, %dma_wait3A_1578] : memref<2x32x100x100xi32, #tpu.memory_space<hbm>> -> memref<1x1x1x100xi32, #tpu.memory_space<hbm>>
      %dma_wait3A_1580 = tpu.memref_squeeze %dma_wait3A_1579 : memref<1x1x1x100xi32, #tpu.memory_space<hbm>> -> memref<100xi32, #tpu.memory_space<hbm>>
      tpu.wait_dma2 semaphore(%arg15 : memref<!tpu.dma_semaphore, #tpu.memory_space<semaphore_mem>>) src(%dma_wait3A_1580 : memref<100xi32, #tpu.memory_space<hbm>>) dst(%dma_wait3A_1577 : memref<100xi32, #tpu.memory_space<vmem>>)
      %dma_wait3A_1581 = arith.constant 1 : i32
      %dma_wait3A_1582 = arith.constant 5 : i32
      %dma_wait3A_1583 = arith.constant 0 : i32
      %dma_wait3A_1584 = tpu.memref_slice %arg6[%dma_wait3A_1582, %dma_wait3A_1583] : memref<6x100xi32, #tpu.memory_space<vmem>> -> memref<1x100xi32, #tpu.memory_space<vmem>>
      %dma_wait3A_1585 = tpu.memref_squeeze %dma_wait3A_1584 : memref<1x100xi32, #tpu.memory_space<vmem>> -> memref<100xi32, #tpu.memory_space<vmem>>
      %dma_wait3A_1586 = arith.constant 0 : i32
      %dma_wait3A_1587 = tpu.memref_slice %arg3[%dma_wait3A_1581, %add3A, %add3A_1566, %dma_wait3A_1586] : memref<2x32x100x100xi32, #tpu.memory_space<hbm>> -> memref<1x1x1x100xi32, #tpu.memory_space<hbm>>
      %dma_wait3A_1588 = tpu.memref_squeeze %dma_wait3A_1587 : memref<1x1x1x100xi32, #tpu.memory_space<hbm>> -> memref<100xi32, #tpu.memory_space<hbm>>
      %dma_wait3A_1589 = arith.constant 0 : i32
      %dma_wait3A_1590 = tpu.memref_slice %arg6[%dma_wait3A_1582, %dma_wait3A_1589] : memref<6x100xi32, #tpu.memory_space<vmem>> -> memref<1x100xi32, #tpu.memory_space<vmem>>
      %dma_wait3A_1591 = tpu.memref_squeeze %dma_wait3A_1590 : memref<1x100xi32, #tpu.memory_space<vmem>> -> memref<100xi32, #tpu.memory_space<vmem>>
      %dma_wait3A_1592 = arith.constant 0 : i32
      %dma_wait3A_1593 = tpu.memref_slice %arg3[%dma_wait3A_1581, %add3A, %add3A_1566, %dma_wait3A_1592] : memref<2x32x100x100xi32, #tpu.memory_space<hbm>> -> memref<1x1x1x100xi32, #tpu.memory_space<hbm>>
      %dma_wait3A_1594 = tpu.memref_squeeze %dma_wait3A_1593 : memref<1x1x1x100xi32, #tpu.memory_space<hbm>> -> memref<100xi32, #tpu.memory_space<hbm>>
      tpu.wait_dma2 semaphore(%arg15 : memref<!tpu.dma_semaphore, #tpu.memory_space<semaphore_mem>>) src(%dma_wait3A_1594 : memref<100xi32, #tpu.memory_space<hbm>>) dst(%dma_wait3A_1591 : memref<100xi32, #tpu.memory_space<vmem>>)
      %dma_start3A_1595 = arith.constant 5 : i32
      %dma_start3A_1596 = arith.constant 2 : i32
      %dma_start3A_1597 = arith.constant 0 : i32
      %dma_start3A_1598 = arith.constant 0 : i32
      %dma_start3A_1599 = tpu.memref_slice %arg7[%dma_start3A_1596, %dma_start3A_1597, %dma_start3A_1598] : memref<3x100x128xf32, #tpu.memory_space<vmem>> -> memref<1x100x128xf32, #tpu.memory_space<vmem>>
      %dma_start3A_1600 = tpu.memref_squeeze %dma_start3A_1599 : memref<1x100x128xf32, #tpu.memory_space<vmem>> -> memref<100x128xf32, #tpu.memory_space<vmem>>
      %dma_start3A_1601 = arith.constant 0 : i32
      %dma_start3A_1602 = tpu.memref_slice %arg5[%dma_start3A_1595, %dma_start3A_1601] : memref<6x100xi32, #tpu.memory_space<vmem>> -> memref<1x100xi32, #tpu.memory_space<vmem>>
      %dma_start3A_1603 = tpu.memref_squeeze %dma_start3A_1602 : memref<1x100xi32, #tpu.memory_space<vmem>> -> memref<100xi32, #tpu.memory_space<vmem>>
      %dma_start3A_1604 = arith.constant 0 : i32
      %dma_start3A_1605 = arith.constant 0 : i32
      %dma_start3A_1606 = tpu.memref_slice %arg2[%dma_start3A_1604, %dma_start3A_1605] : memref<10000x128xf32, #tpu.memory_space<hbm>> -> memref<10000x128xf32, #tpu.memory_space<hbm>>
      tpu.enqueue_indirect_dma source(%dma_start3A_1606 : memref<10000x128xf32, #tpu.memory_space<hbm>>) target(%dma_start3A_1600 : memref<100x128xf32, #tpu.memory_space<vmem>>) offsets(%dma_start3A_1603 : memref<100xi32, #tpu.memory_space<vmem>>) semaphore(%arg18 : memref<!tpu.dma_semaphore, #tpu.memory_space<semaphore_mem>>)
      %dma_wait3A_1607 = arith.constant 3 : i32
      %dma_wait3A_1608 = arith.constant 0 : i32
      %dma_wait3A_1609 = arith.constant 0 : i32
      %dma_wait3A_1610 = arith.constant 0 : i32
      %dma_wait3A_1611 = tpu.memref_slice %arg7[%dma_wait3A_1608, %dma_wait3A_1609, %dma_wait3A_1610] : memref<3x100x128xf32, #tpu.memory_space<vmem>> -> memref<1x100x128xf32, #tpu.memory_space<vmem>>
      %dma_wait3A_1612 = tpu.memref_squeeze %dma_wait3A_1611 : memref<1x100x128xf32, #tpu.memory_space<vmem>> -> memref<100x128xf32, #tpu.memory_space<vmem>>
      %dma_wait3A_1613 = arith.constant 0 : i32
      %dma_wait3A_1614 = tpu.memref_slice %arg5[%dma_wait3A_1607, %dma_wait3A_1613] : memref<6x100xi32, #tpu.memory_space<vmem>> -> memref<1x100xi32, #tpu.memory_space<vmem>>
      %dma_wait3A_1615 = tpu.memref_squeeze %dma_wait3A_1614 : memref<1x100xi32, #tpu.memory_space<vmem>> -> memref<100xi32, #tpu.memory_space<vmem>>
      %dma_wait3A_1616 = arith.constant 0 : i32
      %dma_wait3A_1617 = arith.constant 0 : i32
      %dma_wait3A_1618 = tpu.memref_slice %arg2[%dma_wait3A_1616, %dma_wait3A_1617] : memref<10000x128xf32, #tpu.memory_space<hbm>> -> memref<10000x128xf32, #tpu.memory_space<hbm>>
      tpu.wait_indirect_dma semaphore(%arg16 : memref<!tpu.dma_semaphore, #tpu.memory_space<semaphore_mem>>) src(%dma_wait3A_1618 : memref<10000x128xf32, #tpu.memory_space<hbm>>) dst(%dma_wait3A_1612 : memref<100x128xf32, #tpu.memory_space<vmem>>)
      %run_scoped3A_1619 = arith.constant 0 : i32
      %run_scoped3A_1620 = arith.constant 3 : i32
      "tpu.region"() ({
        %run_scoped3A_1877 = tpu.sem_alloc : memref<!tpu.dma_semaphore, #tpu.memory_space<semaphore_mem>>
        %dma_start3A_1878 = arith.constant 0 : i32
        %dma_start3A_1879 = arith.constant 0 : i32
        %dma_start3A_1880 = tpu.memref_slice %arg7[%run_scoped3A_1619, %dma_start3A_1878, %dma_start3A_1879] : memref<3x100x128xf32, #tpu.memory_space<vmem>> -> memref<1x100x128xf32, #tpu.memory_space<vmem>>
        %dma_start3A_1881 = tpu.memref_squeeze %dma_start3A_1880 : memref<1x100x128xf32, #tpu.memory_space<vmem>> -> memref<100x128xf32, #tpu.memory_space<vmem>>
        %dma_start3A_1882 = arith.constant 0 : i32
        %dma_start3A_1883 = tpu.memref_slice %arg6[%run_scoped3A_1620, %dma_start3A_1882] : memref<6x100xi32, #tpu.memory_space<vmem>> -> memref<1x100xi32, #tpu.memory_space<vmem>>
        %dma_start3A_1884 = tpu.memref_squeeze %dma_start3A_1883 : memref<1x100xi32, #tpu.memory_space<vmem>> -> memref<100xi32, #tpu.memory_space<vmem>>
        %dma_start3A_1885 = arith.constant 0 : i32
        %dma_start3A_1886 = arith.constant 0 : i32
        %dma_start3A_1887 = tpu.memref_slice %arg9[%dma_start3A_1885, %dma_start3A_1886] : memref<10240x128xf32, #tpu.memory_space<vmem_shared>> -> memref<10240x128xf32, #tpu.memory_space<vmem_shared>>
        tpu.enqueue_indirect_dma source(%dma_start3A_1881 : memref<100x128xf32, #tpu.memory_space<vmem>>) target(%dma_start3A_1887 : memref<10240x128xf32, #tpu.memory_space<vmem_shared>>) offsets(%dma_start3A_1884 : memref<100xi32, #tpu.memory_space<vmem>>) semaphore(%run_scoped3A_1877 : memref<!tpu.dma_semaphore, #tpu.memory_space<semaphore_mem>>) {add = true}
        %dma_wait3A_1888 = arith.constant 0 : i32
        %dma_wait3A_1889 = arith.constant 0 : i32
        %dma_wait3A_1890 = tpu.memref_slice %arg7[%run_scoped3A_1619, %dma_wait3A_1888, %dma_wait3A_1889] : memref<3x100x128xf32, #tpu.memory_space<vmem>> -> memref<1x100x128xf32, #tpu.memory_space<vmem>>
        %dma_wait3A_1891 = tpu.memref_squeeze %dma_wait3A_1890 : memref<1x100x128xf32, #tpu.memory_space<vmem>> -> memref<100x128xf32, #tpu.memory_space<vmem>>
        %dma_wait3A_1892 = arith.constant 0 : i32
        %dma_wait3A_1893 = tpu.memref_slice %arg6[%run_scoped3A_1620, %dma_wait3A_1892] : memref<6x100xi32, #tpu.memory_space<vmem>> -> memref<1x100xi32, #tpu.memory_space<vmem>>
        %dma_wait3A_1894 = tpu.memref_squeeze %dma_wait3A_1893 : memref<1x100xi32, #tpu.memory_space<vmem>> -> memref<100xi32, #tpu.memory_space<vmem>>
        %dma_wait3A_1895 = arith.constant 0 : i32
        %dma_wait3A_1896 = arith.constant 0 : i32
        %dma_wait3A_1897 = tpu.memref_slice %arg9[%dma_wait3A_1895, %dma_wait3A_1896] : memref<10240x128xf32, #tpu.memory_space<vmem_shared>> -> memref<10240x128xf32, #tpu.memory_space<vmem_shared>>
        tpu.wait_indirect_dma semaphore(%run_scoped3A_1877 : memref<!tpu.dma_semaphore, #tpu.memory_space<semaphore_mem>>) src(%dma_wait3A_1891 : memref<100x128xf32, #tpu.memory_space<vmem>>) dst(%dma_wait3A_1897 : memref<10240x128xf32, #tpu.memory_space<vmem_shared>>)
        tpu.yield
      }) : () -> ()
      %add3A_1621 = arith.constant 3 : i32
      %add3A_1622 = arith.addi %mul3A_1336, %add3A_1621 : i32
      %add3A_1623 = arith.constant 6 : i32
      %add3A_1624 = arith.addi %add3A_1622, %add3A_1623 : i32
      %dma_start3A_1625 = arith.constant 0 : i32
      %dma_start3A_1626 = arith.constant 3 : i32
      %dma_start3A_1627 = arith.constant 0 : i32
      %dma_start3A_1628 = tpu.memref_slice %arg5[%dma_start3A_1626, %dma_start3A_1627] : memref<6x100xi32, #tpu.memory_space<vmem>> -> memref<1x100xi32, #tpu.memory_space<vmem>>
      %dma_start3A_1629 = tpu.memref_squeeze %dma_start3A_1628 : memref<1x100xi32, #tpu.memory_space<vmem>> -> memref<100xi32, #tpu.memory_space<vmem>>
      %dma_start3A_1630 = arith.constant 0 : i32
      %dma_start3A_1631 = tpu.memref_slice %arg3[%dma_start3A_1625, %add3A, %add3A_1624, %dma_start3A_1630] : memref<2x32x100x100xi32, #tpu.memory_space<hbm>> -> memref<1x1x1x100xi32, #tpu.memory_space<hbm>>
      %dma_start3A_1632 = tpu.memref_squeeze %dma_start3A_1631 : memref<1x1x1x100xi32, #tpu.memory_space<hbm>> -> memref<100xi32, #tpu.memory_space<hbm>>
      %dma_start3A_1633 = arith.constant 0 : i32
      %dma_start3A_1634 = tpu.memref_slice %arg5[%dma_start3A_1626, %dma_start3A_1633] : memref<6x100xi32, #tpu.memory_space<vmem>> -> memref<1x100xi32, #tpu.memory_space<vmem>>
      %dma_start3A_1635 = tpu.memref_squeeze %dma_start3A_1634 : memref<1x100xi32, #tpu.memory_space<vmem>> -> memref<100xi32, #tpu.memory_space<vmem>>
      %dma_start3A_1636 = arith.constant 0 : i32
      %dma_start3A_1637 = tpu.memref_slice %arg3[%dma_start3A_1625, %add3A, %add3A_1624, %dma_start3A_1636] : memref<2x32x100x100xi32, #tpu.memory_space<hbm>> -> memref<1x1x1x100xi32, #tpu.memory_space<hbm>>
      %dma_start3A_1638 = tpu.memref_squeeze %dma_start3A_1637 : memref<1x1x1x100xi32, #tpu.memory_space<hbm>> -> memref<100xi32, #tpu.memory_space<hbm>>
      tpu.enqueue_dma source(%dma_start3A_1638 : memref<100xi32, #tpu.memory_space<hbm>>) target(%dma_start3A_1635 : memref<100xi32, #tpu.memory_space<vmem>>) target_semaphore(%arg13 : memref<!tpu.dma_semaphore, #tpu.memory_space<semaphore_mem>>)
      %dma_start3A_1639 = arith.constant 1 : i32
      %dma_start3A_1640 = arith.constant 3 : i32
      %dma_start3A_1641 = arith.constant 0 : i32
      %dma_start3A_1642 = tpu.memref_slice %arg6[%dma_start3A_1640, %dma_start3A_1641] : memref<6x100xi32, #tpu.memory_space<vmem>> -> memref<1x100xi32, #tpu.memory_space<vmem>>
      %dma_start3A_1643 = tpu.memref_squeeze %dma_start3A_1642 : memref<1x100xi32, #tpu.memory_space<vmem>> -> memref<100xi32, #tpu.memory_space<vmem>>
      %dma_start3A_1644 = arith.constant 0 : i32
      %dma_start3A_1645 = tpu.memref_slice %arg3[%dma_start3A_1639, %add3A, %add3A_1624, %dma_start3A_1644] : memref<2x32x100x100xi32, #tpu.memory_space<hbm>> -> memref<1x1x1x100xi32, #tpu.memory_space<hbm>>
      %dma_start3A_1646 = tpu.memref_squeeze %dma_start3A_1645 : memref<1x1x1x100xi32, #tpu.memory_space<hbm>> -> memref<100xi32, #tpu.memory_space<hbm>>
      %dma_start3A_1647 = arith.constant 0 : i32
      %dma_start3A_1648 = tpu.memref_slice %arg6[%dma_start3A_1640, %dma_start3A_1647] : memref<6x100xi32, #tpu.memory_space<vmem>> -> memref<1x100xi32, #tpu.memory_space<vmem>>
      %dma_start3A_1649 = tpu.memref_squeeze %dma_start3A_1648 : memref<1x100xi32, #tpu.memory_space<vmem>> -> memref<100xi32, #tpu.memory_space<vmem>>
      %dma_start3A_1650 = arith.constant 0 : i32
      %dma_start3A_1651 = tpu.memref_slice %arg3[%dma_start3A_1639, %add3A, %add3A_1624, %dma_start3A_1650] : memref<2x32x100x100xi32, #tpu.memory_space<hbm>> -> memref<1x1x1x100xi32, #tpu.memory_space<hbm>>
      %dma_start3A_1652 = tpu.memref_squeeze %dma_start3A_1651 : memref<1x1x1x100xi32, #tpu.memory_space<hbm>> -> memref<100xi32, #tpu.memory_space<hbm>>
      tpu.enqueue_dma source(%dma_start3A_1652 : memref<100xi32, #tpu.memory_space<hbm>>) target(%dma_start3A_1649 : memref<100xi32, #tpu.memory_space<vmem>>) target_semaphore(%arg13 : memref<!tpu.dma_semaphore, #tpu.memory_space<semaphore_mem>>)
      %add3A_1653 = arith.constant 3 : i32
      %add3A_1654 = arith.addi %mul3A_1336, %add3A_1653 : i32
      %add3A_1655 = arith.constant 3 : i32
      %add3A_1656 = arith.addi %add3A_1654, %add3A_1655 : i32
      %dma_wait3A_1657 = arith.constant 0 : i32
      %dma_wait3A_1658 = arith.constant 0 : i32
      %dma_wait3A_1659 = arith.constant 0 : i32
      %dma_wait3A_1660 = tpu.memref_slice %arg5[%dma_wait3A_1658, %dma_wait3A_1659] : memref<6x100xi32, #tpu.memory_space<vmem>> -> memref<1x100xi32, #tpu.memory_space<vmem>>
      %dma_wait3A_1661 = tpu.memref_squeeze %dma_wait3A_1660 : memref<1x100xi32, #tpu.memory_space<vmem>> -> memref<100xi32, #tpu.memory_space<vmem>>
      %dma_wait3A_1662 = arith.constant 0 : i32
      %dma_wait3A_1663 = tpu.memref_slice %arg3[%dma_wait3A_1657, %add3A, %add3A_1656, %dma_wait3A_1662] : memref<2x32x100x100xi32, #tpu.memory_space<hbm>> -> memref<1x1x1x100xi32, #tpu.memory_space<hbm>>
      %dma_wait3A_1664 = tpu.memref_squeeze %dma_wait3A_1663 : memref<1x1x1x100xi32, #tpu.memory_space<hbm>> -> memref<100xi32, #tpu.memory_space<hbm>>
      %dma_wait3A_1665 = arith.constant 0 : i32
      %dma_wait3A_1666 = tpu.memref_slice %arg5[%dma_wait3A_1658, %dma_wait3A_1665] : memref<6x100xi32, #tpu.memory_space<vmem>> -> memref<1x100xi32, #tpu.memory_space<vmem>>
      %dma_wait3A_1667 = tpu.memref_squeeze %dma_wait3A_1666 : memref<1x100xi32, #tpu.memory_space<vmem>> -> memref<100xi32, #tpu.memory_space<vmem>>
      %dma_wait3A_1668 = arith.constant 0 : i32
      %dma_wait3A_1669 = tpu.memref_slice %arg3[%dma_wait3A_1657, %add3A, %add3A_1656, %dma_wait3A_1668] : memref<2x32x100x100xi32, #tpu.memory_space<hbm>> -> memref<1x1x1x100xi32, #tpu.memory_space<hbm>>
      %dma_wait3A_1670 = tpu.memref_squeeze %dma_wait3A_1669 : memref<1x1x1x100xi32, #tpu.memory_space<hbm>> -> memref<100xi32, #tpu.memory_space<hbm>>
      tpu.wait_dma2 semaphore(%arg10 : memref<!tpu.dma_semaphore, #tpu.memory_space<semaphore_mem>>) src(%dma_wait3A_1670 : memref<100xi32, #tpu.memory_space<hbm>>) dst(%dma_wait3A_1667 : memref<100xi32, #tpu.memory_space<vmem>>)
      %dma_wait3A_1671 = arith.constant 1 : i32
      %dma_wait3A_1672 = arith.constant 0 : i32
      %dma_wait3A_1673 = arith.constant 0 : i32
      %dma_wait3A_1674 = tpu.memref_slice %arg6[%dma_wait3A_1672, %dma_wait3A_1673] : memref<6x100xi32, #tpu.memory_space<vmem>> -> memref<1x100xi32, #tpu.memory_space<vmem>>
      %dma_wait3A_1675 = tpu.memref_squeeze %dma_wait3A_1674 : memref<1x100xi32, #tpu.memory_space<vmem>> -> memref<100xi32, #tpu.memory_space<vmem>>
      %dma_wait3A_1676 = arith.constant 0 : i32
      %dma_wait3A_1677 = tpu.memref_slice %arg3[%dma_wait3A_1671, %add3A, %add3A_1656, %dma_wait3A_1676] : memref<2x32x100x100xi32, #tpu.memory_space<hbm>> -> memref<1x1x1x100xi32, #tpu.memory_space<hbm>>
      %dma_wait3A_1678 = tpu.memref_squeeze %dma_wait3A_1677 : memref<1x1x1x100xi32, #tpu.memory_space<hbm>> -> memref<100xi32, #tpu.memory_space<hbm>>
      %dma_wait3A_1679 = arith.constant 0 : i32
      %dma_wait3A_1680 = tpu.memref_slice %arg6[%dma_wait3A_1672, %dma_wait3A_1679] : memref<6x100xi32, #tpu.memory_space<vmem>> -> memref<1x100xi32, #tpu.memory_space<vmem>>
      %dma_wait3A_1681 = tpu.memref_squeeze %dma_wait3A_1680 : memref<1x100xi32, #tpu.memory_space<vmem>> -> memref<100xi32, #tpu.memory_space<vmem>>
      %dma_wait3A_1682 = arith.constant 0 : i32
      %dma_wait3A_1683 = tpu.memref_slice %arg3[%dma_wait3A_1671, %add3A, %add3A_1656, %dma_wait3A_1682] : memref<2x32x100x100xi32, #tpu.memory_space<hbm>> -> memref<1x1x1x100xi32, #tpu.memory_space<hbm>>
      %dma_wait3A_1684 = tpu.memref_squeeze %dma_wait3A_1683 : memref<1x1x1x100xi32, #tpu.memory_space<hbm>> -> memref<100xi32, #tpu.memory_space<hbm>>
      tpu.wait_dma2 semaphore(%arg10 : memref<!tpu.dma_semaphore, #tpu.memory_space<semaphore_mem>>) src(%dma_wait3A_1684 : memref<100xi32, #tpu.memory_space<hbm>>) dst(%dma_wait3A_1681 : memref<100xi32, #tpu.memory_space<vmem>>)
      %dma_start3A_1685 = arith.constant 0 : i32
      %dma_start3A_1686 = arith.constant 0 : i32
      %dma_start3A_1687 = arith.constant 0 : i32
      %dma_start3A_1688 = arith.constant 0 : i32
      %dma_start3A_1689 = tpu.memref_slice %arg7[%dma_start3A_1686, %dma_start3A_1687, %dma_start3A_1688] : memref<3x100x128xf32, #tpu.memory_space<vmem>> -> memref<1x100x128xf32, #tpu.memory_space<vmem>>
      %dma_start3A_1690 = tpu.memref_squeeze %dma_start3A_1689 : memref<1x100x128xf32, #tpu.memory_space<vmem>> -> memref<100x128xf32, #tpu.memory_space<vmem>>
      %dma_start3A_1691 = arith.constant 0 : i32
      %dma_start3A_1692 = tpu.memref_slice %arg5[%dma_start3A_1685, %dma_start3A_1691] : memref<6x100xi32, #tpu.memory_space<vmem>> -> memref<1x100xi32, #tpu.memory_space<vmem>>
      %dma_start3A_1693 = tpu.memref_squeeze %dma_start3A_1692 : memref<1x100xi32, #tpu.memory_space<vmem>> -> memref<100xi32, #tpu.memory_space<vmem>>
      %dma_start3A_1694 = arith.constant 0 : i32
      %dma_start3A_1695 = arith.constant 0 : i32
      %dma_start3A_1696 = tpu.memref_slice %arg2[%dma_start3A_1694, %dma_start3A_1695] : memref<10000x128xf32, #tpu.memory_space<hbm>> -> memref<10000x128xf32, #tpu.memory_space<hbm>>
      tpu.enqueue_indirect_dma source(%dma_start3A_1696 : memref<10000x128xf32, #tpu.memory_space<hbm>>) target(%dma_start3A_1690 : memref<100x128xf32, #tpu.memory_space<vmem>>) offsets(%dma_start3A_1693 : memref<100xi32, #tpu.memory_space<vmem>>) semaphore(%arg16 : memref<!tpu.dma_semaphore, #tpu.memory_space<semaphore_mem>>)
      %dma_wait3A_1697 = arith.constant 4 : i32
      %dma_wait3A_1698 = arith.constant 1 : i32
      %dma_wait3A_1699 = arith.constant 0 : i32
      %dma_wait3A_1700 = arith.constant 0 : i32
      %dma_wait3A_1701 = tpu.memref_slice %arg7[%dma_wait3A_1698, %dma_wait3A_1699, %dma_wait3A_1700] : memref<3x100x128xf32, #tpu.memory_space<vmem>> -> memref<1x100x128xf32, #tpu.memory_space<vmem>>
      %dma_wait3A_1702 = tpu.memref_squeeze %dma_wait3A_1701 : memref<1x100x128xf32, #tpu.memory_space<vmem>> -> memref<100x128xf32, #tpu.memory_space<vmem>>
      %dma_wait3A_1703 = arith.constant 0 : i32
      %dma_wait3A_1704 = tpu.memref_slice %arg5[%dma_wait3A_1697, %dma_wait3A_1703] : memref<6x100xi32, #tpu.memory_space<vmem>> -> memref<1x100xi32, #tpu.memory_space<vmem>>
      %dma_wait3A_1705 = tpu.memref_squeeze %dma_wait3A_1704 : memref<1x100xi32, #tpu.memory_space<vmem>> -> memref<100xi32, #tpu.memory_space<vmem>>
      %dma_wait3A_1706 = arith.constant 0 : i32
      %dma_wait3A_1707 = arith.constant 0 : i32
      %dma_wait3A_1708 = tpu.memref_slice %arg2[%dma_wait3A_1706, %dma_wait3A_1707] : memref<10000x128xf32, #tpu.memory_space<hbm>> -> memref<10000x128xf32, #tpu.memory_space<hbm>>
      tpu.wait_indirect_dma semaphore(%arg17 : memref<!tpu.dma_semaphore, #tpu.memory_space<semaphore_mem>>) src(%dma_wait3A_1708 : memref<10000x128xf32, #tpu.memory_space<hbm>>) dst(%dma_wait3A_1702 : memref<100x128xf32, #tpu.memory_space<vmem>>)
      %run_scoped3A_1709 = arith.constant 1 : i32
      %run_scoped3A_1710 = arith.constant 4 : i32
      "tpu.region"() ({
        %run_scoped3A_1877 = tpu.sem_alloc : memref<!tpu.dma_semaphore, #tpu.memory_space<semaphore_mem>>
        %dma_start3A_1878 = arith.constant 0 : i32
        %dma_start3A_1879 = arith.constant 0 : i32
        %dma_start3A_1880 = tpu.memref_slice %arg7[%run_scoped3A_1709, %dma_start3A_1878, %dma_start3A_1879] : memref<3x100x128xf32, #tpu.memory_space<vmem>> -> memref<1x100x128xf32, #tpu.memory_space<vmem>>
        %dma_start3A_1881 = tpu.memref_squeeze %dma_start3A_1880 : memref<1x100x128xf32, #tpu.memory_space<vmem>> -> memref<100x128xf32, #tpu.memory_space<vmem>>
        %dma_start3A_1882 = arith.constant 0 : i32
        %dma_start3A_1883 = tpu.memref_slice %arg6[%run_scoped3A_1710, %dma_start3A_1882] : memref<6x100xi32, #tpu.memory_space<vmem>> -> memref<1x100xi32, #tpu.memory_space<vmem>>
        %dma_start3A_1884 = tpu.memref_squeeze %dma_start3A_1883 : memref<1x100xi32, #tpu.memory_space<vmem>> -> memref<100xi32, #tpu.memory_space<vmem>>
        %dma_start3A_1885 = arith.constant 0 : i32
        %dma_start3A_1886 = arith.constant 0 : i32
        %dma_start3A_1887 = tpu.memref_slice %arg9[%dma_start3A_1885, %dma_start3A_1886] : memref<10240x128xf32, #tpu.memory_space<vmem_shared>> -> memref<10240x128xf32, #tpu.memory_space<vmem_shared>>
        tpu.enqueue_indirect_dma source(%dma_start3A_1881 : memref<100x128xf32, #tpu.memory_space<vmem>>) target(%dma_start3A_1887 : memref<10240x128xf32, #tpu.memory_space<vmem_shared>>) offsets(%dma_start3A_1884 : memref<100xi32, #tpu.memory_space<vmem>>) semaphore(%run_scoped3A_1877 : memref<!tpu.dma_semaphore, #tpu.memory_space<semaphore_mem>>) {add = true}
        %dma_wait3A_1888 = arith.constant 0 : i32
        %dma_wait3A_1889 = arith.constant 0 : i32
        %dma_wait3A_1890 = tpu.memref_slice %arg7[%run_scoped3A_1709, %dma_wait3A_1888, %dma_wait3A_1889] : memref<3x100x128xf32, #tpu.memory_space<vmem>> -> memref<1x100x128xf32, #tpu.memory_space<vmem>>
        %dma_wait3A_1891 = tpu.memref_squeeze %dma_wait3A_1890 : memref<1x100x128xf32, #tpu.memory_space<vmem>> -> memref<100x128xf32, #tpu.memory_space<vmem>>
        %dma_wait3A_1892 = arith.constant 0 : i32
        %dma_wait3A_1893 = tpu.memref_slice %arg6[%run_scoped3A_1710, %dma_wait3A_1892] : memref<6x100xi32, #tpu.memory_space<vmem>> -> memref<1x100xi32, #tpu.memory_space<vmem>>
        %dma_wait3A_1894 = tpu.memref_squeeze %dma_wait3A_1893 : memref<1x100xi32, #tpu.memory_space<vmem>> -> memref<100xi32, #tpu.memory_space<vmem>>
        %dma_wait3A_1895 = arith.constant 0 : i32
        %dma_wait3A_1896 = arith.constant 0 : i32
        %dma_wait3A_1897 = tpu.memref_slice %arg9[%dma_wait3A_1895, %dma_wait3A_1896] : memref<10240x128xf32, #tpu.memory_space<vmem_shared>> -> memref<10240x128xf32, #tpu.memory_space<vmem_shared>>
        tpu.wait_indirect_dma semaphore(%run_scoped3A_1877 : memref<!tpu.dma_semaphore, #tpu.memory_space<semaphore_mem>>) src(%dma_wait3A_1891 : memref<100x128xf32, #tpu.memory_space<vmem>>) dst(%dma_wait3A_1897 : memref<10240x128xf32, #tpu.memory_space<vmem_shared>>)
        tpu.yield
      }) : () -> ()
      %add3A_1711 = arith.constant 4 : i32
      %add3A_1712 = arith.addi %mul3A_1336, %add3A_1711 : i32
      %add3A_1713 = arith.constant 6 : i32
      %add3A_1714 = arith.addi %add3A_1712, %add3A_1713 : i32
      %dma_start3A_1715 = arith.constant 0 : i32
      %dma_start3A_1716 = arith.constant 4 : i32
      %dma_start3A_1717 = arith.constant 0 : i32
      %dma_start3A_1718 = tpu.memref_slice %arg5[%dma_start3A_1716, %dma_start3A_1717] : memref<6x100xi32, #tpu.memory_space<vmem>> -> memref<1x100xi32, #tpu.memory_space<vmem>>
      %dma_start3A_1719 = tpu.memref_squeeze %dma_start3A_1718 : memref<1x100xi32, #tpu.memory_space<vmem>> -> memref<100xi32, #tpu.memory_space<vmem>>
      %dma_start3A_1720 = arith.constant 0 : i32
      %dma_start3A_1721 = tpu.memref_slice %arg3[%dma_start3A_1715, %add3A, %add3A_1714, %dma_start3A_1720] : memref<2x32x100x100xi32, #tpu.memory_space<hbm>> -> memref<1x1x1x100xi32, #tpu.memory_space<hbm>>
      %dma_start3A_1722 = tpu.memref_squeeze %dma_start3A_1721 : memref<1x1x1x100xi32, #tpu.memory_space<hbm>> -> memref<100xi32, #tpu.memory_space<hbm>>
      %dma_start3A_1723 = arith.constant 0 : i32
      %dma_start3A_1724 = tpu.memref_slice %arg5[%dma_start3A_1716, %dma_start3A_1723] : memref<6x100xi32, #tpu.memory_space<vmem>> -> memref<1x100xi32, #tpu.memory_space<vmem>>
      %dma_start3A_1725 = tpu.memref_squeeze %dma_start3A_1724 : memref<1x100xi32, #tpu.memory_space<vmem>> -> memref<100xi32, #tpu.memory_space<vmem>>
      %dma_start3A_1726 = arith.constant 0 : i32
      %dma_start3A_1727 = tpu.memref_slice %arg3[%dma_start3A_1715, %add3A, %add3A_1714, %dma_start3A_1726] : memref<2x32x100x100xi32, #tpu.memory_space<hbm>> -> memref<1x1x1x100xi32, #tpu.memory_space<hbm>>
      %dma_start3A_1728 = tpu.memref_squeeze %dma_start3A_1727 : memref<1x1x1x100xi32, #tpu.memory_space<hbm>> -> memref<100xi32, #tpu.memory_space<hbm>>
      tpu.enqueue_dma source(%dma_start3A_1728 : memref<100xi32, #tpu.memory_space<hbm>>) target(%dma_start3A_1725 : memref<100xi32, #tpu.memory_space<vmem>>) target_semaphore(%arg14 : memref<!tpu.dma_semaphore, #tpu.memory_space<semaphore_mem>>)
      %dma_start3A_1729 = arith.constant 1 : i32
      %dma_start3A_1730 = arith.constant 4 : i32
      %dma_start3A_1731 = arith.constant 0 : i32
      %dma_start3A_1732 = tpu.memref_slice %arg6[%dma_start3A_1730, %dma_start3A_1731] : memref<6x100xi32, #tpu.memory_space<vmem>> -> memref<1x100xi32, #tpu.memory_space<vmem>>
      %dma_start3A_1733 = tpu.memref_squeeze %dma_start3A_1732 : memref<1x100xi32, #tpu.memory_space<vmem>> -> memref<100xi32, #tpu.memory_space<vmem>>
      %dma_start3A_1734 = arith.constant 0 : i32
      %dma_start3A_1735 = tpu.memref_slice %arg3[%dma_start3A_1729, %add3A, %add3A_1714, %dma_start3A_1734] : memref<2x32x100x100xi32, #tpu.memory_space<hbm>> -> memref<1x1x1x100xi32, #tpu.memory_space<hbm>>
      %dma_start3A_1736 = tpu.memref_squeeze %dma_start3A_1735 : memref<1x1x1x100xi32, #tpu.memory_space<hbm>> -> memref<100xi32, #tpu.memory_space<hbm>>
      %dma_start3A_1737 = arith.constant 0 : i32
      %dma_start3A_1738 = tpu.memref_slice %arg6[%dma_start3A_1730, %dma_start3A_1737] : memref<6x100xi32, #tpu.memory_space<vmem>> -> memref<1x100xi32, #tpu.memory_space<vmem>>
      %dma_start3A_1739 = tpu.memref_squeeze %dma_start3A_1738 : memref<1x100xi32, #tpu.memory_space<vmem>> -> memref<100xi32, #tpu.memory_space<vmem>>
      %dma_start3A_1740 = arith.constant 0 : i32
      %dma_start3A_1741 = tpu.memref_slice %arg3[%dma_start3A_1729, %add3A, %add3A_1714, %dma_start3A_1740] : memref<2x32x100x100xi32, #tpu.memory_space<hbm>> -> memref<1x1x1x100xi32, #tpu.memory_space<hbm>>
      %dma_start3A_1742 = tpu.memref_squeeze %dma_start3A_1741 : memref<1x1x1x100xi32, #tpu.memory_space<hbm>> -> memref<100xi32, #tpu.memory_space<hbm>>
      tpu.enqueue_dma source(%dma_start3A_1742 : memref<100xi32, #tpu.memory_space<hbm>>) target(%dma_start3A_1739 : memref<100xi32, #tpu.memory_space<vmem>>) target_semaphore(%arg14 : memref<!tpu.dma_semaphore, #tpu.memory_space<semaphore_mem>>)
      %add3A_1743 = arith.constant 4 : i32
      %add3A_1744 = arith.addi %mul3A_1336, %add3A_1743 : i32
      %add3A_1745 = arith.constant 3 : i32
      %add3A_1746 = arith.addi %add3A_1744, %add3A_1745 : i32
      %dma_wait3A_1747 = arith.constant 0 : i32
      %dma_wait3A_1748 = arith.constant 1 : i32
      %dma_wait3A_1749 = arith.constant 0 : i32
      %dma_wait3A_1750 = tpu.memref_slice %arg5[%dma_wait3A_1748, %dma_wait3A_1749] : memref<6x100xi32, #tpu.memory_space<vmem>> -> memref<1x100xi32, #tpu.memory_space<vmem>>
      %dma_wait3A_1751 = tpu.memref_squeeze %dma_wait3A_1750 : memref<1x100xi32, #tpu.memory_space<vmem>> -> memref<100xi32, #tpu.memory_space<vmem>>
      %dma_wait3A_1752 = arith.constant 0 : i32
      %dma_wait3A_1753 = tpu.memref_slice %arg3[%dma_wait3A_1747, %add3A, %add3A_1746, %dma_wait3A_1752] : memref<2x32x100x100xi32, #tpu.memory_space<hbm>> -> memref<1x1x1x100xi32, #tpu.memory_space<hbm>>
      %dma_wait3A_1754 = tpu.memref_squeeze %dma_wait3A_1753 : memref<1x1x1x100xi32, #tpu.memory_space<hbm>> -> memref<100xi32, #tpu.memory_space<hbm>>
      %dma_wait3A_1755 = arith.constant 0 : i32
      %dma_wait3A_1756 = tpu.memref_slice %arg5[%dma_wait3A_1748, %dma_wait3A_1755] : memref<6x100xi32, #tpu.memory_space<vmem>> -> memref<1x100xi32, #tpu.memory_space<vmem>>
      %dma_wait3A_1757 = tpu.memref_squeeze %dma_wait3A_1756 : memref<1x100xi32, #tpu.memory_space<vmem>> -> memref<100xi32, #tpu.memory_space<vmem>>
      %dma_wait3A_1758 = arith.constant 0 : i32
      %dma_wait3A_1759 = tpu.memref_slice %arg3[%dma_wait3A_1747, %add3A, %add3A_1746, %dma_wait3A_1758] : memref<2x32x100x100xi32, #tpu.memory_space<hbm>> -> memref<1x1x1x100xi32, #tpu.memory_space<hbm>>
      %dma_wait3A_1760 = tpu.memref_squeeze %dma_wait3A_1759 : memref<1x1x1x100xi32, #tpu.memory_space<hbm>> -> memref<100xi32, #tpu.memory_space<hbm>>
      tpu.wait_dma2 semaphore(%arg11 : memref<!tpu.dma_semaphore, #tpu.memory_space<semaphore_mem>>) src(%dma_wait3A_1760 : memref<100xi32, #tpu.memory_space<hbm>>) dst(%dma_wait3A_1757 : memref<100xi32, #tpu.memory_space<vmem>>)
      %dma_wait3A_1761 = arith.constant 1 : i32
      %dma_wait3A_1762 = arith.constant 1 : i32
      %dma_wait3A_1763 = arith.constant 0 : i32
      %dma_wait3A_1764 = tpu.memref_slice %arg6[%dma_wait3A_1762, %dma_wait3A_1763] : memref<6x100xi32, #tpu.memory_space<vmem>> -> memref<1x100xi32, #tpu.memory_space<vmem>>
      %dma_wait3A_1765 = tpu.memref_squeeze %dma_wait3A_1764 : memref<1x100xi32, #tpu.memory_space<vmem>> -> memref<100xi32, #tpu.memory_space<vmem>>
      %dma_wait3A_1766 = arith.constant 0 : i32
      %dma_wait3A_1767 = tpu.memref_slice %arg3[%dma_wait3A_1761, %add3A, %add3A_1746, %dma_wait3A_1766] : memref<2x32x100x100xi32, #tpu.memory_space<hbm>> -> memref<1x1x1x100xi32, #tpu.memory_space<hbm>>
      %dma_wait3A_1768 = tpu.memref_squeeze %dma_wait3A_1767 : memref<1x1x1x100xi32, #tpu.memory_space<hbm>> -> memref<100xi32, #tpu.memory_space<hbm>>
      %dma_wait3A_1769 = arith.constant 0 : i32
      %dma_wait3A_1770 = tpu.memref_slice %arg6[%dma_wait3A_1762, %dma_wait3A_1769] : memref<6x100xi32, #tpu.memory_space<vmem>> -> memref<1x100xi32, #tpu.memory_space<vmem>>
      %dma_wait3A_1771 = tpu.memref_squeeze %dma_wait3A_1770 : memref<1x100xi32, #tpu.memory_space<vmem>> -> memref<100xi32, #tpu.memory_space<vmem>>
      %dma_wait3A_1772 = arith.constant 0 : i32
      %dma_wait3A_1773 = tpu.memref_slice %arg3[%dma_wait3A_1761, %add3A, %add3A_1746, %dma_wait3A_1772] : memref<2x32x100x100xi32, #tpu.memory_space<hbm>> -> memref<1x1x1x100xi32, #tpu.memory_space<hbm>>
      %dma_wait3A_1774 = tpu.memref_squeeze %dma_wait3A_1773 : memref<1x1x1x100xi32, #tpu.memory_space<hbm>> -> memref<100xi32, #tpu.memory_space<hbm>>
      tpu.wait_dma2 semaphore(%arg11 : memref<!tpu.dma_semaphore, #tpu.memory_space<semaphore_mem>>) src(%dma_wait3A_1774 : memref<100xi32, #tpu.memory_space<hbm>>) dst(%dma_wait3A_1771 : memref<100xi32, #tpu.memory_space<vmem>>)
      %dma_start3A_1775 = arith.constant 1 : i32
      %dma_start3A_1776 = arith.constant 1 : i32
      %dma_start3A_1777 = arith.constant 0 : i32
      %dma_start3A_1778 = arith.constant 0 : i32
      %dma_start3A_1779 = tpu.memref_slice %arg7[%dma_start3A_1776, %dma_start3A_1777, %dma_start3A_1778] : memref<3x100x128xf32, #tpu.memory_space<vmem>> -> memref<1x100x128xf32, #tpu.memory_space<vmem>>
      %dma_start3A_1780 = tpu.memref_squeeze %dma_start3A_1779 : memref<1x100x128xf32, #tpu.memory_space<vmem>> -> memref<100x128xf32, #tpu.memory_space<vmem>>
      %dma_start3A_1781 = arith.constant 0 : i32
      %dma_start3A_1782 = tpu.memref_slice %arg5[%dma_start3A_1775, %dma_start3A_1781] : memref<6x100xi32, #tpu.memory_space<vmem>> -> memref<1x100xi32, #tpu.memory_space<vmem>>
      %dma_start3A_1783 = tpu.memref_squeeze %dma_start3A_1782 : memref<1x100xi32, #tpu.memory_space<vmem>> -> memref<100xi32, #tpu.memory_space<vmem>>
      %dma_start3A_1784 = arith.constant 0 : i32
      %dma_start3A_1785 = arith.constant 0 : i32
      %dma_start3A_1786 = tpu.memref_slice %arg2[%dma_start3A_1784, %dma_start3A_1785] : memref<10000x128xf32, #tpu.memory_space<hbm>> -> memref<10000x128xf32, #tpu.memory_space<hbm>>
      tpu.enqueue_indirect_dma source(%dma_start3A_1786 : memref<10000x128xf32, #tpu.memory_space<hbm>>) target(%dma_start3A_1780 : memref<100x128xf32, #tpu.memory_space<vmem>>) offsets(%dma_start3A_1783 : memref<100xi32, #tpu.memory_space<vmem>>) semaphore(%arg17 : memref<!tpu.dma_semaphore, #tpu.memory_space<semaphore_mem>>)
      %dma_wait3A_1787 = arith.constant 5 : i32
      %dma_wait3A_1788 = arith.constant 2 : i32
      %dma_wait3A_1789 = arith.constant 0 : i32
      %dma_wait3A_1790 = arith.constant 0 : i32
      %dma_wait3A_1791 = tpu.memref_slice %arg7[%dma_wait3A_1788, %dma_wait3A_1789, %dma_wait3A_1790] : memref<3x100x128xf32, #tpu.memory_space<vmem>> -> memref<1x100x128xf32, #tpu.memory_space<vmem>>
      %dma_wait3A_1792 = tpu.memref_squeeze %dma_wait3A_1791 : memref<1x100x128xf32, #tpu.memory_space<vmem>> -> memref<100x128xf32, #tpu.memory_space<vmem>>
      %dma_wait3A_1793 = arith.constant 0 : i32
      %dma_wait3A_1794 = tpu.memref_slice %arg5[%dma_wait3A_1787, %dma_wait3A_1793] : memref<6x100xi32, #tpu.memory_space<vmem>> -> memref<1x100xi32, #tpu.memory_space<vmem>>
      %dma_wait3A_1795 = tpu.memref_squeeze %dma_wait3A_1794 : memref<1x100xi32, #tpu.memory_space<vmem>> -> memref<100xi32, #tpu.memory_space<vmem>>
      %dma_wait3A_1796 = arith.constant 0 : i32
      %dma_wait3A_1797 = arith.constant 0 : i32
      %dma_wait3A_1798 = tpu.memref_slice %arg2[%dma_wait3A_1796, %dma_wait3A_1797] : memref<10000x128xf32, #tpu.memory_space<hbm>> -> memref<10000x128xf32, #tpu.memory_space<hbm>>
      tpu.wait_indirect_dma semaphore(%arg18 : memref<!tpu.dma_semaphore, #tpu.memory_space<semaphore_mem>>) src(%dma_wait3A_1798 : memref<10000x128xf32, #tpu.memory_space<hbm>>) dst(%dma_wait3A_1792 : memref<100x128xf32, #tpu.memory_space<vmem>>)
      %run_scoped3A_1799 = arith.constant 2 : i32
      %run_scoped3A_1800 = arith.constant 5 : i32
      "tpu.region"() ({
        %run_scoped3A_1877 = tpu.sem_alloc : memref<!tpu.dma_semaphore, #tpu.memory_space<semaphore_mem>>
        %dma_start3A_1878 = arith.constant 0 : i32
        %dma_start3A_1879 = arith.constant 0 : i32
        %dma_start3A_1880 = tpu.memref_slice %arg7[%run_scoped3A_1799, %dma_start3A_1878, %dma_start3A_1879] : memref<3x100x128xf32, #tpu.memory_space<vmem>> -> memref<1x100x128xf32, #tpu.memory_space<vmem>>
        %dma_start3A_1881 = tpu.memref_squeeze %dma_start3A_1880 : memref<1x100x128xf32, #tpu.memory_space<vmem>> -> memref<100x128xf32, #tpu.memory_space<vmem>>
        %dma_start3A_1882 = arith.constant 0 : i32
        %dma_start3A_1883 = tpu.memref_slice %arg6[%run_scoped3A_1800, %dma_start3A_1882] : memref<6x100xi32, #tpu.memory_space<vmem>> -> memref<1x100xi32, #tpu.memory_space<vmem>>
        %dma_start3A_1884 = tpu.memref_squeeze %dma_start3A_1883 : memref<1x100xi32, #tpu.memory_space<vmem>> -> memref<100xi32, #tpu.memory_space<vmem>>
        %dma_start3A_1885 = arith.constant 0 : i32
        %dma_start3A_1886 = arith.constant 0 : i32
        %dma_start3A_1887 = tpu.memref_slice %arg9[%dma_start3A_1885, %dma_start3A_1886] : memref<10240x128xf32, #tpu.memory_space<vmem_shared>> -> memref<10240x128xf32, #tpu.memory_space<vmem_shared>>
        tpu.enqueue_indirect_dma source(%dma_start3A_1881 : memref<100x128xf32, #tpu.memory_space<vmem>>) target(%dma_start3A_1887 : memref<10240x128xf32, #tpu.memory_space<vmem_shared>>) offsets(%dma_start3A_1884 : memref<100xi32, #tpu.memory_space<vmem>>) semaphore(%run_scoped3A_1877 : memref<!tpu.dma_semaphore, #tpu.memory_space<semaphore_mem>>) {add = true}
        %dma_wait3A_1888 = arith.constant 0 : i32
        %dma_wait3A_1889 = arith.constant 0 : i32
        %dma_wait3A_1890 = tpu.memref_slice %arg7[%run_scoped3A_1799, %dma_wait3A_1888, %dma_wait3A_1889] : memref<3x100x128xf32, #tpu.memory_space<vmem>> -> memref<1x100x128xf32, #tpu.memory_space<vmem>>
        %dma_wait3A_1891 = tpu.memref_squeeze %dma_wait3A_1890 : memref<1x100x128xf32, #tpu.memory_space<vmem>> -> memref<100x128xf32, #tpu.memory_space<vmem>>
        %dma_wait3A_1892 = arith.constant 0 : i32
        %dma_wait3A_1893 = tpu.memref_slice %arg6[%run_scoped3A_1800, %dma_wait3A_1892] : memref<6x100xi32, #tpu.memory_space<vmem>> -> memref<1x100xi32, #tpu.memory_space<vmem>>
        %dma_wait3A_1894 = tpu.memref_squeeze %dma_wait3A_1893 : memref<1x100xi32, #tpu.memory_space<vmem>> -> memref<100xi32, #tpu.memory_space<vmem>>
        %dma_wait3A_1895 = arith.constant 0 : i32
        %dma_wait3A_1896 = arith.constant 0 : i32
        %dma_wait3A_1897 = tpu.memref_slice %arg9[%dma_wait3A_1895, %dma_wait3A_1896] : memref<10240x128xf32, #tpu.memory_space<vmem_shared>> -> memref<10240x128xf32, #tpu.memory_space<vmem_shared>>
        tpu.wait_indirect_dma semaphore(%run_scoped3A_1877 : memref<!tpu.dma_semaphore, #tpu.memory_space<semaphore_mem>>) src(%dma_wait3A_1891 : memref<100x128xf32, #tpu.memory_space<vmem>>) dst(%dma_wait3A_1897 : memref<10240x128xf32, #tpu.memory_space<vmem_shared>>)
        tpu.yield
      }) : () -> ()
      %add3A_1801 = arith.constant 5 : i32
      %add3A_1802 = arith.addi %mul3A_1336, %add3A_1801 : i32
      %add3A_1803 = arith.constant 6 : i32
      %add3A_1804 = arith.addi %add3A_1802, %add3A_1803 : i32
      %dma_start3A_1805 = arith.constant 0 : i32
      %dma_start3A_1806 = arith.constant 5 : i32
      %dma_start3A_1807 = arith.constant 0 : i32
      %dma_start3A_1808 = tpu.memref_slice %arg5[%dma_start3A_1806, %dma_start3A_1807] : memref<6x100xi32, #tpu.memory_space<vmem>> -> memref<1x100xi32, #tpu.memory_space<vmem>>
      %dma_start3A_1809 = tpu.memref_squeeze %dma_start3A_1808 : memref<1x100xi32, #tpu.memory_space<vmem>> -> memref<100xi32, #tpu.memory_space<vmem>>
      %dma_start3A_1810 = arith.constant 0 : i32
      %dma_start3A_1811 = tpu.memref_slice %arg3[%dma_start3A_1805, %add3A, %add3A_1804, %dma_start3A_1810] : memref<2x32x100x100xi32, #tpu.memory_space<hbm>> -> memref<1x1x1x100xi32, #tpu.memory_space<hbm>>
      %dma_start3A_1812 = tpu.memref_squeeze %dma_start3A_1811 : memref<1x1x1x100xi32, #tpu.memory_space<hbm>> -> memref<100xi32, #tpu.memory_space<hbm>>
      %dma_start3A_1813 = arith.constant 0 : i32
      %dma_start3A_1814 = tpu.memref_slice %arg5[%dma_start3A_1806, %dma_start3A_1813] : memref<6x100xi32, #tpu.memory_space<vmem>> -> memref<1x100xi32, #tpu.memory_space<vmem>>
      %dma_start3A_1815 = tpu.memref_squeeze %dma_start3A_1814 : memref<1x100xi32, #tpu.memory_space<vmem>> -> memref<100xi32, #tpu.memory_space<vmem>>
      %dma_start3A_1816 = arith.constant 0 : i32
      %dma_start3A_1817 = tpu.memref_slice %arg3[%dma_start3A_1805, %add3A, %add3A_1804, %dma_start3A_1816] : memref<2x32x100x100xi32, #tpu.memory_space<hbm>> -> memref<1x1x1x100xi32, #tpu.memory_space<hbm>>
      %dma_start3A_1818 = tpu.memref_squeeze %dma_start3A_1817 : memref<1x1x1x100xi32, #tpu.memory_space<hbm>> -> memref<100xi32, #tpu.memory_space<hbm>>
      tpu.enqueue_dma source(%dma_start3A_1818 : memref<100xi32, #tpu.memory_space<hbm>>) target(%dma_start3A_1815 : memref<100xi32, #tpu.memory_space<vmem>>) target_semaphore(%arg15 : memref<!tpu.dma_semaphore, #tpu.memory_space<semaphore_mem>>)
      %dma_start3A_1819 = arith.constant 1 : i32
      %dma_start3A_1820 = arith.constant 5 : i32
      %dma_start3A_1821 = arith.constant 0 : i32
      %dma_start3A_1822 = tpu.memref_slice %arg6[%dma_start3A_1820, %dma_start3A_1821] : memref<6x100xi32, #tpu.memory_space<vmem>> -> memref<1x100xi32, #tpu.memory_space<vmem>>
      %dma_start3A_1823 = tpu.memref_squeeze %dma_start3A_1822 : memref<1x100xi32, #tpu.memory_space<vmem>> -> memref<100xi32, #tpu.memory_space<vmem>>
      %dma_start3A_1824 = arith.constant 0 : i32
      %dma_start3A_1825 = tpu.memref_slice %arg3[%dma_start3A_1819, %add3A, %add3A_1804, %dma_start3A_1824] : memref<2x32x100x100xi32, #tpu.memory_space<hbm>> -> memref<1x1x1x100xi32, #tpu.memory_space<hbm>>
      %dma_start3A_1826 = tpu.memref_squeeze %dma_start3A_1825 : memref<1x1x1x100xi32, #tpu.memory_space<hbm>> -> memref<100xi32, #tpu.memory_space<hbm>>
      %dma_start3A_1827 = arith.constant 0 : i32
      %dma_start3A_1828 = tpu.memref_slice %arg6[%dma_start3A_1820, %dma_start3A_1827] : memref<6x100xi32, #tpu.memory_space<vmem>> -> memref<1x100xi32, #tpu.memory_space<vmem>>
      %dma_start3A_1829 = tpu.memref_squeeze %dma_start3A_1828 : memref<1x100xi32, #tpu.memory_space<vmem>> -> memref<100xi32, #tpu.memory_space<vmem>>
      %dma_start3A_1830 = arith.constant 0 : i32
      %dma_start3A_1831 = tpu.memref_slice %arg3[%dma_start3A_1819, %add3A, %add3A_1804, %dma_start3A_1830] : memref<2x32x100x100xi32, #tpu.memory_space<hbm>> -> memref<1x1x1x100xi32, #tpu.memory_space<hbm>>
      %dma_start3A_1832 = tpu.memref_squeeze %dma_start3A_1831 : memref<1x1x1x100xi32, #tpu.memory_space<hbm>> -> memref<100xi32, #tpu.memory_space<hbm>>
      tpu.enqueue_dma source(%dma_start3A_1832 : memref<100xi32, #tpu.memory_space<hbm>>) target(%dma_start3A_1829 : memref<100xi32, #tpu.memory_space<vmem>>) target_semaphore(%arg15 : memref<!tpu.dma_semaphore, #tpu.memory_space<semaphore_mem>>)
      %add3A_1833 = arith.constant 5 : i32
      %add3A_1834 = arith.addi %mul3A_1336, %add3A_1833 : i32
      %add3A_1835 = arith.constant 3 : i32
      %add3A_1836 = arith.addi %add3A_1834, %add3A_1835 : i32
      %dma_wait3A_1837 = arith.constant 0 : i32
      %dma_wait3A_1838 = arith.constant 2 : i32
      %dma_wait3A_1839 = arith.constant 0 : i32
      %dma_wait3A_1840 = tpu.memref_slice %arg5[%dma_wait3A_1838, %dma_wait3A_1839] : memref<6x100xi32, #tpu.memory_space<vmem>> -> memref<1x100xi32, #tpu.memory_space<vmem>>
      %dma_wait3A_1841 = tpu.memref_squeeze %dma_wait3A_1840 : memref<1x100xi32, #tpu.memory_space<vmem>> -> memref<100xi32, #tpu.memory_space<vmem>>
      %dma_wait3A_1842 = arith.constant 0 : i32
      %dma_wait3A_1843 = tpu.memref_slice %arg3[%dma_wait3A_1837, %add3A, %add3A_1836, %dma_wait3A_1842] : memref<2x32x100x100xi32, #tpu.memory_space<hbm>> -> memref<1x1x1x100xi32, #tpu.memory_space<hbm>>
      %dma_wait3A_1844 = tpu.memref_squeeze %dma_wait3A_1843 : memref<1x1x1x100xi32, #tpu.memory_space<hbm>> -> memref<100xi32, #tpu.memory_space<hbm>>
      %dma_wait3A_1845 = arith.constant 0 : i32
      %dma_wait3A_1846 = tpu.memref_slice %arg5[%dma_wait3A_1838, %dma_wait3A_1845] : memref<6x100xi32, #tpu.memory_space<vmem>> -> memref<1x100xi32, #tpu.memory_space<vmem>>
      %dma_wait3A_1847 = tpu.memref_squeeze %dma_wait3A_1846 : memref<1x100xi32, #tpu.memory_space<vmem>> -> memref<100xi32, #tpu.memory_space<vmem>>
      %dma_wait3A_1848 = arith.constant 0 : i32
      %dma_wait3A_1849 = tpu.memref_slice %arg3[%dma_wait3A_1837, %add3A, %add3A_1836, %dma_wait3A_1848] : memref<2x32x100x100xi32, #tpu.memory_space<hbm>> -> memref<1x1x1x100xi32, #tpu.memory_space<hbm>>
      %dma_wait3A_1850 = tpu.memref_squeeze %dma_wait3A_1849 : memref<1x1x1x100xi32, #tpu.memory_space<hbm>> -> memref<100xi32, #tpu.memory_space<hbm>>
      tpu.wait_dma2 semaphore(%arg12 : memref<!tpu.dma_semaphore, #tpu.memory_space<semaphore_mem>>) src(%dma_wait3A_1850 : memref<100xi32, #tpu.memory_space<hbm>>) dst(%dma_wait3A_1847 : memref<100xi32, #tpu.memory_space<vmem>>)
      %dma_wait3A_1851 = arith.constant 1 : i32
      %dma_wait3A_1852 = arith.constant 2 : i32
      %dma_wait3A_1853 = arith.constant 0 : i32
      %dma_wait3A_1854 = tpu.memref_slice %arg6[%dma_wait3A_1852, %dma_wait3A_1853] : memref<6x100xi32, #tpu.memory_space<vmem>> -> memref<1x100xi32, #tpu.memory_space<vmem>>
      %dma_wait3A_1855 = tpu.memref_squeeze %dma_wait3A_1854 : memref<1x100xi32, #tpu.memory_space<vmem>> -> memref<100xi32, #tpu.memory_space<vmem>>
      %dma_wait3A_1856 = arith.constant 0 : i32
      %dma_wait3A_1857 = tpu.memref_slice %arg3[%dma_wait3A_1851, %add3A, %add3A_1836, %dma_wait3A_1856] : memref<2x32x100x100xi32, #tpu.memory_space<hbm>> -> memref<1x1x1x100xi32, #tpu.memory_space<hbm>>
      %dma_wait3A_1858 = tpu.memref_squeeze %dma_wait3A_1857 : memref<1x1x1x100xi32, #tpu.memory_space<hbm>> -> memref<100xi32, #tpu.memory_space<hbm>>
      %dma_wait3A_1859 = arith.constant 0 : i32
      %dma_wait3A_1860 = tpu.memref_slice %arg6[%dma_wait3A_1852, %dma_wait3A_1859] : memref<6x100xi32, #tpu.memory_space<vmem>> -> memref<1x100xi32, #tpu.memory_space<vmem>>
      %dma_wait3A_1861 = tpu.memref_squeeze %dma_wait3A_1860 : memref<1x100xi32, #tpu.memory_space<vmem>> -> memref<100xi32, #tpu.memory_space<vmem>>
      %dma_wait3A_1862 = arith.constant 0 : i32
      %dma_wait3A_1863 = tpu.memref_slice %arg3[%dma_wait3A_1851, %add3A, %add3A_1836, %dma_wait3A_1862] : memref<2x32x100x100xi32, #tpu.memory_space<hbm>> -> memref<1x1x1x100xi32, #tpu.memory_space<hbm>>
      %dma_wait3A_1864 = tpu.memref_squeeze %dma_wait3A_1863 : memref<1x1x1x100xi32, #tpu.memory_space<hbm>> -> memref<100xi32, #tpu.memory_space<hbm>>
      tpu.wait_dma2 semaphore(%arg12 : memref<!tpu.dma_semaphore, #tpu.memory_space<semaphore_mem>>) src(%dma_wait3A_1864 : memref<100xi32, #tpu.memory_space<hbm>>) dst(%dma_wait3A_1861 : memref<100xi32, #tpu.memory_space<vmem>>)
      %dma_start3A_1865 = arith.constant 2 : i32
      %dma_start3A_1866 = arith.constant 2 : i32
      %dma_start3A_1867 = arith.constant 0 : i32
      %dma_start3A_1868 = arith.constant 0 : i32
      %dma_start3A_1869 = tpu.memref_slice %arg7[%dma_start3A_1866, %dma_start3A_1867, %dma_start3A_1868] : memref<3x100x128xf32, #tpu.memory_space<vmem>> -> memref<1x100x128xf32, #tpu.memory_space<vmem>>
      %dma_start3A_1870 = tpu.memref_squeeze %dma_start3A_1869 : memref<1x100x128xf32, #tpu.memory_space<vmem>> -> memref<100x128xf32, #tpu.memory_space<vmem>>
      %dma_start3A_1871 = arith.constant 0 : i32
      %dma_start3A_1872 = tpu.memref_slice %arg5[%dma_start3A_1865, %dma_start3A_1871] : memref<6x100xi32, #tpu.memory_space<vmem>> -> memref<1x100xi32, #tpu.memory_space<vmem>>
      %dma_start3A_1873 = tpu.memref_squeeze %dma_start3A_1872 : memref<1x100xi32, #tpu.memory_space<vmem>> -> memref<100xi32, #tpu.memory_space<vmem>>
      %dma_start3A_1874 = arith.constant 0 : i32
      %dma_start3A_1875 = arith.constant 0 : i32
      %dma_start3A_1876 = tpu.memref_slice %arg2[%dma_start3A_1874, %dma_start3A_1875] : memref<10000x128xf32, #tpu.memory_space<hbm>> -> memref<10000x128xf32, #tpu.memory_space<hbm>>
      tpu.enqueue_indirect_dma source(%dma_start3A_1876 : memref<10000x128xf32, #tpu.memory_space<hbm>>) target(%dma_start3A_1870 : memref<100x128xf32, #tpu.memory_space<vmem>>) offsets(%dma_start3A_1873 : memref<100xi32, #tpu.memory_space<vmem>>) semaphore(%arg18 : memref<!tpu.dma_semaphore, #tpu.memory_space<semaphore_mem>>)
    }
    %scan3A_635 = arith.constant 15 : i32
    %dma_wait3A_636 = arith.constant 0 : i32
    %dma_wait3A_637 = arith.constant 0 : i32
    %dma_wait3A_638 = arith.constant 0 : i32
    %dma_wait3A_639 = arith.constant 0 : i32
    %dma_wait3A_640 = tpu.memref_slice %arg7[%dma_wait3A_637, %dma_wait3A_638, %dma_wait3A_639] : memref<3x100x128xf32, #tpu.memory_space<vmem>> -> memref<1x100x128xf32, #tpu.memory_space<vmem>>
    %dma_wait3A_641 = tpu.memref_squeeze %dma_wait3A_640 : memref<1x100x128xf32, #tpu.memory_space<vmem>> -> memref<100x128xf32, #tpu.memory_space<vmem>>
    %dma_wait3A_642 = arith.constant 0 : i32
    %dma_wait3A_643 = tpu.memref_slice %arg5[%dma_wait3A_636, %dma_wait3A_642] : memref<6x100xi32, #tpu.memory_space<vmem>> -> memref<1x100xi32, #tpu.memory_space<vmem>>
    %dma_wait3A_644 = tpu.memref_squeeze %dma_wait3A_643 : memref<1x100xi32, #tpu.memory_space<vmem>> -> memref<100xi32, #tpu.memory_space<vmem>>
    %dma_wait3A_645 = arith.constant 0 : i32
    %dma_wait3A_646 = arith.constant 0 : i32
    %dma_wait3A_647 = tpu.memref_slice %arg2[%dma_wait3A_645, %dma_wait3A_646] : memref<10000x128xf32, #tpu.memory_space<hbm>> -> memref<10000x128xf32, #tpu.memory_space<hbm>>
    tpu.wait_indirect_dma semaphore(%arg16 : memref<!tpu.dma_semaphore, #tpu.memory_space<semaphore_mem>>) src(%dma_wait3A_647 : memref<10000x128xf32, #tpu.memory_space<hbm>>) dst(%dma_wait3A_641 : memref<100x128xf32, #tpu.memory_space<vmem>>)
    %run_scoped3A = arith.constant 0 : i32
    %run_scoped3A_648 = arith.constant 0 : i32
    "tpu.region"() ({
      %run_scoped3A_1334 = tpu.sem_alloc : memref<!tpu.dma_semaphore, #tpu.memory_space<semaphore_mem>>
      %dma_start3A_1335 = arith.constant 0 : i32
      %dma_start3A_1336 = arith.constant 0 : i32
      %dma_start3A_1337 = tpu.memref_slice %arg7[%run_scoped3A, %dma_start3A_1335, %dma_start3A_1336] : memref<3x100x128xf32, #tpu.memory_space<vmem>> -> memref<1x100x128xf32, #tpu.memory_space<vmem>>
      %dma_start3A_1338 = tpu.memref_squeeze %dma_start3A_1337 : memref<1x100x128xf32, #tpu.memory_space<vmem>> -> memref<100x128xf32, #tpu.memory_space<vmem>>
      %dma_start3A_1339 = arith.constant 0 : i32
      %dma_start3A_1340 = tpu.memref_slice %arg6[%run_scoped3A_648, %dma_start3A_1339] : memref<6x100xi32, #tpu.memory_space<vmem>> -> memref<1x100xi32, #tpu.memory_space<vmem>>
      %dma_start3A_1341 = tpu.memref_squeeze %dma_start3A_1340 : memref<1x100xi32, #tpu.memory_space<vmem>> -> memref<100xi32, #tpu.memory_space<vmem>>
      %dma_start3A_1342 = arith.constant 0 : i32
      %dma_start3A_1343 = arith.constant 0 : i32
      %dma_start3A_1344 = tpu.memref_slice %arg9[%dma_start3A_1342, %dma_start3A_1343] : memref<10240x128xf32, #tpu.memory_space<vmem_shared>> -> memref<10240x128xf32, #tpu.memory_space<vmem_shared>>
      tpu.enqueue_indirect_dma source(%dma_start3A_1338 : memref<100x128xf32, #tpu.memory_space<vmem>>) target(%dma_start3A_1344 : memref<10240x128xf32, #tpu.memory_space<vmem_shared>>) offsets(%dma_start3A_1341 : memref<100xi32, #tpu.memory_space<vmem>>) semaphore(%run_scoped3A_1334 : memref<!tpu.dma_semaphore, #tpu.memory_space<semaphore_mem>>) {add = true}
      %dma_wait3A_1345 = arith.constant 0 : i32
      %dma_wait3A_1346 = arith.constant 0 : i32
      %dma_wait3A_1347 = tpu.memref_slice %arg7[%run_scoped3A, %dma_wait3A_1345, %dma_wait3A_1346] : memref<3x100x128xf32, #tpu.memory_space<vmem>> -> memref<1x100x128xf32, #tpu.memory_space<vmem>>
      %dma_wait3A_1348 = tpu.memref_squeeze %dma_wait3A_1347 : memref<1x100x128xf32, #tpu.memory_space<vmem>> -> memref<100x128xf32, #tpu.memory_space<vmem>>
      %dma_wait3A_1349 = arith.constant 0 : i32
      %dma_wait3A_1350 = tpu.memref_slice %arg6[%run_scoped3A_648, %dma_wait3A_1349] : memref<6x100xi32, #tpu.memory_space<vmem>> -> memref<1x100xi32, #tpu.memory_space<vmem>>
      %dma_wait3A_1351 = tpu.memref_squeeze %dma_wait3A_1350 : memref<1x100xi32, #tpu.memory_space<vmem>> -> memref<100xi32, #tpu.memory_space<vmem>>
      %dma_wait3A_1352 = arith.constant 0 : i32
      %dma_wait3A_1353 = arith.constant 0 : i32
      %dma_wait3A_1354 = tpu.memref_slice %arg9[%dma_wait3A_1352, %dma_wait3A_1353] : memref<10240x128xf32, #tpu.memory_space<vmem_shared>> -> memref<10240x128xf32, #tpu.memory_space<vmem_shared>>
      tpu.wait_indirect_dma semaphore(%run_scoped3A_1334 : memref<!tpu.dma_semaphore, #tpu.memory_space<semaphore_mem>>) src(%dma_wait3A_1348 : memref<100x128xf32, #tpu.memory_space<vmem>>) dst(%dma_wait3A_1354 : memref<10240x128xf32, #tpu.memory_space<vmem_shared>>)
      tpu.yield
    }) : () -> ()
    %dma_start3A_649 = arith.constant 0 : i32
    %dma_start3A_650 = arith.constant 96 : i32
    %dma_start3A_651 = arith.constant 0 : i32
    %dma_start3A_652 = arith.constant 0 : i32
    %dma_start3A_653 = tpu.memref_slice %arg5[%dma_start3A_651, %dma_start3A_652] : memref<6x100xi32, #tpu.memory_space<vmem>> -> memref<1x100xi32, #tpu.memory_space<vmem>>
    %dma_start3A_654 = tpu.memref_squeeze %dma_start3A_653 : memref<1x100xi32, #tpu.memory_space<vmem>> -> memref<100xi32, #tpu.memory_space<vmem>>
    %dma_start3A_655 = arith.constant 0 : i32
    %dma_start3A_656 = tpu.memref_slice %arg3[%dma_start3A_649, %add3A, %dma_start3A_650, %dma_start3A_655] : memref<2x32x100x100xi32, #tpu.memory_space<hbm>> -> memref<1x1x1x100xi32, #tpu.memory_space<hbm>>
    %dma_start3A_657 = tpu.memref_squeeze %dma_start3A_656 : memref<1x1x1x100xi32, #tpu.memory_space<hbm>> -> memref<100xi32, #tpu.memory_space<hbm>>
    %dma_start3A_658 = arith.constant 0 : i32
    %dma_start3A_659 = tpu.memref_slice %arg5[%dma_start3A_651, %dma_start3A_658] : memref<6x100xi32, #tpu.memory_space<vmem>> -> memref<1x100xi32, #tpu.memory_space<vmem>>
    %dma_start3A_660 = tpu.memref_squeeze %dma_start3A_659 : memref<1x100xi32, #tpu.memory_space<vmem>> -> memref<100xi32, #tpu.memory_space<vmem>>
    %dma_start3A_661 = arith.constant 0 : i32
    %dma_start3A_662 = tpu.memref_slice %arg3[%dma_start3A_649, %add3A, %dma_start3A_650, %dma_start3A_661] : memref<2x32x100x100xi32, #tpu.memory_space<hbm>> -> memref<1x1x1x100xi32, #tpu.memory_space<hbm>>
    %dma_start3A_663 = tpu.memref_squeeze %dma_start3A_662 : memref<1x1x1x100xi32, #tpu.memory_space<hbm>> -> memref<100xi32, #tpu.memory_space<hbm>>
    tpu.enqueue_dma source(%dma_start3A_663 : memref<100xi32, #tpu.memory_space<hbm>>) target(%dma_start3A_660 : memref<100xi32, #tpu.memory_space<vmem>>) target_semaphore(%arg10 : memref<!tpu.dma_semaphore, #tpu.memory_space<semaphore_mem>>)
    %dma_start3A_664 = arith.constant 1 : i32
    %dma_start3A_665 = arith.constant 96 : i32
    %dma_start3A_666 = arith.constant 0 : i32
    %dma_start3A_667 = arith.constant 0 : i32
    %dma_start3A_668 = tpu.memref_slice %arg6[%dma_start3A_666, %dma_start3A_667] : memref<6x100xi32, #tpu.memory_space<vmem>> -> memref<1x100xi32, #tpu.memory_space<vmem>>
    %dma_start3A_669 = tpu.memref_squeeze %dma_start3A_668 : memref<1x100xi32, #tpu.memory_space<vmem>> -> memref<100xi32, #tpu.memory_space<vmem>>
    %dma_start3A_670 = arith.constant 0 : i32
    %dma_start3A_671 = tpu.memref_slice %arg3[%dma_start3A_664, %add3A, %dma_start3A_665, %dma_start3A_670] : memref<2x32x100x100xi32, #tpu.memory_space<hbm>> -> memref<1x1x1x100xi32, #tpu.memory_space<hbm>>
    %dma_start3A_672 = tpu.memref_squeeze %dma_start3A_671 : memref<1x1x1x100xi32, #tpu.memory_space<hbm>> -> memref<100xi32, #tpu.memory_space<hbm>>
    %dma_start3A_673 = arith.constant 0 : i32
    %dma_start3A_674 = tpu.memref_slice %arg6[%dma_start3A_666, %dma_start3A_673] : memref<6x100xi32, #tpu.memory_space<vmem>> -> memref<1x100xi32, #tpu.memory_space<vmem>>
    %dma_start3A_675 = tpu.memref_squeeze %dma_start3A_674 : memref<1x100xi32, #tpu.memory_space<vmem>> -> memref<100xi32, #tpu.memory_space<vmem>>
    %dma_start3A_676 = arith.constant 0 : i32
    %dma_start3A_677 = tpu.memref_slice %arg3[%dma_start3A_664, %add3A, %dma_start3A_665, %dma_start3A_676] : memref<2x32x100x100xi32, #tpu.memory_space<hbm>> -> memref<1x1x1x100xi32, #tpu.memory_space<hbm>>
    %dma_start3A_678 = tpu.memref_squeeze %dma_start3A_677 : memref<1x1x1x100xi32, #tpu.memory_space<hbm>> -> memref<100xi32, #tpu.memory_space<hbm>>
    tpu.enqueue_dma source(%dma_start3A_678 : memref<100xi32, #tpu.memory_space<hbm>>) target(%dma_start3A_675 : memref<100xi32, #tpu.memory_space<vmem>>) target_semaphore(%arg10 : memref<!tpu.dma_semaphore, #tpu.memory_space<semaphore_mem>>)
    %dma_wait3A_679 = arith.constant 0 : i32
    %dma_wait3A_680 = arith.constant 93 : i32
    %dma_wait3A_681 = arith.constant 3 : i32
    %dma_wait3A_682 = arith.constant 0 : i32
    %dma_wait3A_683 = tpu.memref_slice %arg5[%dma_wait3A_681, %dma_wait3A_682] : memref<6x100xi32, #tpu.memory_space<vmem>> -> memref<1x100xi32, #tpu.memory_space<vmem>>
    %dma_wait3A_684 = tpu.memref_squeeze %dma_wait3A_683 : memref<1x100xi32, #tpu.memory_space<vmem>> -> memref<100xi32, #tpu.memory_space<vmem>>
    %dma_wait3A_685 = arith.constant 0 : i32
    %dma_wait3A_686 = tpu.memref_slice %arg3[%dma_wait3A_679, %add3A, %dma_wait3A_680, %dma_wait3A_685] : memref<2x32x100x100xi32, #tpu.memory_space<hbm>> -> memref<1x1x1x100xi32, #tpu.memory_space<hbm>>
    %dma_wait3A_687 = tpu.memref_squeeze %dma_wait3A_686 : memref<1x1x1x100xi32, #tpu.memory_space<hbm>> -> memref<100xi32, #tpu.memory_space<hbm>>
    %dma_wait3A_688 = arith.constant 0 : i32
    %dma_wait3A_689 = tpu.memref_slice %arg5[%dma_wait3A_681, %dma_wait3A_688] : memref<6x100xi32, #tpu.memory_space<vmem>> -> memref<1x100xi32, #tpu.memory_space<vmem>>
    %dma_wait3A_690 = tpu.memref_squeeze %dma_wait3A_689 : memref<1x100xi32, #tpu.memory_space<vmem>> -> memref<100xi32, #tpu.memory_space<vmem>>
    %dma_wait3A_691 = arith.constant 0 : i32
    %dma_wait3A_692 = tpu.memref_slice %arg3[%dma_wait3A_679, %add3A, %dma_wait3A_680, %dma_wait3A_691] : memref<2x32x100x100xi32, #tpu.memory_space<hbm>> -> memref<1x1x1x100xi32, #tpu.memory_space<hbm>>
    %dma_wait3A_693 = tpu.memref_squeeze %dma_wait3A_692 : memref<1x1x1x100xi32, #tpu.memory_space<hbm>> -> memref<100xi32, #tpu.memory_space<hbm>>
    tpu.wait_dma2 semaphore(%arg13 : memref<!tpu.dma_semaphore, #tpu.memory_space<semaphore_mem>>) src(%dma_wait3A_693 : memref<100xi32, #tpu.memory_space<hbm>>) dst(%dma_wait3A_690 : memref<100xi32, #tpu.memory_space<vmem>>)
    %dma_wait3A_694 = arith.constant 1 : i32
    %dma_wait3A_695 = arith.constant 93 : i32
    %dma_wait3A_696 = arith.constant 3 : i32
    %dma_wait3A_697 = arith.constant 0 : i32
    %dma_wait3A_698 = tpu.memref_slice %arg6[%dma_wait3A_696, %dma_wait3A_697] : memref<6x100xi32, #tpu.memory_space<vmem>> -> memref<1x100xi32, #tpu.memory_space<vmem>>
    %dma_wait3A_699 = tpu.memref_squeeze %dma_wait3A_698 : memref<1x100xi32, #tpu.memory_space<vmem>> -> memref<100xi32, #tpu.memory_space<vmem>>
    %dma_wait3A_700 = arith.constant 0 : i32
    %dma_wait3A_701 = tpu.memref_slice %arg3[%dma_wait3A_694, %add3A, %dma_wait3A_695, %dma_wait3A_700] : memref<2x32x100x100xi32, #tpu.memory_space<hbm>> -> memref<1x1x1x100xi32, #tpu.memory_space<hbm>>
    %dma_wait3A_702 = tpu.memref_squeeze %dma_wait3A_701 : memref<1x1x1x100xi32, #tpu.memory_space<hbm>> -> memref<100xi32, #tpu.memory_space<hbm>>
    %dma_wait3A_703 = arith.constant 0 : i32
    %dma_wait3A_704 = tpu.memref_slice %arg6[%dma_wait3A_696, %dma_wait3A_703] : memref<6x100xi32, #tpu.memory_space<vmem>> -> memref<1x100xi32, #tpu.memory_space<vmem>>
    %dma_wait3A_705 = tpu.memref_squeeze %dma_wait3A_704 : memref<1x100xi32, #tpu.memory_space<vmem>> -> memref<100xi32, #tpu.memory_space<vmem>>
    %dma_wait3A_706 = arith.constant 0 : i32
    %dma_wait3A_707 = tpu.memref_slice %arg3[%dma_wait3A_694, %add3A, %dma_wait3A_695, %dma_wait3A_706] : memref<2x32x100x100xi32, #tpu.memory_space<hbm>> -> memref<1x1x1x100xi32, #tpu.memory_space<hbm>>
    %dma_wait3A_708 = tpu.memref_squeeze %dma_wait3A_707 : memref<1x1x1x100xi32, #tpu.memory_space<hbm>> -> memref<100xi32, #tpu.memory_space<hbm>>
    tpu.wait_dma2 semaphore(%arg13 : memref<!tpu.dma_semaphore, #tpu.memory_space<semaphore_mem>>) src(%dma_wait3A_708 : memref<100xi32, #tpu.memory_space<hbm>>) dst(%dma_wait3A_705 : memref<100xi32, #tpu.memory_space<vmem>>)
    %dma_start3A_709 = arith.constant 3 : i32
    %dma_start3A_710 = arith.constant 0 : i32
    %dma_start3A_711 = arith.constant 0 : i32
    %dma_start3A_712 = arith.constant 0 : i32
    %dma_start3A_713 = tpu.memref_slice %arg7[%dma_start3A_710, %dma_start3A_711, %dma_start3A_712] : memref<3x100x128xf32, #tpu.memory_space<vmem>> -> memref<1x100x128xf32, #tpu.memory_space<vmem>>
    %dma_start3A_714 = tpu.memref_squeeze %dma_start3A_713 : memref<1x100x128xf32, #tpu.memory_space<vmem>> -> memref<100x128xf32, #tpu.memory_space<vmem>>
    %dma_start3A_715 = arith.constant 0 : i32
    %dma_start3A_716 = tpu.memref_slice %arg5[%dma_start3A_709, %dma_start3A_715] : memref<6x100xi32, #tpu.memory_space<vmem>> -> memref<1x100xi32, #tpu.memory_space<vmem>>
    %dma_start3A_717 = tpu.memref_squeeze %dma_start3A_716 : memref<1x100xi32, #tpu.memory_space<vmem>> -> memref<100xi32, #tpu.memory_space<vmem>>
    %dma_start3A_718 = arith.constant 0 : i32
    %dma_start3A_719 = arith.constant 0 : i32
    %dma_start3A_720 = tpu.memref_slice %arg2[%dma_start3A_718, %dma_start3A_719] : memref<10000x128xf32, #tpu.memory_space<hbm>> -> memref<10000x128xf32, #tpu.memory_space<hbm>>
    tpu.enqueue_indirect_dma source(%dma_start3A_720 : memref<10000x128xf32, #tpu.memory_space<hbm>>) target(%dma_start3A_714 : memref<100x128xf32, #tpu.memory_space<vmem>>) offsets(%dma_start3A_717 : memref<100xi32, #tpu.memory_space<vmem>>) semaphore(%arg16 : memref<!tpu.dma_semaphore, #tpu.memory_space<semaphore_mem>>)
    %dma_wait3A_721 = arith.constant 1 : i32
    %dma_wait3A_722 = arith.constant 1 : i32
    %dma_wait3A_723 = arith.constant 0 : i32
    %dma_wait3A_724 = arith.constant 0 : i32
    %dma_wait3A_725 = tpu.memref_slice %arg7[%dma_wait3A_722, %dma_wait3A_723, %dma_wait3A_724] : memref<3x100x128xf32, #tpu.memory_space<vmem>> -> memref<1x100x128xf32, #tpu.memory_space<vmem>>
    %dma_wait3A_726 = tpu.memref_squeeze %dma_wait3A_725 : memref<1x100x128xf32, #tpu.memory_space<vmem>> -> memref<100x128xf32, #tpu.memory_space<vmem>>
    %dma_wait3A_727 = arith.constant 0 : i32
    %dma_wait3A_728 = tpu.memref_slice %arg5[%dma_wait3A_721, %dma_wait3A_727] : memref<6x100xi32, #tpu.memory_space<vmem>> -> memref<1x100xi32, #tpu.memory_space<vmem>>
    %dma_wait3A_729 = tpu.memref_squeeze %dma_wait3A_728 : memref<1x100xi32, #tpu.memory_space<vmem>> -> memref<100xi32, #tpu.memory_space<vmem>>
    %dma_wait3A_730 = arith.constant 0 : i32
    %dma_wait3A_731 = arith.constant 0 : i32
    %dma_wait3A_732 = tpu.memref_slice %arg2[%dma_wait3A_730, %dma_wait3A_731] : memref<10000x128xf32, #tpu.memory_space<hbm>> -> memref<10000x128xf32, #tpu.memory_space<hbm>>
    tpu.wait_indirect_dma semaphore(%arg17 : memref<!tpu.dma_semaphore, #tpu.memory_space<semaphore_mem>>) src(%dma_wait3A_732 : memref<10000x128xf32, #tpu.memory_space<hbm>>) dst(%dma_wait3A_726 : memref<100x128xf32, #tpu.memory_space<vmem>>)
    %run_scoped3A_733 = arith.constant 1 : i32
    %run_scoped3A_734 = arith.constant 1 : i32
    "tpu.region"() ({
      %run_scoped3A_1334 = tpu.sem_alloc : memref<!tpu.dma_semaphore, #tpu.memory_space<semaphore_mem>>
      %dma_start3A_1335 = arith.constant 0 : i32
      %dma_start3A_1336 = arith.constant 0 : i32
      %dma_start3A_1337 = tpu.memref_slice %arg7[%run_scoped3A_733, %dma_start3A_1335, %dma_start3A_1336] : memref<3x100x128xf32, #tpu.memory_space<vmem>> -> memref<1x100x128xf32, #tpu.memory_space<vmem>>
      %dma_start3A_1338 = tpu.memref_squeeze %dma_start3A_1337 : memref<1x100x128xf32, #tpu.memory_space<vmem>> -> memref<100x128xf32, #tpu.memory_space<vmem>>
      %dma_start3A_1339 = arith.constant 0 : i32
      %dma_start3A_1340 = tpu.memref_slice %arg6[%run_scoped3A_734, %dma_start3A_1339] : memref<6x100xi32, #tpu.memory_space<vmem>> -> memref<1x100xi32, #tpu.memory_space<vmem>>
      %dma_start3A_1341 = tpu.memref_squeeze %dma_start3A_1340 : memref<1x100xi32, #tpu.memory_space<vmem>> -> memref<100xi32, #tpu.memory_space<vmem>>
      %dma_start3A_1342 = arith.constant 0 : i32
      %dma_start3A_1343 = arith.constant 0 : i32
      %dma_start3A_1344 = tpu.memref_slice %arg9[%dma_start3A_1342, %dma_start3A_1343] : memref<10240x128xf32, #tpu.memory_space<vmem_shared>> -> memref<10240x128xf32, #tpu.memory_space<vmem_shared>>
      tpu.enqueue_indirect_dma source(%dma_start3A_1338 : memref<100x128xf32, #tpu.memory_space<vmem>>) target(%dma_start3A_1344 : memref<10240x128xf32, #tpu.memory_space<vmem_shared>>) offsets(%dma_start3A_1341 : memref<100xi32, #tpu.memory_space<vmem>>) semaphore(%run_scoped3A_1334 : memref<!tpu.dma_semaphore, #tpu.memory_space<semaphore_mem>>) {add = true}
      %dma_wait3A_1345 = arith.constant 0 : i32
      %dma_wait3A_1346 = arith.constant 0 : i32
      %dma_wait3A_1347 = tpu.memref_slice %arg7[%run_scoped3A_733, %dma_wait3A_1345, %dma_wait3A_1346] : memref<3x100x128xf32, #tpu.memory_space<vmem>> -> memref<1x100x128xf32, #tpu.memory_space<vmem>>
      %dma_wait3A_1348 = tpu.memref_squeeze %dma_wait3A_1347 : memref<1x100x128xf32, #tpu.memory_space<vmem>> -> memref<100x128xf32, #tpu.memory_space<vmem>>
      %dma_wait3A_1349 = arith.constant 0 : i32
      %dma_wait3A_1350 = tpu.memref_slice %arg6[%run_scoped3A_734, %dma_wait3A_1349] : memref<6x100xi32, #tpu.memory_space<vmem>> -> memref<1x100xi32, #tpu.memory_space<vmem>>
      %dma_wait3A_1351 = tpu.memref_squeeze %dma_wait3A_1350 : memref<1x100xi32, #tpu.memory_space<vmem>> -> memref<100xi32, #tpu.memory_space<vmem>>
      %dma_wait3A_1352 = arith.constant 0 : i32
      %dma_wait3A_1353 = arith.constant 0 : i32
      %dma_wait3A_1354 = tpu.memref_slice %arg9[%dma_wait3A_1352, %dma_wait3A_1353] : memref<10240x128xf32, #tpu.memory_space<vmem_shared>> -> memref<10240x128xf32, #tpu.memory_space<vmem_shared>>
      tpu.wait_indirect_dma semaphore(%run_scoped3A_1334 : memref<!tpu.dma_semaphore, #tpu.memory_space<semaphore_mem>>) src(%dma_wait3A_1348 : memref<100x128xf32, #tpu.memory_space<vmem>>) dst(%dma_wait3A_1354 : memref<10240x128xf32, #tpu.memory_space<vmem_shared>>)
      tpu.yield
    }) : () -> ()
    %dma_start3A_735 = arith.constant 0 : i32
    %dma_start3A_736 = arith.constant 97 : i32
    %dma_start3A_737 = arith.constant 1 : i32
    %dma_start3A_738 = arith.constant 0 : i32
    %dma_start3A_739 = tpu.memref_slice %arg5[%dma_start3A_737, %dma_start3A_738] : memref<6x100xi32, #tpu.memory_space<vmem>> -> memref<1x100xi32, #tpu.memory_space<vmem>>
    %dma_start3A_740 = tpu.memref_squeeze %dma_start3A_739 : memref<1x100xi32, #tpu.memory_space<vmem>> -> memref<100xi32, #tpu.memory_space<vmem>>
    %dma_start3A_741 = arith.constant 0 : i32
    %dma_start3A_742 = tpu.memref_slice %arg3[%dma_start3A_735, %add3A, %dma_start3A_736, %dma_start3A_741] : memref<2x32x100x100xi32, #tpu.memory_space<hbm>> -> memref<1x1x1x100xi32, #tpu.memory_space<hbm>>
    %dma_start3A_743 = tpu.memref_squeeze %dma_start3A_742 : memref<1x1x1x100xi32, #tpu.memory_space<hbm>> -> memref<100xi32, #tpu.memory_space<hbm>>
    %dma_start3A_744 = arith.constant 0 : i32
    %dma_start3A_745 = tpu.memref_slice %arg5[%dma_start3A_737, %dma_start3A_744] : memref<6x100xi32, #tpu.memory_space<vmem>> -> memref<1x100xi32, #tpu.memory_space<vmem>>
    %dma_start3A_746 = tpu.memref_squeeze %dma_start3A_745 : memref<1x100xi32, #tpu.memory_space<vmem>> -> memref<100xi32, #tpu.memory_space<vmem>>
    %dma_start3A_747 = arith.constant 0 : i32
    %dma_start3A_748 = tpu.memref_slice %arg3[%dma_start3A_735, %add3A, %dma_start3A_736, %dma_start3A_747] : memref<2x32x100x100xi32, #tpu.memory_space<hbm>> -> memref<1x1x1x100xi32, #tpu.memory_space<hbm>>
    %dma_start3A_749 = tpu.memref_squeeze %dma_start3A_748 : memref<1x1x1x100xi32, #tpu.memory_space<hbm>> -> memref<100xi32, #tpu.memory_space<hbm>>
    tpu.enqueue_dma source(%dma_start3A_749 : memref<100xi32, #tpu.memory_space<hbm>>) target(%dma_start3A_746 : memref<100xi32, #tpu.memory_space<vmem>>) target_semaphore(%arg11 : memref<!tpu.dma_semaphore, #tpu.memory_space<semaphore_mem>>)
    %dma_start3A_750 = arith.constant 1 : i32
    %dma_start3A_751 = arith.constant 97 : i32
    %dma_start3A_752 = arith.constant 1 : i32
    %dma_start3A_753 = arith.constant 0 : i32
    %dma_start3A_754 = tpu.memref_slice %arg6[%dma_start3A_752, %dma_start3A_753] : memref<6x100xi32, #tpu.memory_space<vmem>> -> memref<1x100xi32, #tpu.memory_space<vmem>>
    %dma_start3A_755 = tpu.memref_squeeze %dma_start3A_754 : memref<1x100xi32, #tpu.memory_space<vmem>> -> memref<100xi32, #tpu.memory_space<vmem>>
    %dma_start3A_756 = arith.constant 0 : i32
    %dma_start3A_757 = tpu.memref_slice %arg3[%dma_start3A_750, %add3A, %dma_start3A_751, %dma_start3A_756] : memref<2x32x100x100xi32, #tpu.memory_space<hbm>> -> memref<1x1x1x100xi32, #tpu.memory_space<hbm>>
    %dma_start3A_758 = tpu.memref_squeeze %dma_start3A_757 : memref<1x1x1x100xi32, #tpu.memory_space<hbm>> -> memref<100xi32, #tpu.memory_space<hbm>>
    %dma_start3A_759 = arith.constant 0 : i32
    %dma_start3A_760 = tpu.memref_slice %arg6[%dma_start3A_752, %dma_start3A_759] : memref<6x100xi32, #tpu.memory_space<vmem>> -> memref<1x100xi32, #tpu.memory_space<vmem>>
    %dma_start3A_761 = tpu.memref_squeeze %dma_start3A_760 : memref<1x100xi32, #tpu.memory_space<vmem>> -> memref<100xi32, #tpu.memory_space<vmem>>
    %dma_start3A_762 = arith.constant 0 : i32
    %dma_start3A_763 = tpu.memref_slice %arg3[%dma_start3A_750, %add3A, %dma_start3A_751, %dma_start3A_762] : memref<2x32x100x100xi32, #tpu.memory_space<hbm>> -> memref<1x1x1x100xi32, #tpu.memory_space<hbm>>
    %dma_start3A_764 = tpu.memref_squeeze %dma_start3A_763 : memref<1x1x1x100xi32, #tpu.memory_space<hbm>> -> memref<100xi32, #tpu.memory_space<hbm>>
    tpu.enqueue_dma source(%dma_start3A_764 : memref<100xi32, #tpu.memory_space<hbm>>) target(%dma_start3A_761 : memref<100xi32, #tpu.memory_space<vmem>>) target_semaphore(%arg11 : memref<!tpu.dma_semaphore, #tpu.memory_space<semaphore_mem>>)
    %dma_wait3A_765 = arith.constant 0 : i32
    %dma_wait3A_766 = arith.constant 94 : i32
    %dma_wait3A_767 = arith.constant 4 : i32
    %dma_wait3A_768 = arith.constant 0 : i32
    %dma_wait3A_769 = tpu.memref_slice %arg5[%dma_wait3A_767, %dma_wait3A_768] : memref<6x100xi32, #tpu.memory_space<vmem>> -> memref<1x100xi32, #tpu.memory_space<vmem>>
    %dma_wait3A_770 = tpu.memref_squeeze %dma_wait3A_769 : memref<1x100xi32, #tpu.memory_space<vmem>> -> memref<100xi32, #tpu.memory_space<vmem>>
    %dma_wait3A_771 = arith.constant 0 : i32
    %dma_wait3A_772 = tpu.memref_slice %arg3[%dma_wait3A_765, %add3A, %dma_wait3A_766, %dma_wait3A_771] : memref<2x32x100x100xi32, #tpu.memory_space<hbm>> -> memref<1x1x1x100xi32, #tpu.memory_space<hbm>>
    %dma_wait3A_773 = tpu.memref_squeeze %dma_wait3A_772 : memref<1x1x1x100xi32, #tpu.memory_space<hbm>> -> memref<100xi32, #tpu.memory_space<hbm>>
    %dma_wait3A_774 = arith.constant 0 : i32
    %dma_wait3A_775 = tpu.memref_slice %arg5[%dma_wait3A_767, %dma_wait3A_774] : memref<6x100xi32, #tpu.memory_space<vmem>> -> memref<1x100xi32, #tpu.memory_space<vmem>>
    %dma_wait3A_776 = tpu.memref_squeeze %dma_wait3A_775 : memref<1x100xi32, #tpu.memory_space<vmem>> -> memref<100xi32, #tpu.memory_space<vmem>>
    %dma_wait3A_777 = arith.constant 0 : i32
    %dma_wait3A_778 = tpu.memref_slice %arg3[%dma_wait3A_765, %add3A, %dma_wait3A_766, %dma_wait3A_777] : memref<2x32x100x100xi32, #tpu.memory_space<hbm>> -> memref<1x1x1x100xi32, #tpu.memory_space<hbm>>
    %dma_wait3A_779 = tpu.memref_squeeze %dma_wait3A_778 : memref<1x1x1x100xi32, #tpu.memory_space<hbm>> -> memref<100xi32, #tpu.memory_space<hbm>>
    tpu.wait_dma2 semaphore(%arg14 : memref<!tpu.dma_semaphore, #tpu.memory_space<semaphore_mem>>) src(%dma_wait3A_779 : memref<100xi32, #tpu.memory_space<hbm>>) dst(%dma_wait3A_776 : memref<100xi32, #tpu.memory_space<vmem>>)
    %dma_wait3A_780 = arith.constant 1 : i32
    %dma_wait3A_781 = arith.constant 94 : i32
    %dma_wait3A_782 = arith.constant 4 : i32
    %dma_wait3A_783 = arith.constant 0 : i32
    %dma_wait3A_784 = tpu.memref_slice %arg6[%dma_wait3A_782, %dma_wait3A_783] : memref<6x100xi32, #tpu.memory_space<vmem>> -> memref<1x100xi32, #tpu.memory_space<vmem>>
    %dma_wait3A_785 = tpu.memref_squeeze %dma_wait3A_784 : memref<1x100xi32, #tpu.memory_space<vmem>> -> memref<100xi32, #tpu.memory_space<vmem>>
    %dma_wait3A_786 = arith.constant 0 : i32
    %dma_wait3A_787 = tpu.memref_slice %arg3[%dma_wait3A_780, %add3A, %dma_wait3A_781, %dma_wait3A_786] : memref<2x32x100x100xi32, #tpu.memory_space<hbm>> -> memref<1x1x1x100xi32, #tpu.memory_space<hbm>>
    %dma_wait3A_788 = tpu.memref_squeeze %dma_wait3A_787 : memref<1x1x1x100xi32, #tpu.memory_space<hbm>> -> memref<100xi32, #tpu.memory_space<hbm>>
    %dma_wait3A_789 = arith.constant 0 : i32
    %dma_wait3A_790 = tpu.memref_slice %arg6[%dma_wait3A_782, %dma_wait3A_789] : memref<6x100xi32, #tpu.memory_space<vmem>> -> memref<1x100xi32, #tpu.memory_space<vmem>>
    %dma_wait3A_791 = tpu.memref_squeeze %dma_wait3A_790 : memref<1x100xi32, #tpu.memory_space<vmem>> -> memref<100xi32, #tpu.memory_space<vmem>>
    %dma_wait3A_792 = arith.constant 0 : i32
    %dma_wait3A_793 = tpu.memref_slice %arg3[%dma_wait3A_780, %add3A, %dma_wait3A_781, %dma_wait3A_792] : memref<2x32x100x100xi32, #tpu.memory_space<hbm>> -> memref<1x1x1x100xi32, #tpu.memory_space<hbm>>
    %dma_wait3A_794 = tpu.memref_squeeze %dma_wait3A_793 : memref<1x1x1x100xi32, #tpu.memory_space<hbm>> -> memref<100xi32, #tpu.memory_space<hbm>>
    tpu.wait_dma2 semaphore(%arg14 : memref<!tpu.dma_semaphore, #tpu.memory_space<semaphore_mem>>) src(%dma_wait3A_794 : memref<100xi32, #tpu.memory_space<hbm>>) dst(%dma_wait3A_791 : memref<100xi32, #tpu.memory_space<vmem>>)
    %dma_start3A_795 = arith.constant 4 : i32
    %dma_start3A_796 = arith.constant 1 : i32
    %dma_start3A_797 = arith.constant 0 : i32
    %dma_start3A_798 = arith.constant 0 : i32
    %dma_start3A_799 = tpu.memref_slice %arg7[%dma_start3A_796, %dma_start3A_797, %dma_start3A_798] : memref<3x100x128xf32, #tpu.memory_space<vmem>> -> memref<1x100x128xf32, #tpu.memory_space<vmem>>
    %dma_start3A_800 = tpu.memref_squeeze %dma_start3A_799 : memref<1x100x128xf32, #tpu.memory_space<vmem>> -> memref<100x128xf32, #tpu.memory_space<vmem>>
    %dma_start3A_801 = arith.constant 0 : i32
    %dma_start3A_802 = tpu.memref_slice %arg5[%dma_start3A_795, %dma_start3A_801] : memref<6x100xi32, #tpu.memory_space<vmem>> -> memref<1x100xi32, #tpu.memory_space<vmem>>
    %dma_start3A_803 = tpu.memref_squeeze %dma_start3A_802 : memref<1x100xi32, #tpu.memory_space<vmem>> -> memref<100xi32, #tpu.memory_space<vmem>>
    %dma_start3A_804 = arith.constant 0 : i32
    %dma_start3A_805 = arith.constant 0 : i32
    %dma_start3A_806 = tpu.memref_slice %arg2[%dma_start3A_804, %dma_start3A_805] : memref<10000x128xf32, #tpu.memory_space<hbm>> -> memref<10000x128xf32, #tpu.memory_space<hbm>>
    tpu.enqueue_indirect_dma source(%dma_start3A_806 : memref<10000x128xf32, #tpu.memory_space<hbm>>) target(%dma_start3A_800 : memref<100x128xf32, #tpu.memory_space<vmem>>) offsets(%dma_start3A_803 : memref<100xi32, #tpu.memory_space<vmem>>) semaphore(%arg17 : memref<!tpu.dma_semaphore, #tpu.memory_space<semaphore_mem>>)
    %dma_wait3A_807 = arith.constant 2 : i32
    %dma_wait3A_808 = arith.constant 2 : i32
    %dma_wait3A_809 = arith.constant 0 : i32
    %dma_wait3A_810 = arith.constant 0 : i32
    %dma_wait3A_811 = tpu.memref_slice %arg7[%dma_wait3A_808, %dma_wait3A_809, %dma_wait3A_810] : memref<3x100x128xf32, #tpu.memory_space<vmem>> -> memref<1x100x128xf32, #tpu.memory_space<vmem>>
    %dma_wait3A_812 = tpu.memref_squeeze %dma_wait3A_811 : memref<1x100x128xf32, #tpu.memory_space<vmem>> -> memref<100x128xf32, #tpu.memory_space<vmem>>
    %dma_wait3A_813 = arith.constant 0 : i32
    %dma_wait3A_814 = tpu.memref_slice %arg5[%dma_wait3A_807, %dma_wait3A_813] : memref<6x100xi32, #tpu.memory_space<vmem>> -> memref<1x100xi32, #tpu.memory_space<vmem>>
    %dma_wait3A_815 = tpu.memref_squeeze %dma_wait3A_814 : memref<1x100xi32, #tpu.memory_space<vmem>> -> memref<100xi32, #tpu.memory_space<vmem>>
    %dma_wait3A_816 = arith.constant 0 : i32
    %dma_wait3A_817 = arith.constant 0 : i32
    %dma_wait3A_818 = tpu.memref_slice %arg2[%dma_wait3A_816, %dma_wait3A_817] : memref<10000x128xf32, #tpu.memory_space<hbm>> -> memref<10000x128xf32, #tpu.memory_space<hbm>>
    tpu.wait_indirect_dma semaphore(%arg18 : memref<!tpu.dma_semaphore, #tpu.memory_space<semaphore_mem>>) src(%dma_wait3A_818 : memref<10000x128xf32, #tpu.memory_space<hbm>>) dst(%dma_wait3A_812 : memref<100x128xf32, #tpu.memory_space<vmem>>)
    %run_scoped3A_819 = arith.constant 2 : i32
    %run_scoped3A_820 = arith.constant 2 : i32
    "tpu.region"() ({
      %run_scoped3A_1334 = tpu.sem_alloc : memref<!tpu.dma_semaphore, #tpu.memory_space<semaphore_mem>>
      %dma_start3A_1335 = arith.constant 0 : i32
      %dma_start3A_1336 = arith.constant 0 : i32
      %dma_start3A_1337 = tpu.memref_slice %arg7[%run_scoped3A_819, %dma_start3A_1335, %dma_start3A_1336] : memref<3x100x128xf32, #tpu.memory_space<vmem>> -> memref<1x100x128xf32, #tpu.memory_space<vmem>>
      %dma_start3A_1338 = tpu.memref_squeeze %dma_start3A_1337 : memref<1x100x128xf32, #tpu.memory_space<vmem>> -> memref<100x128xf32, #tpu.memory_space<vmem>>
      %dma_start3A_1339 = arith.constant 0 : i32
      %dma_start3A_1340 = tpu.memref_slice %arg6[%run_scoped3A_820, %dma_start3A_1339] : memref<6x100xi32, #tpu.memory_space<vmem>> -> memref<1x100xi32, #tpu.memory_space<vmem>>
      %dma_start3A_1341 = tpu.memref_squeeze %dma_start3A_1340 : memref<1x100xi32, #tpu.memory_space<vmem>> -> memref<100xi32, #tpu.memory_space<vmem>>
      %dma_start3A_1342 = arith.constant 0 : i32
      %dma_start3A_1343 = arith.constant 0 : i32
      %dma_start3A_1344 = tpu.memref_slice %arg9[%dma_start3A_1342, %dma_start3A_1343] : memref<10240x128xf32, #tpu.memory_space<vmem_shared>> -> memref<10240x128xf32, #tpu.memory_space<vmem_shared>>
      tpu.enqueue_indirect_dma source(%dma_start3A_1338 : memref<100x128xf32, #tpu.memory_space<vmem>>) target(%dma_start3A_1344 : memref<10240x128xf32, #tpu.memory_space<vmem_shared>>) offsets(%dma_start3A_1341 : memref<100xi32, #tpu.memory_space<vmem>>) semaphore(%run_scoped3A_1334 : memref<!tpu.dma_semaphore, #tpu.memory_space<semaphore_mem>>) {add = true}
      %dma_wait3A_1345 = arith.constant 0 : i32
      %dma_wait3A_1346 = arith.constant 0 : i32
      %dma_wait3A_1347 = tpu.memref_slice %arg7[%run_scoped3A_819, %dma_wait3A_1345, %dma_wait3A_1346] : memref<3x100x128xf32, #tpu.memory_space<vmem>> -> memref<1x100x128xf32, #tpu.memory_space<vmem>>
      %dma_wait3A_1348 = tpu.memref_squeeze %dma_wait3A_1347 : memref<1x100x128xf32, #tpu.memory_space<vmem>> -> memref<100x128xf32, #tpu.memory_space<vmem>>
      %dma_wait3A_1349 = arith.constant 0 : i32
      %dma_wait3A_1350 = tpu.memref_slice %arg6[%run_scoped3A_820, %dma_wait3A_1349] : memref<6x100xi32, #tpu.memory_space<vmem>> -> memref<1x100xi32, #tpu.memory_space<vmem>>
      %dma_wait3A_1351 = tpu.memref_squeeze %dma_wait3A_1350 : memref<1x100xi32, #tpu.memory_space<vmem>> -> memref<100xi32, #tpu.memory_space<vmem>>
      %dma_wait3A_1352 = arith.constant 0 : i32
      %dma_wait3A_1353 = arith.constant 0 : i32
      %dma_wait3A_1354 = tpu.memref_slice %arg9[%dma_wait3A_1352, %dma_wait3A_1353] : memref<10240x128xf32, #tpu.memory_space<vmem_shared>> -> memref<10240x128xf32, #tpu.memory_space<vmem_shared>>
      tpu.wait_indirect_dma semaphore(%run_scoped3A_1334 : memref<!tpu.dma_semaphore, #tpu.memory_space<semaphore_mem>>) src(%dma_wait3A_1348 : memref<100x128xf32, #tpu.memory_space<vmem>>) dst(%dma_wait3A_1354 : memref<10240x128xf32, #tpu.memory_space<vmem_shared>>)
      tpu.yield
    }) : () -> ()
    %dma_start3A_821 = arith.constant 0 : i32
    %dma_start3A_822 = arith.constant 98 : i32
    %dma_start3A_823 = arith.constant 2 : i32
    %dma_start3A_824 = arith.constant 0 : i32
    %dma_start3A_825 = tpu.memref_slice %arg5[%dma_start3A_823, %dma_start3A_824] : memref<6x100xi32, #tpu.memory_space<vmem>> -> memref<1x100xi32, #tpu.memory_space<vmem>>
    %dma_start3A_826 = tpu.memref_squeeze %dma_start3A_825 : memref<1x100xi32, #tpu.memory_space<vmem>> -> memref<100xi32, #tpu.memory_space<vmem>>
    %dma_start3A_827 = arith.constant 0 : i32
    %dma_start3A_828 = tpu.memref_slice %arg3[%dma_start3A_821, %add3A, %dma_start3A_822, %dma_start3A_827] : memref<2x32x100x100xi32, #tpu.memory_space<hbm>> -> memref<1x1x1x100xi32, #tpu.memory_space<hbm>>
    %dma_start3A_829 = tpu.memref_squeeze %dma_start3A_828 : memref<1x1x1x100xi32, #tpu.memory_space<hbm>> -> memref<100xi32, #tpu.memory_space<hbm>>
    %dma_start3A_830 = arith.constant 0 : i32
    %dma_start3A_831 = tpu.memref_slice %arg5[%dma_start3A_823, %dma_start3A_830] : memref<6x100xi32, #tpu.memory_space<vmem>> -> memref<1x100xi32, #tpu.memory_space<vmem>>
    %dma_start3A_832 = tpu.memref_squeeze %dma_start3A_831 : memref<1x100xi32, #tpu.memory_space<vmem>> -> memref<100xi32, #tpu.memory_space<vmem>>
    %dma_start3A_833 = arith.constant 0 : i32
    %dma_start3A_834 = tpu.memref_slice %arg3[%dma_start3A_821, %add3A, %dma_start3A_822, %dma_start3A_833] : memref<2x32x100x100xi32, #tpu.memory_space<hbm>> -> memref<1x1x1x100xi32, #tpu.memory_space<hbm>>
    %dma_start3A_835 = tpu.memref_squeeze %dma_start3A_834 : memref<1x1x1x100xi32, #tpu.memory_space<hbm>> -> memref<100xi32, #tpu.memory_space<hbm>>
    tpu.enqueue_dma source(%dma_start3A_835 : memref<100xi32, #tpu.memory_space<hbm>>) target(%dma_start3A_832 : memref<100xi32, #tpu.memory_space<vmem>>) target_semaphore(%arg12 : memref<!tpu.dma_semaphore, #tpu.memory_space<semaphore_mem>>)
    %dma_start3A_836 = arith.constant 1 : i32
    %dma_start3A_837 = arith.constant 98 : i32
    %dma_start3A_838 = arith.constant 2 : i32
    %dma_start3A_839 = arith.constant 0 : i32
    %dma_start3A_840 = tpu.memref_slice %arg6[%dma_start3A_838, %dma_start3A_839] : memref<6x100xi32, #tpu.memory_space<vmem>> -> memref<1x100xi32, #tpu.memory_space<vmem>>
    %dma_start3A_841 = tpu.memref_squeeze %dma_start3A_840 : memref<1x100xi32, #tpu.memory_space<vmem>> -> memref<100xi32, #tpu.memory_space<vmem>>
    %dma_start3A_842 = arith.constant 0 : i32
    %dma_start3A_843 = tpu.memref_slice %arg3[%dma_start3A_836, %add3A, %dma_start3A_837, %dma_start3A_842] : memref<2x32x100x100xi32, #tpu.memory_space<hbm>> -> memref<1x1x1x100xi32, #tpu.memory_space<hbm>>
    %dma_start3A_844 = tpu.memref_squeeze %dma_start3A_843 : memref<1x1x1x100xi32, #tpu.memory_space<hbm>> -> memref<100xi32, #tpu.memory_space<hbm>>
    %dma_start3A_845 = arith.constant 0 : i32
    %dma_start3A_846 = tpu.memref_slice %arg6[%dma_start3A_838, %dma_start3A_845] : memref<6x100xi32, #tpu.memory_space<vmem>> -> memref<1x100xi32, #tpu.memory_space<vmem>>
    %dma_start3A_847 = tpu.memref_squeeze %dma_start3A_846 : memref<1x100xi32, #tpu.memory_space<vmem>> -> memref<100xi32, #tpu.memory_space<vmem>>
    %dma_start3A_848 = arith.constant 0 : i32
    %dma_start3A_849 = tpu.memref_slice %arg3[%dma_start3A_836, %add3A, %dma_start3A_837, %dma_start3A_848] : memref<2x32x100x100xi32, #tpu.memory_space<hbm>> -> memref<1x1x1x100xi32, #tpu.memory_space<hbm>>
    %dma_start3A_850 = tpu.memref_squeeze %dma_start3A_849 : memref<1x1x1x100xi32, #tpu.memory_space<hbm>> -> memref<100xi32, #tpu.memory_space<hbm>>
    tpu.enqueue_dma source(%dma_start3A_850 : memref<100xi32, #tpu.memory_space<hbm>>) target(%dma_start3A_847 : memref<100xi32, #tpu.memory_space<vmem>>) target_semaphore(%arg12 : memref<!tpu.dma_semaphore, #tpu.memory_space<semaphore_mem>>)
    %dma_wait3A_851 = arith.constant 0 : i32
    %dma_wait3A_852 = arith.constant 95 : i32
    %dma_wait3A_853 = arith.constant 5 : i32
    %dma_wait3A_854 = arith.constant 0 : i32
    %dma_wait3A_855 = tpu.memref_slice %arg5[%dma_wait3A_853, %dma_wait3A_854] : memref<6x100xi32, #tpu.memory_space<vmem>> -> memref<1x100xi32, #tpu.memory_space<vmem>>
    %dma_wait3A_856 = tpu.memref_squeeze %dma_wait3A_855 : memref<1x100xi32, #tpu.memory_space<vmem>> -> memref<100xi32, #tpu.memory_space<vmem>>
    %dma_wait3A_857 = arith.constant 0 : i32
    %dma_wait3A_858 = tpu.memref_slice %arg3[%dma_wait3A_851, %add3A, %dma_wait3A_852, %dma_wait3A_857] : memref<2x32x100x100xi32, #tpu.memory_space<hbm>> -> memref<1x1x1x100xi32, #tpu.memory_space<hbm>>
    %dma_wait3A_859 = tpu.memref_squeeze %dma_wait3A_858 : memref<1x1x1x100xi32, #tpu.memory_space<hbm>> -> memref<100xi32, #tpu.memory_space<hbm>>
    %dma_wait3A_860 = arith.constant 0 : i32
    %dma_wait3A_861 = tpu.memref_slice %arg5[%dma_wait3A_853, %dma_wait3A_860] : memref<6x100xi32, #tpu.memory_space<vmem>> -> memref<1x100xi32, #tpu.memory_space<vmem>>
    %dma_wait3A_862 = tpu.memref_squeeze %dma_wait3A_861 : memref<1x100xi32, #tpu.memory_space<vmem>> -> memref<100xi32, #tpu.memory_space<vmem>>
    %dma_wait3A_863 = arith.constant 0 : i32
    %dma_wait3A_864 = tpu.memref_slice %arg3[%dma_wait3A_851, %add3A, %dma_wait3A_852, %dma_wait3A_863] : memref<2x32x100x100xi32, #tpu.memory_space<hbm>> -> memref<1x1x1x100xi32, #tpu.memory_space<hbm>>
    %dma_wait3A_865 = tpu.memref_squeeze %dma_wait3A_864 : memref<1x1x1x100xi32, #tpu.memory_space<hbm>> -> memref<100xi32, #tpu.memory_space<hbm>>
    tpu.wait_dma2 semaphore(%arg15 : memref<!tpu.dma_semaphore, #tpu.memory_space<semaphore_mem>>) src(%dma_wait3A_865 : memref<100xi32, #tpu.memory_space<hbm>>) dst(%dma_wait3A_862 : memref<100xi32, #tpu.memory_space<vmem>>)
    %dma_wait3A_866 = arith.constant 1 : i32
    %dma_wait3A_867 = arith.constant 95 : i32
    %dma_wait3A_868 = arith.constant 5 : i32
    %dma_wait3A_869 = arith.constant 0 : i32
    %dma_wait3A_870 = tpu.memref_slice %arg6[%dma_wait3A_868, %dma_wait3A_869] : memref<6x100xi32, #tpu.memory_space<vmem>> -> memref<1x100xi32, #tpu.memory_space<vmem>>
    %dma_wait3A_871 = tpu.memref_squeeze %dma_wait3A_870 : memref<1x100xi32, #tpu.memory_space<vmem>> -> memref<100xi32, #tpu.memory_space<vmem>>
    %dma_wait3A_872 = arith.constant 0 : i32
    %dma_wait3A_873 = tpu.memref_slice %arg3[%dma_wait3A_866, %add3A, %dma_wait3A_867, %dma_wait3A_872] : memref<2x32x100x100xi32, #tpu.memory_space<hbm>> -> memref<1x1x1x100xi32, #tpu.memory_space<hbm>>
    %dma_wait3A_874 = tpu.memref_squeeze %dma_wait3A_873 : memref<1x1x1x100xi32, #tpu.memory_space<hbm>> -> memref<100xi32, #tpu.memory_space<hbm>>
    %dma_wait3A_875 = arith.constant 0 : i32
    %dma_wait3A_876 = tpu.memref_slice %arg6[%dma_wait3A_868, %dma_wait3A_875] : memref<6x100xi32, #tpu.memory_space<vmem>> -> memref<1x100xi32, #tpu.memory_space<vmem>>
    %dma_wait3A_877 = tpu.memref_squeeze %dma_wait3A_876 : memref<1x100xi32, #tpu.memory_space<vmem>> -> memref<100xi32, #tpu.memory_space<vmem>>
    %dma_wait3A_878 = arith.constant 0 : i32
    %dma_wait3A_879 = tpu.memref_slice %arg3[%dma_wait3A_866, %add3A, %dma_wait3A_867, %dma_wait3A_878] : memref<2x32x100x100xi32, #tpu.memory_space<hbm>> -> memref<1x1x1x100xi32, #tpu.memory_space<hbm>>
    %dma_wait3A_880 = tpu.memref_squeeze %dma_wait3A_879 : memref<1x1x1x100xi32, #tpu.memory_space<hbm>> -> memref<100xi32, #tpu.memory_space<hbm>>
    tpu.wait_dma2 semaphore(%arg15 : memref<!tpu.dma_semaphore, #tpu.memory_space<semaphore_mem>>) src(%dma_wait3A_880 : memref<100xi32, #tpu.memory_space<hbm>>) dst(%dma_wait3A_877 : memref<100xi32, #tpu.memory_space<vmem>>)
    %dma_start3A_881 = arith.constant 5 : i32
    %dma_start3A_882 = arith.constant 2 : i32
    %dma_start3A_883 = arith.constant 0 : i32
    %dma_start3A_884 = arith.constant 0 : i32
    %dma_start3A_885 = tpu.memref_slice %arg7[%dma_start3A_882, %dma_start3A_883, %dma_start3A_884] : memref<3x100x128xf32, #tpu.memory_space<vmem>> -> memref<1x100x128xf32, #tpu.memory_space<vmem>>
    %dma_start3A_886 = tpu.memref_squeeze %dma_start3A_885 : memref<1x100x128xf32, #tpu.memory_space<vmem>> -> memref<100x128xf32, #tpu.memory_space<vmem>>
    %dma_start3A_887 = arith.constant 0 : i32
    %dma_start3A_888 = tpu.memref_slice %arg5[%dma_start3A_881, %dma_start3A_887] : memref<6x100xi32, #tpu.memory_space<vmem>> -> memref<1x100xi32, #tpu.memory_space<vmem>>
    %dma_start3A_889 = tpu.memref_squeeze %dma_start3A_888 : memref<1x100xi32, #tpu.memory_space<vmem>> -> memref<100xi32, #tpu.memory_space<vmem>>
    %dma_start3A_890 = arith.constant 0 : i32
    %dma_start3A_891 = arith.constant 0 : i32
    %dma_start3A_892 = tpu.memref_slice %arg2[%dma_start3A_890, %dma_start3A_891] : memref<10000x128xf32, #tpu.memory_space<hbm>> -> memref<10000x128xf32, #tpu.memory_space<hbm>>
    tpu.enqueue_indirect_dma source(%dma_start3A_892 : memref<10000x128xf32, #tpu.memory_space<hbm>>) target(%dma_start3A_886 : memref<100x128xf32, #tpu.memory_space<vmem>>) offsets(%dma_start3A_889 : memref<100xi32, #tpu.memory_space<vmem>>) semaphore(%arg18 : memref<!tpu.dma_semaphore, #tpu.memory_space<semaphore_mem>>)
    %dma_wait3A_893 = arith.constant 3 : i32
    %dma_wait3A_894 = arith.constant 0 : i32
    %dma_wait3A_895 = arith.constant 0 : i32
    %dma_wait3A_896 = arith.constant 0 : i32
    %dma_wait3A_897 = tpu.memref_slice %arg7[%dma_wait3A_894, %dma_wait3A_895, %dma_wait3A_896] : memref<3x100x128xf32, #tpu.memory_space<vmem>> -> memref<1x100x128xf32, #tpu.memory_space<vmem>>
    %dma_wait3A_898 = tpu.memref_squeeze %dma_wait3A_897 : memref<1x100x128xf32, #tpu.memory_space<vmem>> -> memref<100x128xf32, #tpu.memory_space<vmem>>
    %dma_wait3A_899 = arith.constant 0 : i32
    %dma_wait3A_900 = tpu.memref_slice %arg5[%dma_wait3A_893, %dma_wait3A_899] : memref<6x100xi32, #tpu.memory_space<vmem>> -> memref<1x100xi32, #tpu.memory_space<vmem>>
    %dma_wait3A_901 = tpu.memref_squeeze %dma_wait3A_900 : memref<1x100xi32, #tpu.memory_space<vmem>> -> memref<100xi32, #tpu.memory_space<vmem>>
    %dma_wait3A_902 = arith.constant 0 : i32
    %dma_wait3A_903 = arith.constant 0 : i32
    %dma_wait3A_904 = tpu.memref_slice %arg2[%dma_wait3A_902, %dma_wait3A_903] : memref<10000x128xf32, #tpu.memory_space<hbm>> -> memref<10000x128xf32, #tpu.memory_space<hbm>>
    tpu.wait_indirect_dma semaphore(%arg16 : memref<!tpu.dma_semaphore, #tpu.memory_space<semaphore_mem>>) src(%dma_wait3A_904 : memref<10000x128xf32, #tpu.memory_space<hbm>>) dst(%dma_wait3A_898 : memref<100x128xf32, #tpu.memory_space<vmem>>)
    %run_scoped3A_905 = arith.constant 0 : i32
    %run_scoped3A_906 = arith.constant 3 : i32
    "tpu.region"() ({
      %run_scoped3A_1334 = tpu.sem_alloc : memref<!tpu.dma_semaphore, #tpu.memory_space<semaphore_mem>>
      %dma_start3A_1335 = arith.constant 0 : i32
      %dma_start3A_1336 = arith.constant 0 : i32
      %dma_start3A_1337 = tpu.memref_slice %arg7[%run_scoped3A_905, %dma_start3A_1335, %dma_start3A_1336] : memref<3x100x128xf32, #tpu.memory_space<vmem>> -> memref<1x100x128xf32, #tpu.memory_space<vmem>>
      %dma_start3A_1338 = tpu.memref_squeeze %dma_start3A_1337 : memref<1x100x128xf32, #tpu.memory_space<vmem>> -> memref<100x128xf32, #tpu.memory_space<vmem>>
      %dma_start3A_1339 = arith.constant 0 : i32
      %dma_start3A_1340 = tpu.memref_slice %arg6[%run_scoped3A_906, %dma_start3A_1339] : memref<6x100xi32, #tpu.memory_space<vmem>> -> memref<1x100xi32, #tpu.memory_space<vmem>>
      %dma_start3A_1341 = tpu.memref_squeeze %dma_start3A_1340 : memref<1x100xi32, #tpu.memory_space<vmem>> -> memref<100xi32, #tpu.memory_space<vmem>>
      %dma_start3A_1342 = arith.constant 0 : i32
      %dma_start3A_1343 = arith.constant 0 : i32
      %dma_start3A_1344 = tpu.memref_slice %arg9[%dma_start3A_1342, %dma_start3A_1343] : memref<10240x128xf32, #tpu.memory_space<vmem_shared>> -> memref<10240x128xf32, #tpu.memory_space<vmem_shared>>
      tpu.enqueue_indirect_dma source(%dma_start3A_1338 : memref<100x128xf32, #tpu.memory_space<vmem>>) target(%dma_start3A_1344 : memref<10240x128xf32, #tpu.memory_space<vmem_shared>>) offsets(%dma_start3A_1341 : memref<100xi32, #tpu.memory_space<vmem>>) semaphore(%run_scoped3A_1334 : memref<!tpu.dma_semaphore, #tpu.memory_space<semaphore_mem>>) {add = true}
      %dma_wait3A_1345 = arith.constant 0 : i32
      %dma_wait3A_1346 = arith.constant 0 : i32
      %dma_wait3A_1347 = tpu.memref_slice %arg7[%run_scoped3A_905, %dma_wait3A_1345, %dma_wait3A_1346] : memref<3x100x128xf32, #tpu.memory_space<vmem>> -> memref<1x100x128xf32, #tpu.memory_space<vmem>>
      %dma_wait3A_1348 = tpu.memref_squeeze %dma_wait3A_1347 : memref<1x100x128xf32, #tpu.memory_space<vmem>> -> memref<100x128xf32, #tpu.memory_space<vmem>>
      %dma_wait3A_1349 = arith.constant 0 : i32
      %dma_wait3A_1350 = tpu.memref_slice %arg6[%run_scoped3A_906, %dma_wait3A_1349] : memref<6x100xi32, #tpu.memory_space<vmem>> -> memref<1x100xi32, #tpu.memory_space<vmem>>
      %dma_wait3A_1351 = tpu.memref_squeeze %dma_wait3A_1350 : memref<1x100xi32, #tpu.memory_space<vmem>> -> memref<100xi32, #tpu.memory_space<vmem>>
      %dma_wait3A_1352 = arith.constant 0 : i32
      %dma_wait3A_1353 = arith.constant 0 : i32
      %dma_wait3A_1354 = tpu.memref_slice %arg9[%dma_wait3A_1352, %dma_wait3A_1353] : memref<10240x128xf32, #tpu.memory_space<vmem_shared>> -> memref<10240x128xf32, #tpu.memory_space<vmem_shared>>
      tpu.wait_indirect_dma semaphore(%run_scoped3A_1334 : memref<!tpu.dma_semaphore, #tpu.memory_space<semaphore_mem>>) src(%dma_wait3A_1348 : memref<100x128xf32, #tpu.memory_space<vmem>>) dst(%dma_wait3A_1354 : memref<10240x128xf32, #tpu.memory_space<vmem_shared>>)
      tpu.yield
    }) : () -> ()
    %dma_start3A_907 = arith.constant 0 : i32
    %dma_start3A_908 = arith.constant 99 : i32
    %dma_start3A_909 = arith.constant 3 : i32
    %dma_start3A_910 = arith.constant 0 : i32
    %dma_start3A_911 = tpu.memref_slice %arg5[%dma_start3A_909, %dma_start3A_910] : memref<6x100xi32, #tpu.memory_space<vmem>> -> memref<1x100xi32, #tpu.memory_space<vmem>>
    %dma_start3A_912 = tpu.memref_squeeze %dma_start3A_911 : memref<1x100xi32, #tpu.memory_space<vmem>> -> memref<100xi32, #tpu.memory_space<vmem>>
    %dma_start3A_913 = arith.constant 0 : i32
    %dma_start3A_914 = tpu.memref_slice %arg3[%dma_start3A_907, %add3A, %dma_start3A_908, %dma_start3A_913] : memref<2x32x100x100xi32, #tpu.memory_space<hbm>> -> memref<1x1x1x100xi32, #tpu.memory_space<hbm>>
    %dma_start3A_915 = tpu.memref_squeeze %dma_start3A_914 : memref<1x1x1x100xi32, #tpu.memory_space<hbm>> -> memref<100xi32, #tpu.memory_space<hbm>>
    %dma_start3A_916 = arith.constant 0 : i32
    %dma_start3A_917 = tpu.memref_slice %arg5[%dma_start3A_909, %dma_start3A_916] : memref<6x100xi32, #tpu.memory_space<vmem>> -> memref<1x100xi32, #tpu.memory_space<vmem>>
    %dma_start3A_918 = tpu.memref_squeeze %dma_start3A_917 : memref<1x100xi32, #tpu.memory_space<vmem>> -> memref<100xi32, #tpu.memory_space<vmem>>
    %dma_start3A_919 = arith.constant 0 : i32
    %dma_start3A_920 = tpu.memref_slice %arg3[%dma_start3A_907, %add3A, %dma_start3A_908, %dma_start3A_919] : memref<2x32x100x100xi32, #tpu.memory_space<hbm>> -> memref<1x1x1x100xi32, #tpu.memory_space<hbm>>
    %dma_start3A_921 = tpu.memref_squeeze %dma_start3A_920 : memref<1x1x1x100xi32, #tpu.memory_space<hbm>> -> memref<100xi32, #tpu.memory_space<hbm>>
    tpu.enqueue_dma source(%dma_start3A_921 : memref<100xi32, #tpu.memory_space<hbm>>) target(%dma_start3A_918 : memref<100xi32, #tpu.memory_space<vmem>>) target_semaphore(%arg13 : memref<!tpu.dma_semaphore, #tpu.memory_space<semaphore_mem>>)
    %dma_start3A_922 = arith.constant 1 : i32
    %dma_start3A_923 = arith.constant 99 : i32
    %dma_start3A_924 = arith.constant 3 : i32
    %dma_start3A_925 = arith.constant 0 : i32
    %dma_start3A_926 = tpu.memref_slice %arg6[%dma_start3A_924, %dma_start3A_925] : memref<6x100xi32, #tpu.memory_space<vmem>> -> memref<1x100xi32, #tpu.memory_space<vmem>>
    %dma_start3A_927 = tpu.memref_squeeze %dma_start3A_926 : memref<1x100xi32, #tpu.memory_space<vmem>> -> memref<100xi32, #tpu.memory_space<vmem>>
    %dma_start3A_928 = arith.constant 0 : i32
    %dma_start3A_929 = tpu.memref_slice %arg3[%dma_start3A_922, %add3A, %dma_start3A_923, %dma_start3A_928] : memref<2x32x100x100xi32, #tpu.memory_space<hbm>> -> memref<1x1x1x100xi32, #tpu.memory_space<hbm>>
    %dma_start3A_930 = tpu.memref_squeeze %dma_start3A_929 : memref<1x1x1x100xi32, #tpu.memory_space<hbm>> -> memref<100xi32, #tpu.memory_space<hbm>>
    %dma_start3A_931 = arith.constant 0 : i32
    %dma_start3A_932 = tpu.memref_slice %arg6[%dma_start3A_924, %dma_start3A_931] : memref<6x100xi32, #tpu.memory_space<vmem>> -> memref<1x100xi32, #tpu.memory_space<vmem>>
    %dma_start3A_933 = tpu.memref_squeeze %dma_start3A_932 : memref<1x100xi32, #tpu.memory_space<vmem>> -> memref<100xi32, #tpu.memory_space<vmem>>
    %dma_start3A_934 = arith.constant 0 : i32
    %dma_start3A_935 = tpu.memref_slice %arg3[%dma_start3A_922, %add3A, %dma_start3A_923, %dma_start3A_934] : memref<2x32x100x100xi32, #tpu.memory_space<hbm>> -> memref<1x1x1x100xi32, #tpu.memory_space<hbm>>
    %dma_start3A_936 = tpu.memref_squeeze %dma_start3A_935 : memref<1x1x1x100xi32, #tpu.memory_space<hbm>> -> memref<100xi32, #tpu.memory_space<hbm>>
    tpu.enqueue_dma source(%dma_start3A_936 : memref<100xi32, #tpu.memory_space<hbm>>) target(%dma_start3A_933 : memref<100xi32, #tpu.memory_space<vmem>>) target_semaphore(%arg13 : memref<!tpu.dma_semaphore, #tpu.memory_space<semaphore_mem>>)
    %dma_wait3A_937 = arith.constant 0 : i32
    %dma_wait3A_938 = arith.constant 96 : i32
    %dma_wait3A_939 = arith.constant 0 : i32
    %dma_wait3A_940 = arith.constant 0 : i32
    %dma_wait3A_941 = tpu.memref_slice %arg5[%dma_wait3A_939, %dma_wait3A_940] : memref<6x100xi32, #tpu.memory_space<vmem>> -> memref<1x100xi32, #tpu.memory_space<vmem>>
    %dma_wait3A_942 = tpu.memref_squeeze %dma_wait3A_941 : memref<1x100xi32, #tpu.memory_space<vmem>> -> memref<100xi32, #tpu.memory_space<vmem>>
    %dma_wait3A_943 = arith.constant 0 : i32
    %dma_wait3A_944 = tpu.memref_slice %arg3[%dma_wait3A_937, %add3A, %dma_wait3A_938, %dma_wait3A_943] : memref<2x32x100x100xi32, #tpu.memory_space<hbm>> -> memref<1x1x1x100xi32, #tpu.memory_space<hbm>>
    %dma_wait3A_945 = tpu.memref_squeeze %dma_wait3A_944 : memref<1x1x1x100xi32, #tpu.memory_space<hbm>> -> memref<100xi32, #tpu.memory_space<hbm>>
    %dma_wait3A_946 = arith.constant 0 : i32
    %dma_wait3A_947 = tpu.memref_slice %arg5[%dma_wait3A_939, %dma_wait3A_946] : memref<6x100xi32, #tpu.memory_space<vmem>> -> memref<1x100xi32, #tpu.memory_space<vmem>>
    %dma_wait3A_948 = tpu.memref_squeeze %dma_wait3A_947 : memref<1x100xi32, #tpu.memory_space<vmem>> -> memref<100xi32, #tpu.memory_space<vmem>>
    %dma_wait3A_949 = arith.constant 0 : i32
    %dma_wait3A_950 = tpu.memref_slice %arg3[%dma_wait3A_937, %add3A, %dma_wait3A_938, %dma_wait3A_949] : memref<2x32x100x100xi32, #tpu.memory_space<hbm>> -> memref<1x1x1x100xi32, #tpu.memory_space<hbm>>
    %dma_wait3A_951 = tpu.memref_squeeze %dma_wait3A_950 : memref<1x1x1x100xi32, #tpu.memory_space<hbm>> -> memref<100xi32, #tpu.memory_space<hbm>>
    tpu.wait_dma2 semaphore(%arg10 : memref<!tpu.dma_semaphore, #tpu.memory_space<semaphore_mem>>) src(%dma_wait3A_951 : memref<100xi32, #tpu.memory_space<hbm>>) dst(%dma_wait3A_948 : memref<100xi32, #tpu.memory_space<vmem>>)
    %dma_wait3A_952 = arith.constant 1 : i32
    %dma_wait3A_953 = arith.constant 96 : i32
    %dma_wait3A_954 = arith.constant 0 : i32
    %dma_wait3A_955 = arith.constant 0 : i32
    %dma_wait3A_956 = tpu.memref_slice %arg6[%dma_wait3A_954, %dma_wait3A_955] : memref<6x100xi32, #tpu.memory_space<vmem>> -> memref<1x100xi32, #tpu.memory_space<vmem>>
    %dma_wait3A_957 = tpu.memref_squeeze %dma_wait3A_956 : memref<1x100xi32, #tpu.memory_space<vmem>> -> memref<100xi32, #tpu.memory_space<vmem>>
    %dma_wait3A_958 = arith.constant 0 : i32
    %dma_wait3A_959 = tpu.memref_slice %arg3[%dma_wait3A_952, %add3A, %dma_wait3A_953, %dma_wait3A_958] : memref<2x32x100x100xi32, #tpu.memory_space<hbm>> -> memref<1x1x1x100xi32, #tpu.memory_space<hbm>>
    %dma_wait3A_960 = tpu.memref_squeeze %dma_wait3A_959 : memref<1x1x1x100xi32, #tpu.memory_space<hbm>> -> memref<100xi32, #tpu.memory_space<hbm>>
    %dma_wait3A_961 = arith.constant 0 : i32
    %dma_wait3A_962 = tpu.memref_slice %arg6[%dma_wait3A_954, %dma_wait3A_961] : memref<6x100xi32, #tpu.memory_space<vmem>> -> memref<1x100xi32, #tpu.memory_space<vmem>>
    %dma_wait3A_963 = tpu.memref_squeeze %dma_wait3A_962 : memref<1x100xi32, #tpu.memory_space<vmem>> -> memref<100xi32, #tpu.memory_space<vmem>>
    %dma_wait3A_964 = arith.constant 0 : i32
    %dma_wait3A_965 = tpu.memref_slice %arg3[%dma_wait3A_952, %add3A, %dma_wait3A_953, %dma_wait3A_964] : memref<2x32x100x100xi32, #tpu.memory_space<hbm>> -> memref<1x1x1x100xi32, #tpu.memory_space<hbm>>
    %dma_wait3A_966 = tpu.memref_squeeze %dma_wait3A_965 : memref<1x1x1x100xi32, #tpu.memory_space<hbm>> -> memref<100xi32, #tpu.memory_space<hbm>>
    tpu.wait_dma2 semaphore(%arg10 : memref<!tpu.dma_semaphore, #tpu.memory_space<semaphore_mem>>) src(%dma_wait3A_966 : memref<100xi32, #tpu.memory_space<hbm>>) dst(%dma_wait3A_963 : memref<100xi32, #tpu.memory_space<vmem>>)
    %dma_start3A_967 = arith.constant 0 : i32
    %dma_start3A_968 = arith.constant 0 : i32
    %dma_start3A_969 = arith.constant 0 : i32
    %dma_start3A_970 = arith.constant 0 : i32
    %dma_start3A_971 = tpu.memref_slice %arg7[%dma_start3A_968, %dma_start3A_969, %dma_start3A_970] : memref<3x100x128xf32, #tpu.memory_space<vmem>> -> memref<1x100x128xf32, #tpu.memory_space<vmem>>
    %dma_start3A_972 = tpu.memref_squeeze %dma_start3A_971 : memref<1x100x128xf32, #tpu.memory_space<vmem>> -> memref<100x128xf32, #tpu.memory_space<vmem>>
    %dma_start3A_973 = arith.constant 0 : i32
    %dma_start3A_974 = tpu.memref_slice %arg5[%dma_start3A_967, %dma_start3A_973] : memref<6x100xi32, #tpu.memory_space<vmem>> -> memref<1x100xi32, #tpu.memory_space<vmem>>
    %dma_start3A_975 = tpu.memref_squeeze %dma_start3A_974 : memref<1x100xi32, #tpu.memory_space<vmem>> -> memref<100xi32, #tpu.memory_space<vmem>>
    %dma_start3A_976 = arith.constant 0 : i32
    %dma_start3A_977 = arith.constant 0 : i32
    %dma_start3A_978 = tpu.memref_slice %arg2[%dma_start3A_976, %dma_start3A_977] : memref<10000x128xf32, #tpu.memory_space<hbm>> -> memref<10000x128xf32, #tpu.memory_space<hbm>>
    tpu.enqueue_indirect_dma source(%dma_start3A_978 : memref<10000x128xf32, #tpu.memory_space<hbm>>) target(%dma_start3A_972 : memref<100x128xf32, #tpu.memory_space<vmem>>) offsets(%dma_start3A_975 : memref<100xi32, #tpu.memory_space<vmem>>) semaphore(%arg16 : memref<!tpu.dma_semaphore, #tpu.memory_space<semaphore_mem>>)
    %dma_wait3A_979 = arith.constant 4 : i32
    %dma_wait3A_980 = arith.constant 1 : i32
    %dma_wait3A_981 = arith.constant 0 : i32
    %dma_wait3A_982 = arith.constant 0 : i32
    %dma_wait3A_983 = tpu.memref_slice %arg7[%dma_wait3A_980, %dma_wait3A_981, %dma_wait3A_982] : memref<3x100x128xf32, #tpu.memory_space<vmem>> -> memref<1x100x128xf32, #tpu.memory_space<vmem>>
    %dma_wait3A_984 = tpu.memref_squeeze %dma_wait3A_983 : memref<1x100x128xf32, #tpu.memory_space<vmem>> -> memref<100x128xf32, #tpu.memory_space<vmem>>
    %dma_wait3A_985 = arith.constant 0 : i32
    %dma_wait3A_986 = tpu.memref_slice %arg5[%dma_wait3A_979, %dma_wait3A_985] : memref<6x100xi32, #tpu.memory_space<vmem>> -> memref<1x100xi32, #tpu.memory_space<vmem>>
    %dma_wait3A_987 = tpu.memref_squeeze %dma_wait3A_986 : memref<1x100xi32, #tpu.memory_space<vmem>> -> memref<100xi32, #tpu.memory_space<vmem>>
    %dma_wait3A_988 = arith.constant 0 : i32
    %dma_wait3A_989 = arith.constant 0 : i32
    %dma_wait3A_990 = tpu.memref_slice %arg2[%dma_wait3A_988, %dma_wait3A_989] : memref<10000x128xf32, #tpu.memory_space<hbm>> -> memref<10000x128xf32, #tpu.memory_space<hbm>>
    tpu.wait_indirect_dma semaphore(%arg17 : memref<!tpu.dma_semaphore, #tpu.memory_space<semaphore_mem>>) src(%dma_wait3A_990 : memref<10000x128xf32, #tpu.memory_space<hbm>>) dst(%dma_wait3A_984 : memref<100x128xf32, #tpu.memory_space<vmem>>)
    %run_scoped3A_991 = arith.constant 1 : i32
    %run_scoped3A_992 = arith.constant 4 : i32
    "tpu.region"() ({
      %run_scoped3A_1334 = tpu.sem_alloc : memref<!tpu.dma_semaphore, #tpu.memory_space<semaphore_mem>>
      %dma_start3A_1335 = arith.constant 0 : i32
      %dma_start3A_1336 = arith.constant 0 : i32
      %dma_start3A_1337 = tpu.memref_slice %arg7[%run_scoped3A_991, %dma_start3A_1335, %dma_start3A_1336] : memref<3x100x128xf32, #tpu.memory_space<vmem>> -> memref<1x100x128xf32, #tpu.memory_space<vmem>>
      %dma_start3A_1338 = tpu.memref_squeeze %dma_start3A_1337 : memref<1x100x128xf32, #tpu.memory_space<vmem>> -> memref<100x128xf32, #tpu.memory_space<vmem>>
      %dma_start3A_1339 = arith.constant 0 : i32
      %dma_start3A_1340 = tpu.memref_slice %arg6[%run_scoped3A_992, %dma_start3A_1339] : memref<6x100xi32, #tpu.memory_space<vmem>> -> memref<1x100xi32, #tpu.memory_space<vmem>>
      %dma_start3A_1341 = tpu.memref_squeeze %dma_start3A_1340 : memref<1x100xi32, #tpu.memory_space<vmem>> -> memref<100xi32, #tpu.memory_space<vmem>>
      %dma_start3A_1342 = arith.constant 0 : i32
      %dma_start3A_1343 = arith.constant 0 : i32
      %dma_start3A_1344 = tpu.memref_slice %arg9[%dma_start3A_1342, %dma_start3A_1343] : memref<10240x128xf32, #tpu.memory_space<vmem_shared>> -> memref<10240x128xf32, #tpu.memory_space<vmem_shared>>
      tpu.enqueue_indirect_dma source(%dma_start3A_1338 : memref<100x128xf32, #tpu.memory_space<vmem>>) target(%dma_start3A_1344 : memref<10240x128xf32, #tpu.memory_space<vmem_shared>>) offsets(%dma_start3A_1341 : memref<100xi32, #tpu.memory_space<vmem>>) semaphore(%run_scoped3A_1334 : memref<!tpu.dma_semaphore, #tpu.memory_space<semaphore_mem>>) {add = true}
      %dma_wait3A_1345 = arith.constant 0 : i32
      %dma_wait3A_1346 = arith.constant 0 : i32
      %dma_wait3A_1347 = tpu.memref_slice %arg7[%run_scoped3A_991, %dma_wait3A_1345, %dma_wait3A_1346] : memref<3x100x128xf32, #tpu.memory_space<vmem>> -> memref<1x100x128xf32, #tpu.memory_space<vmem>>
      %dma_wait3A_1348 = tpu.memref_squeeze %dma_wait3A_1347 : memref<1x100x128xf32, #tpu.memory_space<vmem>> -> memref<100x128xf32, #tpu.memory_space<vmem>>
      %dma_wait3A_1349 = arith.constant 0 : i32
      %dma_wait3A_1350 = tpu.memref_slice %arg6[%run_scoped3A_992, %dma_wait3A_1349] : memref<6x100xi32, #tpu.memory_space<vmem>> -> memref<1x100xi32, #tpu.memory_space<vmem>>
      %dma_wait3A_1351 = tpu.memref_squeeze %dma_wait3A_1350 : memref<1x100xi32, #tpu.memory_space<vmem>> -> memref<100xi32, #tpu.memory_space<vmem>>
      %dma_wait3A_1352 = arith.constant 0 : i32
      %dma_wait3A_1353 = arith.constant 0 : i32
      %dma_wait3A_1354 = tpu.memref_slice %arg9[%dma_wait3A_1352, %dma_wait3A_1353] : memref<10240x128xf32, #tpu.memory_space<vmem_shared>> -> memref<10240x128xf32, #tpu.memory_space<vmem_shared>>
      tpu.wait_indirect_dma semaphore(%run_scoped3A_1334 : memref<!tpu.dma_semaphore, #tpu.memory_space<semaphore_mem>>) src(%dma_wait3A_1348 : memref<100x128xf32, #tpu.memory_space<vmem>>) dst(%dma_wait3A_1354 : memref<10240x128xf32, #tpu.memory_space<vmem_shared>>)
      tpu.yield
    }) : () -> ()
    %dma_wait3A_993 = arith.constant 0 : i32
    %dma_wait3A_994 = arith.constant 97 : i32
    %dma_wait3A_995 = arith.constant 1 : i32
    %dma_wait3A_996 = arith.constant 0 : i32
    %dma_wait3A_997 = tpu.memref_slice %arg5[%dma_wait3A_995, %dma_wait3A_996] : memref<6x100xi32, #tpu.memory_space<vmem>> -> memref<1x100xi32, #tpu.memory_space<vmem>>
    %dma_wait3A_998 = tpu.memref_squeeze %dma_wait3A_997 : memref<1x100xi32, #tpu.memory_space<vmem>> -> memref<100xi32, #tpu.memory_space<vmem>>
    %dma_wait3A_999 = arith.constant 0 : i32
    %dma_wait3A_1000 = tpu.memref_slice %arg3[%dma_wait3A_993, %add3A, %dma_wait3A_994, %dma_wait3A_999] : memref<2x32x100x100xi32, #tpu.memory_space<hbm>> -> memref<1x1x1x100xi32, #tpu.memory_space<hbm>>
    %dma_wait3A_1001 = tpu.memref_squeeze %dma_wait3A_1000 : memref<1x1x1x100xi32, #tpu.memory_space<hbm>> -> memref<100xi32, #tpu.memory_space<hbm>>
    %dma_wait3A_1002 = arith.constant 0 : i32
    %dma_wait3A_1003 = tpu.memref_slice %arg5[%dma_wait3A_995, %dma_wait3A_1002] : memref<6x100xi32, #tpu.memory_space<vmem>> -> memref<1x100xi32, #tpu.memory_space<vmem>>
    %dma_wait3A_1004 = tpu.memref_squeeze %dma_wait3A_1003 : memref<1x100xi32, #tpu.memory_space<vmem>> -> memref<100xi32, #tpu.memory_space<vmem>>
    %dma_wait3A_1005 = arith.constant 0 : i32
    %dma_wait3A_1006 = tpu.memref_slice %arg3[%dma_wait3A_993, %add3A, %dma_wait3A_994, %dma_wait3A_1005] : memref<2x32x100x100xi32, #tpu.memory_space<hbm>> -> memref<1x1x1x100xi32, #tpu.memory_space<hbm>>
    %dma_wait3A_1007 = tpu.memref_squeeze %dma_wait3A_1006 : memref<1x1x1x100xi32, #tpu.memory_space<hbm>> -> memref<100xi32, #tpu.memory_space<hbm>>
    tpu.wait_dma2 semaphore(%arg11 : memref<!tpu.dma_semaphore, #tpu.memory_space<semaphore_mem>>) src(%dma_wait3A_1007 : memref<100xi32, #tpu.memory_space<hbm>>) dst(%dma_wait3A_1004 : memref<100xi32, #tpu.memory_space<vmem>>)
    %dma_wait3A_1008 = arith.constant 1 : i32
    %dma_wait3A_1009 = arith.constant 97 : i32
    %dma_wait3A_1010 = arith.constant 1 : i32
    %dma_wait3A_1011 = arith.constant 0 : i32
    %dma_wait3A_1012 = tpu.memref_slice %arg6[%dma_wait3A_1010, %dma_wait3A_1011] : memref<6x100xi32, #tpu.memory_space<vmem>> -> memref<1x100xi32, #tpu.memory_space<vmem>>
    %dma_wait3A_1013 = tpu.memref_squeeze %dma_wait3A_1012 : memref<1x100xi32, #tpu.memory_space<vmem>> -> memref<100xi32, #tpu.memory_space<vmem>>
    %dma_wait3A_1014 = arith.constant 0 : i32
    %dma_wait3A_1015 = tpu.memref_slice %arg3[%dma_wait3A_1008, %add3A, %dma_wait3A_1009, %dma_wait3A_1014] : memref<2x32x100x100xi32, #tpu.memory_space<hbm>> -> memref<1x1x1x100xi32, #tpu.memory_space<hbm>>
    %dma_wait3A_1016 = tpu.memref_squeeze %dma_wait3A_1015 : memref<1x1x1x100xi32, #tpu.memory_space<hbm>> -> memref<100xi32, #tpu.memory_space<hbm>>
    %dma_wait3A_1017 = arith.constant 0 : i32
    %dma_wait3A_1018 = tpu.memref_slice %arg6[%dma_wait3A_1010, %dma_wait3A_1017] : memref<6x100xi32, #tpu.memory_space<vmem>> -> memref<1x100xi32, #tpu.memory_space<vmem>>
    %dma_wait3A_1019 = tpu.memref_squeeze %dma_wait3A_1018 : memref<1x100xi32, #tpu.memory_space<vmem>> -> memref<100xi32, #tpu.memory_space<vmem>>
    %dma_wait3A_1020 = arith.constant 0 : i32
    %dma_wait3A_1021 = tpu.memref_slice %arg3[%dma_wait3A_1008, %add3A, %dma_wait3A_1009, %dma_wait3A_1020] : memref<2x32x100x100xi32, #tpu.memory_space<hbm>> -> memref<1x1x1x100xi32, #tpu.memory_space<hbm>>
    %dma_wait3A_1022 = tpu.memref_squeeze %dma_wait3A_1021 : memref<1x1x1x100xi32, #tpu.memory_space<hbm>> -> memref<100xi32, #tpu.memory_space<hbm>>
    tpu.wait_dma2 semaphore(%arg11 : memref<!tpu.dma_semaphore, #tpu.memory_space<semaphore_mem>>) src(%dma_wait3A_1022 : memref<100xi32, #tpu.memory_space<hbm>>) dst(%dma_wait3A_1019 : memref<100xi32, #tpu.memory_space<vmem>>)
    %dma_start3A_1023 = arith.constant 1 : i32
    %dma_start3A_1024 = arith.constant 1 : i32
    %dma_start3A_1025 = arith.constant 0 : i32
    %dma_start3A_1026 = arith.constant 0 : i32
    %dma_start3A_1027 = tpu.memref_slice %arg7[%dma_start3A_1024, %dma_start3A_1025, %dma_start3A_1026] : memref<3x100x128xf32, #tpu.memory_space<vmem>> -> memref<1x100x128xf32, #tpu.memory_space<vmem>>
    %dma_start3A_1028 = tpu.memref_squeeze %dma_start3A_1027 : memref<1x100x128xf32, #tpu.memory_space<vmem>> -> memref<100x128xf32, #tpu.memory_space<vmem>>
    %dma_start3A_1029 = arith.constant 0 : i32
    %dma_start3A_1030 = tpu.memref_slice %arg5[%dma_start3A_1023, %dma_start3A_1029] : memref<6x100xi32, #tpu.memory_space<vmem>> -> memref<1x100xi32, #tpu.memory_space<vmem>>
    %dma_start3A_1031 = tpu.memref_squeeze %dma_start3A_1030 : memref<1x100xi32, #tpu.memory_space<vmem>> -> memref<100xi32, #tpu.memory_space<vmem>>
    %dma_start3A_1032 = arith.constant 0 : i32
    %dma_start3A_1033 = arith.constant 0 : i32
    %dma_start3A_1034 = tpu.memref_slice %arg2[%dma_start3A_1032, %dma_start3A_1033] : memref<10000x128xf32, #tpu.memory_space<hbm>> -> memref<10000x128xf32, #tpu.memory_space<hbm>>
    tpu.enqueue_indirect_dma source(%dma_start3A_1034 : memref<10000x128xf32, #tpu.memory_space<hbm>>) target(%dma_start3A_1028 : memref<100x128xf32, #tpu.memory_space<vmem>>) offsets(%dma_start3A_1031 : memref<100xi32, #tpu.memory_space<vmem>>) semaphore(%arg17 : memref<!tpu.dma_semaphore, #tpu.memory_space<semaphore_mem>>)
    %dma_wait3A_1035 = arith.constant 5 : i32
    %dma_wait3A_1036 = arith.constant 2 : i32
    %dma_wait3A_1037 = arith.constant 0 : i32
    %dma_wait3A_1038 = arith.constant 0 : i32
    %dma_wait3A_1039 = tpu.memref_slice %arg7[%dma_wait3A_1036, %dma_wait3A_1037, %dma_wait3A_1038] : memref<3x100x128xf32, #tpu.memory_space<vmem>> -> memref<1x100x128xf32, #tpu.memory_space<vmem>>
    %dma_wait3A_1040 = tpu.memref_squeeze %dma_wait3A_1039 : memref<1x100x128xf32, #tpu.memory_space<vmem>> -> memref<100x128xf32, #tpu.memory_space<vmem>>
    %dma_wait3A_1041 = arith.constant 0 : i32
    %dma_wait3A_1042 = tpu.memref_slice %arg5[%dma_wait3A_1035, %dma_wait3A_1041] : memref<6x100xi32, #tpu.memory_space<vmem>> -> memref<1x100xi32, #tpu.memory_space<vmem>>
    %dma_wait3A_1043 = tpu.memref_squeeze %dma_wait3A_1042 : memref<1x100xi32, #tpu.memory_space<vmem>> -> memref<100xi32, #tpu.memory_space<vmem>>
    %dma_wait3A_1044 = arith.constant 0 : i32
    %dma_wait3A_1045 = arith.constant 0 : i32
    %dma_wait3A_1046 = tpu.memref_slice %arg2[%dma_wait3A_1044, %dma_wait3A_1045] : memref<10000x128xf32, #tpu.memory_space<hbm>> -> memref<10000x128xf32, #tpu.memory_space<hbm>>
    tpu.wait_indirect_dma semaphore(%arg18 : memref<!tpu.dma_semaphore, #tpu.memory_space<semaphore_mem>>) src(%dma_wait3A_1046 : memref<10000x128xf32, #tpu.memory_space<hbm>>) dst(%dma_wait3A_1040 : memref<100x128xf32, #tpu.memory_space<vmem>>)
    %run_scoped3A_1047 = arith.constant 2 : i32
    %run_scoped3A_1048 = arith.constant 5 : i32
    "tpu.region"() ({
      %run_scoped3A_1334 = tpu.sem_alloc : memref<!tpu.dma_semaphore, #tpu.memory_space<semaphore_mem>>
      %dma_start3A_1335 = arith.constant 0 : i32
      %dma_start3A_1336 = arith.constant 0 : i32
      %dma_start3A_1337 = tpu.memref_slice %arg7[%run_scoped3A_1047, %dma_start3A_1335, %dma_start3A_1336] : memref<3x100x128xf32, #tpu.memory_space<vmem>> -> memref<1x100x128xf32, #tpu.memory_space<vmem>>
      %dma_start3A_1338 = tpu.memref_squeeze %dma_start3A_1337 : memref<1x100x128xf32, #tpu.memory_space<vmem>> -> memref<100x128xf32, #tpu.memory_space<vmem>>
      %dma_start3A_1339 = arith.constant 0 : i32
      %dma_start3A_1340 = tpu.memref_slice %arg6[%run_scoped3A_1048, %dma_start3A_1339] : memref<6x100xi32, #tpu.memory_space<vmem>> -> memref<1x100xi32, #tpu.memory_space<vmem>>
      %dma_start3A_1341 = tpu.memref_squeeze %dma_start3A_1340 : memref<1x100xi32, #tpu.memory_space<vmem>> -> memref<100xi32, #tpu.memory_space<vmem>>
      %dma_start3A_1342 = arith.constant 0 : i32
      %dma_start3A_1343 = arith.constant 0 : i32
      %dma_start3A_1344 = tpu.memref_slice %arg9[%dma_start3A_1342, %dma_start3A_1343] : memref<10240x128xf32, #tpu.memory_space<vmem_shared>> -> memref<10240x128xf32, #tpu.memory_space<vmem_shared>>
      tpu.enqueue_indirect_dma source(%dma_start3A_1338 : memref<100x128xf32, #tpu.memory_space<vmem>>) target(%dma_start3A_1344 : memref<10240x128xf32, #tpu.memory_space<vmem_shared>>) offsets(%dma_start3A_1341 : memref<100xi32, #tpu.memory_space<vmem>>) semaphore(%run_scoped3A_1334 : memref<!tpu.dma_semaphore, #tpu.memory_space<semaphore_mem>>) {add = true}
      %dma_wait3A_1345 = arith.constant 0 : i32
      %dma_wait3A_1346 = arith.constant 0 : i32
      %dma_wait3A_1347 = tpu.memref_slice %arg7[%run_scoped3A_1047, %dma_wait3A_1345, %dma_wait3A_1346] : memref<3x100x128xf32, #tpu.memory_space<vmem>> -> memref<1x100x128xf32, #tpu.memory_space<vmem>>
      %dma_wait3A_1348 = tpu.memref_squeeze %dma_wait3A_1347 : memref<1x100x128xf32, #tpu.memory_space<vmem>> -> memref<100x128xf32, #tpu.memory_space<vmem>>
      %dma_wait3A_1349 = arith.constant 0 : i32
      %dma_wait3A_1350 = tpu.memref_slice %arg6[%run_scoped3A_1048, %dma_wait3A_1349] : memref<6x100xi32, #tpu.memory_space<vmem>> -> memref<1x100xi32, #tpu.memory_space<vmem>>
      %dma_wait3A_1351 = tpu.memref_squeeze %dma_wait3A_1350 : memref<1x100xi32, #tpu.memory_space<vmem>> -> memref<100xi32, #tpu.memory_space<vmem>>
      %dma_wait3A_1352 = arith.constant 0 : i32
      %dma_wait3A_1353 = arith.constant 0 : i32
      %dma_wait3A_1354 = tpu.memref_slice %arg9[%dma_wait3A_1352, %dma_wait3A_1353] : memref<10240x128xf32, #tpu.memory_space<vmem_shared>> -> memref<10240x128xf32, #tpu.memory_space<vmem_shared>>
      tpu.wait_indirect_dma semaphore(%run_scoped3A_1334 : memref<!tpu.dma_semaphore, #tpu.memory_space<semaphore_mem>>) src(%dma_wait3A_1348 : memref<100x128xf32, #tpu.memory_space<vmem>>) dst(%dma_wait3A_1354 : memref<10240x128xf32, #tpu.memory_space<vmem_shared>>)
      tpu.yield
    }) : () -> ()
    %dma_wait3A_1049 = arith.constant 0 : i32
    %dma_wait3A_1050 = arith.constant 98 : i32
    %dma_wait3A_1051 = arith.constant 2 : i32
    %dma_wait3A_1052 = arith.constant 0 : i32
    %dma_wait3A_1053 = tpu.memref_slice %arg5[%dma_wait3A_1051, %dma_wait3A_1052] : memref<6x100xi32, #tpu.memory_space<vmem>> -> memref<1x100xi32, #tpu.memory_space<vmem>>
    %dma_wait3A_1054 = tpu.memref_squeeze %dma_wait3A_1053 : memref<1x100xi32, #tpu.memory_space<vmem>> -> memref<100xi32, #tpu.memory_space<vmem>>
    %dma_wait3A_1055 = arith.constant 0 : i32
    %dma_wait3A_1056 = tpu.memref_slice %arg3[%dma_wait3A_1049, %add3A, %dma_wait3A_1050, %dma_wait3A_1055] : memref<2x32x100x100xi32, #tpu.memory_space<hbm>> -> memref<1x1x1x100xi32, #tpu.memory_space<hbm>>
    %dma_wait3A_1057 = tpu.memref_squeeze %dma_wait3A_1056 : memref<1x1x1x100xi32, #tpu.memory_space<hbm>> -> memref<100xi32, #tpu.memory_space<hbm>>
    %dma_wait3A_1058 = arith.constant 0 : i32
    %dma_wait3A_1059 = tpu.memref_slice %arg5[%dma_wait3A_1051, %dma_wait3A_1058] : memref<6x100xi32, #tpu.memory_space<vmem>> -> memref<1x100xi32, #tpu.memory_space<vmem>>
    %dma_wait3A_1060 = tpu.memref_squeeze %dma_wait3A_1059 : memref<1x100xi32, #tpu.memory_space<vmem>> -> memref<100xi32, #tpu.memory_space<vmem>>
    %dma_wait3A_1061 = arith.constant 0 : i32
    %dma_wait3A_1062 = tpu.memref_slice %arg3[%dma_wait3A_1049, %add3A, %dma_wait3A_1050, %dma_wait3A_1061] : memref<2x32x100x100xi32, #tpu.memory_space<hbm>> -> memref<1x1x1x100xi32, #tpu.memory_space<hbm>>
    %dma_wait3A_1063 = tpu.memref_squeeze %dma_wait3A_1062 : memref<1x1x1x100xi32, #tpu.memory_space<hbm>> -> memref<100xi32, #tpu.memory_space<hbm>>
    tpu.wait_dma2 semaphore(%arg12 : memref<!tpu.dma_semaphore, #tpu.memory_space<semaphore_mem>>) src(%dma_wait3A_1063 : memref<100xi32, #tpu.memory_space<hbm>>) dst(%dma_wait3A_1060 : memref<100xi32, #tpu.memory_space<vmem>>)
    %dma_wait3A_1064 = arith.constant 1 : i32
    %dma_wait3A_1065 = arith.constant 98 : i32
    %dma_wait3A_1066 = arith.constant 2 : i32
    %dma_wait3A_1067 = arith.constant 0 : i32
    %dma_wait3A_1068 = tpu.memref_slice %arg6[%dma_wait3A_1066, %dma_wait3A_1067] : memref<6x100xi32, #tpu.memory_space<vmem>> -> memref<1x100xi32, #tpu.memory_space<vmem>>
    %dma_wait3A_1069 = tpu.memref_squeeze %dma_wait3A_1068 : memref<1x100xi32, #tpu.memory_space<vmem>> -> memref<100xi32, #tpu.memory_space<vmem>>
    %dma_wait3A_1070 = arith.constant 0 : i32
    %dma_wait3A_1071 = tpu.memref_slice %arg3[%dma_wait3A_1064, %add3A, %dma_wait3A_1065, %dma_wait3A_1070] : memref<2x32x100x100xi32, #tpu.memory_space<hbm>> -> memref<1x1x1x100xi32, #tpu.memory_space<hbm>>
    %dma_wait3A_1072 = tpu.memref_squeeze %dma_wait3A_1071 : memref<1x1x1x100xi32, #tpu.memory_space<hbm>> -> memref<100xi32, #tpu.memory_space<hbm>>
    %dma_wait3A_1073 = arith.constant 0 : i32
    %dma_wait3A_1074 = tpu.memref_slice %arg6[%dma_wait3A_1066, %dma_wait3A_1073] : memref<6x100xi32, #tpu.memory_space<vmem>> -> memref<1x100xi32, #tpu.memory_space<vmem>>
    %dma_wait3A_1075 = tpu.memref_squeeze %dma_wait3A_1074 : memref<1x100xi32, #tpu.memory_space<vmem>> -> memref<100xi32, #tpu.memory_space<vmem>>
    %dma_wait3A_1076 = arith.constant 0 : i32
    %dma_wait3A_1077 = tpu.memref_slice %arg3[%dma_wait3A_1064, %add3A, %dma_wait3A_1065, %dma_wait3A_1076] : memref<2x32x100x100xi32, #tpu.memory_space<hbm>> -> memref<1x1x1x100xi32, #tpu.memory_space<hbm>>
    %dma_wait3A_1078 = tpu.memref_squeeze %dma_wait3A_1077 : memref<1x1x1x100xi32, #tpu.memory_space<hbm>> -> memref<100xi32, #tpu.memory_space<hbm>>
    tpu.wait_dma2 semaphore(%arg12 : memref<!tpu.dma_semaphore, #tpu.memory_space<semaphore_mem>>) src(%dma_wait3A_1078 : memref<100xi32, #tpu.memory_space<hbm>>) dst(%dma_wait3A_1075 : memref<100xi32, #tpu.memory_space<vmem>>)
    %dma_start3A_1079 = arith.constant 2 : i32
    %dma_start3A_1080 = arith.constant 2 : i32
    %dma_start3A_1081 = arith.constant 0 : i32
    %dma_start3A_1082 = arith.constant 0 : i32
    %dma_start3A_1083 = tpu.memref_slice %arg7[%dma_start3A_1080, %dma_start3A_1081, %dma_start3A_1082] : memref<3x100x128xf32, #tpu.memory_space<vmem>> -> memref<1x100x128xf32, #tpu.memory_space<vmem>>
    %dma_start3A_1084 = tpu.memref_squeeze %dma_start3A_1083 : memref<1x100x128xf32, #tpu.memory_space<vmem>> -> memref<100x128xf32, #tpu.memory_space<vmem>>
    %dma_start3A_1085 = arith.constant 0 : i32
    %dma_start3A_1086 = tpu.memref_slice %arg5[%dma_start3A_1079, %dma_start3A_1085] : memref<6x100xi32, #tpu.memory_space<vmem>> -> memref<1x100xi32, #tpu.memory_space<vmem>>
    %dma_start3A_1087 = tpu.memref_squeeze %dma_start3A_1086 : memref<1x100xi32, #tpu.memory_space<vmem>> -> memref<100xi32, #tpu.memory_space<vmem>>
    %dma_start3A_1088 = arith.constant 0 : i32
    %dma_start3A_1089 = arith.constant 0 : i32
    %dma_start3A_1090 = tpu.memref_slice %arg2[%dma_start3A_1088, %dma_start3A_1089] : memref<10000x128xf32, #tpu.memory_space<hbm>> -> memref<10000x128xf32, #tpu.memory_space<hbm>>
    tpu.enqueue_indirect_dma source(%dma_start3A_1090 : memref<10000x128xf32, #tpu.memory_space<hbm>>) target(%dma_start3A_1084 : memref<100x128xf32, #tpu.memory_space<vmem>>) offsets(%dma_start3A_1087 : memref<100xi32, #tpu.memory_space<vmem>>) semaphore(%arg18 : memref<!tpu.dma_semaphore, #tpu.memory_space<semaphore_mem>>)
    %dma_wait3A_1091 = arith.constant 0 : i32
    %dma_wait3A_1092 = arith.constant 0 : i32
    %dma_wait3A_1093 = arith.constant 0 : i32
    %dma_wait3A_1094 = arith.constant 0 : i32
    %dma_wait3A_1095 = tpu.memref_slice %arg7[%dma_wait3A_1092, %dma_wait3A_1093, %dma_wait3A_1094] : memref<3x100x128xf32, #tpu.memory_space<vmem>> -> memref<1x100x128xf32, #tpu.memory_space<vmem>>
    %dma_wait3A_1096 = tpu.memref_squeeze %dma_wait3A_1095 : memref<1x100x128xf32, #tpu.memory_space<vmem>> -> memref<100x128xf32, #tpu.memory_space<vmem>>
    %dma_wait3A_1097 = arith.constant 0 : i32
    %dma_wait3A_1098 = tpu.memref_slice %arg5[%dma_wait3A_1091, %dma_wait3A_1097] : memref<6x100xi32, #tpu.memory_space<vmem>> -> memref<1x100xi32, #tpu.memory_space<vmem>>
    %dma_wait3A_1099 = tpu.memref_squeeze %dma_wait3A_1098 : memref<1x100xi32, #tpu.memory_space<vmem>> -> memref<100xi32, #tpu.memory_space<vmem>>
    %dma_wait3A_1100 = arith.constant 0 : i32
    %dma_wait3A_1101 = arith.constant 0 : i32
    %dma_wait3A_1102 = tpu.memref_slice %arg2[%dma_wait3A_1100, %dma_wait3A_1101] : memref<10000x128xf32, #tpu.memory_space<hbm>> -> memref<10000x128xf32, #tpu.memory_space<hbm>>
    tpu.wait_indirect_dma semaphore(%arg16 : memref<!tpu.dma_semaphore, #tpu.memory_space<semaphore_mem>>) src(%dma_wait3A_1102 : memref<10000x128xf32, #tpu.memory_space<hbm>>) dst(%dma_wait3A_1096 : memref<100x128xf32, #tpu.memory_space<vmem>>)
    %run_scoped3A_1103 = arith.constant 0 : i32
    %run_scoped3A_1104 = arith.constant 0 : i32
    "tpu.region"() ({
      %run_scoped3A_1334 = tpu.sem_alloc : memref<!tpu.dma_semaphore, #tpu.memory_space<semaphore_mem>>
      %dma_start3A_1335 = arith.constant 0 : i32
      %dma_start3A_1336 = arith.constant 0 : i32
      %dma_start3A_1337 = tpu.memref_slice %arg7[%run_scoped3A_1103, %dma_start3A_1335, %dma_start3A_1336] : memref<3x100x128xf32, #tpu.memory_space<vmem>> -> memref<1x100x128xf32, #tpu.memory_space<vmem>>
      %dma_start3A_1338 = tpu.memref_squeeze %dma_start3A_1337 : memref<1x100x128xf32, #tpu.memory_space<vmem>> -> memref<100x128xf32, #tpu.memory_space<vmem>>
      %dma_start3A_1339 = arith.constant 0 : i32
      %dma_start3A_1340 = tpu.memref_slice %arg6[%run_scoped3A_1104, %dma_start3A_1339] : memref<6x100xi32, #tpu.memory_space<vmem>> -> memref<1x100xi32, #tpu.memory_space<vmem>>
      %dma_start3A_1341 = tpu.memref_squeeze %dma_start3A_1340 : memref<1x100xi32, #tpu.memory_space<vmem>> -> memref<100xi32, #tpu.memory_space<vmem>>
      %dma_start3A_1342 = arith.constant 0 : i32
      %dma_start3A_1343 = arith.constant 0 : i32
      %dma_start3A_1344 = tpu.memref_slice %arg9[%dma_start3A_1342, %dma_start3A_1343] : memref<10240x128xf32, #tpu.memory_space<vmem_shared>> -> memref<10240x128xf32, #tpu.memory_space<vmem_shared>>
      tpu.enqueue_indirect_dma source(%dma_start3A_1338 : memref<100x128xf32, #tpu.memory_space<vmem>>) target(%dma_start3A_1344 : memref<10240x128xf32, #tpu.memory_space<vmem_shared>>) offsets(%dma_start3A_1341 : memref<100xi32, #tpu.memory_space<vmem>>) semaphore(%run_scoped3A_1334 : memref<!tpu.dma_semaphore, #tpu.memory_space<semaphore_mem>>) {add = true}
      %dma_wait3A_1345 = arith.constant 0 : i32
      %dma_wait3A_1346 = arith.constant 0 : i32
      %dma_wait3A_1347 = tpu.memref_slice %arg7[%run_scoped3A_1103, %dma_wait3A_1345, %dma_wait3A_1346] : memref<3x100x128xf32, #tpu.memory_space<vmem>> -> memref<1x100x128xf32, #tpu.memory_space<vmem>>
      %dma_wait3A_1348 = tpu.memref_squeeze %dma_wait3A_1347 : memref<1x100x128xf32, #tpu.memory_space<vmem>> -> memref<100x128xf32, #tpu.memory_space<vmem>>
      %dma_wait3A_1349 = arith.constant 0 : i32
      %dma_wait3A_1350 = tpu.memref_slice %arg6[%run_scoped3A_1104, %dma_wait3A_1349] : memref<6x100xi32, #tpu.memory_space<vmem>> -> memref<1x100xi32, #tpu.memory_space<vmem>>
      %dma_wait3A_1351 = tpu.memref_squeeze %dma_wait3A_1350 : memref<1x100xi32, #tpu.memory_space<vmem>> -> memref<100xi32, #tpu.memory_space<vmem>>
      %dma_wait3A_1352 = arith.constant 0 : i32
      %dma_wait3A_1353 = arith.constant 0 : i32
      %dma_wait3A_1354 = tpu.memref_slice %arg9[%dma_wait3A_1352, %dma_wait3A_1353] : memref<10240x128xf32, #tpu.memory_space<vmem_shared>> -> memref<10240x128xf32, #tpu.memory_space<vmem_shared>>
      tpu.wait_indirect_dma semaphore(%run_scoped3A_1334 : memref<!tpu.dma_semaphore, #tpu.memory_space<semaphore_mem>>) src(%dma_wait3A_1348 : memref<100x128xf32, #tpu.memory_space<vmem>>) dst(%dma_wait3A_1354 : memref<10240x128xf32, #tpu.memory_space<vmem_shared>>)
      tpu.yield
    }) : () -> ()
    %dma_wait3A_1105 = arith.constant 0 : i32
    %dma_wait3A_1106 = arith.constant 99 : i32
    %dma_wait3A_1107 = arith.constant 3 : i32
    %dma_wait3A_1108 = arith.constant 0 : i32
    %dma_wait3A_1109 = tpu.memref_slice %arg5[%dma_wait3A_1107, %dma_wait3A_1108] : memref<6x100xi32, #tpu.memory_space<vmem>> -> memref<1x100xi32, #tpu.memory_space<vmem>>
    %dma_wait3A_1110 = tpu.memref_squeeze %dma_wait3A_1109 : memref<1x100xi32, #tpu.memory_space<vmem>> -> memref<100xi32, #tpu.memory_space<vmem>>
    %dma_wait3A_1111 = arith.constant 0 : i32
    %dma_wait3A_1112 = tpu.memref_slice %arg3[%dma_wait3A_1105, %add3A, %dma_wait3A_1106, %dma_wait3A_1111] : memref<2x32x100x100xi32, #tpu.memory_space<hbm>> -> memref<1x1x1x100xi32, #tpu.memory_space<hbm>>
    %dma_wait3A_1113 = tpu.memref_squeeze %dma_wait3A_1112 : memref<1x1x1x100xi32, #tpu.memory_space<hbm>> -> memref<100xi32, #tpu.memory_space<hbm>>
    %dma_wait3A_1114 = arith.constant 0 : i32
    %dma_wait3A_1115 = tpu.memref_slice %arg5[%dma_wait3A_1107, %dma_wait3A_1114] : memref<6x100xi32, #tpu.memory_space<vmem>> -> memref<1x100xi32, #tpu.memory_space<vmem>>
    %dma_wait3A_1116 = tpu.memref_squeeze %dma_wait3A_1115 : memref<1x100xi32, #tpu.memory_space<vmem>> -> memref<100xi32, #tpu.memory_space<vmem>>
    %dma_wait3A_1117 = arith.constant 0 : i32
    %dma_wait3A_1118 = tpu.memref_slice %arg3[%dma_wait3A_1105, %add3A, %dma_wait3A_1106, %dma_wait3A_1117] : memref<2x32x100x100xi32, #tpu.memory_space<hbm>> -> memref<1x1x1x100xi32, #tpu.memory_space<hbm>>
    %dma_wait3A_1119 = tpu.memref_squeeze %dma_wait3A_1118 : memref<1x1x1x100xi32, #tpu.memory_space<hbm>> -> memref<100xi32, #tpu.memory_space<hbm>>
    tpu.wait_dma2 semaphore(%arg13 : memref<!tpu.dma_semaphore, #tpu.memory_space<semaphore_mem>>) src(%dma_wait3A_1119 : memref<100xi32, #tpu.memory_space<hbm>>) dst(%dma_wait3A_1116 : memref<100xi32, #tpu.memory_space<vmem>>)
    %dma_wait3A_1120 = arith.constant 1 : i32
    %dma_wait3A_1121 = arith.constant 99 : i32
    %dma_wait3A_1122 = arith.constant 3 : i32
    %dma_wait3A_1123 = arith.constant 0 : i32
    %dma_wait3A_1124 = tpu.memref_slice %arg6[%dma_wait3A_1122, %dma_wait3A_1123] : memref<6x100xi32, #tpu.memory_space<vmem>> -> memref<1x100xi32, #tpu.memory_space<vmem>>
    %dma_wait3A_1125 = tpu.memref_squeeze %dma_wait3A_1124 : memref<1x100xi32, #tpu.memory_space<vmem>> -> memref<100xi32, #tpu.memory_space<vmem>>
    %dma_wait3A_1126 = arith.constant 0 : i32
    %dma_wait3A_1127 = tpu.memref_slice %arg3[%dma_wait3A_1120, %add3A, %dma_wait3A_1121, %dma_wait3A_1126] : memref<2x32x100x100xi32, #tpu.memory_space<hbm>> -> memref<1x1x1x100xi32, #tpu.memory_space<hbm>>
    %dma_wait3A_1128 = tpu.memref_squeeze %dma_wait3A_1127 : memref<1x1x1x100xi32, #tpu.memory_space<hbm>> -> memref<100xi32, #tpu.memory_space<hbm>>
    %dma_wait3A_1129 = arith.constant 0 : i32
    %dma_wait3A_1130 = tpu.memref_slice %arg6[%dma_wait3A_1122, %dma_wait3A_1129] : memref<6x100xi32, #tpu.memory_space<vmem>> -> memref<1x100xi32, #tpu.memory_space<vmem>>
    %dma_wait3A_1131 = tpu.memref_squeeze %dma_wait3A_1130 : memref<1x100xi32, #tpu.memory_space<vmem>> -> memref<100xi32, #tpu.memory_space<vmem>>
    %dma_wait3A_1132 = arith.constant 0 : i32
    %dma_wait3A_1133 = tpu.memref_slice %arg3[%dma_wait3A_1120, %add3A, %dma_wait3A_1121, %dma_wait3A_1132] : memref<2x32x100x100xi32, #tpu.memory_space<hbm>> -> memref<1x1x1x100xi32, #tpu.memory_space<hbm>>
    %dma_wait3A_1134 = tpu.memref_squeeze %dma_wait3A_1133 : memref<1x1x1x100xi32, #tpu.memory_space<hbm>> -> memref<100xi32, #tpu.memory_space<hbm>>
    tpu.wait_dma2 semaphore(%arg13 : memref<!tpu.dma_semaphore, #tpu.memory_space<semaphore_mem>>) src(%dma_wait3A_1134 : memref<100xi32, #tpu.memory_space<hbm>>) dst(%dma_wait3A_1131 : memref<100xi32, #tpu.memory_space<vmem>>)
    %dma_start3A_1135 = arith.constant 3 : i32
    %dma_start3A_1136 = arith.constant 0 : i32
    %dma_start3A_1137 = arith.constant 0 : i32
    %dma_start3A_1138 = arith.constant 0 : i32
    %dma_start3A_1139 = tpu.memref_slice %arg7[%dma_start3A_1136, %dma_start3A_1137, %dma_start3A_1138] : memref<3x100x128xf32, #tpu.memory_space<vmem>> -> memref<1x100x128xf32, #tpu.memory_space<vmem>>
    %dma_start3A_1140 = tpu.memref_squeeze %dma_start3A_1139 : memref<1x100x128xf32, #tpu.memory_space<vmem>> -> memref<100x128xf32, #tpu.memory_space<vmem>>
    %dma_start3A_1141 = arith.constant 0 : i32
    %dma_start3A_1142 = tpu.memref_slice %arg5[%dma_start3A_1135, %dma_start3A_1141] : memref<6x100xi32, #tpu.memory_space<vmem>> -> memref<1x100xi32, #tpu.memory_space<vmem>>
    %dma_start3A_1143 = tpu.memref_squeeze %dma_start3A_1142 : memref<1x100xi32, #tpu.memory_space<vmem>> -> memref<100xi32, #tpu.memory_space<vmem>>
    %dma_start3A_1144 = arith.constant 0 : i32
    %dma_start3A_1145 = arith.constant 0 : i32
    %dma_start3A_1146 = tpu.memref_slice %arg2[%dma_start3A_1144, %dma_start3A_1145] : memref<10000x128xf32, #tpu.memory_space<hbm>> -> memref<10000x128xf32, #tpu.memory_space<hbm>>
    tpu.enqueue_indirect_dma source(%dma_start3A_1146 : memref<10000x128xf32, #tpu.memory_space<hbm>>) target(%dma_start3A_1140 : memref<100x128xf32, #tpu.memory_space<vmem>>) offsets(%dma_start3A_1143 : memref<100xi32, #tpu.memory_space<vmem>>) semaphore(%arg16 : memref<!tpu.dma_semaphore, #tpu.memory_space<semaphore_mem>>)
    %dma_wait3A_1147 = arith.constant 1 : i32
    %dma_wait3A_1148 = arith.constant 1 : i32
    %dma_wait3A_1149 = arith.constant 0 : i32
    %dma_wait3A_1150 = arith.constant 0 : i32
    %dma_wait3A_1151 = tpu.memref_slice %arg7[%dma_wait3A_1148, %dma_wait3A_1149, %dma_wait3A_1150] : memref<3x100x128xf32, #tpu.memory_space<vmem>> -> memref<1x100x128xf32, #tpu.memory_space<vmem>>
    %dma_wait3A_1152 = tpu.memref_squeeze %dma_wait3A_1151 : memref<1x100x128xf32, #tpu.memory_space<vmem>> -> memref<100x128xf32, #tpu.memory_space<vmem>>
    %dma_wait3A_1153 = arith.constant 0 : i32
    %dma_wait3A_1154 = tpu.memref_slice %arg5[%dma_wait3A_1147, %dma_wait3A_1153] : memref<6x100xi32, #tpu.memory_space<vmem>> -> memref<1x100xi32, #tpu.memory_space<vmem>>
    %dma_wait3A_1155 = tpu.memref_squeeze %dma_wait3A_1154 : memref<1x100xi32, #tpu.memory_space<vmem>> -> memref<100xi32, #tpu.memory_space<vmem>>
    %dma_wait3A_1156 = arith.constant 0 : i32
    %dma_wait3A_1157 = arith.constant 0 : i32
    %dma_wait3A_1158 = tpu.memref_slice %arg2[%dma_wait3A_1156, %dma_wait3A_1157] : memref<10000x128xf32, #tpu.memory_space<hbm>> -> memref<10000x128xf32, #tpu.memory_space<hbm>>
    tpu.wait_indirect_dma semaphore(%arg17 : memref<!tpu.dma_semaphore, #tpu.memory_space<semaphore_mem>>) src(%dma_wait3A_1158 : memref<10000x128xf32, #tpu.memory_space<hbm>>) dst(%dma_wait3A_1152 : memref<100x128xf32, #tpu.memory_space<vmem>>)
    %run_scoped3A_1159 = arith.constant 1 : i32
    %run_scoped3A_1160 = arith.constant 1 : i32
    "tpu.region"() ({
      %run_scoped3A_1334 = tpu.sem_alloc : memref<!tpu.dma_semaphore, #tpu.memory_space<semaphore_mem>>
      %dma_start3A_1335 = arith.constant 0 : i32
      %dma_start3A_1336 = arith.constant 0 : i32
      %dma_start3A_1337 = tpu.memref_slice %arg7[%run_scoped3A_1159, %dma_start3A_1335, %dma_start3A_1336] : memref<3x100x128xf32, #tpu.memory_space<vmem>> -> memref<1x100x128xf32, #tpu.memory_space<vmem>>
      %dma_start3A_1338 = tpu.memref_squeeze %dma_start3A_1337 : memref<1x100x128xf32, #tpu.memory_space<vmem>> -> memref<100x128xf32, #tpu.memory_space<vmem>>
      %dma_start3A_1339 = arith.constant 0 : i32
      %dma_start3A_1340 = tpu.memref_slice %arg6[%run_scoped3A_1160, %dma_start3A_1339] : memref<6x100xi32, #tpu.memory_space<vmem>> -> memref<1x100xi32, #tpu.memory_space<vmem>>
      %dma_start3A_1341 = tpu.memref_squeeze %dma_start3A_1340 : memref<1x100xi32, #tpu.memory_space<vmem>> -> memref<100xi32, #tpu.memory_space<vmem>>
      %dma_start3A_1342 = arith.constant 0 : i32
      %dma_start3A_1343 = arith.constant 0 : i32
      %dma_start3A_1344 = tpu.memref_slice %arg9[%dma_start3A_1342, %dma_start3A_1343] : memref<10240x128xf32, #tpu.memory_space<vmem_shared>> -> memref<10240x128xf32, #tpu.memory_space<vmem_shared>>
      tpu.enqueue_indirect_dma source(%dma_start3A_1338 : memref<100x128xf32, #tpu.memory_space<vmem>>) target(%dma_start3A_1344 : memref<10240x128xf32, #tpu.memory_space<vmem_shared>>) offsets(%dma_start3A_1341 : memref<100xi32, #tpu.memory_space<vmem>>) semaphore(%run_scoped3A_1334 : memref<!tpu.dma_semaphore, #tpu.memory_space<semaphore_mem>>) {add = true}
      %dma_wait3A_1345 = arith.constant 0 : i32
      %dma_wait3A_1346 = arith.constant 0 : i32
      %dma_wait3A_1347 = tpu.memref_slice %arg7[%run_scoped3A_1159, %dma_wait3A_1345, %dma_wait3A_1346] : memref<3x100x128xf32, #tpu.memory_space<vmem>> -> memref<1x100x128xf32, #tpu.memory_space<vmem>>
      %dma_wait3A_1348 = tpu.memref_squeeze %dma_wait3A_1347 : memref<1x100x128xf32, #tpu.memory_space<vmem>> -> memref<100x128xf32, #tpu.memory_space<vmem>>
      %dma_wait3A_1349 = arith.constant 0 : i32
      %dma_wait3A_1350 = tpu.memref_slice %arg6[%run_scoped3A_1160, %dma_wait3A_1349] : memref<6x100xi32, #tpu.memory_space<vmem>> -> memref<1x100xi32, #tpu.memory_space<vmem>>
      %dma_wait3A_1351 = tpu.memref_squeeze %dma_wait3A_1350 : memref<1x100xi32, #tpu.memory_space<vmem>> -> memref<100xi32, #tpu.memory_space<vmem>>
      %dma_wait3A_1352 = arith.constant 0 : i32
      %dma_wait3A_1353 = arith.constant 0 : i32
      %dma_wait3A_1354 = tpu.memref_slice %arg9[%dma_wait3A_1352, %dma_wait3A_1353] : memref<10240x128xf32, #tpu.memory_space<vmem_shared>> -> memref<10240x128xf32, #tpu.memory_space<vmem_shared>>
      tpu.wait_indirect_dma semaphore(%run_scoped3A_1334 : memref<!tpu.dma_semaphore, #tpu.memory_space<semaphore_mem>>) src(%dma_wait3A_1348 : memref<100x128xf32, #tpu.memory_space<vmem>>) dst(%dma_wait3A_1354 : memref<10240x128xf32, #tpu.memory_space<vmem_shared>>)
      tpu.yield
    }) : () -> ()
    %dma_wait3A_1161 = arith.constant 2 : i32
    %dma_wait3A_1162 = arith.constant 2 : i32
    %dma_wait3A_1163 = arith.constant 0 : i32
    %dma_wait3A_1164 = arith.constant 0 : i32
    %dma_wait3A_1165 = tpu.memref_slice %arg7[%dma_wait3A_1162, %dma_wait3A_1163, %dma_wait3A_1164] : memref<3x100x128xf32, #tpu.memory_space<vmem>> -> memref<1x100x128xf32, #tpu.memory_space<vmem>>
    %dma_wait3A_1166 = tpu.memref_squeeze %dma_wait3A_1165 : memref<1x100x128xf32, #tpu.memory_space<vmem>> -> memref<100x128xf32, #tpu.memory_space<vmem>>
    %dma_wait3A_1167 = arith.constant 0 : i32
    %dma_wait3A_1168 = tpu.memref_slice %arg5[%dma_wait3A_1161, %dma_wait3A_1167] : memref<6x100xi32, #tpu.memory_space<vmem>> -> memref<1x100xi32, #tpu.memory_space<vmem>>
    %dma_wait3A_1169 = tpu.memref_squeeze %dma_wait3A_1168 : memref<1x100xi32, #tpu.memory_space<vmem>> -> memref<100xi32, #tpu.memory_space<vmem>>
    %dma_wait3A_1170 = arith.constant 0 : i32
    %dma_wait3A_1171 = arith.constant 0 : i32
    %dma_wait3A_1172 = tpu.memref_slice %arg2[%dma_wait3A_1170, %dma_wait3A_1171] : memref<10000x128xf32, #tpu.memory_space<hbm>> -> memref<10000x128xf32, #tpu.memory_space<hbm>>
    tpu.wait_indirect_dma semaphore(%arg18 : memref<!tpu.dma_semaphore, #tpu.memory_space<semaphore_mem>>) src(%dma_wait3A_1172 : memref<10000x128xf32, #tpu.memory_space<hbm>>) dst(%dma_wait3A_1166 : memref<100x128xf32, #tpu.memory_space<vmem>>)
    %run_scoped3A_1173 = arith.constant 2 : i32
    %run_scoped3A_1174 = arith.constant 2 : i32
    "tpu.region"() ({
      %run_scoped3A_1334 = tpu.sem_alloc : memref<!tpu.dma_semaphore, #tpu.memory_space<semaphore_mem>>
      %dma_start3A_1335 = arith.constant 0 : i32
      %dma_start3A_1336 = arith.constant 0 : i32
      %dma_start3A_1337 = tpu.memref_slice %arg7[%run_scoped3A_1173, %dma_start3A_1335, %dma_start3A_1336] : memref<3x100x128xf32, #tpu.memory_space<vmem>> -> memref<1x100x128xf32, #tpu.memory_space<vmem>>
      %dma_start3A_1338 = tpu.memref_squeeze %dma_start3A_1337 : memref<1x100x128xf32, #tpu.memory_space<vmem>> -> memref<100x128xf32, #tpu.memory_space<vmem>>
      %dma_start3A_1339 = arith.constant 0 : i32
      %dma_start3A_1340 = tpu.memref_slice %arg6[%run_scoped3A_1174, %dma_start3A_1339] : memref<6x100xi32, #tpu.memory_space<vmem>> -> memref<1x100xi32, #tpu.memory_space<vmem>>
      %dma_start3A_1341 = tpu.memref_squeeze %dma_start3A_1340 : memref<1x100xi32, #tpu.memory_space<vmem>> -> memref<100xi32, #tpu.memory_space<vmem>>
      %dma_start3A_1342 = arith.constant 0 : i32
      %dma_start3A_1343 = arith.constant 0 : i32
      %dma_start3A_1344 = tpu.memref_slice %arg9[%dma_start3A_1342, %dma_start3A_1343] : memref<10240x128xf32, #tpu.memory_space<vmem_shared>> -> memref<10240x128xf32, #tpu.memory_space<vmem_shared>>
      tpu.enqueue_indirect_dma source(%dma_start3A_1338 : memref<100x128xf32, #tpu.memory_space<vmem>>) target(%dma_start3A_1344 : memref<10240x128xf32, #tpu.memory_space<vmem_shared>>) offsets(%dma_start3A_1341 : memref<100xi32, #tpu.memory_space<vmem>>) semaphore(%run_scoped3A_1334 : memref<!tpu.dma_semaphore, #tpu.memory_space<semaphore_mem>>) {add = true}
      %dma_wait3A_1345 = arith.constant 0 : i32
      %dma_wait3A_1346 = arith.constant 0 : i32
      %dma_wait3A_1347 = tpu.memref_slice %arg7[%run_scoped3A_1173, %dma_wait3A_1345, %dma_wait3A_1346] : memref<3x100x128xf32, #tpu.memory_space<vmem>> -> memref<1x100x128xf32, #tpu.memory_space<vmem>>
      %dma_wait3A_1348 = tpu.memref_squeeze %dma_wait3A_1347 : memref<1x100x128xf32, #tpu.memory_space<vmem>> -> memref<100x128xf32, #tpu.memory_space<vmem>>
      %dma_wait3A_1349 = arith.constant 0 : i32
      %dma_wait3A_1350 = tpu.memref_slice %arg6[%run_scoped3A_1174, %dma_wait3A_1349] : memref<6x100xi32, #tpu.memory_space<vmem>> -> memref<1x100xi32, #tpu.memory_space<vmem>>
      %dma_wait3A_1351 = tpu.memref_squeeze %dma_wait3A_1350 : memref<1x100xi32, #tpu.memory_space<vmem>> -> memref<100xi32, #tpu.memory_space<vmem>>
      %dma_wait3A_1352 = arith.constant 0 : i32
      %dma_wait3A_1353 = arith.constant 0 : i32
      %dma_wait3A_1354 = tpu.memref_slice %arg9[%dma_wait3A_1352, %dma_wait3A_1353] : memref<10240x128xf32, #tpu.memory_space<vmem_shared>> -> memref<10240x128xf32, #tpu.memory_space<vmem_shared>>
      tpu.wait_indirect_dma semaphore(%run_scoped3A_1334 : memref<!tpu.dma_semaphore, #tpu.memory_space<semaphore_mem>>) src(%dma_wait3A_1348 : memref<100x128xf32, #tpu.memory_space<vmem>>) dst(%dma_wait3A_1354 : memref<10240x128xf32, #tpu.memory_space<vmem_shared>>)
      tpu.yield
    }) : () -> ()
    %dma_wait3A_1175 = arith.constant 3 : i32
    %dma_wait3A_1176 = arith.constant 0 : i32
    %dma_wait3A_1177 = arith.constant 0 : i32
    %dma_wait3A_1178 = arith.constant 0 : i32
    %dma_wait3A_1179 = tpu.memref_slice %arg7[%dma_wait3A_1176, %dma_wait3A_1177, %dma_wait3A_1178] : memref<3x100x128xf32, #tpu.memory_space<vmem>> -> memref<1x100x128xf32, #tpu.memory_space<vmem>>
    %dma_wait3A_1180 = tpu.memref_squeeze %dma_wait3A_1179 : memref<1x100x128xf32, #tpu.memory_space<vmem>> -> memref<100x128xf32, #tpu.memory_space<vmem>>
    %dma_wait3A_1181 = arith.constant 0 : i32
    %dma_wait3A_1182 = tpu.memref_slice %arg5[%dma_wait3A_1175, %dma_wait3A_1181] : memref<6x100xi32, #tpu.memory_space<vmem>> -> memref<1x100xi32, #tpu.memory_space<vmem>>
    %dma_wait3A_1183 = tpu.memref_squeeze %dma_wait3A_1182 : memref<1x100xi32, #tpu.memory_space<vmem>> -> memref<100xi32, #tpu.memory_space<vmem>>
    %dma_wait3A_1184 = arith.constant 0 : i32
    %dma_wait3A_1185 = arith.constant 0 : i32
    %dma_wait3A_1186 = tpu.memref_slice %arg2[%dma_wait3A_1184, %dma_wait3A_1185] : memref<10000x128xf32, #tpu.memory_space<hbm>> -> memref<10000x128xf32, #tpu.memory_space<hbm>>
    tpu.wait_indirect_dma semaphore(%arg16 : memref<!tpu.dma_semaphore, #tpu.memory_space<semaphore_mem>>) src(%dma_wait3A_1186 : memref<10000x128xf32, #tpu.memory_space<hbm>>) dst(%dma_wait3A_1180 : memref<100x128xf32, #tpu.memory_space<vmem>>)
    %run_scoped3A_1187 = arith.constant 0 : i32
    %run_scoped3A_1188 = arith.constant 3 : i32
    "tpu.region"() ({
      %run_scoped3A_1334 = tpu.sem_alloc : memref<!tpu.dma_semaphore, #tpu.memory_space<semaphore_mem>>
      %dma_start3A_1335 = arith.constant 0 : i32
      %dma_start3A_1336 = arith.constant 0 : i32
      %dma_start3A_1337 = tpu.memref_slice %arg7[%run_scoped3A_1187, %dma_start3A_1335, %dma_start3A_1336] : memref<3x100x128xf32, #tpu.memory_space<vmem>> -> memref<1x100x128xf32, #tpu.memory_space<vmem>>
      %dma_start3A_1338 = tpu.memref_squeeze %dma_start3A_1337 : memref<1x100x128xf32, #tpu.memory_space<vmem>> -> memref<100x128xf32, #tpu.memory_space<vmem>>
      %dma_start3A_1339 = arith.constant 0 : i32
      %dma_start3A_1340 = tpu.memref_slice %arg6[%run_scoped3A_1188, %dma_start3A_1339] : memref<6x100xi32, #tpu.memory_space<vmem>> -> memref<1x100xi32, #tpu.memory_space<vmem>>
      %dma_start3A_1341 = tpu.memref_squeeze %dma_start3A_1340 : memref<1x100xi32, #tpu.memory_space<vmem>> -> memref<100xi32, #tpu.memory_space<vmem>>
      %dma_start3A_1342 = arith.constant 0 : i32
      %dma_start3A_1343 = arith.constant 0 : i32
      %dma_start3A_1344 = tpu.memref_slice %arg9[%dma_start3A_1342, %dma_start3A_1343] : memref<10240x128xf32, #tpu.memory_space<vmem_shared>> -> memref<10240x128xf32, #tpu.memory_space<vmem_shared>>
      tpu.enqueue_indirect_dma source(%dma_start3A_1338 : memref<100x128xf32, #tpu.memory_space<vmem>>) target(%dma_start3A_1344 : memref<10240x128xf32, #tpu.memory_space<vmem_shared>>) offsets(%dma_start3A_1341 : memref<100xi32, #tpu.memory_space<vmem>>) semaphore(%run_scoped3A_1334 : memref<!tpu.dma_semaphore, #tpu.memory_space<semaphore_mem>>) {add = true}
      %dma_wait3A_1345 = arith.constant 0 : i32
      %dma_wait3A_1346 = arith.constant 0 : i32
      %dma_wait3A_1347 = tpu.memref_slice %arg7[%run_scoped3A_1187, %dma_wait3A_1345, %dma_wait3A_1346] : memref<3x100x128xf32, #tpu.memory_space<vmem>> -> memref<1x100x128xf32, #tpu.memory_space<vmem>>
      %dma_wait3A_1348 = tpu.memref_squeeze %dma_wait3A_1347 : memref<1x100x128xf32, #tpu.memory_space<vmem>> -> memref<100x128xf32, #tpu.memory_space<vmem>>
      %dma_wait3A_1349 = arith.constant 0 : i32
      %dma_wait3A_1350 = tpu.memref_slice %arg6[%run_scoped3A_1188, %dma_wait3A_1349] : memref<6x100xi32, #tpu.memory_space<vmem>> -> memref<1x100xi32, #tpu.memory_space<vmem>>
      %dma_wait3A_1351 = tpu.memref_squeeze %dma_wait3A_1350 : memref<1x100xi32, #tpu.memory_space<vmem>> -> memref<100xi32, #tpu.memory_space<vmem>>
      %dma_wait3A_1352 = arith.constant 0 : i32
      %dma_wait3A_1353 = arith.constant 0 : i32
      %dma_wait3A_1354 = tpu.memref_slice %arg9[%dma_wait3A_1352, %dma_wait3A_1353] : memref<10240x128xf32, #tpu.memory_space<vmem_shared>> -> memref<10240x128xf32, #tpu.memory_space<vmem_shared>>
      tpu.wait_indirect_dma semaphore(%run_scoped3A_1334 : memref<!tpu.dma_semaphore, #tpu.memory_space<semaphore_mem>>) src(%dma_wait3A_1348 : memref<100x128xf32, #tpu.memory_space<vmem>>) dst(%dma_wait3A_1354 : memref<10240x128xf32, #tpu.memory_space<vmem_shared>>)
      tpu.yield
    }) : () -> ()
    %barrier3A_1189 = arith.constant 0 : index
    tpu.barrier barrier_id(%barrier3A_1189)
    %mul3A_1190 = arith.constant 640 : i32
    %mul3A_1191 = arith.muli %arg1, %mul3A_1190 : i32
    %add3A_1192 = arith.constant 0 : i32
    %add3A_1193 = arith.addi %mul3A_1191, %add3A_1192 : i32
    %dma_start3A_1194 = arith.constant 0 : i32
    %dma_start3A_1195 = tpu.memref_slice %arg4[%arg0, %add3A_1193, %dma_start3A_1194] : memref<2x10240x128xf32, #tpu.memory_space<hbm>> -> memref<1x80x128xf32, #tpu.memory_space<hbm>>
    %dma_start3A_1196 = tpu.memref_squeeze %dma_start3A_1195 : memref<1x80x128xf32, #tpu.memory_space<hbm>> -> memref<80x128xf32, #tpu.memory_space<hbm>>
    %dma_start3A_1197 = arith.constant 0 : i32
    %dma_start3A_1198 = tpu.memref_slice %arg9[%add3A_1193, %dma_start3A_1197] : memref<10240x128xf32, #tpu.memory_space<vmem_shared>> -> memref<80x128xf32, #tpu.memory_space<vmem_shared>>
    tpu.enqueue_dma source(%dma_start3A_1198 : memref<80x128xf32, #tpu.memory_space<vmem_shared>>) target(%dma_start3A_1196 : memref<80x128xf32, #tpu.memory_space<hbm>>) target_semaphore(%arg16 : memref<!tpu.dma_semaphore, #tpu.memory_space<semaphore_mem>>)
    %mul3A_1199 = arith.constant 640 : i32
    %mul3A_1200 = arith.muli %arg1, %mul3A_1199 : i32
    %add3A_1201 = arith.constant 80 : i32
    %add3A_1202 = arith.addi %mul3A_1200, %add3A_1201 : i32
    %dma_start3A_1203 = arith.constant 0 : i32
    %dma_start3A_1204 = tpu.memref_slice %arg4[%arg0, %add3A_1202, %dma_start3A_1203] : memref<2x10240x128xf32, #tpu.memory_space<hbm>> -> memref<1x80x128xf32, #tpu.memory_space<hbm>>
    %dma_start3A_1205 = tpu.memref_squeeze %dma_start3A_1204 : memref<1x80x128xf32, #tpu.memory_space<hbm>> -> memref<80x128xf32, #tpu.memory_space<hbm>>
    %dma_start3A_1206 = arith.constant 0 : i32
    %dma_start3A_1207 = tpu.memref_slice %arg9[%add3A_1202, %dma_start3A_1206] : memref<10240x128xf32, #tpu.memory_space<vmem_shared>> -> memref<80x128xf32, #tpu.memory_space<vmem_shared>>
    tpu.enqueue_dma source(%dma_start3A_1207 : memref<80x128xf32, #tpu.memory_space<vmem_shared>>) target(%dma_start3A_1205 : memref<80x128xf32, #tpu.memory_space<hbm>>) target_semaphore(%arg16 : memref<!tpu.dma_semaphore, #tpu.memory_space<semaphore_mem>>)
    %mul3A_1208 = arith.constant 640 : i32
    %mul3A_1209 = arith.muli %arg1, %mul3A_1208 : i32
    %add3A_1210 = arith.constant 160 : i32
    %add3A_1211 = arith.addi %mul3A_1209, %add3A_1210 : i32
    %dma_start3A_1212 = arith.constant 0 : i32
    %dma_start3A_1213 = tpu.memref_slice %arg4[%arg0, %add3A_1211, %dma_start3A_1212] : memref<2x10240x128xf32, #tpu.memory_space<hbm>> -> memref<1x80x128xf32, #tpu.memory_space<hbm>>
    %dma_start3A_1214 = tpu.memref_squeeze %dma_start3A_1213 : memref<1x80x128xf32, #tpu.memory_space<hbm>> -> memref<80x128xf32, #tpu.memory_space<hbm>>
    %dma_start3A_1215 = arith.constant 0 : i32
    %dma_start3A_1216 = tpu.memref_slice %arg9[%add3A_1211, %dma_start3A_1215] : memref<10240x128xf32, #tpu.memory_space<vmem_shared>> -> memref<80x128xf32, #tpu.memory_space<vmem_shared>>
    tpu.enqueue_dma source(%dma_start3A_1216 : memref<80x128xf32, #tpu.memory_space<vmem_shared>>) target(%dma_start3A_1214 : memref<80x128xf32, #tpu.memory_space<hbm>>) target_semaphore(%arg16 : memref<!tpu.dma_semaphore, #tpu.memory_space<semaphore_mem>>)
    %mul3A_1217 = arith.constant 640 : i32
    %mul3A_1218 = arith.muli %arg1, %mul3A_1217 : i32
    %add3A_1219 = arith.constant 240 : i32
    %add3A_1220 = arith.addi %mul3A_1218, %add3A_1219 : i32
    %dma_start3A_1221 = arith.constant 0 : i32
    %dma_start3A_1222 = tpu.memref_slice %arg4[%arg0, %add3A_1220, %dma_start3A_1221] : memref<2x10240x128xf32, #tpu.memory_space<hbm>> -> memref<1x80x128xf32, #tpu.memory_space<hbm>>
    %dma_start3A_1223 = tpu.memref_squeeze %dma_start3A_1222 : memref<1x80x128xf32, #tpu.memory_space<hbm>> -> memref<80x128xf32, #tpu.memory_space<hbm>>
    %dma_start3A_1224 = arith.constant 0 : i32
    %dma_start3A_1225 = tpu.memref_slice %arg9[%add3A_1220, %dma_start3A_1224] : memref<10240x128xf32, #tpu.memory_space<vmem_shared>> -> memref<80x128xf32, #tpu.memory_space<vmem_shared>>
    tpu.enqueue_dma source(%dma_start3A_1225 : memref<80x128xf32, #tpu.memory_space<vmem_shared>>) target(%dma_start3A_1223 : memref<80x128xf32, #tpu.memory_space<hbm>>) target_semaphore(%arg16 : memref<!tpu.dma_semaphore, #tpu.memory_space<semaphore_mem>>)
    %mul3A_1226 = arith.constant 640 : i32
    %mul3A_1227 = arith.muli %arg1, %mul3A_1226 : i32
    %add3A_1228 = arith.constant 320 : i32
    %add3A_1229 = arith.addi %mul3A_1227, %add3A_1228 : i32
    %dma_start3A_1230 = arith.constant 0 : i32
    %dma_start3A_1231 = tpu.memref_slice %arg4[%arg0, %add3A_1229, %dma_start3A_1230] : memref<2x10240x128xf32, #tpu.memory_space<hbm>> -> memref<1x80x128xf32, #tpu.memory_space<hbm>>
    %dma_start3A_1232 = tpu.memref_squeeze %dma_start3A_1231 : memref<1x80x128xf32, #tpu.memory_space<hbm>> -> memref<80x128xf32, #tpu.memory_space<hbm>>
    %dma_start3A_1233 = arith.constant 0 : i32
    %dma_start3A_1234 = tpu.memref_slice %arg9[%add3A_1229, %dma_start3A_1233] : memref<10240x128xf32, #tpu.memory_space<vmem_shared>> -> memref<80x128xf32, #tpu.memory_space<vmem_shared>>
    tpu.enqueue_dma source(%dma_start3A_1234 : memref<80x128xf32, #tpu.memory_space<vmem_shared>>) target(%dma_start3A_1232 : memref<80x128xf32, #tpu.memory_space<hbm>>) target_semaphore(%arg16 : memref<!tpu.dma_semaphore, #tpu.memory_space<semaphore_mem>>)
    %mul3A_1235 = arith.constant 640 : i32
    %mul3A_1236 = arith.muli %arg1, %mul3A_1235 : i32
    %add3A_1237 = arith.constant 400 : i32
    %add3A_1238 = arith.addi %mul3A_1236, %add3A_1237 : i32
    %dma_start3A_1239 = arith.constant 0 : i32
    %dma_start3A_1240 = tpu.memref_slice %arg4[%arg0, %add3A_1238, %dma_start3A_1239] : memref<2x10240x128xf32, #tpu.memory_space<hbm>> -> memref<1x80x128xf32, #tpu.memory_space<hbm>>
    %dma_start3A_1241 = tpu.memref_squeeze %dma_start3A_1240 : memref<1x80x128xf32, #tpu.memory_space<hbm>> -> memref<80x128xf32, #tpu.memory_space<hbm>>
    %dma_start3A_1242 = arith.constant 0 : i32
    %dma_start3A_1243 = tpu.memref_slice %arg9[%add3A_1238, %dma_start3A_1242] : memref<10240x128xf32, #tpu.memory_space<vmem_shared>> -> memref<80x128xf32, #tpu.memory_space<vmem_shared>>
    tpu.enqueue_dma source(%dma_start3A_1243 : memref<80x128xf32, #tpu.memory_space<vmem_shared>>) target(%dma_start3A_1241 : memref<80x128xf32, #tpu.memory_space<hbm>>) target_semaphore(%arg16 : memref<!tpu.dma_semaphore, #tpu.memory_space<semaphore_mem>>)
    %mul3A_1244 = arith.constant 640 : i32
    %mul3A_1245 = arith.muli %arg1, %mul3A_1244 : i32
    %add3A_1246 = arith.constant 480 : i32
    %add3A_1247 = arith.addi %mul3A_1245, %add3A_1246 : i32
    %dma_start3A_1248 = arith.constant 0 : i32
    %dma_start3A_1249 = tpu.memref_slice %arg4[%arg0, %add3A_1247, %dma_start3A_1248] : memref<2x10240x128xf32, #tpu.memory_space<hbm>> -> memref<1x80x128xf32, #tpu.memory_space<hbm>>
    %dma_start3A_1250 = tpu.memref_squeeze %dma_start3A_1249 : memref<1x80x128xf32, #tpu.memory_space<hbm>> -> memref<80x128xf32, #tpu.memory_space<hbm>>
    %dma_start3A_1251 = arith.constant 0 : i32
    %dma_start3A_1252 = tpu.memref_slice %arg9[%add3A_1247, %dma_start3A_1251] : memref<10240x128xf32, #tpu.memory_space<vmem_shared>> -> memref<80x128xf32, #tpu.memory_space<vmem_shared>>
    tpu.enqueue_dma source(%dma_start3A_1252 : memref<80x128xf32, #tpu.memory_space<vmem_shared>>) target(%dma_start3A_1250 : memref<80x128xf32, #tpu.memory_space<hbm>>) target_semaphore(%arg16 : memref<!tpu.dma_semaphore, #tpu.memory_space<semaphore_mem>>)
    %mul3A_1253 = arith.constant 640 : i32
    %mul3A_1254 = arith.muli %arg1, %mul3A_1253 : i32
    %add3A_1255 = arith.constant 560 : i32
    %add3A_1256 = arith.addi %mul3A_1254, %add3A_1255 : i32
    %dma_start3A_1257 = arith.constant 0 : i32
    %dma_start3A_1258 = tpu.memref_slice %arg4[%arg0, %add3A_1256, %dma_start3A_1257] : memref<2x10240x128xf32, #tpu.memory_space<hbm>> -> memref<1x80x128xf32, #tpu.memory_space<hbm>>
    %dma_start3A_1259 = tpu.memref_squeeze %dma_start3A_1258 : memref<1x80x128xf32, #tpu.memory_space<hbm>> -> memref<80x128xf32, #tpu.memory_space<hbm>>
    %dma_start3A_1260 = arith.constant 0 : i32
    %dma_start3A_1261 = tpu.memref_slice %arg9[%add3A_1256, %dma_start3A_1260] : memref<10240x128xf32, #tpu.memory_space<vmem_shared>> -> memref<80x128xf32, #tpu.memory_space<vmem_shared>>
    tpu.enqueue_dma source(%dma_start3A_1261 : memref<80x128xf32, #tpu.memory_space<vmem_shared>>) target(%dma_start3A_1259 : memref<80x128xf32, #tpu.memory_space<hbm>>) target_semaphore(%arg16 : memref<!tpu.dma_semaphore, #tpu.memory_space<semaphore_mem>>)
    %mul3A_1262 = arith.constant 640 : i32
    %mul3A_1263 = arith.muli %arg1, %mul3A_1262 : i32
    %add3A_1264 = arith.constant 0 : i32
    %add3A_1265 = arith.addi %mul3A_1263, %add3A_1264 : i32
    %dma_wait3A_1266 = arith.constant 0 : i32
    %dma_wait3A_1267 = tpu.memref_slice %arg4[%arg0, %add3A_1265, %dma_wait3A_1266] : memref<2x10240x128xf32, #tpu.memory_space<hbm>> -> memref<1x80x128xf32, #tpu.memory_space<hbm>>
    %dma_wait3A_1268 = tpu.memref_squeeze %dma_wait3A_1267 : memref<1x80x128xf32, #tpu.memory_space<hbm>> -> memref<80x128xf32, #tpu.memory_space<hbm>>
    %dma_wait3A_1269 = arith.constant 0 : i32
    %dma_wait3A_1270 = tpu.memref_slice %arg9[%add3A_1265, %dma_wait3A_1269] : memref<10240x128xf32, #tpu.memory_space<vmem_shared>> -> memref<80x128xf32, #tpu.memory_space<vmem_shared>>
    tpu.wait_dma2 semaphore(%arg16 : memref<!tpu.dma_semaphore, #tpu.memory_space<semaphore_mem>>) src(%dma_wait3A_1270 : memref<80x128xf32, #tpu.memory_space<vmem_shared>>) dst(%dma_wait3A_1268 : memref<80x128xf32, #tpu.memory_space<hbm>>)
    %mul3A_1271 = arith.constant 640 : i32
    %mul3A_1272 = arith.muli %arg1, %mul3A_1271 : i32
    %add3A_1273 = arith.constant 80 : i32
    %add3A_1274 = arith.addi %mul3A_1272, %add3A_1273 : i32
    %dma_wait3A_1275 = arith.constant 0 : i32
    %dma_wait3A_1276 = tpu.memref_slice %arg4[%arg0, %add3A_1274, %dma_wait3A_1275] : memref<2x10240x128xf32, #tpu.memory_space<hbm>> -> memref<1x80x128xf32, #tpu.memory_space<hbm>>
    %dma_wait3A_1277 = tpu.memref_squeeze %dma_wait3A_1276 : memref<1x80x128xf32, #tpu.memory_space<hbm>> -> memref<80x128xf32, #tpu.memory_space<hbm>>
    %dma_wait3A_1278 = arith.constant 0 : i32
    %dma_wait3A_1279 = tpu.memref_slice %arg9[%add3A_1274, %dma_wait3A_1278] : memref<10240x128xf32, #tpu.memory_space<vmem_shared>> -> memref<80x128xf32, #tpu.memory_space<vmem_shared>>
    tpu.wait_dma2 semaphore(%arg16 : memref<!tpu.dma_semaphore, #tpu.memory_space<semaphore_mem>>) src(%dma_wait3A_1279 : memref<80x128xf32, #tpu.memory_space<vmem_shared>>) dst(%dma_wait3A_1277 : memref<80x128xf32, #tpu.memory_space<hbm>>)
    %mul3A_1280 = arith.constant 640 : i32
    %mul3A_1281 = arith.muli %arg1, %mul3A_1280 : i32
    %add3A_1282 = arith.constant 160 : i32
    %add3A_1283 = arith.addi %mul3A_1281, %add3A_1282 : i32
    %dma_wait3A_1284 = arith.constant 0 : i32
    %dma_wait3A_1285 = tpu.memref_slice %arg4[%arg0, %add3A_1283, %dma_wait3A_1284] : memref<2x10240x128xf32, #tpu.memory_space<hbm>> -> memref<1x80x128xf32, #tpu.memory_space<hbm>>
    %dma_wait3A_1286 = tpu.memref_squeeze %dma_wait3A_1285 : memref<1x80x128xf32, #tpu.memory_space<hbm>> -> memref<80x128xf32, #tpu.memory_space<hbm>>
    %dma_wait3A_1287 = arith.constant 0 : i32
    %dma_wait3A_1288 = tpu.memref_slice %arg9[%add3A_1283, %dma_wait3A_1287] : memref<10240x128xf32, #tpu.memory_space<vmem_shared>> -> memref<80x128xf32, #tpu.memory_space<vmem_shared>>
    tpu.wait_dma2 semaphore(%arg16 : memref<!tpu.dma_semaphore, #tpu.memory_space<semaphore_mem>>) src(%dma_wait3A_1288 : memref<80x128xf32, #tpu.memory_space<vmem_shared>>) dst(%dma_wait3A_1286 : memref<80x128xf32, #tpu.memory_space<hbm>>)
    %mul3A_1289 = arith.constant 640 : i32
    %mul3A_1290 = arith.muli %arg1, %mul3A_1289 : i32
    %add3A_1291 = arith.constant 240 : i32
    %add3A_1292 = arith.addi %mul3A_1290, %add3A_1291 : i32
    %dma_wait3A_1293 = arith.constant 0 : i32
    %dma_wait3A_1294 = tpu.memref_slice %arg4[%arg0, %add3A_1292, %dma_wait3A_1293] : memref<2x10240x128xf32, #tpu.memory_space<hbm>> -> memref<1x80x128xf32, #tpu.memory_space<hbm>>
    %dma_wait3A_1295 = tpu.memref_squeeze %dma_wait3A_1294 : memref<1x80x128xf32, #tpu.memory_space<hbm>> -> memref<80x128xf32, #tpu.memory_space<hbm>>
    %dma_wait3A_1296 = arith.constant 0 : i32
    %dma_wait3A_1297 = tpu.memref_slice %arg9[%add3A_1292, %dma_wait3A_1296] : memref<10240x128xf32, #tpu.memory_space<vmem_shared>> -> memref<80x128xf32, #tpu.memory_space<vmem_shared>>
    tpu.wait_dma2 semaphore(%arg16 : memref<!tpu.dma_semaphore, #tpu.memory_space<semaphore_mem>>) src(%dma_wait3A_1297 : memref<80x128xf32, #tpu.memory_space<vmem_shared>>) dst(%dma_wait3A_1295 : memref<80x128xf32, #tpu.memory_space<hbm>>)
    %mul3A_1298 = arith.constant 640 : i32
    %mul3A_1299 = arith.muli %arg1, %mul3A_1298 : i32
    %add3A_1300 = arith.constant 320 : i32
    %add3A_1301 = arith.addi %mul3A_1299, %add3A_1300 : i32
    %dma_wait3A_1302 = arith.constant 0 : i32
    %dma_wait3A_1303 = tpu.memref_slice %arg4[%arg0, %add3A_1301, %dma_wait3A_1302] : memref<2x10240x128xf32, #tpu.memory_space<hbm>> -> memref<1x80x128xf32, #tpu.memory_space<hbm>>
    %dma_wait3A_1304 = tpu.memref_squeeze %dma_wait3A_1303 : memref<1x80x128xf32, #tpu.memory_space<hbm>> -> memref<80x128xf32, #tpu.memory_space<hbm>>
    %dma_wait3A_1305 = arith.constant 0 : i32
    %dma_wait3A_1306 = tpu.memref_slice %arg9[%add3A_1301, %dma_wait3A_1305] : memref<10240x128xf32, #tpu.memory_space<vmem_shared>> -> memref<80x128xf32, #tpu.memory_space<vmem_shared>>
    tpu.wait_dma2 semaphore(%arg16 : memref<!tpu.dma_semaphore, #tpu.memory_space<semaphore_mem>>) src(%dma_wait3A_1306 : memref<80x128xf32, #tpu.memory_space<vmem_shared>>) dst(%dma_wait3A_1304 : memref<80x128xf32, #tpu.memory_space<hbm>>)
    %mul3A_1307 = arith.constant 640 : i32
    %mul3A_1308 = arith.muli %arg1, %mul3A_1307 : i32
    %add3A_1309 = arith.constant 400 : i32
    %add3A_1310 = arith.addi %mul3A_1308, %add3A_1309 : i32
    %dma_wait3A_1311 = arith.constant 0 : i32
    %dma_wait3A_1312 = tpu.memref_slice %arg4[%arg0, %add3A_1310, %dma_wait3A_1311] : memref<2x10240x128xf32, #tpu.memory_space<hbm>> -> memref<1x80x128xf32, #tpu.memory_space<hbm>>
    %dma_wait3A_1313 = tpu.memref_squeeze %dma_wait3A_1312 : memref<1x80x128xf32, #tpu.memory_space<hbm>> -> memref<80x128xf32, #tpu.memory_space<hbm>>
    %dma_wait3A_1314 = arith.constant 0 : i32
    %dma_wait3A_1315 = tpu.memref_slice %arg9[%add3A_1310, %dma_wait3A_1314] : memref<10240x128xf32, #tpu.memory_space<vmem_shared>> -> memref<80x128xf32, #tpu.memory_space<vmem_shared>>
    tpu.wait_dma2 semaphore(%arg16 : memref<!tpu.dma_semaphore, #tpu.memory_space<semaphore_mem>>) src(%dma_wait3A_1315 : memref<80x128xf32, #tpu.memory_space<vmem_shared>>) dst(%dma_wait3A_1313 : memref<80x128xf32, #tpu.memory_space<hbm>>)
    %mul3A_1316 = arith.constant 640 : i32
    %mul3A_1317 = arith.muli %arg1, %mul3A_1316 : i32
    %add3A_1318 = arith.constant 480 : i32
    %add3A_1319 = arith.addi %mul3A_1317, %add3A_1318 : i32
    %dma_wait3A_1320 = arith.constant 0 : i32
    %dma_wait3A_1321 = tpu.memref_slice %arg4[%arg0, %add3A_1319, %dma_wait3A_1320] : memref<2x10240x128xf32, #tpu.memory_space<hbm>> -> memref<1x80x128xf32, #tpu.memory_space<hbm>>
    %dma_wait3A_1322 = tpu.memref_squeeze %dma_wait3A_1321 : memref<1x80x128xf32, #tpu.memory_space<hbm>> -> memref<80x128xf32, #tpu.memory_space<hbm>>
    %dma_wait3A_1323 = arith.constant 0 : i32
    %dma_wait3A_1324 = tpu.memref_slice %arg9[%add3A_1319, %dma_wait3A_1323] : memref<10240x128xf32, #tpu.memory_space<vmem_shared>> -> memref<80x128xf32, #tpu.memory_space<vmem_shared>>
    tpu.wait_dma2 semaphore(%arg16 : memref<!tpu.dma_semaphore, #tpu.memory_space<semaphore_mem>>) src(%dma_wait3A_1324 : memref<80x128xf32, #tpu.memory_space<vmem_shared>>) dst(%dma_wait3A_1322 : memref<80x128xf32, #tpu.memory_space<hbm>>)
    %mul3A_1325 = arith.constant 640 : i32
    %mul3A_1326 = arith.muli %arg1, %mul3A_1325 : i32
    %add3A_1327 = arith.constant 560 : i32
    %add3A_1328 = arith.addi %mul3A_1326, %add3A_1327 : i32
    %dma_wait3A_1329 = arith.constant 0 : i32
    %dma_wait3A_1330 = tpu.memref_slice %arg4[%arg0, %add3A_1328, %dma_wait3A_1329] : memref<2x10240x128xf32, #tpu.memory_space<hbm>> -> memref<1x80x128xf32, #tpu.memory_space<hbm>>
    %dma_wait3A_1331 = tpu.memref_squeeze %dma_wait3A_1330 : memref<1x80x128xf32, #tpu.memory_space<hbm>> -> memref<80x128xf32, #tpu.memory_space<hbm>>
    %dma_wait3A_1332 = arith.constant 0 : i32
    %dma_wait3A_1333 = tpu.memref_slice %arg9[%add3A_1328, %dma_wait3A_1332] : memref<10240x128xf32, #tpu.memory_space<vmem_shared>> -> memref<80x128xf32, #tpu.memory_space<vmem_shared>>
    tpu.wait_dma2 semaphore(%arg16 : memref<!tpu.dma_semaphore, #tpu.memory_space<semaphore_mem>>) src(%dma_wait3A_1333 : memref<80x128xf32, #tpu.memory_space<vmem_shared>>) dst(%dma_wait3A_1331 : memref<80x128xf32, #tpu.memory_space<hbm>>)
    return
  }
}

module attributes {stable_mosaic.version = 14 : i64} {
  func.func @_tc_linear_kernel(%arg0: i32, %arg1: memref<2x10000x128xf32, #tpu.memory_space<vmem>>, %arg2: memref<128x128xf32, #tpu.memory_space<vmem>>, %arg3: memref<1x128xf32, #tpu.memory_space<vmem>>, %arg4: memref<10000x128xf32, #tpu.memory_space<vmem>>) attributes {dimension_semantics = [#tpu.dimension_semantics<arbitrary>], iteration_bounds = array<i64: 1>, scalar_prefetch = 0 : i64, scratch_operands = 0 : i64, tpu.core_type = #tpu.core_type<tc>, window_params = [{transform_indices = @transform_0, window_bounds = array<i64: 2, 10000, 128>}, {pipeline_mode = #tpu.pipeline_mode<synchronous>, transform_indices = @transform_1, window_bounds = array<i64: 128, 128>}, {pipeline_mode = #tpu.pipeline_mode<synchronous>, transform_indices = @transform_2, window_bounds = array<i64: 1, 128>}, {transform_indices = @transform_3, window_bounds = array<i64: 10000, 128>}]} {
    %get3A = arith.constant 0 : index
    %get3A_0 = arith.constant 0 : index
    %get3A_1 = arith.constant 0 : index
    %get3A_2 = vector.load %arg1[%get3A, %get3A_0, %get3A_1] : memref<2x10000x128xf32, #tpu.memory_space<vmem>>, vector<1x10000x128xf32>
    %get3A_3 = vector.shape_cast %get3A_2 : vector<1x10000x128xf32> to vector<10000x128xf32>
    %get3A_4 = arith.constant 1 : index
    %get3A_5 = arith.constant 0 : index
    %get3A_6 = arith.constant 0 : index
    %get3A_7 = vector.load %arg1[%get3A_4, %get3A_5, %get3A_6] : memref<2x10000x128xf32, #tpu.memory_space<vmem>>, vector<1x10000x128xf32>
    %get3A_8 = vector.shape_cast %get3A_7 : vector<1x10000x128xf32> to vector<10000x128xf32>
    %add3A = arith.addf %get3A_3, %get3A_8 : vector<10000x128xf32>
    %get3A_9 = arith.constant 0 : index
    %get3A_10 = arith.constant 0 : index
    %get3A_11 = vector.load %arg2[%get3A_9, %get3A_10] : memref<128x128xf32, #tpu.memory_space<vmem>>, vector<128x128xf32>
    %dot_general3A = arith.constant dense<0.000000e+00> : vector<10000x128xf32>
    %dot_general3A_12 = tpu.matmul %add3A, %get3A_11, %dot_general3A {dimension_numbers = #tpu.dot_dimension_numbers<[1], [1], [0], [0], [0, 0, 1, 0], [], []>, transpose_lhs_hint = false} : vector<10000x128xf32>, vector<128x128xf32>, vector<10000x128xf32> -> vector<10000x128xf32>
    %get3A_13 = arith.constant 0 : index
    %get3A_14 = arith.constant 0 : index
    %get3A_15 = vector.load %arg3[%get3A_13, %get3A_14] : memref<1x128xf32, #tpu.memory_space<vmem>>, vector<1x128xf32>
    %add3A_16 = vector.broadcast %get3A_15 : vector<1x128xf32> to vector<10000x128xf32>
    %add3A_17 = arith.addf %dot_general3A_12, %add3A_16 : vector<10000x128xf32>
    %swap3A = arith.constant 0 : index
    %swap3A_18 = arith.constant 0 : index
    %swap3A_19 = vector.load %arg4[%swap3A, %swap3A_18] : memref<10000x128xf32, #tpu.memory_space<vmem>>, vector<10000x128xf32>
    tpu.vector_store %arg4[%swap3A, %swap3A_18], %add3A_17 {strides = array<i32>} : memref<10000x128xf32, #tpu.memory_space<vmem>>, vector<10000x128xf32>,
    return
  }
  func.func @transform_0(%arg0: i32) -> (i32, i32, i32) {
    %c0_i32 = arith.constant 0 : i32
    %c0_i32_0 = arith.constant 0 : i32
    %c0_i32_1 = arith.constant 0 : i32
    return %c0_i32, %arg0, %c0_i32_0 : i32, i32, i32
  }
  func.func @transform_1(%arg0: i32) -> (i32, i32) {
    %c0_i32 = arith.constant 0 : i32
    %c0_i32_0 = arith.constant 0 : i32
    %c0_i32_1 = arith.constant 0 : i32
    return %c0_i32, %c0_i32_0 : i32, i32
  }
  func.func @transform_2(%arg0: i32) -> (i32, i32) {
    %c0_i32 = arith.constant 0 : i32
    %c0_i32_0 = arith.constant 0 : i32
    %c0_i32_1 = arith.constant 0 : i32
    return %c0_i32, %c0_i32_0 : i32, i32
  }
  func.func @transform_3(%arg0: i32) -> (i32, i32) {
    %c0_i32 = arith.constant 0 : i32
    %c0_i32_0 = arith.constant 0 : i32
    return %arg0, %c0_i32 : i32, i32
  }
}

</mosaic_0001>

<sc_bundles>
// kernel: kernel.4.cloned.1.call-start
scs
__scs_entry_jumppad:
0x0: {  	(pc) =	sbr.rel $0x88, $3  }
0x1: {  	(tag) =	ssettag $0x0;
	lr =	simm.s32 $0x1  }
0x2: {  	[smem:$0x3F9D] =	sst lr;
	_ =	strace $0xD0000000  }
0x3: {  	_ = 	snop  }
0x4: {  	_ = 	snop  }
0x5: {  	_ = 	snop  }
0x6: {  	_ = 	snop  }
0x7: {  	_ = 	snop  }
__scs_overlays_trampoline_lowered:
0x8: {  	[smem:$0x3FAC] =	sst s0  }
0x9: {  	[smem:$0x3FAD] =	sst s1  }
0xa: {  	[smem:$0x3FAE] =	sst s2  }
0xb: {  	[smem:$0x3FAF] =	sst s3  }
0xc: {  	[smem:$0x3FB0] =	sst s4  }
0xd: {  	[smem:$0x3FB1] =	sst s5  }
0xe: {  	[smem:$0x3FB2] =	sst s6  }
0xf: {  	[smem:$0x3FB3] =	sst s7  }
0x10: {  	[smem:$0x3FB4] =	sst s8  }
0x11: {  	[smem:$0x3FB5] =	sst s9;
	s0 =	simm.s32 @!p0 $0x0  }
0x12: {  	s1 =	sld [smem:$0x3F9B];
	s0 =	simm.s32 @p0 $0x1  }
0x13: {  	[smem:$0x3FB6] =	sst s0;
	s0 =	simm.s32 @!p1 $0x0  }
0x14: {  	s2 =	sld [smem:$0x3F9A];
	s0 =	simm.s32 @p1 $0x1  }
0x15: {  	[smem:$0x3FB7] =	sst s0;
	s0 =	simm.s32 @!p2 $0x0  }
0x16: {  	s3 =	sld [smem:$0x3FDB];
	s0 =	simm.s32 @p2 $0x1  }
0x17: {  	s4 =	simm.s32 $0x1BF5;
	[smem:$0x3FB9] =	sst s0  }
0x18: {  	s0 =	sld [smem:$0x3F9C];
	_ =	swait.ge [sflag:s4], $0x0  }
0x19: {  	s7 =	sld [smem:$0x3F9D]  }
0x1a: {  	s8 =	sadd.s32 $0xFFFFE003, lr  }
0x1b: {  	s9 =	sadd.s32 $0xFFFFFEF7, lr;
	s5 =	simm.s32 $0xFFFFFFFF;
	p2 =	slt.u32 s8, $0xFFFFF086  }
0x1c: {  	p1 =	slt.u32 s9, $0xF7A;
	s5 =	simm.s32 @!p2 $0x0  }
0x1d: {  	s5 =	simm.s32 @p1 $0x1;
	p0 =	seq.s32 s7, s2  }
0x1e: {  	s7 =	smul.u32 @!p0 $0xF7A, s2;
	p2 =	seq.s32 @!p0 s5, $0x0  }
0x1f: {  	s9 =	smul.u32 $0xF7A, s1;
	s8 =	simm.s32 @!p0 $0x1BF5;
	p2 =	por !p2, p0  }
0x20: {  	[sflag:s8] =	ssyncset.s32 @!p0 $0xFFFFF086;
	s6 =	sadd.s32 @!p0 s3, s7;
	s7 =	simm.s32 @!p0 $0x108  }
0x21: {  	s3 =	sadd.s32 s3, s9;
	s6 =	sadd.s32 @!p0 $0x88, s6;
	s7 =	simm.s32 @p2 $0x1082  }
0x22: {  	[simem:s7], [sflag:s8] =	dma.local @!p0 [hbm:s6], $0xF7A  }
0x23: {  	s9 =	sor.u32 $0xD0000000, s2;
	s6 =	simm.s32 $0x108;
	_ =	swait.ge @!p0 [sflag:s8], $0x0  }
0x24: {  	s3 =	sadd.s32 $0x88, s3;
	s6 =	simm.s32 @!p1 $0x1082;
	[sflag:s4] =	ssyncset.s32 $0xFFFFF086  }
0x25: {  	[simem:s6], [sflag:s4] =	dma.local [hbm:s3], $0xF7A  }
0x26: {  	[smem:$0x3F9D] =	sst s1;
	(tag) =	ssettag s2;
	_ =	strace s9  }
0x27: {  	s1 =	sld [smem:$0x3FAD]  }
0x28: {  	s2 =	sld [smem:$0x3FAE]  }
0x29: {  	s4 =	sld [smem:$0x3FB0]  }
0x2a: {  	p0 =	seq.s32 s5, $0x0;
	s5 =	sld [smem:$0x3FB1]  }
0x2b: {  	s6 =	sld [smem:$0x3FB2]  }
0x2c: {  	s7 =	sld [smem:$0x3FB3]  }
0x2d: {  	s3 =	simm.s32 $0x108;
	s8 =	sld [smem:$0x3FB4]  }
0x2e: {  	s3 =	simm.s32 @!p0 $0x1082;
	s9 =	sld [smem:$0x3FB5]  }
0x2f: {  	lr =	sadd.s32 s0, s3;
	s0 =	sld [smem:$0x3FAC]  }
0x30: {  	s3 =	sld [smem:$0x3FAF]  }
0x31: {  	[smem:$0x3FB8] =	sst s10  }
0x32: {  	s10 =	sld [smem:$0x3FB6];
	_ =	sdelay $0x3  }
0x33: {  	p0 =	seq.s32 s10, $0x1;
	s10 =	sld [smem:$0x3FB8];
	_ =	sdelay $0x3  }
0x34: {  	[smem:$0x3FB8] =	sst s10  }
0x35: {  	s10 =	sld [smem:$0x3FB7];
	_ =	sdelay $0x3  }
0x36: {  	p1 =	seq.s32 s10, $0x1;
	s10 =	sld [smem:$0x3FB8];
	_ =	sdelay $0x3  }
0x37: {  	[smem:$0x3FB8] =	sst s10  }
0x38: {  	s10 =	sld [smem:$0x3FB9]  }
0x39: {  	_ = 	snop;
	(pc) =	sbr.ind lr, $3  }
0x3a: {  	_ = 	snop  }
0x3b: {  	_ = 	snop  }
0x3c: {  	p2 =	seq.s32 s10, $0x1;
	s10 =	sld [smem:$0x3FB8]  }
0x3d: {  	_ =	shalt  }
0x3e: {  	_ =	shalt  }
0x3f: {  	_ =	shalt  }
0x40: {  	_ =	shalt  }
0x41: {  	_ =	shalt  }
0x42: {  	_ =	shalt  }
0x43: {  	_ =	shalt  }
0x44: {  	_ =	shalt  }
0x45: {  	_ =	shalt  }
0x46: {  	_ =	shalt  }
0x47: {  	_ =	shalt  }
0x48: {  	_ =	shalt  }
0x49: {  	_ =	shalt  }
0x4a: {  	_ =	shalt  }
0x4b: {  	_ =	shalt  }
0x4c: {  	_ =	shalt  }
0x4d: {  	_ =	shalt  }
0x4e: {  	_ =	shalt  }
0x4f: {  	_ =	shalt  }
0x50: {  	_ =	shalt  }
0x51: {  	_ =	shalt  }
0x52: {  	_ =	shalt  }
0x53: {  	_ =	shalt  }
0x54: {  	_ =	shalt  }
0x55: {  	_ =	shalt  }
0x56: {  	_ =	shalt  }
0x57: {  	_ =	shalt  }
0x58: {  	_ =	shalt  }
0x59: {  	_ =	shalt  }
0x5a: {  	_ =	shalt  }
0x5b: {  	_ =	shalt  }
0x5c: {  	_ =	shalt  }
0x5d: {  	_ =	shalt  }
0x5e: {  	_ =	shalt  }
0x5f: {  	_ =	shalt  }
0x60: {  	_ =	shalt  }
0x61: {  	_ =	shalt  }
0x62: {  	_ =	shalt  }
0x63: {  	_ =	shalt  }
0x64: {  	_ =	shalt  }
0x65: {  	_ =	shalt  }
0x66: {  	_ =	shalt  }
0x67: {  	_ =	shalt  }
0x68: {  	_ =	shalt  }
0x69: {  	_ =	shalt  }
0x6a: {  	_ =	shalt  }
0x6b: {  	_ =	shalt  }
0x6c: {  	_ =	shalt  }
0x6d: {  	_ =	shalt  }
0x6e: {  	_ =	shalt  }
0x6f: {  	_ =	shalt  }
0x70: {  	_ =	shalt  }
0x71: {  	_ =	shalt  }
0x72: {  	_ =	shalt  }
0x73: {  	_ =	shalt  }
0x74: {  	_ =	shalt  }
0x75: {  	_ =	shalt  }
0x76: {  	_ =	shalt  }
0x77: {  	_ =	shalt  }
0x78: {  	_ =	shalt  }
0x79: {  	_ =	shalt  }
0x7a: {  	_ =	shalt  }
0x7b: {  	_ =	shalt  }
0x7c: {  	_ =	shalt  }
0x7d: {  	_ =	shalt  }
0x7e: {  	_ =	shalt  }
0x7f: {  	_ =	shalt  }
0x80: {  	_ =	shalt  }
0x81: {  	_ =	shalt  }
0x82: {  	_ =	shalt  }
0x83: {  	_ =	shalt  }
0x84: {  	_ =	shalt  }
0x85: {  	_ =	shalt  }
0x86: {  	_ =	shalt  }
0x87: {  	_ =	shalt  }
.Lfunc_end0:
.L_simem_size_0:
called_computation_lowered:
.L_overlay_start_0:
0x88: {  	s2 =	sld [smem:$0x3FD9]  }
0x89: {  	s3 =	sld [smem:$0x3FFE];
	_ =	sdelay $0x1  }
0x8a: {  	s1 =	srdreg.scid  }
0x8b: {  	s0 =	sand.u32 $0x1, s1  }
0x8c: {  	s17 =	sshll.u32 s0, $0xA;
	s2 =	sadd.s32 s3, s2  }
0x8d: {  	s2 =	sadd.s32 s2, s17  }
0x8e: {  	[smem:$0x3FC4] =	sst s2  }
0x8f: {  	_ = 	snop  }
0x90: {  	s2 =	sld [smem:$0x3FC9]  }
0x91: {  	s18 =	sld [smem:$0x3FD0];
	(tm) =	ssettm $0x1  }
0x92: {  	s4 =	sld [smem:$0x3FFB];
	_ =	sdelay $0x3  }
0x93: {  	_ =	strace s4  }
0x94: {  	s4 =	sld [smem:$0x3FFC];
	_ =	sdelay $0x3  }
0x95: {  	_ =	strace s4  }
0x96: {  	s4 =	sld [smem:$0x3FFD];
	_ =	sdelay $0x3  }
0x97: {  	_ =	strace s4  }
0x98: {  	_ =	strace $0x8FFFFFFF  }
0x99: {  	s19 =	sld [smem:$0x3FDB];
	_ =	sdelay $0x1  }
0x9a: {  	s5 =	simm.s32 $_scs_section_size  }
0x9b: {  	s6 =	simm.s32 $_size__tile_overlayer_lowered;
	s7 =	simm.s32 $_tile_overlayer_lowered  }
0x9c: {  	s22 =	simm.s32 $0x1BFF;
	s21 =	sshll.u32 s7, $0x1;
	s4 =	sadd.s32 s5, s19  }
0x9d: {  	s8 =	simm.s32 $0x0;
	s20 =	sshll.u32 s6, $0x1;
	s6 =	sadd.s32 s21, s4  }
0x9e: {  	[timem:s8], [sflag:s22] =	dma.local [hbm:s6], s20  }
0x9f: {  	_ =	swait.ge [sflag:s22], s20  }
0xa0: {  	s5 =	ssub.s32 $0x0, s20;
	[sflag:s22] =	ssyncset.done $0x0  }
0xa1: {  	[sflag:s22] =	ssyncadd.s32 s5;
	_ =	sdelay $0x1  }
0xa2: {  	s23 =	simm.s32 $0x1B8B  }
0xa3: {  	_ =	swait.ge [sflag:s23], $0x1  }
0xa4: {  	[sflag:s23] =	ssyncset.done $0x0  }
0xa5: {  	s25 =	simm.s32 $0x1B8E;
	s24 =	sld [smem:$0x3FFE];
	[sflag:s23] =	ssyncadd.s32 $0xFFFFFFFF  }
0xa6: {  	s26 =	simm.s32 $execute0_lowered;
	[smem:$0x3FD2] =	sst s25  }
0xa7: {  	s6 =	sshll.u32 s26, $0x1;
	_ =	strace $0x80000046;
	[dreg:$0x1] =	wrdreg $0xFFFFFFFF  }
0xa8: {  	s28 =	simm.s32 $_size_execute0_lowered;
	s4 =	sadd.s32 s4, s6;
	[dreg:$0x0] =	wrdreg $0x0  }
0xa9: {  	s6 =	sshll.u32 s28, $0x1;
	[dreg:$0x2] =	wrdreg s4  }
0xaa: {  	[dreg:$0x3] =	wrdreg s6  }
0xab: {  	[dreg:$0x4] =	wrdreg $0xC0  }
0xac: {  	_ =	task [dreg:s8], $0x5FFFF  }
0xad: {  	[dreg:$0x1] =	wrdreg $0xFFFFFFFF  }
0xae: {  	[dreg:$0x0] =	wrdreg $0x60  }
0xaf: {  	[dreg:$0x2] =	wrdreg s2  }
0xb0: {  	[dreg:$0x3] =	wrdreg s18  }
0xb1: {  	[dreg:$0x4] =	wrdreg s24  }
0xb2: {  	[dreg:$0x5] =	wrdreg $0xB4000  }
0xb3: {  	[dreg:$0x6] =	wrdreg $0x9  }
0xb4: {  	_ =	task.clear_ibuf [dreg:s8], $0x7FFFF;
	_ =	strace $0x90000046  }
0xb5: {  	s29 =	simm.s32 $0x9;
	_ =	strace $0x80000048  }
0xb6: {  	_ =	swait.ge [sflag:s29], $0x1  }
0xb7: {  	[sflag:s29] =	ssyncadd.s32 $0xFFFFFFFF  }
0xb8: {  	_ =	strace $0x90000048  }
0xb9: {  	_ =	sfence  }
0xba: {  	s30 =	sld [smem:$0x0];
	_ =	sdelay $0x2  }
0xbb: {  	s31 =	sshll.u32 s1, $0xD;
	s1 =	sshrl.u32 s1, $0x2  }
0xbc: {  	s3 =	sand.u32 $0x4000, s31;
	s1 =	sadd.s32 s1, s30  }
0xbd: {  	s0 =	sor.u32 s3, s0;
	s1 =	sshll.u32 s1, $0x11  }
0xbe: {  	s0 =	sor.u32 s1, s0  }
0xbf: {  	s0 =	sadd.s32 $0x8F2B, s0  }
0xc0: {  	[sflag:s0] =	ssyncadd.remote.s32 $0x1  }
0xc1: {  	_ =	sfence.sel $0xFFFF  }
0xc2: {  	[dreg:$0x0] =	wrdreg $0xFFFFFFFF;
	(pc) =	sbr.abs _section_cstart, $3  }
0xc3: {  	[dreg:$0x1] =	wrdreg $0xFFFFFFFF  }
0xc4: {  	_ =	task.clear_ibuf [dreg:s8], $0x2FFFF;
	_ =	strace $0x9FFFFFFF  }
0xc5: {  	(tm) =	ssettm $0x7FFFFFFF  }
tec
execute0_lowered:
.L_overlay_start_1:
0x0: {  	(tag) =	ssettag $0x1  }
0x1: {  	s4 =	rddreg [dreg:$0x0]  }
0x2: {  	s2 =	rddreg [dreg:$0x1];
	s0 =	srdreg.scid  }
0x3: {  	s10 =	stileid.u32;
	s3 =	rddreg [dreg:$0x2]  }
0x4: {  	s1 =	rddreg [dreg:$0x3];
	s0 =	sand.u32 $0x1, s0;
	s8 =	smul.u32 $0x14000, s10  }
0x5: {  	s5 =	sshll.u32 s10, $0x1;
	s3 =	sadd.s32 $0xA00, s3;
	s10 =	smul.u32 $0x50000, s10  }
0x6: {  	s6 =	sor.u32 s0, s5;
	s5 =	simm.s32 $0x0;
	s7 =	ssub.s32 $0x2, s0  }
0x7: {  	s0 =	smul.u32 $0x140000, s0;
	[smem:$0x7FF] =	sst s5;
	s9 =	sshrl.u32 s7, $0x1  }
0x8: {  	s11 =	sadd.s32 $0x5000, s8;
	s13 =	sadd.s32 $0xA000, s8;
	s14 =	sor.u32 $0x2800, s8  }
0x9: {  	s16 =	sadd.s32 $0xF000, s8;
	s17 =	sadd.s32 $0x7800, s8;
	s18 =	sadd.s32 $0xC800, s8  }
0xa: {  	_ =	strace $0x80000047;
	s7 =	ssub.s32 s7, s9;
	s12 =	sadd.s32 s8, s0  }
0xb: {  	s19 =	sadd.s32 s0, s14;
	s15 =	sadd.s32 s0, s11;
	s21 =	sadd.s32 s0, s17  }
0xc: {  	s23 =	sadd.s32 s0, s13;
	s25 =	sadd.s32 s0, s18;
	s8 =	sadd.s32 $0x11800, s8  }
0xd: {  	s26 =	sadd.s32 s0, s16;
	s12 =	sshrl.u32 s12, $0x3;
	s20 =	sshrl.u32 s15, $0x3  }
0xe: {  	s22 =	sshrl.u32 s21, $0x3;
	s24 =	sshrl.u32 s23, $0x3;
	s21 =	sadd.s32 s11, s1  }
0xf: {  	s0 =	sadd.s32 s0, s8;
	s23 =	sadd.s32 s16, s1;
	[dreg:$0x10] =	wrdreg s21  }
0x10: {  	s15 =	sshrl.u32 s26, $0x3;
	s7 =	smax.u32 s7, $0x1;
	[dreg:$0x12] =	wrdreg s23  }
0x11: {  	s26 =	sadd.s32 s18, s1;
	s12 =	sadd.s32 s3, s12;
	[dreg:$0x13] =	wrdreg s7  }
0x12: {  	s8 =	sadd.s32 s8, s1;
	s7 =	sshrl.u32 s26, $0x3;
	[dreg:$0x5] =	wrdreg s12  }
0x13: {  	s0 =	sshrl.u32 s0, $0x3;
	s8 =	sshrl.u32 s8, $0x3;
	[dreg:$0x16] =	wrdreg s7  }
0x14: {  	s12 =	sshrl.u32 s19, $0x3;
	s0 =	sadd.s32 s3, s0;
	[dreg:$0x17] =	wrdreg s8  }
0x15: {  	s19 =	sshrl.u32 s10, $0x2;
	s12 =	sadd.s32 s3, s12;
	[dreg:$0xc] =	wrdreg s0  }
0x16: {  	s10 =	sadd.s32 s19, s1;
	[dreg:$0x6] =	wrdreg s12  }
0x17: {  	s12 =	sadd.s32 s3, s20;
	[dreg:$0xf] =	wrdreg s10  }
0x18: {  	s23 =	sadd.s32 $0x2000, s10;
	[dreg:$0x7] =	wrdreg s12  }
0x19: {  	s26 =	sadd.s32 $0x6000, s10;
	[smem:$0x7E6] =	sst s23  }
0x1a: {  	s7 =	sadd.s32 $0x9000, s10;
	[smem:$0x7E9] =	sst s26  }
0x1b: {  	s8 =	sadd.s32 $0xB000, s10;
	[smem:$0x7EC] =	sst s7  }
0x1c: {  	s12 =	sadd.s32 s3, s22;
	[smem:$0x7ED] =	sst s8  }
0x1d: {  	s22 =	sadd.s32 s13, s1;
	[dreg:$0x8] =	wrdreg s12  }
0x1e: {  	s12 =	sadd.s32 s3, s24;
	[dreg:$0x11] =	wrdreg s22  }
0x1f: {  	s24 =	sadd.s32 s14, s1;
	s22 =	sadd.s32 $0x1000, s10;
	[dreg:$0x9] =	wrdreg s12  }
0x20: {  	s6 =	smul.u32 $0x3400, s6;
	s0 =	sshrl.u32 s24, $0x3;
	[smem:$0x7E5] =	sst s22  }
0x21: {  	s12 =	sshrl.u32 s25, $0x3;
	s24 =	sadd.s32 $0x3000, s10;
	[dreg:$0x14] =	wrdreg s0  }
0x22: {  	s25 =	sadd.s32 s17, s1;
	s1 =	sadd.s32 $0x7000, s10;
	[smem:$0x7E7] =	sst s24  }
0x23: {  	s9 =	sshrl.u32 s6, $0x3;
	s12 =	sadd.s32 s3, s12;
	[smem:$0x7EA] =	sst s1  }
0x24: {  	[dreg:$0xa] =	wrdreg s12;
	s12 =	sadd.s32 s3, s15;
	s15 =	sadd.s32 $0x68000, s6  }
0x25: {  	[dreg:$0xb] =	wrdreg s12;
	s12 =	sadd.s32 s2, s9;
	s20 =	sshrl.u32 s15, $0x3  }
0x26: {  	s3 =	sadd.s32 s2, s20;
	[dreg:$0xd] =	wrdreg s12  }
0x27: {  	s9 =	sadd.s32 $0x10, s12;
	[dreg:$0xe] =	wrdreg s3  }
0x28: {  	s11 =	sadd.s32 $0xD010, s12;
	[dreg:$0x18] =	wrdreg s9  }
0x29: {  	s13 =	sadd.s32 $0x20, s12;
	[dreg:$0x19] =	wrdreg s11  }
0x2a: {  	s14 =	sadd.s32 $0xD020, s12;
	[dreg:$0x1a] =	wrdreg s13  }
0x2b: {  	s16 =	sadd.s32 $0x30, s12;
	[dreg:$0x1b] =	wrdreg s14  }
0x2c: {  	s17 =	sadd.s32 $0xD030, s12;
	[dreg:$0x1c] =	wrdreg s16  }
0x2d: {  	s18 =	sadd.s32 $0x40, s12;
	[dreg:$0x1d] =	wrdreg s17  }
0x2e: {  	s19 =	sadd.s32 $0xD040, s12;
	[dreg:$0x1e] =	wrdreg s18  }
0x2f: {  	s20 =	sadd.s32 $0x50, s12;
	[dreg:$0x1f] =	wrdreg s19  }
0x30: {  	s21 =	sadd.s32 $0xD050, s12;
	[smem:$0x7E3] =	sst s20  }
0x31: {  	s22 =	sadd.s32 $0xD610, s12;
	[smem:$0x7E4] =	sst s21  }
0x32: {  	s23 =	sadd.s32 $0x620, s12;
	[smem:$0x7F8] =	sst s22  }
0x33: {  	s24 =	sadd.s32 $0xD620, s12;
	[smem:$0x7F9] =	sst s23  }
0x34: {  	s26 =	sadd.s32 $0xD630, s12;
	[smem:$0x7FA] =	sst s24  }
0x35: {  	s3 =	sshrl.u32 s25, $0x3;
	[smem:$0x7FC] =	sst s26  }
0x36: {  	s28 =	simm.s32 $0x500;
	s25 =	sadd.s32 $0x4000, s10;
	[dreg:$0x15] =	wrdreg s3  }
0x37: {  	s29 =	simm.s32 $0x180;
	s9 =	sadd.s32 $0xC000, s10;
	[smem:$0x7E8] =	sst s25  }
0x38: {  	s30 =	simm.s32 $0x580;
	s11 =	sadd.s32 $0xD000, s10;
	[smem:$0x7EE] =	sst s9  }
0x39: {  	s31 =	simm.s32 $0x600;
	s13 =	sadd.s32 $0xE000, s10;
	[smem:$0x7EF] =	sst s11  }
0x3a: {  	s8 =	simm.s32 $0x480;
	s14 =	sadd.s32 $0x10000, s10;
	[smem:$0x7F0] =	sst s13  }
0x3b: {  	s7 =	simm.s32 $0x64;
	s16 =	sadd.s32 $0x11000, s10;
	[smem:$0x7F1] =	sst s14  }
0x3c: {  	s0 =	simm.s32 $0x1;
	s17 =	sadd.s32 $0x12000, s10;
	[smem:$0x7F2] =	sst s16  }
0x3d: {  	s1 =	simm.s32 $0x2;
	s18 =	sadd.s32 $0x13000, s10;
	[smem:$0x7F3] =	sst s17  }
0x3e: {  	s19 =	sadd.s32 $0x600, s12;
	s20 =	sadd.s32 $0xD600, s12;
	[smem:$0x7F4] =	sst s18  }
0x3f: {  	s21 =	sadd.s32 $0x610, s12;
	s23 =	simm.s32 $0x100;
	[smem:$0x7F5] =	sst s19  }
0x40: {  	s22 =	simm.s32 $0x200;
	s24 =	simm.s32 $0x800;
	[smem:$0x7F6] =	sst s20  }
0x41: {  	s26 =	simm.s32 $0x7000;
	s3 =	sadd.s32 $0x8000, s10;
	[smem:$0x7F7] =	sst s21  }
0x42: {  	s25 =	sadd.s32 $0x630, s12;
	s9 =	simm.s32 $0x80;
	s10 =	simm.s32 $0x680  }
0x43: {  	s12 =	simm.s32 $0x3C00;
	s11 =	simm.s32 $0x3;
	s14 =	simm.s32 $0x7  }
0x44: {  	s16 =	simm.s32 $0xA;
	s19 =	simm.s32 $0x4;
	s20 =	simm.s32 $0x8  }
0x45: {  	s21 =	simm.s32 $0x5;
	s18 =	simm.s32 $0x9;
	[smem:$0x7EB] =	sst s3  }
0x46: {  	s13 =	simm.s32 $0x6;
	s17 =	simm.s32 $0x0;
	[smem:$0x7FB] =	sst s25  }
0x47: {  	v0 =	vimm.f32 $0.0e+00;
	s25 =	simm.s32 $0x400;
	s3 =	simm.s32 $0x280;
	[smem:$0x7FD] =	sst s17  }
.LBB2_1:
0x48: {  	s17 =	rddreg [dreg:$0xd]  }
0x49: {  	[tilespmem:s5], [sflag:$0x1] =	stream.linear.gather [hbm4b:s17+s5], $0x80, $0x38;
	[tilespmem:$0x1F400] =	vst v63  }
0x4a: {  	s17 =	rddreg [dreg:$0xe]  }
0x4b: {  	[tilespmem:s25], [sflag:$0x1] =	stream.linear.gather [hbm4b:s17+s5], $0x80, $0x38;
	[tilespmem:$0x1F400] =	vst v63  }
0x4c: {  	s25 =	rddreg [dreg:$0x18]  }
0x4d: {  	[tilespmem:s9], [sflag:$0x2] =	stream.linear.gather [hbm4b:s25+s5], $0x80, $0x38;
	[tilespmem:$0x1F400] =	vst v63  }
0x4e: {  	s25 =	rddreg [dreg:$0x19]  }
0x4f: {  	[tilespmem:s8], [sflag:$0x2] =	stream.linear.gather [hbm4b:s25+s5], $0x80, $0x38;
	[tilespmem:$0x1F400] =	vst v63  }
0x50: {  	s25 =	rddreg [dreg:$0x1a]  }
0x51: {  	s8 =	rddreg [dreg:$0x1b]  }
0x52: {  	[tilespmem:s23], [sflag:$0x3] =	stream.linear.gather [hbm4b:s25+s5], $0x80, $0x38;
	[tilespmem:$0x1F400] =	vst v63  }
0x53: {  	s25 =	rddreg [dreg:$0x1c]  }
0x54: {  	[tilespmem:s28], [sflag:$0x3] =	stream.linear.gather [hbm4b:s8+s5], $0x80, $0x38;
	[tilespmem:$0x1F400] =	vst v63  }
0x55: {  	s8 =	rddreg [dreg:$0x1e]  }
0x56: {  	[tilespmem:s29], [sflag:$0x4] =	stream.linear.gather [hbm4b:s25+s5], $0x80, $0x38;
	[tilespmem:$0x1F400] =	vst v63  }
0x57: {  	s29 =	rddreg [dreg:$0x1d]  }
0x58: {  	[tilespmem:s30], [sflag:$0x4] =	stream.linear.gather [hbm4b:s29+s5], $0x80, $0x38;
	[tilespmem:$0x1F400] =	vst v63  }
0x59: {  	s25 =	rddreg [dreg:$0x1f]  }
0x5a: {  	[tilespmem:s22], [sflag:$0x5] =	stream.linear.gather [hbm4b:s8+s5], $0x80, $0x38;
	[tilespmem:$0x1F400] =	vst v63  }
0x5b: {  	s29 =	sld [smem:$0x7E3]  }
0x5c: {  	[tilespmem:s31], [sflag:$0x5] =	stream.linear.gather [hbm4b:s25+s5], $0x80, $0x38;
	[tilespmem:$0x1F400] =	vst v63  }
0x5d: {  	s30 =	sld [smem:$0x7E4]  }
0x5e: {  	[tilespmem:s3], [sflag:$0x6] =	stream.linear.gather [hbm4b:s29+s5], $0x80, $0x38;
	[tilespmem:$0x1F400] =	vst v63  }
0x5f: {  	_ = 	snop  }
0x60: {  	[tilespmem:s10], [sflag:$0x6] =	stream.linear.gather [hbm4b:s30+s5], $0x80, $0x38;
	[tilespmem:$0x1F400] =	vst v63  }
0x61: {  	_ =	swait.ge [sflag:s0], $0x80  }
0x62: {  	[sflag:s0] =	ssyncset.done $0x0  }
0x63: {  	[sflag:s0] =	ssyncadd.s32 $0xFFFFFF80  }
0x64: {  	_ =	swait.ge [sflag:s0], $0x80  }
0x65: {  	[sflag:s0] =	ssyncset.done $0x0  }
0x66: {  	[sflag:s0] =	ssyncadd.s32 $0xFFFFFF80  }
0x67: {  	[tilespmem:s24], [sflag:$0x7] =	stream.indirect.gather [hbm4b:s4+s7], $0x80, s5, s7, $0xb8;
	[tilespmem:$0x1F400] =	vst v63  }
0x68: {  	_ =	swait.ge [sflag:s1], $0x80  }
0x69: {  	[sflag:s1] =	ssyncset.done $0x0  }
0x6a: {  	[sflag:s1] =	ssyncadd.s32 $0xFFFFFF80  }
0x6b: {  	_ =	swait.ge [sflag:s1], $0x80  }
0x6c: {  	[sflag:s1] =	ssyncset.done $0x0  }
0x6d: {  	[sflag:s1] =	ssyncadd.s32 $0xFFFFFF80  }
0x6e: {  	[tilespmem:s12], [sflag:$0x8] =	stream.indirect.gather [hbm4b:s4+s7], $0x80, s9, s7, $0xb8;
	[tilespmem:$0x1F400] =	vst v63  }
0x6f: {  	_ =	swait.ge [sflag:s11], $0x80  }
0x70: {  	[sflag:s11] =	ssyncset.done $0x0  }
0x71: {  	[sflag:s11] =	ssyncadd.s32 $0xFFFFFF80  }
0x72: {  	s17 =	simm.s32 $0x0;
	_ =	swait.ge [sflag:s11], $0x80  }
0x73: {  	s28 =	simm.s32 $0x100;
	s22 =	simm.s32 $0x200;
	[sflag:s11] =	ssyncset.done $0x0  }
0x74: {  	s8 =	simm.s32 $0x800;
	s31 =	simm.s32 $0x280;
	[sflag:s11] =	ssyncadd.s32 $0xFFFFFF80  }
0x75: {  	[tilespmem:s26], [sflag:$0x9] =	stream.indirect.gather [hbm4b:s4+s7], $0x80, s23, s7, $0xb8;
	[tilespmem:$0x1F400] =	vst v63  }
0x76: {  	s12 =	simm.s32 $0x3C00;
	s9 =	simm.s32 $0x2;
	s26 =	simm.s32 $0x7000  }
.LBB2_2:
0x77: {  	p0 =	sne.s32 s22, $0x3E00;
	[tilespmem:s17+$0xA470] =	vst v0  }
0x78: {  	[tilespmem:s17+$0xA400] =	vst v0  }
0x79: {  	[tilespmem:s17+$0xA410] =	vst v0  }
.Ltmp0:
0x7a: {  	[tilespmem:s17+$0xA420] =	vst v0;
	(pc) =	sbr.rel @p0 .LBB2_2-.Ltmp0, $4  }
0x7b: {  	[tilespmem:s17+$0xA430] =	vst v0  }
0x7c: {  	[tilespmem:s17+$0xA440] =	vst v0  }
0x7d: {  	[tilespmem:s17+$0xA450] =	vst v0  }
0x7e: {  	[tilespmem:s17+$0xA460] =	vst v0;
	s17 =	sshra.s32 s22, $0x2;
	s22 =	sadd.s32 $0x200, s22  }
0x7f: {  	[tilespmem:s17+$0xA470] =	vst v0  }
0x80: {  	[tilespmem:s17+$0xA400] =	vst v0  }
0x81: {  	[tilespmem:s17+$0xA410] =	vst v0  }
0x82: {  	[tilespmem:s17+$0xA420] =	vst v0  }
0x83: {  	[tilespmem:s17+$0xA430] =	vst v0  }
0x84: {  	[tilespmem:s17+$0xA440] =	vst v0  }
0x85: {  	[tilespmem:s17+$0xA450] =	vst v0  }
0x86: {  	[tilespmem:s17+$0xA460] =	vst v0;
	s1 =	rddreg [dreg:$0xf];
	s3 =	simm.s32 $0xA400  }
0x87: {  	[spmem:s1] =	stream.linear.scatter [tilespmem:s3], [sflag:$0x1], $0x1000, $0x38;
	[tilespmem:$0x1F400] =	vst v63  }
0x88: {  	s1 =	sld [smem:$0x7E5];
	_ =	sdelay $0x1  }
0x89: {  	s10 =	sld [smem:$0x7E6]  }
0x8a: {  	[spmem:s1] =	stream.linear.scatter [tilespmem:s3], [sflag:$0x1], $0x1000, $0x38;
	[tilespmem:$0x1F400] =	vst v63  }
0x8b: {  	s22 =	sld [smem:$0x7E7]  }
0x8c: {  	[spmem:s10] =	stream.linear.scatter [tilespmem:s3], [sflag:$0x1], $0x1000, $0x38;
	[tilespmem:$0x1F400] =	vst v63  }
0x8d: {  	s23 =	sld [smem:$0x7E8]  }
0x8e: {  	[spmem:s22] =	stream.linear.scatter [tilespmem:s3], [sflag:$0x1], $0x1000, $0x38;
	[tilespmem:$0x1F400] =	vst v63  }
0x8f: {  	s24 =	rddreg [dreg:$0x10]  }
0x90: {  	[spmem:s23] =	stream.linear.scatter [tilespmem:s3], [sflag:$0x1], $0x1000, $0x38;
	[tilespmem:$0x1F400] =	vst v63  }
0x91: {  	s25 =	sld [smem:$0x7E9]  }
0x92: {  	[spmem:s24] =	stream.linear.scatter [tilespmem:s3], [sflag:$0x1], $0x1000, $0x38;
	[tilespmem:$0x1F400] =	vst v63  }
0x93: {  	s29 =	sld [smem:$0x7EA]  }
0x94: {  	[spmem:s25] =	stream.linear.scatter [tilespmem:s3], [sflag:$0x1], $0x1000, $0x38;
	[tilespmem:$0x1F400] =	vst v63  }
0x95: {  	s1 =	sld [smem:$0x7EB]  }
0x96: {  	[spmem:s29] =	stream.linear.scatter [tilespmem:s3], [sflag:$0x1], $0x1000, $0x38;
	[tilespmem:$0x1F400] =	vst v63  }
0x97: {  	s10 =	sld [smem:$0x7EC]  }
0x98: {  	[spmem:s1] =	stream.linear.scatter [tilespmem:s3], [sflag:$0x1], $0x1000, $0x38;
	[tilespmem:$0x1F400] =	vst v63  }
0x99: {  	s22 =	rddreg [dreg:$0x11]  }
0x9a: {  	[spmem:s10] =	stream.linear.scatter [tilespmem:s3], [sflag:$0x1], $0x1000, $0x38;
	[tilespmem:$0x1F400] =	vst v63  }
0x9b: {  	s23 =	sld [smem:$0x7ED]  }
0x9c: {  	[spmem:s22] =	stream.linear.scatter [tilespmem:s3], [sflag:$0x1], $0x1000, $0x38;
	[tilespmem:$0x1F400] =	vst v63  }
0x9d: {  	s24 =	sld [smem:$0x7EE]  }
0x9e: {  	[spmem:s23] =	stream.linear.scatter [tilespmem:s3], [sflag:$0x1], $0x1000, $0x38;
	[tilespmem:$0x1F400] =	vst v63  }
0x9f: {  	s25 =	sld [smem:$0x7EF]  }
0xa0: {  	[spmem:s24] =	stream.linear.scatter [tilespmem:s3], [sflag:$0x1], $0x1000, $0x38;
	[tilespmem:$0x1F400] =	vst v63  }
0xa1: {  	s29 =	sld [smem:$0x7F0]  }
0xa2: {  	[spmem:s25] =	stream.linear.scatter [tilespmem:s3], [sflag:$0x1], $0x1000, $0x38;
	[tilespmem:$0x1F400] =	vst v63  }
0xa3: {  	s1 =	rddreg [dreg:$0x12]  }
0xa4: {  	[spmem:s29] =	stream.linear.scatter [tilespmem:s3], [sflag:$0x1], $0x1000, $0x38;
	[tilespmem:$0x1F400] =	vst v63  }
0xa5: {  	s10 =	sld [smem:$0x7F1]  }
0xa6: {  	[spmem:s1] =	stream.linear.scatter [tilespmem:s3], [sflag:$0x1], $0x1000, $0x38;
	[tilespmem:$0x1F400] =	vst v63  }
0xa7: {  	s22 =	sld [smem:$0x7F2]  }
0xa8: {  	[spmem:s10] =	stream.linear.scatter [tilespmem:s3], [sflag:$0x1], $0x1000, $0x38;
	[tilespmem:$0x1F400] =	vst v63  }
0xa9: {  	s23 =	sld [smem:$0x7F3]  }
0xaa: {  	[spmem:s22] =	stream.linear.scatter [tilespmem:s3], [sflag:$0x1], $0x1000, $0x38;
	[tilespmem:$0x1F400] =	vst v63  }
0xab: {  	s24 =	sld [smem:$0x7F4]  }
0xac: {  	[spmem:s23] =	stream.linear.scatter [tilespmem:s3], [sflag:$0x1], $0x1000, $0x38;
	[tilespmem:$0x1F400] =	vst v63  }
0xad: {  	_ = 	snop  }
0xae: {  	[spmem:s24] =	stream.linear.scatter [tilespmem:s3], [sflag:$0x1], $0x1000, $0x38;
	[tilespmem:$0x1F400] =	vst v63  }
0xaf: {  	_ =	swait.ge [sflag:s0], $0x1000  }
0xb0: {  	[sflag:s0] =	ssyncset.done $0x0  }
0xb1: {  	[sflag:s0] =	ssyncadd.s32 $0xFFFFF000  }
0xb2: {  	_ =	swait.ge [sflag:s0], $0x1000  }
0xb3: {  	[sflag:s0] =	ssyncset.done $0x0  }
0xb4: {  	[sflag:s0] =	ssyncadd.s32 $0xFFFFF000  }
0xb5: {  	_ =	swait.ge [sflag:s0], $0x1000  }
0xb6: {  	[sflag:s0] =	ssyncset.done $0x0  }
0xb7: {  	[sflag:s0] =	ssyncadd.s32 $0xFFFFF000  }
0xb8: {  	_ =	swait.ge [sflag:s0], $0x1000  }
0xb9: {  	[sflag:s0] =	ssyncset.done $0x0  }
0xba: {  	[sflag:s0] =	ssyncadd.s32 $0xFFFFF000  }
0xbb: {  	_ =	swait.ge [sflag:s0], $0x1000  }
0xbc: {  	[sflag:s0] =	ssyncset.done $0x0  }
0xbd: {  	[sflag:s0] =	ssyncadd.s32 $0xFFFFF000  }
0xbe: {  	_ =	swait.ge [sflag:s0], $0x1000  }
0xbf: {  	[sflag:s0] =	ssyncset.done $0x0  }
0xc0: {  	[sflag:s0] =	ssyncadd.s32 $0xFFFFF000  }
0xc1: {  	_ =	swait.ge [sflag:s0], $0x1000  }
0xc2: {  	[sflag:s0] =	ssyncset.done $0x0  }
0xc3: {  	[sflag:s0] =	ssyncadd.s32 $0xFFFFF000  }
0xc4: {  	_ =	swait.ge [sflag:s0], $0x1000  }
0xc5: {  	[sflag:s0] =	ssyncset.done $0x0  }
0xc6: {  	[sflag:s0] =	ssyncadd.s32 $0xFFFFF000  }
0xc7: {  	_ =	swait.ge [sflag:s0], $0x1000  }
0xc8: {  	[sflag:s0] =	ssyncset.done $0x0  }
0xc9: {  	[sflag:s0] =	ssyncadd.s32 $0xFFFFF000  }
0xca: {  	_ =	swait.ge [sflag:s0], $0x1000  }
0xcb: {  	[sflag:s0] =	ssyncset.done $0x0  }
0xcc: {  	[sflag:s0] =	ssyncadd.s32 $0xFFFFF000  }
0xcd: {  	_ =	swait.ge [sflag:s0], $0x1000  }
0xce: {  	[sflag:s0] =	ssyncset.done $0x0  }
0xcf: {  	[sflag:s0] =	ssyncadd.s32 $0xFFFFF000  }
0xd0: {  	_ =	swait.ge [sflag:s0], $0x1000  }
0xd1: {  	[sflag:s0] =	ssyncset.done $0x0  }
0xd2: {  	[sflag:s0] =	ssyncadd.s32 $0xFFFFF000  }
0xd3: {  	_ =	swait.ge [sflag:s0], $0x1000  }
0xd4: {  	[sflag:s0] =	ssyncset.done $0x0  }
0xd5: {  	[sflag:s0] =	ssyncadd.s32 $0xFFFFF000  }
0xd6: {  	_ =	swait.ge [sflag:s0], $0x1000  }
0xd7: {  	[sflag:s0] =	ssyncset.done $0x0  }
0xd8: {  	[sflag:s0] =	ssyncadd.s32 $0xFFFFF000  }
0xd9: {  	_ =	swait.ge [sflag:s0], $0x1000  }
0xda: {  	[sflag:s0] =	ssyncset.done $0x0  }
0xdb: {  	[sflag:s0] =	ssyncadd.s32 $0xFFFFF000  }
0xdc: {  	_ =	swait.ge [sflag:s0], $0x1000  }
0xdd: {  	[sflag:s0] =	ssyncset.done $0x0  }
0xde: {  	[sflag:s0] =	ssyncadd.s32 $0xFFFFF000  }
0xdf: {  	_ =	swait.ge [sflag:s0], $0x1000  }
0xe0: {  	[sflag:s0] =	ssyncset.done $0x0  }
0xe1: {  	[sflag:s0] =	ssyncadd.s32 $0xFFFFF000  }
0xe2: {  	_ =	swait.ge [sflag:s0], $0x1000  }
0xe3: {  	[sflag:s0] =	ssyncset.done $0x0  }
0xe4: {  	[sflag:s0] =	ssyncadd.s32 $0xFFFFF000  }
0xe5: {  	_ =	swait.ge [sflag:s0], $0x1000  }
0xe6: {  	[sflag:s0] =	ssyncset.done $0x0  }
0xe7: {  	[sflag:s0] =	ssyncadd.s32 $0xFFFFF000  }
0xe8: {  	_ =	swait.ge [sflag:s0], $0x1000  }
0xe9: {  	[sflag:s0] =	ssyncset.done $0x0  }
0xea: {  	[sflag:s0] =	ssyncadd.s32 $0xFFFFF000  }
0xeb: {  	[bflag:$0x0] =	sbarrier.arrive $0xFFFF  }
0xec: {  	_ =	swait.ge [sflag:s14], $0x3200  }
0xed: {  	s25 =	simm.s32 $0x300;
	[sflag:s14] =	ssyncset.done $0x0  }
0xee: {  	s17 =	sand.u32 $0x300, s25;
	s22 =	sand.u32 $0x7C00, s25;
	[sflag:s14] =	ssyncadd.s32 $0xFFFFCE00  }
0xef: {  	s29 =	simm.s32 $0x400;
	s10 =	sadd.s32 s6, s22;
	s30 =	rddreg [dreg:$0x3]  }
0xf0: {  	[spmem:s30] =	stream.indirect.scatter.add.f32 [tilespmem:s8], [sflag:$0xA], $0x80, s29, s7, $0xb8;
	[tilespmem:$0x1F400] =	vst v63  }
0xf1: {  	s22 =	sadd.s32 s15, s22;
	s10 =	sor.u32 s17, s10;
	_ =	swait.ge [sflag:s16], $0x3200  }
0xf2: {  	s17 =	sor.u32 s17, s22;
	s1 =	sshrl.u32 s10, $0x3;
	[sflag:s16] =	ssyncset.done $0x0  }
0xf3: {  	s17 =	sshrl.u32 s17, $0x3;
	s22 =	sadd.s32 s2, s1;
	[sflag:s16] =	ssyncadd.s32 $0xFFFFCE00  }
0xf4: {  	[tilespmem:s5], [sflag:$0x1] =	stream.linear.gather [hbm4b:s22+s5], $0x80, $0x38;
	[tilespmem:$0x1F400] =	vst v63  }
0xf5: {  	s17 =	sadd.s32 s2, s17  }
0xf6: {  	[tilespmem:s29], [sflag:$0x1] =	stream.linear.gather [hbm4b:s17+s5], $0x80, $0x38;
	[tilespmem:$0x1F400] =	vst v63  }
0xf7: {  	_ =	swait.ge [sflag:s19], $0x80  }
0xf8: {  	[sflag:s19] =	ssyncset.done $0x0  }
0xf9: {  	[sflag:s19] =	ssyncadd.s32 $0xFFFFFF80  }
0xfa: {  	_ =	swait.ge [sflag:s19], $0x80  }
0xfb: {  	[sflag:s19] =	ssyncset.done $0x0  }
0xfc: {  	s23 =	simm.s32 $0x180;
	[sflag:s19] =	ssyncadd.s32 $0xFFFFFF80  }
0xfd: {  	[tilespmem:s8], [sflag:$0x7] =	stream.indirect.gather [hbm4b:s4+s7], $0x80, s23, s7, $0xb8;
	[tilespmem:$0x1F400] =	vst v63  }
0xfe: {  	s25 =	simm.s32 $0x480;
	s8 =	simm.s32 $0x380;
	_ =	swait.ge [sflag:s20], $0x3200  }
0xff: {  	s10 =	sand.u32 $0x7C00, s8;
	s24 =	sand.u32 $0x380, s8;
	[sflag:s20] =	ssyncset.done $0x0  }
0x100: {  	s17 =	sadd.s32 s6, s10;
	s22 =	sadd.s32 s15, s10;
	[sflag:s20] =	ssyncadd.s32 $0xFFFFCE00  }
0x101: {  	[spmem:s30] =	stream.indirect.scatter.add.f32 [tilespmem:s12], [sflag:$0xA], $0x80, s25, s7, $0xb8;
	[tilespmem:$0x1F400] =	vst v63  }
0x102: {  	s10 =	simm.s32 $0x80;
	s8 =	sor.u32 s24, s17;
	_ =	swait.ge [sflag:s16], $0x3200  }
0x103: {  	s17 =	sor.u32 s24, s22;
	s8 =	sshrl.u32 s8, $0x3;
	[sflag:s16] =	ssyncset.done $0x0  }
0x104: {  	s17 =	sshrl.u32 s17, $0x3;
	s29 =	sadd.s32 s2, s8;
	[sflag:s16] =	ssyncadd.s32 $0xFFFFCE00  }
0x105: {  	[tilespmem:s10], [sflag:$0x2] =	stream.linear.gather [hbm4b:s29+s5], $0x80, $0x38;
	[tilespmem:$0x1F400] =	vst v63  }
0x106: {  	s17 =	sadd.s32 s2, s17  }
0x107: {  	[tilespmem:s25], [sflag:$0x2] =	stream.linear.gather [hbm4b:s17+s5], $0x80, $0x38;
	[tilespmem:$0x1F400] =	vst v63  }
0x108: {  	_ =	swait.ge [sflag:s21], $0x80  }
0x109: {  	[sflag:s21] =	ssyncset.done $0x0  }
0x10a: {  	[sflag:s21] =	ssyncadd.s32 $0xFFFFFF80  }
0x10b: {  	_ =	swait.ge [sflag:s21], $0x80  }
0x10c: {  	[sflag:s21] =	ssyncset.done $0x0  }
0x10d: {  	s1 =	simm.s32 $0x0;
	s8 =	simm.s32 $0x200;
	[sflag:s21] =	ssyncadd.s32 $0xFFFFFF80  }
0x10e: {  	[tilespmem:s12], [sflag:$0x8] =	stream.indirect.gather [hbm4b:s4+s7], $0x80, s8, s7, $0xb8;
	[tilespmem:$0x1F400] =	vst v63  }
0x10f: {  	s24 =	sand.u32 $0x3C00, s1;
	_ =	swait.ge [sflag:s18], $0x3200  }
0x110: {  	s22 =	sadd.s32 $0x400, s24;
	s24 =	simm.s32 $0x500;
	[sflag:s18] =	ssyncset.done $0x0  }
0x111: {  	s17 =	sand.u32 $0x300, s1;
	s25 =	sadd.s32 s6, s22;
	[sflag:s18] =	ssyncadd.s32 $0xFFFFCE00  }
0x112: {  	[spmem:s30] =	stream.indirect.scatter.add.f32 [tilespmem:s26], [sflag:$0xA], $0x80, s24, s7, $0xb8;
	[tilespmem:$0x1F400] =	vst v63  }
0x113: {  	s22 =	sadd.s32 s15, s22;
	s25 =	sor.u32 s17, s25;
	_ =	swait.ge [sflag:s16], $0x3200  }
0x114: {  	s17 =	sor.u32 s17, s22;
	s25 =	sshrl.u32 s25, $0x3;
	[sflag:s16] =	ssyncset.done $0x0  }
0x115: {  	s17 =	sshrl.u32 s17, $0x3;
	s22 =	sadd.s32 s2, s25;
	[sflag:s16] =	ssyncadd.s32 $0xFFFFCE00  }
0x116: {  	[tilespmem:s28], [sflag:$0x3] =	stream.linear.gather [hbm4b:s22+s5], $0x80, $0x38;
	[tilespmem:$0x1F400] =	vst v63  }
0x117: {  	s17 =	sadd.s32 s2, s17  }
0x118: {  	[tilespmem:s24], [sflag:$0x3] =	stream.linear.gather [hbm4b:s17+s5], $0x80, $0x38;
	[tilespmem:$0x1F400] =	vst v63  }
0x119: {  	_ =	swait.ge [sflag:s13], $0x80  }
0x11a: {  	[sflag:s13] =	ssyncset.done $0x0  }
0x11b: {  	[sflag:s13] =	ssyncadd.s32 $0xFFFFFF80  }
0x11c: {  	_ =	swait.ge [sflag:s13], $0x80  }
0x11d: {  	[sflag:s13] =	ssyncset.done $0x0  }
0x11e: {  	[sflag:s13] =	ssyncadd.s32 $0xFFFFFF80  }
0x11f: {  	[tilespmem:s26], [sflag:$0x9] =	stream.indirect.gather [hbm4b:s4+s7], $0x80, s31, s7, $0xb8;
	[tilespmem:$0x1F400] =	vst v63  }
0x120: {  	s3 =	simm.s32 $0x800;
	s28 =	simm.s32 $0x480;
	_ =	swait.ge [sflag:s14], $0x3200  }
0x121: {  	s29 =	sand.u32 $0x7C00, s28;
	s25 =	sand.u32 $0x380, s28;
	[sflag:s14] =	ssyncset.done $0x0  }
0x122: {  	s28 =	simm.s32 $0x580;
	s17 =	sadd.s32 s6, s29;
	[sflag:s14] =	ssyncadd.s32 $0xFFFFCE00  }
0x123: {  	[spmem:s30] =	stream.indirect.scatter.add.f32 [tilespmem:s3], [sflag:$0xA], $0x80, s28, s7, $0xb8;
	[tilespmem:$0x1F400] =	vst v63  }
0x124: {  	s22 =	sadd.s32 s15, s29;
	s24 =	sor.u32 s25, s17;
	_ =	swait.ge [sflag:s16], $0x3200  }
0x125: {  	s17 =	sor.u32 s25, s22;
	s24 =	sshrl.u32 s24, $0x3;
	[sflag:s16] =	ssyncset.done $0x0  }
0x126: {  	s17 =	sshrl.u32 s17, $0x3;
	s29 =	sadd.s32 s2, s24;
	[sflag:s16] =	ssyncadd.s32 $0xFFFFCE00  }
0x127: {  	[tilespmem:s23], [sflag:$0x4] =	stream.linear.gather [hbm4b:s29+s5], $0x80, $0x38;
	[tilespmem:$0x1F400] =	vst v63  }
0x128: {  	s17 =	sadd.s32 s2, s17  }
0x129: {  	[tilespmem:s28], [sflag:$0x4] =	stream.linear.gather [hbm4b:s17+s5], $0x80, $0x38;
	[tilespmem:$0x1F400] =	vst v63  }
0x12a: {  	_ =	swait.ge [sflag:s0], $0x80  }
0x12b: {  	[sflag:s0] =	ssyncset.done $0x0  }
0x12c: {  	[sflag:s0] =	ssyncadd.s32 $0xFFFFFF80  }
0x12d: {  	_ =	swait.ge [sflag:s0], $0x80  }
0x12e: {  	[sflag:s0] =	ssyncset.done $0x0  }
0x12f: {  	[sflag:s0] =	ssyncadd.s32 $0xFFFFFF80  }
0x130: {  	[tilespmem:s3], [sflag:$0x7] =	stream.indirect.gather [hbm4b:s4+s7], $0x80, s5, s7, $0xb8;
	[tilespmem:$0x1F400] =	vst v63  }
0x131: {  	s24 =	simm.s32 $0x500;
	_ =	swait.ge [sflag:s20], $0x3200  }
0x132: {  	s25 =	sand.u32 $0x7C00, s24;
	s29 =	simm.s32 $0x600;
	[sflag:s20] =	ssyncset.done $0x0  }
0x133: {  	s17 =	sand.u32 $0x300, s24;
	s28 =	sadd.s32 s6, s25;
	[sflag:s20] =	ssyncadd.s32 $0xFFFFCE00  }
0x134: {  	[spmem:s30] =	stream.indirect.scatter.add.f32 [tilespmem:s12], [sflag:$0xA], $0x80, s29, s7, $0xb8;
	[tilespmem:$0x1F400] =	vst v63  }
0x135: {  	s22 =	sadd.s32 s15, s25;
	s1 =	sor.u32 s17, s28;
	_ =	swait.ge [sflag:s16], $0x3200  }
0x136: {  	s17 =	sor.u32 s17, s22;
	s1 =	sshrl.u32 s1, $0x3;
	[sflag:s16] =	ssyncset.done $0x0  }
0x137: {  	s17 =	sshrl.u32 s17, $0x3;
	s22 =	sadd.s32 s2, s1;
	[sflag:s16] =	ssyncadd.s32 $0xFFFFCE00  }
0x138: {  	[tilespmem:s8], [sflag:$0x5] =	stream.linear.gather [hbm4b:s22+s5], $0x80, $0x38;
	[tilespmem:$0x1F400] =	vst v63  }
0x139: {  	s17 =	sadd.s32 s2, s17  }
0x13a: {  	[tilespmem:s29], [sflag:$0x5] =	stream.linear.gather [hbm4b:s17+s5], $0x80, $0x38;
	[tilespmem:$0x1F400] =	vst v63  }
0x13b: {  	_ =	swait.ge [sflag:s9], $0x80  }
0x13c: {  	[sflag:s9] =	ssyncset.done $0x0  }
0x13d: {  	[sflag:s9] =	ssyncadd.s32 $0xFFFFFF80  }
0x13e: {  	_ =	swait.ge [sflag:s9], $0x80  }
0x13f: {  	[sflag:s9] =	ssyncset.done $0x0  }
0x140: {  	s23 =	simm.s32 $0x580;
	[sflag:s9] =	ssyncadd.s32 $0xFFFFFF80  }
0x141: {  	[tilespmem:s12], [sflag:$0x8] =	stream.indirect.gather [hbm4b:s4+s7], $0x80, s10, s7, $0xb8;
	[tilespmem:$0x1F400] =	vst v63  }
0x142: {  	s24 =	sand.u32 $0x7C00, s23;
	_ =	swait.ge [sflag:s18], $0x3200  }
0x143: {  	s25 =	sadd.s32 s6, s24;
	[sflag:s18] =	ssyncset.done $0x0  }
0x144: {  	s28 =	simm.s32 $0x680;
	s17 =	sand.u32 $0x380, s23;
	[sflag:s18] =	ssyncadd.s32 $0xFFFFCE00  }
0x145: {  	[spmem:s30] =	stream.indirect.scatter.add.f32 [tilespmem:s26], [sflag:$0xA], $0x80, s28, s7, $0xb8;
	[tilespmem:$0x1F400] =	vst v63  }
0x146: {  	s22 =	sadd.s32 s15, s24;
	s1 =	sor.u32 s17, s25;
	_ =	swait.ge [sflag:s16], $0x3200  }
0x147: {  	s17 =	sor.u32 s17, s22;
	s1 =	sshrl.u32 s1, $0x3;
	[sflag:s16] =	ssyncset.done $0x0  }
0x148: {  	s17 =	sshrl.u32 s17, $0x3;
	s29 =	sadd.s32 s2, s1;
	[sflag:s16] =	ssyncadd.s32 $0xFFFFCE00  }
0x149: {  	[tilespmem:s31], [sflag:$0x6] =	stream.linear.gather [hbm4b:s29+s5], $0x80, $0x38;
	[tilespmem:$0x1F400] =	vst v63  }
0x14a: {  	s17 =	sadd.s32 s2, s17;
	s31 =	simm.s32 $0x680  }
0x14b: {  	[tilespmem:s31], [sflag:$0x6] =	stream.linear.gather [hbm4b:s17+s5], $0x80, $0x38;
	[tilespmem:$0x1F400] =	vst v63  }
0x14c: {  	_ =	swait.ge [sflag:s11], $0x80  }
0x14d: {  	[sflag:s11] =	ssyncset.done $0x0  }
0x14e: {  	[sflag:s11] =	ssyncadd.s32 $0xFFFFFF80  }
0x14f: {  	s12 =	simm.s32 $0x3C00;
	_ =	swait.ge [sflag:s11], $0x80  }
0x150: {  	s26 =	simm.s32 $0x7000;
	s17 =	simm.s32 $0x880;
	[sflag:s11] =	ssyncset.done $0x0  }
.LBB2_4:
0x151: {  	[sflag:s11] =	ssyncadd.s32 $0xFFFFFF80;
	s22 =	smov.u32 s17;
	s28 =	simm.s32 $0x100  }
0x152: {  	[tilespmem:s26], [sflag:$0x9] =	stream.indirect.gather [hbm4b:s4+s7], $0x80, s28, s7, $0xb8;
	[tilespmem:$0x1F400] =	vst v63  }
0x153: {  	s3 =	simm.s32 $0x400;
	s23 =	sadd.s32 $0xFFFFFD80, s22;
	_ =	swait.ge [sflag:s14], $0x3200  }
0x154: {  	s9 =	simm.s32 $0x800;
	s24 =	sand.u32 $0x7C00, s23;
	[sflag:s14] =	ssyncset.done $0x0  }
0x155: {  	s23 =	sand.u32 $0x300, s23;
	s25 =	sadd.s32 s6, s24;
	[sflag:s14] =	ssyncadd.s32 $0xFFFFCE00  }
0x156: {  	[spmem:s30] =	stream.indirect.scatter.add.f32 [tilespmem:s9], [sflag:$0xA], $0x80, s3, s7, $0xb8;
	[tilespmem:$0x1F400] =	vst v63  }
0x157: {  	s24 =	sadd.s32 s15, s24;
	s25 =	sor.u32 s23, s25;
	_ =	swait.ge [sflag:s16], $0x3200  }
0x158: {  	s23 =	sor.u32 s23, s24;
	s25 =	sshrl.u32 s25, $0x3;
	[sflag:s16] =	ssyncset.done $0x0  }
0x159: {  	s23 =	sshrl.u32 s23, $0x3;
	s24 =	sadd.s32 s2, s25;
	[sflag:s16] =	ssyncadd.s32 $0xFFFFCE00  }
0x15a: {  	[tilespmem:s5], [sflag:$0x1] =	stream.linear.gather [hbm4b:s24+s5], $0x80, $0x38;
	[tilespmem:$0x1F400] =	vst v63  }
0x15b: {  	s23 =	sadd.s32 s2, s23  }
0x15c: {  	[tilespmem:s3], [sflag:$0x1] =	stream.linear.gather [hbm4b:s23+s5], $0x80, $0x38;
	[tilespmem:$0x1F400] =	vst v63  }
0x15d: {  	_ =	swait.ge [sflag:s19], $0x80  }
0x15e: {  	[sflag:s19] =	ssyncset.done $0x0  }
0x15f: {  	[sflag:s19] =	ssyncadd.s32 $0xFFFFFF80  }
0x160: {  	_ =	swait.ge [sflag:s19], $0x80  }
0x161: {  	[sflag:s19] =	ssyncset.done $0x0  }
0x162: {  	s30 =	simm.s32 $0x180;
	[sflag:s19] =	ssyncadd.s32 $0xFFFFFF80  }
0x163: {  	[tilespmem:s9], [sflag:$0x7] =	stream.indirect.gather [hbm4b:s4+s7], $0x80, s30, s7, $0xb8;
	[tilespmem:$0x1F400] =	vst v63  }
0x164: {  	s1 =	sadd.s32 $0xFFFFFE00, s22;
	_ =	swait.ge [sflag:s20], $0x3200  }
0x165: {  	s10 =	simm.s32 $0x480;
	s3 =	sand.u32 $0x7C00, s1;
	[sflag:s20] =	ssyncset.done $0x0  }
0x166: {  	s23 =	sand.u32 $0x380, s1;
	s8 =	sadd.s32 s6, s3;
	[sflag:s20] =	ssyncadd.s32 $0xFFFFCE00  }
0x167: {  	s24 =	sadd.s32 s15, s3;
	s25 =	sor.u32 s23, s8;
	s1 =	rddreg [dreg:$0x3]  }
0x168: {  	[spmem:s1] =	stream.indirect.scatter.add.f32 [tilespmem:s12], [sflag:$0xA], $0x80, s10, s7, $0xb8;
	[tilespmem:$0x1F400] =	vst v63  }
0x169: {  	s23 =	sor.u32 s23, s24;
	s25 =	sshrl.u32 s25, $0x3;
	_ =	swait.ge [sflag:s16], $0x3200  }
0x16a: {  	s23 =	sshrl.u32 s23, $0x3;
	s25 =	sadd.s32 s2, s25;
	[sflag:s16] =	ssyncset.done $0x0  }
0x16b: {  	s1 =	smov.u32 s4;
	s4 =	simm.s32 $0x80;
	[sflag:s16] =	ssyncadd.s32 $0xFFFFCE00  }
0x16c: {  	[tilespmem:s4], [sflag:$0x2] =	stream.linear.gather [hbm4b:s25+s5], $0x80, $0x38;
	[tilespmem:$0x1F400] =	vst v63  }
0x16d: {  	s23 =	sadd.s32 s2, s23  }
0x16e: {  	[tilespmem:s10], [sflag:$0x2] =	stream.linear.gather [hbm4b:s23+s5], $0x80, $0x38;
	[tilespmem:$0x1F400] =	vst v63  }
0x16f: {  	_ =	swait.ge [sflag:s21], $0x80  }
0x170: {  	[sflag:s21] =	ssyncset.done $0x0  }
0x171: {  	[sflag:s21] =	ssyncadd.s32 $0xFFFFFF80  }
0x172: {  	_ =	swait.ge [sflag:s21], $0x80  }
0x173: {  	[sflag:s21] =	ssyncset.done $0x0  }
0x174: {  	s3 =	simm.s32 $0x200;
	[sflag:s21] =	ssyncadd.s32 $0xFFFFFF80  }
0x175: {  	[tilespmem:s12], [sflag:$0x8] =	stream.indirect.gather [hbm4b:s1+s7], $0x80, s3, s7, $0xb8;
	[tilespmem:$0x1F400] =	vst v63  }
0x176: {  	s8 =	sadd.s32 $0xFFFFFA80, s22;
	_ =	swait.ge [sflag:s18], $0x3200  }
0x177: {  	s10 =	sand.u32 $0x3C00, s8;
	[sflag:s18] =	ssyncset.done $0x0  }
0x178: {  	s23 =	sand.u32 $0x300, s8;
	s24 =	sadd.s32 $0x400, s10;
	[sflag:s18] =	ssyncadd.s32 $0xFFFFCE00  }
0x179: {  	s8 =	simm.s32 $0x500;
	s25 =	sadd.s32 s6, s24;
	s10 =	rddreg [dreg:$0x3]  }
0x17a: {  	[spmem:s10] =	stream.indirect.scatter.add.f32 [tilespmem:s26], [sflag:$0xA], $0x80, s8, s7, $0xb8;
	[tilespmem:$0x1F400] =	vst v63  }
0x17b: {  	s24 =	sadd.s32 s15, s24;
	s25 =	sor.u32 s23, s25;
	_ =	swait.ge [sflag:s16], $0x3200  }
0x17c: {  	s23 =	sor.u32 s23, s24;
	s25 =	sshrl.u32 s25, $0x3;
	[sflag:s16] =	ssyncset.done $0x0  }
0x17d: {  	s23 =	sshrl.u32 s23, $0x3;
	s24 =	sadd.s32 s2, s25;
	[sflag:s16] =	ssyncadd.s32 $0xFFFFCE00  }
0x17e: {  	[tilespmem:s28], [sflag:$0x3] =	stream.linear.gather [hbm4b:s24+s5], $0x80, $0x38;
	[tilespmem:$0x1F400] =	vst v63  }
0x17f: {  	s23 =	sadd.s32 s2, s23  }
0x180: {  	[tilespmem:s8], [sflag:$0x3] =	stream.linear.gather [hbm4b:s23+s5], $0x80, $0x38;
	[tilespmem:$0x1F400] =	vst v63  }
0x181: {  	_ =	swait.ge [sflag:s13], $0x80  }
0x182: {  	[sflag:s13] =	ssyncset.done $0x0  }
0x183: {  	[sflag:s13] =	ssyncadd.s32 $0xFFFFFF80  }
0x184: {  	_ =	swait.ge [sflag:s13], $0x80  }
0x185: {  	[sflag:s13] =	ssyncset.done $0x0  }
0x186: {  	s29 =	simm.s32 $0x280;
	[sflag:s13] =	ssyncadd.s32 $0xFFFFFF80  }
0x187: {  	[tilespmem:s26], [sflag:$0x9] =	stream.indirect.gather [hbm4b:s1+s7], $0x80, s29, s7, $0xb8;
	[tilespmem:$0x1F400] =	vst v63  }
0x188: {  	s10 =	sadd.s32 $0xFFFFFF00, s22;
	_ =	swait.ge [sflag:s14], $0x3200  }
0x189: {  	s24 =	sand.u32 $0x7C00, s10;
	[sflag:s14] =	ssyncset.done $0x0  }
0x18a: {  	s25 =	sadd.s32 s6, s24;
	[sflag:s14] =	ssyncadd.s32 $0xFFFFCE00  }
0x18b: {  	s23 =	sand.u32 $0x380, s10;
	s8 =	simm.s32 $0x580;
	s28 =	rddreg [dreg:$0x3]  }
0x18c: {  	[spmem:s28] =	stream.indirect.scatter.add.f32 [tilespmem:s9], [sflag:$0xA], $0x80, s8, s7, $0xb8;
	[tilespmem:$0x1F400] =	vst v63  }
0x18d: {  	s24 =	sadd.s32 s15, s24;
	s25 =	sor.u32 s23, s25;
	_ =	swait.ge [sflag:s16], $0x3200  }
0x18e: {  	s23 =	sor.u32 s23, s24;
	s25 =	sshrl.u32 s25, $0x3;
	[sflag:s16] =	ssyncset.done $0x0  }
0x18f: {  	s23 =	sshrl.u32 s23, $0x3;
	s25 =	sadd.s32 s2, s25;
	[sflag:s16] =	ssyncadd.s32 $0xFFFFCE00  }
0x190: {  	[tilespmem:s30], [sflag:$0x4] =	stream.linear.gather [hbm4b:s25+s5], $0x80, $0x38;
	[tilespmem:$0x1F400] =	vst v63  }
0x191: {  	s23 =	sadd.s32 s2, s23  }
0x192: {  	[tilespmem:s8], [sflag:$0x4] =	stream.linear.gather [hbm4b:s23+s5], $0x80, $0x38;
	[tilespmem:$0x1F400] =	vst v63  }
0x193: {  	s30 =	rddreg [dreg:$0x3];
	_ =	swait.ge [sflag:s0], $0x80  }
0x194: {  	[sflag:s0] =	ssyncset.done $0x0  }
0x195: {  	[sflag:s0] =	ssyncadd.s32 $0xFFFFFF80  }
0x196: {  	_ =	swait.ge [sflag:s0], $0x80  }
0x197: {  	[sflag:s0] =	ssyncset.done $0x0  }
0x198: {  	[sflag:s0] =	ssyncadd.s32 $0xFFFFFF80  }
0x199: {  	[tilespmem:s9], [sflag:$0x7] =	stream.indirect.gather [hbm4b:s1+s7], $0x80, s5, s7, $0xb8;
	[tilespmem:$0x1F400] =	vst v63  }
0x19a: {  	s28 =	sadd.s32 $0xFFFFFF80, s22;
	_ =	swait.ge [sflag:s20], $0x3200  }
0x19b: {  	s31 =	simm.s32 $0x600;
	s8 =	sand.u32 $0x7C00, s28;
	[sflag:s20] =	ssyncset.done $0x0  }
0x19c: {  	s23 =	sand.u32 $0x300, s28;
	s9 =	sadd.s32 s6, s8;
	[sflag:s20] =	ssyncadd.s32 $0xFFFFCE00  }
0x19d: {  	[spmem:s30] =	stream.indirect.scatter.add.f32 [tilespmem:s12], [sflag:$0xA], $0x80, s31, s7, $0xb8;
	[tilespmem:$0x1F400] =	vst v63  }
0x19e: {  	s24 =	sadd.s32 s15, s8;
	s25 =	sor.u32 s23, s9;
	_ =	swait.ge [sflag:s16], $0x3200  }
0x19f: {  	s23 =	sor.u32 s23, s24;
	s28 =	sshrl.u32 s25, $0x3;
	[sflag:s16] =	ssyncset.done $0x0  }
0x1a0: {  	s23 =	sshrl.u32 s23, $0x3;
	s24 =	sadd.s32 s2, s28;
	[sflag:s16] =	ssyncadd.s32 $0xFFFFCE00  }
0x1a1: {  	[tilespmem:s3], [sflag:$0x5] =	stream.linear.gather [hbm4b:s24+s5], $0x80, $0x38;
	[tilespmem:$0x1F400] =	vst v63  }
0x1a2: {  	s10 =	simm.s32 $0x2;
	s25 =	simm.s32 $0x600;
	s23 =	sadd.s32 s2, s23  }
0x1a3: {  	[tilespmem:s25], [sflag:$0x5] =	stream.linear.gather [hbm4b:s23+s5], $0x80, $0x38;
	[tilespmem:$0x1F400] =	vst v63  }
0x1a4: {  	_ =	swait.ge [sflag:s10], $0x80  }
0x1a5: {  	[sflag:s10] =	ssyncset.done $0x0  }
0x1a6: {  	[sflag:s10] =	ssyncadd.s32 $0xFFFFFF80  }
0x1a7: {  	_ =	swait.ge [sflag:s10], $0x80  }
0x1a8: {  	[sflag:s10] =	ssyncset.done $0x0  }
0x1a9: {  	[sflag:s10] =	ssyncadd.s32 $0xFFFFFF80  }
0x1aa: {  	[tilespmem:s12], [sflag:$0x8] =	stream.indirect.gather [hbm4b:s1+s7], $0x80, s4, s7, $0xb8;
	[tilespmem:$0x1F400] =	vst v63  }
0x1ab: {  	s29 =	simm.s32 $0x280;
	_ =	swait.ge [sflag:s18], $0x3200  }
0x1ac: {  	s31 =	simm.s32 $0x680;
	s3 =	sand.u32 $0x7C00, s22;
	[sflag:s18] =	ssyncset.done $0x0  }
0x1ad: {  	s22 =	sand.u32 $0x380, s22;
	s9 =	sadd.s32 s6, s3;
	[sflag:s18] =	ssyncadd.s32 $0xFFFFCE00  }
0x1ae: {  	[spmem:s30] =	stream.indirect.scatter.add.f32 [tilespmem:s26], [sflag:$0xA], $0x80, s31, s7, $0xb8;
	[tilespmem:$0x1F400] =	vst v63  }
0x1af: {  	s23 =	sadd.s32 s15, s3;
	s24 =	sor.u32 s22, s9;
	_ =	swait.ge [sflag:s16], $0x3200  }
0x1b0: {  	s22 =	sor.u32 s22, s23;
	s28 =	sshrl.u32 s24, $0x3;
	[sflag:s16] =	ssyncset.done $0x0  }
0x1b1: {  	s22 =	sshrl.u32 s22, $0x3;
	s23 =	sadd.s32 s2, s28;
	[sflag:s16] =	ssyncadd.s32 $0xFFFFCE00  }
0x1b2: {  	[tilespmem:s29], [sflag:$0x6] =	stream.linear.gather [hbm4b:s23+s5], $0x80, $0x38;
	[tilespmem:$0x1F400] =	vst v63  }
0x1b3: {  	p0 =	sne.s32 s17, $0x2F80;
	s22 =	sadd.s32 s2, s22  }
0x1b4: {  	[tilespmem:s31], [sflag:$0x6] =	stream.linear.gather [hbm4b:s22+s5], $0x80, $0x38;
	[tilespmem:$0x1F400] =	vst v63  }
.Ltmp1:
0x1b5: {  	_ =	swait.ge [sflag:s11], $0x80;
	(pc) =	sbr.rel @p0 .LBB2_4-.Ltmp1, $4  }
0x1b6: {  	[sflag:s11] =	ssyncset.done $0x0  }
0x1b7: {  	[sflag:s11] =	ssyncadd.s32 $0xFFFFFF80  }
0x1b8: {  	s17 =	sadd.s32 $0x300, s17;
	_ =	swait.ge [sflag:s11], $0x80  }
0x1b9: {  	s8 =	simm.s32 $0x200;
	s4 =	smov.u32 s1;
	[sflag:s11] =	ssyncset.done $0x0  }
0x1ba: {  	[sflag:s11] =	ssyncadd.s32 $0xFFFFFF80;
	s28 =	simm.s32 $0x100  }
0x1bb: {  	[tilespmem:s26], [sflag:$0x9] =	stream.indirect.gather [hbm4b:s4+s7], $0x80, s28, s7, $0xb8;
	[tilespmem:$0x1F400] =	vst v63  }
0x1bc: {  	_ =	swait.ge [sflag:s14], $0x3200  }
0x1bd: {  	[sflag:s14] =	ssyncset.done $0x0  }
0x1be: {  	s24 =	simm.s32 $0x400;
	s9 =	simm.s32 $0x800;
	[sflag:s14] =	ssyncadd.s32 $0xFFFFCE00  }
0x1bf: {  	[spmem:s30] =	stream.indirect.scatter.add.f32 [tilespmem:s9], [sflag:$0xA], $0x80, s24, s7, $0xb8;
	[tilespmem:$0x1F400] =	vst v63  }
0x1c0: {  	_ =	swait.ge [sflag:s16], $0x3200  }
0x1c1: {  	s17 =	sld [smem:$0x7F5]  }
0x1c2: {  	[sflag:s16] =	ssyncset.done $0x0  }
0x1c3: {  	s23 =	sld [smem:$0x7F6];
	[sflag:s16] =	ssyncadd.s32 $0xFFFFCE00  }
0x1c4: {  	[tilespmem:s5], [sflag:$0x1] =	stream.linear.gather [hbm4b:s17+s5], $0x80, $0x38;
	[tilespmem:$0x1F400] =	vst v63  }
0x1c5: {  	_ = 	snop  }
0x1c6: {  	[tilespmem:s24], [sflag:$0x1] =	stream.linear.gather [hbm4b:s23+s5], $0x80, $0x38;
	[tilespmem:$0x1F400] =	vst v63  }
0x1c7: {  	_ =	swait.ge [sflag:s19], $0x80  }
0x1c8: {  	[sflag:s19] =	ssyncset.done $0x0  }
0x1c9: {  	[sflag:s19] =	ssyncadd.s32 $0xFFFFFF80  }
0x1ca: {  	_ =	swait.ge [sflag:s19], $0x80  }
0x1cb: {  	[sflag:s19] =	ssyncset.done $0x0  }
0x1cc: {  	s23 =	simm.s32 $0x180;
	[sflag:s19] =	ssyncadd.s32 $0xFFFFFF80  }
0x1cd: {  	[tilespmem:s9], [sflag:$0x7] =	stream.indirect.gather [hbm4b:s4+s7], $0x80, s23, s7, $0xb8;
	[tilespmem:$0x1F400] =	vst v63  }
0x1ce: {  	_ =	swait.ge [sflag:s20], $0x3200  }
0x1cf: {  	[sflag:s20] =	ssyncset.done $0x0  }
0x1d0: {  	s22 =	simm.s32 $0x480;
	[sflag:s20] =	ssyncadd.s32 $0xFFFFCE00  }
0x1d1: {  	[spmem:s30] =	stream.indirect.scatter.add.f32 [tilespmem:s12], [sflag:$0xA], $0x80, s22, s7, $0xb8;
	[tilespmem:$0x1F400] =	vst v63  }
0x1d2: {  	_ =	swait.ge [sflag:s16], $0x3200  }
0x1d3: {  	s3 =	sld [smem:$0x7F7]  }
0x1d4: {  	[sflag:s16] =	ssyncset.done $0x0  }
0x1d5: {  	s4 =	simm.s32 $0x80;
	[sflag:s16] =	ssyncadd.s32 $0xFFFFCE00  }
0x1d6: {  	[tilespmem:s4], [sflag:$0x2] =	stream.linear.gather [hbm4b:s3+s5], $0x80, $0x38;
	[tilespmem:$0x1F400] =	vst v63  }
0x1d7: {  	s3 =	sld [smem:$0x7F8];
	_ =	sdelay $0x2  }
0x1d8: {  	[tilespmem:s22], [sflag:$0x2] =	stream.linear.gather [hbm4b:s3+s5], $0x80, $0x38;
	[tilespmem:$0x1F400] =	vst v63  }
0x1d9: {  	_ =	swait.ge [sflag:s21], $0x80  }
0x1da: {  	[sflag:s21] =	ssyncset.done $0x0  }
0x1db: {  	[sflag:s21] =	ssyncadd.s32 $0xFFFFFF80  }
0x1dc: {  	_ =	swait.ge [sflag:s21], $0x80  }
0x1dd: {  	[sflag:s21] =	ssyncset.done $0x0  }
0x1de: {  	[sflag:s21] =	ssyncadd.s32 $0xFFFFFF80  }
0x1df: {  	[tilespmem:s12], [sflag:$0x8] =	stream.indirect.gather [hbm4b:s1+s7], $0x80, s8, s7, $0xb8;
	[tilespmem:$0x1F400] =	vst v63  }
0x1e0: {  	_ =	swait.ge [sflag:s18], $0x3200  }
0x1e1: {  	[sflag:s18] =	ssyncset.done $0x0  }
0x1e2: {  	s8 =	simm.s32 $0x500;
	[sflag:s18] =	ssyncadd.s32 $0xFFFFCE00  }
0x1e3: {  	[spmem:s30] =	stream.indirect.scatter.add.f32 [tilespmem:s26], [sflag:$0xA], $0x80, s8, s7, $0xb8;
	[tilespmem:$0x1F400] =	vst v63  }
0x1e4: {  	_ =	swait.ge [sflag:s16], $0x3200  }
0x1e5: {  	s3 =	sld [smem:$0x7F9]  }
0x1e6: {  	[sflag:s16] =	ssyncset.done $0x0  }
0x1e7: {  	[sflag:s16] =	ssyncadd.s32 $0xFFFFCE00  }
0x1e8: {  	[tilespmem:s28], [sflag:$0x3] =	stream.linear.gather [hbm4b:s3+s5], $0x80, $0x38;
	[tilespmem:$0x1F400] =	vst v63  }
0x1e9: {  	s3 =	sld [smem:$0x7FA];
	_ =	sdelay $0x2  }
0x1ea: {  	[tilespmem:s8], [sflag:$0x3] =	stream.linear.gather [hbm4b:s3+s5], $0x80, $0x38;
	[tilespmem:$0x1F400] =	vst v63  }
0x1eb: {  	_ =	swait.ge [sflag:s13], $0x80  }
0x1ec: {  	[sflag:s13] =	ssyncset.done $0x0  }
0x1ed: {  	[sflag:s13] =	ssyncadd.s32 $0xFFFFFF80  }
0x1ee: {  	_ =	swait.ge [sflag:s13], $0x80  }
0x1ef: {  	[sflag:s13] =	ssyncset.done $0x0  }
0x1f0: {  	[sflag:s13] =	ssyncadd.s32 $0xFFFFFF80  }
0x1f1: {  	[tilespmem:s26], [sflag:$0x9] =	stream.indirect.gather [hbm4b:s1+s7], $0x80, s29, s7, $0xb8;
	[tilespmem:$0x1F400] =	vst v63  }
0x1f2: {  	_ =	swait.ge [sflag:s14], $0x3200  }
0x1f3: {  	[sflag:s14] =	ssyncset.done $0x0  }
0x1f4: {  	s3 =	simm.s32 $0x580;
	[sflag:s14] =	ssyncadd.s32 $0xFFFFCE00  }
0x1f5: {  	[spmem:s30] =	stream.indirect.scatter.add.f32 [tilespmem:s9], [sflag:$0xA], $0x80, s3, s7, $0xb8;
	[tilespmem:$0x1F400] =	vst v63  }
0x1f6: {  	_ =	swait.ge [sflag:s16], $0x3200  }
0x1f7: {  	s17 =	sld [smem:$0x7FB]  }
0x1f8: {  	[sflag:s16] =	ssyncset.done $0x0  }
0x1f9: {  	[sflag:s16] =	ssyncadd.s32 $0xFFFFCE00  }
0x1fa: {  	[tilespmem:s23], [sflag:$0x4] =	stream.linear.gather [hbm4b:s17+s5], $0x80, $0x38;
	[tilespmem:$0x1F400] =	vst v63  }
0x1fb: {  	s17 =	sld [smem:$0x7FC];
	_ =	sdelay $0x2  }
0x1fc: {  	[tilespmem:s3], [sflag:$0x4] =	stream.linear.gather [hbm4b:s17+s5], $0x80, $0x38;
	[tilespmem:$0x1F400] =	vst v63  }
0x1fd: {  	_ =	swait.ge [sflag:s0], $0x80  }
0x1fe: {  	[sflag:s0] =	ssyncset.done $0x0  }
0x1ff: {  	[sflag:s0] =	ssyncadd.s32 $0xFFFFFF80  }
0x200: {  	_ =	swait.ge [sflag:s0], $0x80  }
0x201: {  	[sflag:s0] =	ssyncset.done $0x0  }
0x202: {  	[sflag:s0] =	ssyncadd.s32 $0xFFFFFF80  }
0x203: {  	[tilespmem:s9], [sflag:$0x7] =	stream.indirect.gather [hbm4b:s1+s7], $0x80, s5, s7, $0xb8;
	[tilespmem:$0x1F400] =	vst v63  }
0x204: {  	_ =	swait.ge [sflag:s20], $0x3200  }
0x205: {  	[sflag:s20] =	ssyncset.done $0x0  }
0x206: {  	[sflag:s20] =	ssyncadd.s32 $0xFFFFCE00  }
0x207: {  	[spmem:s30] =	stream.indirect.scatter.add.f32 [tilespmem:s12], [sflag:$0xA], $0x80, s25, s7, $0xb8;
	[tilespmem:$0x1F400] =	vst v63  }
0x208: {  	_ =	swait.ge [sflag:s16], $0x3200  }
0x209: {  	[sflag:s16] =	ssyncset.done $0x0  }
0x20a: {  	[sflag:s16] =	ssyncadd.s32 $0xFFFFCE00  }
0x20b: {  	_ =	swait.ge [sflag:s10], $0x80  }
0x20c: {  	[sflag:s10] =	ssyncset.done $0x0  }
0x20d: {  	[sflag:s10] =	ssyncadd.s32 $0xFFFFFF80  }
0x20e: {  	_ =	swait.ge [sflag:s10], $0x80  }
0x20f: {  	[sflag:s10] =	ssyncset.done $0x0  }
0x210: {  	[sflag:s10] =	ssyncadd.s32 $0xFFFFFF80  }
0x211: {  	[tilespmem:s12], [sflag:$0x8] =	stream.indirect.gather [hbm4b:s1+s7], $0x80, s4, s7, $0xb8;
	[tilespmem:$0x1F400] =	vst v63  }
0x212: {  	_ =	swait.ge [sflag:s18], $0x3200  }
0x213: {  	[sflag:s18] =	ssyncset.done $0x0  }
0x214: {  	[sflag:s18] =	ssyncadd.s32 $0xFFFFCE00  }
0x215: {  	[spmem:s30] =	stream.indirect.scatter.add.f32 [tilespmem:s26], [sflag:$0xA], $0x80, s31, s7, $0xb8;
	[tilespmem:$0x1F400] =	vst v63  }
0x216: {  	_ =	swait.ge [sflag:s16], $0x3200  }
0x217: {  	[sflag:s16] =	ssyncset.done $0x0  }
0x218: {  	[sflag:s16] =	ssyncadd.s32 $0xFFFFCE00  }
0x219: {  	_ =	swait.ge [sflag:s11], $0x80  }
0x21a: {  	[sflag:s11] =	ssyncset.done $0x0  }
0x21b: {  	[sflag:s11] =	ssyncadd.s32 $0xFFFFFF80  }
0x21c: {  	_ =	swait.ge [sflag:s11], $0x80  }
0x21d: {  	[sflag:s11] =	ssyncset.done $0x0  }
0x21e: {  	[sflag:s11] =	ssyncadd.s32 $0xFFFFFF80  }
0x21f: {  	[tilespmem:s26], [sflag:$0x9] =	stream.indirect.gather [hbm4b:s1+s7], $0x80, s28, s7, $0xb8;
	[tilespmem:$0x1F400] =	vst v63  }
0x220: {  	_ =	swait.ge [sflag:s14], $0x3200  }
0x221: {  	[sflag:s14] =	ssyncset.done $0x0  }
0x222: {  	[sflag:s14] =	ssyncadd.s32 $0xFFFFCE00  }
0x223: {  	[spmem:s30] =	stream.indirect.scatter.add.f32 [tilespmem:s9], [sflag:$0xA], $0x80, s24, s7, $0xb8;
	[tilespmem:$0x1F400] =	vst v63  }
0x224: {  	_ =	swait.ge [sflag:s16], $0x3200  }
0x225: {  	[sflag:s16] =	ssyncset.done $0x0  }
0x226: {  	[sflag:s16] =	ssyncadd.s32 $0xFFFFCE00  }
0x227: {  	_ =	swait.ge [sflag:s19], $0x80  }
0x228: {  	[sflag:s19] =	ssyncset.done $0x0  }
0x229: {  	[sflag:s19] =	ssyncadd.s32 $0xFFFFFF80  }
0x22a: {  	_ =	swait.ge [sflag:s19], $0x80  }
0x22b: {  	[sflag:s19] =	ssyncset.done $0x0  }
0x22c: {  	[sflag:s19] =	ssyncadd.s32 $0xFFFFFF80  }
0x22d: {  	[tilespmem:s9], [sflag:$0x7] =	stream.indirect.gather [hbm4b:s1+s7], $0x80, s23, s7, $0xb8;
	[tilespmem:$0x1F400] =	vst v63  }
0x22e: {  	_ =	swait.ge [sflag:s20], $0x3200  }
0x22f: {  	[sflag:s20] =	ssyncset.done $0x0  }
0x230: {  	[sflag:s20] =	ssyncadd.s32 $0xFFFFCE00  }
0x231: {  	[spmem:s30] =	stream.indirect.scatter.add.f32 [tilespmem:s12], [sflag:$0xA], $0x80, s22, s7, $0xb8;
	[tilespmem:$0x1F400] =	vst v63  }
0x232: {  	_ =	swait.ge [sflag:s16], $0x3200  }
0x233: {  	[sflag:s16] =	ssyncset.done $0x0  }
0x234: {  	[sflag:s16] =	ssyncadd.s32 $0xFFFFCE00  }
0x235: {  	_ =	swait.ge [sflag:s18], $0x3200  }
0x236: {  	[sflag:s18] =	ssyncset.done $0x0  }
0x237: {  	[sflag:s18] =	ssyncadd.s32 $0xFFFFCE00  }
0x238: {  	[spmem:s30] =	stream.indirect.scatter.add.f32 [tilespmem:s26], [sflag:$0xA], $0x80, s8, s7, $0xb8;
	[tilespmem:$0x1F400] =	vst v63  }
0x239: {  	_ =	swait.ge [sflag:s16], $0x3200  }
0x23a: {  	[sflag:s16] =	ssyncset.done $0x0  }
0x23b: {  	[sflag:s16] =	ssyncadd.s32 $0xFFFFCE00  }
0x23c: {  	_ =	swait.ge [sflag:s14], $0x3200  }
0x23d: {  	[sflag:s14] =	ssyncset.done $0x0  }
0x23e: {  	[sflag:s14] =	ssyncadd.s32 $0xFFFFCE00  }
0x23f: {  	[spmem:s30] =	stream.indirect.scatter.add.f32 [tilespmem:s9], [sflag:$0xA], $0x80, s3, s7, $0xb8;
	[tilespmem:$0x1F400] =	vst v63  }
0x240: {  	_ =	swait.ge [sflag:s16], $0x3200  }
0x241: {  	[sflag:s16] =	ssyncset.done $0x0  }
0x242: {  	[sflag:s16] =	ssyncadd.s32 $0xFFFFCE00  }
0x243: {  	s10 =	stileid.u32;
	[bflag:$0x0] =	sbarrier.arrive $0xFFFF  }
0x244: {  	s17 =	sshll.u32 s10, $0x6;
	s22 =	rddreg [dreg:$0xf]  }
0x245: {  	s17 =	sor.u32 $0x1C07, s17;
	s24 =	rddreg [dreg:$0x5];
	s23 =	sshrl.u32 s22, $0x3  }
0x246: {  	[hbm:s24], [sflag:s17] =	dma.local [spmem:s23], $0x500  }
0x247: {  	s22 =	rddreg [dreg:$0x6]  }
0x248: {  	s23 =	rddreg [dreg:$0x14]  }
0x249: {  	[hbm:s22], [sflag:s17] =	dma.local [spmem:s23], $0x500  }
0x24a: {  	s25 =	rddreg [dreg:$0x10]  }
0x24b: {  	s23 =	rddreg [dreg:$0x7];
	s9 =	sshrl.u32 s25, $0x3  }
0x24c: {  	[hbm:s23], [sflag:s17] =	dma.local [spmem:s9], $0x500  }
0x24d: {  	s22 =	rddreg [dreg:$0x8]  }
0x24e: {  	s23 =	rddreg [dreg:$0x15]  }
0x24f: {  	[hbm:s22], [sflag:s17] =	dma.local [spmem:s23], $0x500  }
0x250: {  	s22 =	rddreg [dreg:$0x11]  }
0x251: {  	s23 =	rddreg [dreg:$0x9];
	s22 =	sshrl.u32 s22, $0x3  }
0x252: {  	[hbm:s23], [sflag:s17] =	dma.local [spmem:s22], $0x500  }
0x253: {  	s22 =	rddreg [dreg:$0xa]  }
0x254: {  	s23 =	rddreg [dreg:$0x16]  }
0x255: {  	[hbm:s22], [sflag:s17] =	dma.local [spmem:s23], $0x500  }
0x256: {  	s22 =	rddreg [dreg:$0x12]  }
0x257: {  	s23 =	rddreg [dreg:$0xb];
	s22 =	sshrl.u32 s22, $0x3  }
0x258: {  	[hbm:s23], [sflag:s17] =	dma.local [spmem:s22], $0x500  }
0x259: {  	s22 =	rddreg [dreg:$0xc]  }
0x25a: {  	s23 =	rddreg [dreg:$0x17]  }
0x25b: {  	[hbm:s22], [sflag:s17] =	dma.local [spmem:s23], $0x500  }
0x25c: {  	_ =	swait.ge [sflag:s14], $0x500  }
0x25d: {  	[sflag:s14] =	ssyncset.done $0x0  }
0x25e: {  	[sflag:s14] =	ssyncadd.s32 $0xFFFFFB00  }
0x25f: {  	_ =	swait.ge [sflag:s14], $0x500  }
0x260: {  	[sflag:s14] =	ssyncset.done $0x0  }
0x261: {  	[sflag:s14] =	ssyncadd.s32 $0xFFFFFB00  }
0x262: {  	_ =	swait.ge [sflag:s14], $0x500  }
0x263: {  	[sflag:s14] =	ssyncset.done $0x0  }
0x264: {  	[sflag:s14] =	ssyncadd.s32 $0xFFFFFB00  }
0x265: {  	_ =	swait.ge [sflag:s14], $0x500  }
0x266: {  	[sflag:s14] =	ssyncset.done $0x0  }
0x267: {  	[sflag:s14] =	ssyncadd.s32 $0xFFFFFB00  }
0x268: {  	_ =	swait.ge [sflag:s14], $0x500  }
0x269: {  	[sflag:s14] =	ssyncset.done $0x0  }
0x26a: {  	[sflag:s14] =	ssyncadd.s32 $0xFFFFFB00  }
0x26b: {  	_ =	swait.ge [sflag:s14], $0x500  }
0x26c: {  	[sflag:s14] =	ssyncset.done $0x0  }
0x26d: {  	[sflag:s14] =	ssyncadd.s32 $0xFFFFFB00  }
0x26e: {  	_ =	swait.ge [sflag:s14], $0x500  }
0x26f: {  	[sflag:s14] =	ssyncset.done $0x0  }
0x270: {  	[sflag:s14] =	ssyncadd.s32 $0xFFFFFB00  }
0x271: {  	_ =	swait.ge [sflag:s14], $0x500  }
0x272: {  	s24 =	sld [smem:$0x7FD];
	_ =	sdelay $0x2  }
0x273: {  	s29 =	simm.s32 $0x180;
	s25 =	rddreg [dreg:$0x13];
	s22 =	sadd.s32 $0x1, s24  }
0x274: {  	s4 =	smov.u32 s1;
	s10 =	simm.s32 $0x680;
	p0 =	sne.s32 s22, s25  }
.Ltmp2:
0x275: {  	s31 =	simm.s32 $0x600;
	s28 =	simm.s32 $0x500;
	(pc) =	sbr.rel @p0 .LBB2_1-.Ltmp2, $4  }
0x276: {  	s1 =	simm.s32 $0x2;
	s8 =	simm.s32 $0x480;
	s3 =	simm.s32 $0x280  }
0x277: {  	s30 =	simm.s32 $0x580;
	s9 =	simm.s32 $0x80;
	[sflag:s14] =	ssyncset.done $0x0  }
0x278: {  	s23 =	simm.s32 $0x100;
	[sflag:s14] =	ssyncadd.s32 $0xFFFFFB00;
	s24 =	simm.s32 $0x800  }
0x279: {  	[smem:$0x7FD] =	sst s22;
	s25 =	simm.s32 $0x400;
	s22 =	simm.s32 $0x200  }
0x27a: {  	_ =	sfence.sel $0x180000  }
0x27b: {  	[bflag:$0x0] =	sbarrier.arrive $0xFFFF  }
0x27c: {  	_ =	strace $0x90000047  }
0x27d: {  	s0 =	stileid.u32;
	[bflag:$0x2] =	sbarrier.arrive $0xFFFF  }
0x27e: {  	p0 =	sne.s32 s0, $0x0;
	s0 =	rddreg [dreg:$0x4]  }
0x27f: {  	s0 =	sadd.s32 @!p0 $0x100000, s0  }
0x280: {  	[sflag:s0] =	ssyncadd.tile.s32 @!p0 $0x1;
	_ =	shalt  }
.Lfunc_end2:
_tile_overlayer_lowered:
.L_overlay_start_2:
0x281: {  	(tag) =	ssettag $0x2  }
0x282: {  	s0 =	rddreg [dreg:$0x0];
	s2 =	stileid.u32  }
0x283: {  	s1 =	rddreg [dreg:$0x1];
	p0 =	sne.s32 s2, $0x0  }
0x284: {  	s3 =	rddreg [dreg:$0x2];
	[bflag:$0x3] =	sbarrier.arrive $0xFFFF;
	s2 =	simm.s32 @!p0 $0x1C0A  }
0x285: {  	[timem:s3], [sflag:s2] =	dma.local @!p0 [hbm:s0], s1  }
0x286: {  	s0 =	simm.s32 @!p0 $0xA  }
0x287: {  	_ =	swait.ge @!p0 [sflag:s0], s1  }
0x288: {  	s1 =	ssub.s32 @!p0 $0x0, s1;
	[sflag:s0] =	ssyncset.done @!p0 $0x0  }
0x289: {  	[sflag:s0] =	ssyncadd.s32 @!p0 s1  }
0x28a: {  	[bflag:$0x3] =	sbarrier.arrive $0xFFFF  }
0x28b: {  	_ =	shalt  }

</sc_bundles>
